<compile_context>
chip_gen: v7x
topology: tpu7x:2x2x1
jax: 0.10.2.dev20260603
libtpu: 0.0.44.dev20260713+nightly
codegen_flags: <defaults>
</compile_context>

<pallas_src>
import functools
import jax
import jax.numpy as jnp
from jax import lax
from jax.experimental import pallas as pl
from jax.experimental.pallas import tpu as pltpu
from jax.experimental.pallas import tpu_sc as plsc

_N = 10000
_E = 320000
_D = 128
_G = 4
_OUT = 128
_CH = _D // _G
_NS = 16
_EPS = _E // _NS
_B = 2000
_CNK = _EPS // _B
_ZR = 2 * _N // _NS
_SPLITS = [(j * 128, 128) for j in range(15)] + [(1920, 80)]
_NV = _B // 16


def _sc_aggregate(x2, adj, zeros_hbm):
    mesh = plsc.VectorSubcoreMesh(core_axis_name="c", subcore_axis_name="s")

    @functools.partial(
        pl.kernel,
        out_type=jax.ShapeDtypeStruct((_N, _D), jnp.float32),
        mesh=mesh,
        scratch_types=[
            pltpu.VMEM((2, _B), jnp.int32),
            pltpu.VMEM((2, _B), jnp.int32),
            pltpu.VMEM((2, _B), jnp.int32),
            pltpu.VMEM((_B, _CH), jnp.float32),
            pltpu.VMEM_SHARED((2, _N, _CH), jnp.float32),
            pltpu.SemaphoreType.DMA,
            pltpu.SemaphoreType.DMA,
        ],
        compiler_params=pltpu.CompilerParams(use_tc_tiling_on_sc=False),
    )
    def k(x_hbm, adj_hbm, z_hbm, agg_hbm, idx_r, idx_c, idx_g, data_v, acc,
          sem_g, sem_i):
        c = lax.axis_index("c")
        s = lax.axis_index("s")

        gz = s // 8
        oz = (s % 8) * _ZR
        pltpu.sync_copy(z_hbm, acc.at[gz, pl.ds(oz, _ZR)])
        plsc.subcore_barrier()

        TT = 2 * _CNK

        def fire_idx(t, slot):
            tw = t % TT
            gl = tw // _CNK
            off = s * _EPS + (tw % _CNK) * _B
            pltpu.async_copy(adj_hbm.at[2 * (2 * c + gl), pl.ds(off, _B)],
                             idx_r.at[slot], sem_i)
            pltpu.async_copy(adj_hbm.at[2 * (2 * c + gl) + 1, pl.ds(off, _B)],
                             idx_c.at[slot], sem_i)

        def drain_idx(slot):
            pltpu.make_async_copy(adj_hbm.at[0, pl.ds(0, _B)],
                                  idx_r.at[slot], sem_i).wait()
            pltpu.make_async_copy(adj_hbm.at[0, pl.ds(0, _B)],
                                  idx_c.at[slot], sem_i).wait()

        def transform(t, slot):
            g = 2 * c + (t % TT) // _CNK
            for v in range(_NV):
                idx_g[slot, pl.ds(16 * v, 16)] = (
                    idx_c[slot, pl.ds(16 * v, 16)] * _G + g)

        fire_idx(0, 0)
        drain_idx(0)
        transform(0, 0)
        fire_idx(1, 1)

        def chunk(t, carry):
            p = t % 2
            gl = t // _CNK
            descs = [
                pltpu.async_copy(
                    x_hbm.at[idx_g.at[p, pl.ds(o, n)]],
                    data_v.at[pl.ds(o, n)],
                    sem_g,
                )
                for o, n in _SPLITS
            ]
            drain_idx(1 - p)
            transform(t + 1, 1 - p)
            for d, (o, n) in zip(descs, _SPLITS):
                d.wait()
                pltpu.sync_copy(
                    data_v.at[pl.ds(o, n)],
                    acc.at[gl].at[idx_r.at[p, pl.ds(o, n)]],
                    add=True,
                )
            fire_idx(t + 2, p)
            return carry

        lax.fori_loop(0, TT, chunk, 0)
        drain_idx(1)

        plsc.subcore_barrier()

        pltpu.sync_copy(
            acc.at[gz, pl.ds(oz, _ZR)],
            agg_hbm.at[pl.ds(oz, _ZR), pl.ds((2 * c + gz) * _CH, _CH)],
        )

    return k(x2, adj, zeros_hbm)


_EB = 32000


def _adj_prep_body(adj_ref, out_ref):
    out_ref[...] = adj_ref[...].reshape(2 * _G, _EB)


def _adj_prep(adj):
    return pl.pallas_call(
        _adj_prep_body,
        grid=(_E // _EB,),
        in_specs=[pl.BlockSpec((_G, 2, _EB), lambda i: (0, 0, i))],
        out_specs=pl.BlockSpec((2 * _G, _EB), lambda i: (0, i)),
        out_shape=jax.ShapeDtypeStruct((2 * _G, _E), jnp.int32),
    )(adj)


_BN = 1000


def _tc_matmul_body(agg_ref, w_ref, b_ref, out_ref):
    out_ref[...] = (
        jnp.dot(agg_ref[...], w_ref[...], preferred_element_type=jnp.float32)
        + b_ref[...]
    )


def _tc_matmul(agg, W, b):
    return pl.pallas_call(
        _tc_matmul_body,
        grid=(_N // _BN,),
        in_specs=[
            pl.BlockSpec((_BN, _D), lambda i: (i, 0)),
            pl.BlockSpec((_D, _OUT), lambda i: (0, 0)),
            pl.BlockSpec((1, _OUT), lambda i: (0, 0)),
        ],
        out_specs=pl.BlockSpec((_BN, _OUT), lambda i: (i, 0)),
        out_shape=jax.ShapeDtypeStruct((_N, _OUT), jnp.float32),
    )(agg, W, b.reshape(1, _OUT))


@jax.jit
def kernel(input, adj, W, b):
    x2 = input.reshape(_N * _G, _CH)
    adj8 = _adj_prep(adj)
    zeros_hbm = jnp.zeros((_ZR, _CH), jnp.float32)
    agg = _sc_aggregate(x2, adj8, zeros_hbm)
    return _tc_matmul(agg, W, b)

# --- scband reference (transcript-rebuilt; emitter-appended) ---
"""Pipeline reference for scband-graph-convolution-64630667870472 (READ-ONLY COPY).

The authoritative reference and input builder live on the scoring server;
editing this copy changes nothing except your own understanding.
"""

import jax, jax.numpy as jnp
import numpy as np

N = 10000
E = 320000
D = 128
G = 4
OUT = 128

def setup_inputs(seed: int = 0) -> dict:
    key = jax.random.key(seed)
    k1, k2, k3, k4 = jax.random.split(key, 4)
    x = jax.random.normal(k1, (N, D), dtype=jnp.float32)
    # adjacency per group: adj[i] = (row, col) edge index, values implicitly 1.0
    adj = jax.random.randint(k2, (G, 2, E), 0, N, dtype=jnp.int32)
    stdv = 1.0 / np.sqrt(OUT)
    W = jax.random.normal(k3, (D, OUT), dtype=jnp.float32) * stdv
    b = jax.random.normal(k4, (OUT,), dtype=jnp.float32) * stdv
    return {"input": x, "adj": adj, "W": W, "b": b}

def reference(input, adj, W, b):
    n_nodes = input.shape[0]
    dim = input.shape[1]
    # replicate the dim-splitting logic of the torch module (dim % group == 0 here)
    chunk = dim // G
    outs = []
    for i in range(G):
        tmp = input[:, i * chunk:(i + 1) * chunk]
        row = adj[i, 0]
        col = adj[i, 1]
        # SpMM with reduce='add': out[r] = sum over edges (r,c) of tmp[c]
        gathered = jnp.take(tmp, col, axis=0)
        agg = jax.ops.segment_sum(gathered, row, num_segments=n_nodes)
        outs.append(agg)
    outputs = jnp.concatenate(outs, axis=1)
    output = outputs @ W
    return output + b

if __name__ == "__main__":
    import jax
    _d = setup_inputs()
    print(jax.jit(kernel)(*tuple(_d.values())))

</pallas_src>

<mosaic_0001>
#map = affine_map<(d0, d1) -> (0, 0)>
module attributes {stable_mosaic.version = 14 : i64} {
  func.func @k(%arg0: i32, %arg1: i32, %arg2: memref<40000x32xf32, #tpu.memory_space<hbm>>, %arg3: memref<8x320000xi32, #tpu.memory_space<hbm>>, %arg4: memref<1250x32xf32, #tpu.memory_space<hbm>>, %arg5: memref<10000x128xf32, #tpu.memory_space<hbm>>, %arg6: memref<2x2000xi32, #tpu.memory_space<vmem>>, %arg7: memref<2x2000xi32, #tpu.memory_space<vmem>>, %arg8: memref<2x2000xi32, #tpu.memory_space<vmem>>, %arg9: memref<2000x32xf32, #tpu.memory_space<vmem>>, %arg10: memref<2x10000x32xf32, #tpu.memory_space<vmem_shared>>, %arg11: memref<!tpu.dma_semaphore, #tpu.memory_space<semaphore_mem>>, %arg12: memref<!tpu.dma_semaphore, #tpu.memory_space<semaphore_mem>>) attributes {dimension_semantics = [#tpu.dimension_semantics<core_parallel>, #tpu.dimension_semantics<subcore_parallel>], iteration_bounds = array<i64: 2, 16>, scalar_prefetch = 0 : i64, scratch_operands = 7 : i64, tpu.core_type = #tpu.core_type<sc_vector_subcore>, window_params = [{transform_indices = #map}, {transform_indices = #map}, {transform_indices = #map}, {transform_indices = #map}]} {
    %jit3A = arith.constant 8 : i32
    %div3A = arith.divsi %arg1, %jit3A : i32
    %sign3A = arith.constant 0 : i32
    %sign3A_0 = arith.cmpi sgt, %arg1, %sign3A : i32
    %sign3A_1 = arith.extui %sign3A_0 : i1 to i32
    %sign3A_2 = arith.constant 0 : i32
    %sign3A_3 = arith.cmpi slt, %arg1, %sign3A_2 : i32
    %sign3A_4 = arith.extui %sign3A_3 : i1 to i32
    %sign3A_5 = arith.subi %sign3A_1, %sign3A_4 : i32
    %sign3A_6 = arith.constant 0 : i32
    %sign3A_7 = arith.cmpi sgt, %jit3A, %sign3A_6 : i32
    %sign3A_8 = arith.extui %sign3A_7 : i1 to i32
    %sign3A_9 = arith.constant 0 : i32
    %sign3A_10 = arith.cmpi slt, %jit3A, %sign3A_9 : i32
    %sign3A_11 = arith.extui %sign3A_10 : i1 to i32
    %sign3A_12 = arith.subi %sign3A_8, %sign3A_11 : i32
    %ne3A = arith.cmpi ne, %sign3A_5, %sign3A_12 : i32
    %rem3A = arith.remsi %arg1, %jit3A : i32
    %ne3A_13 = arith.constant 0 : i32
    %ne3A_14 = arith.cmpi ne, %rem3A, %ne3A_13 : i32
    %and3A = arith.andi %ne3A, %ne3A_14 : i1
    %sub3A = arith.constant 1 : i32
    %sub3A_15 = arith.subi %div3A, %sub3A : i32
    %select_n3A = arith.select %and3A, %sub3A_15, %div3A : i32
    %jit3A_16 = arith.constant 8 : i32
    %eq3A = arith.constant 0 : i32
    %eq3A_17 = arith.cmpi eq, %jit3A_16, %eq3A : i32
    %jit3A_18 = arith.constant 1 : i32
    %select_n3A_19 = arith.select %eq3A_17, %jit3A_18, %jit3A_16 : i32
    %rem3A_20 = arith.remsi %arg1, %select_n3A_19 : i32
    %ne3A_21 = arith.constant 0 : i32
    %ne3A_22 = arith.cmpi ne, %rem3A_20, %ne3A_21 : i32
    %lt3A = arith.constant 0 : i32
    %lt3A_23 = arith.cmpi slt, %rem3A_20, %lt3A : i32
    %lt3A_24 = arith.constant 0 : i32
    %lt3A_25 = arith.cmpi slt, %select_n3A_19, %lt3A_24 : i32
    %ne3A_26 = arith.xori %lt3A_23, %lt3A_25 : i1
    %and3A_27 = arith.andi %ne3A_26, %ne3A_22 : i1
    %add3A = arith.addi %rem3A_20, %select_n3A_19 : i32
    %select_n3A_28 = arith.select %and3A_27, %add3A, %rem3A_20 : i32
    %mul3A = arith.constant 1250 : i32
    %mul3A_29 = arith.muli %select_n3A_28, %mul3A : i32
    "tpu.region"() ({
      %run_scoped3A = tpu.sem_alloc : memref<!tpu.dma_semaphore, #tpu.memory_space<semaphore_mem>>
      %dma_start3A_2177 = arith.constant 0 : i32
      %dma_start3A_2178 = tpu.memref_slice %arg10[%select_n3A, %mul3A_29, %dma_start3A_2177] : memref<2x10000x32xf32, #tpu.memory_space<vmem_shared>> -> memref<1x1250x32xf32, #tpu.memory_space<vmem_shared>>
      %dma_start3A_2179 = tpu.memref_squeeze %dma_start3A_2178 : memref<1x1250x32xf32, #tpu.memory_space<vmem_shared>> -> memref<1250x32xf32, #tpu.memory_space<vmem_shared>>
      tpu.enqueue_dma source(%arg4 : memref<1250x32xf32, #tpu.memory_space<hbm>>) target(%dma_start3A_2179 : memref<1250x32xf32, #tpu.memory_space<vmem_shared>>) target_semaphore(%run_scoped3A : memref<!tpu.dma_semaphore, #tpu.memory_space<semaphore_mem>>)
      %dma_wait3A_2180 = arith.constant 0 : i32
      %dma_wait3A_2181 = tpu.memref_slice %arg10[%select_n3A, %mul3A_29, %dma_wait3A_2180] : memref<2x10000x32xf32, #tpu.memory_space<vmem_shared>> -> memref<1x1250x32xf32, #tpu.memory_space<vmem_shared>>
      %dma_wait3A_2182 = tpu.memref_squeeze %dma_wait3A_2181 : memref<1x1250x32xf32, #tpu.memory_space<vmem_shared>> -> memref<1250x32xf32, #tpu.memory_space<vmem_shared>>
      tpu.wait_dma2 semaphore(%run_scoped3A : memref<!tpu.dma_semaphore, #tpu.memory_space<semaphore_mem>>) src(%arg4 : memref<1250x32xf32, #tpu.memory_space<hbm>>) dst(%dma_wait3A_2182 : memref<1250x32xf32, #tpu.memory_space<vmem_shared>>)
      tpu.yield
    }) : () -> ()
    %barrier3A = arith.constant 0 : index
    tpu.barrier barrier_id(%barrier3A)
    %mul3A_30 = arith.constant 20000 : i32
    %mul3A_31 = arith.muli %arg1, %mul3A_30 : i32
    %add3A_32 = arith.constant 0 : i32
    %add3A_33 = arith.addi %mul3A_31, %add3A_32 : i32
    %mul3A_34 = arith.constant 2 : i32
    %mul3A_35 = arith.muli %mul3A_34, %arg0 : i32
    %add3A_36 = arith.constant 0 : i32
    %add3A_37 = arith.addi %mul3A_35, %add3A_36 : i32
    %mul3A_38 = arith.constant 2 : i32
    %mul3A_39 = arith.muli %mul3A_38, %add3A_37 : i32
    %dma_start3A = arith.constant 0 : i32
    %dma_start3A_40 = arith.constant 0 : i32
    %dma_start3A_41 = tpu.memref_slice %arg6[%dma_start3A, %dma_start3A_40] : memref<2x2000xi32, #tpu.memory_space<vmem>> -> memref<1x2000xi32, #tpu.memory_space<vmem>>
    %dma_start3A_42 = tpu.memref_squeeze %dma_start3A_41 : memref<1x2000xi32, #tpu.memory_space<vmem>> -> memref<2000xi32, #tpu.memory_space<vmem>>
    %dma_start3A_43 = tpu.memref_slice %arg3[%mul3A_39, %add3A_33] : memref<8x320000xi32, #tpu.memory_space<hbm>> -> memref<1x2000xi32, #tpu.memory_space<hbm>>
    %dma_start3A_44 = tpu.memref_squeeze %dma_start3A_43 : memref<1x2000xi32, #tpu.memory_space<hbm>> -> memref<2000xi32, #tpu.memory_space<hbm>>
    %dma_start3A_45 = arith.constant 0 : i32
    %dma_start3A_46 = tpu.memref_slice %arg6[%dma_start3A, %dma_start3A_45] : memref<2x2000xi32, #tpu.memory_space<vmem>> -> memref<1x2000xi32, #tpu.memory_space<vmem>>
    %dma_start3A_47 = tpu.memref_squeeze %dma_start3A_46 : memref<1x2000xi32, #tpu.memory_space<vmem>> -> memref<2000xi32, #tpu.memory_space<vmem>>
    %dma_start3A_48 = tpu.memref_slice %arg3[%mul3A_39, %add3A_33] : memref<8x320000xi32, #tpu.memory_space<hbm>> -> memref<1x2000xi32, #tpu.memory_space<hbm>>
    %dma_start3A_49 = tpu.memref_squeeze %dma_start3A_48 : memref<1x2000xi32, #tpu.memory_space<hbm>> -> memref<2000xi32, #tpu.memory_space<hbm>>
    tpu.enqueue_dma source(%dma_start3A_49 : memref<2000xi32, #tpu.memory_space<hbm>>) target(%dma_start3A_47 : memref<2000xi32, #tpu.memory_space<vmem>>) target_semaphore(%arg12 : memref<!tpu.dma_semaphore, #tpu.memory_space<semaphore_mem>>)
    %mul3A_50 = arith.constant 2 : i32
    %mul3A_51 = arith.muli %mul3A_50, %arg0 : i32
    %add3A_52 = arith.constant 0 : i32
    %add3A_53 = arith.addi %mul3A_51, %add3A_52 : i32
    %mul3A_54 = arith.constant 2 : i32
    %mul3A_55 = arith.muli %mul3A_54, %add3A_53 : i32
    %add3A_56 = arith.constant 1 : i32
    %add3A_57 = arith.addi %mul3A_55, %add3A_56 : i32
    %dma_start3A_58 = arith.constant 0 : i32
    %dma_start3A_59 = arith.constant 0 : i32
    %dma_start3A_60 = tpu.memref_slice %arg7[%dma_start3A_58, %dma_start3A_59] : memref<2x2000xi32, #tpu.memory_space<vmem>> -> memref<1x2000xi32, #tpu.memory_space<vmem>>
    %dma_start3A_61 = tpu.memref_squeeze %dma_start3A_60 : memref<1x2000xi32, #tpu.memory_space<vmem>> -> memref<2000xi32, #tpu.memory_space<vmem>>
    %dma_start3A_62 = tpu.memref_slice %arg3[%add3A_57, %add3A_33] : memref<8x320000xi32, #tpu.memory_space<hbm>> -> memref<1x2000xi32, #tpu.memory_space<hbm>>
    %dma_start3A_63 = tpu.memref_squeeze %dma_start3A_62 : memref<1x2000xi32, #tpu.memory_space<hbm>> -> memref<2000xi32, #tpu.memory_space<hbm>>
    %dma_start3A_64 = arith.constant 0 : i32
    %dma_start3A_65 = tpu.memref_slice %arg7[%dma_start3A_58, %dma_start3A_64] : memref<2x2000xi32, #tpu.memory_space<vmem>> -> memref<1x2000xi32, #tpu.memory_space<vmem>>
    %dma_start3A_66 = tpu.memref_squeeze %dma_start3A_65 : memref<1x2000xi32, #tpu.memory_space<vmem>> -> memref<2000xi32, #tpu.memory_space<vmem>>
    %dma_start3A_67 = tpu.memref_slice %arg3[%add3A_57, %add3A_33] : memref<8x320000xi32, #tpu.memory_space<hbm>> -> memref<1x2000xi32, #tpu.memory_space<hbm>>
    %dma_start3A_68 = tpu.memref_squeeze %dma_start3A_67 : memref<1x2000xi32, #tpu.memory_space<hbm>> -> memref<2000xi32, #tpu.memory_space<hbm>>
    tpu.enqueue_dma source(%dma_start3A_68 : memref<2000xi32, #tpu.memory_space<hbm>>) target(%dma_start3A_66 : memref<2000xi32, #tpu.memory_space<vmem>>) target_semaphore(%arg12 : memref<!tpu.dma_semaphore, #tpu.memory_space<semaphore_mem>>)
    %dma_wait3A = arith.constant 0 : i32
    %dma_wait3A_69 = arith.constant 0 : i32
    %dma_wait3A_70 = arith.constant 0 : i32
    %dma_wait3A_71 = tpu.memref_slice %arg6[%dma_wait3A_69, %dma_wait3A_70] : memref<2x2000xi32, #tpu.memory_space<vmem>> -> memref<1x2000xi32, #tpu.memory_space<vmem>>
    %dma_wait3A_72 = tpu.memref_squeeze %dma_wait3A_71 : memref<1x2000xi32, #tpu.memory_space<vmem>> -> memref<2000xi32, #tpu.memory_space<vmem>>
    %dma_wait3A_73 = arith.constant 0 : i32
    %dma_wait3A_74 = tpu.memref_slice %arg3[%dma_wait3A, %dma_wait3A_73] : memref<8x320000xi32, #tpu.memory_space<hbm>> -> memref<1x2000xi32, #tpu.memory_space<hbm>>
    %dma_wait3A_75 = tpu.memref_squeeze %dma_wait3A_74 : memref<1x2000xi32, #tpu.memory_space<hbm>> -> memref<2000xi32, #tpu.memory_space<hbm>>
    %dma_wait3A_76 = arith.constant 0 : i32
    %dma_wait3A_77 = tpu.memref_slice %arg6[%dma_wait3A_69, %dma_wait3A_76] : memref<2x2000xi32, #tpu.memory_space<vmem>> -> memref<1x2000xi32, #tpu.memory_space<vmem>>
    %dma_wait3A_78 = tpu.memref_squeeze %dma_wait3A_77 : memref<1x2000xi32, #tpu.memory_space<vmem>> -> memref<2000xi32, #tpu.memory_space<vmem>>
    %dma_wait3A_79 = arith.constant 0 : i32
    %dma_wait3A_80 = tpu.memref_slice %arg3[%dma_wait3A, %dma_wait3A_79] : memref<8x320000xi32, #tpu.memory_space<hbm>> -> memref<1x2000xi32, #tpu.memory_space<hbm>>
    %dma_wait3A_81 = tpu.memref_squeeze %dma_wait3A_80 : memref<1x2000xi32, #tpu.memory_space<hbm>> -> memref<2000xi32, #tpu.memory_space<hbm>>
    tpu.wait_dma2 semaphore(%arg12 : memref<!tpu.dma_semaphore, #tpu.memory_space<semaphore_mem>>) src(%dma_wait3A_81 : memref<2000xi32, #tpu.memory_space<hbm>>) dst(%dma_wait3A_78 : memref<2000xi32, #tpu.memory_space<vmem>>)
    %dma_wait3A_82 = arith.constant 0 : i32
    %dma_wait3A_83 = arith.constant 0 : i32
    %dma_wait3A_84 = arith.constant 0 : i32
    %dma_wait3A_85 = tpu.memref_slice %arg7[%dma_wait3A_83, %dma_wait3A_84] : memref<2x2000xi32, #tpu.memory_space<vmem>> -> memref<1x2000xi32, #tpu.memory_space<vmem>>
    %dma_wait3A_86 = tpu.memref_squeeze %dma_wait3A_85 : memref<1x2000xi32, #tpu.memory_space<vmem>> -> memref<2000xi32, #tpu.memory_space<vmem>>
    %dma_wait3A_87 = arith.constant 0 : i32
    %dma_wait3A_88 = tpu.memref_slice %arg3[%dma_wait3A_82, %dma_wait3A_87] : memref<8x320000xi32, #tpu.memory_space<hbm>> -> memref<1x2000xi32, #tpu.memory_space<hbm>>
    %dma_wait3A_89 = tpu.memref_squeeze %dma_wait3A_88 : memref<1x2000xi32, #tpu.memory_space<hbm>> -> memref<2000xi32, #tpu.memory_space<hbm>>
    %dma_wait3A_90 = arith.constant 0 : i32
    %dma_wait3A_91 = tpu.memref_slice %arg7[%dma_wait3A_83, %dma_wait3A_90] : memref<2x2000xi32, #tpu.memory_space<vmem>> -> memref<1x2000xi32, #tpu.memory_space<vmem>>
    %dma_wait3A_92 = tpu.memref_squeeze %dma_wait3A_91 : memref<1x2000xi32, #tpu.memory_space<vmem>> -> memref<2000xi32, #tpu.memory_space<vmem>>
    %dma_wait3A_93 = arith.constant 0 : i32
    %dma_wait3A_94 = tpu.memref_slice %arg3[%dma_wait3A_82, %dma_wait3A_93] : memref<8x320000xi32, #tpu.memory_space<hbm>> -> memref<1x2000xi32, #tpu.memory_space<hbm>>
    %dma_wait3A_95 = tpu.memref_squeeze %dma_wait3A_94 : memref<1x2000xi32, #tpu.memory_space<hbm>> -> memref<2000xi32, #tpu.memory_space<hbm>>
    tpu.wait_dma2 semaphore(%arg12 : memref<!tpu.dma_semaphore, #tpu.memory_space<semaphore_mem>>) src(%dma_wait3A_95 : memref<2000xi32, #tpu.memory_space<hbm>>) dst(%dma_wait3A_92 : memref<2000xi32, #tpu.memory_space<vmem>>)
    %mul3A_96 = arith.constant 2 : i32
    %mul3A_97 = arith.muli %mul3A_96, %arg0 : i32
    %add3A_98 = arith.constant 0 : i32
    %add3A_99 = arith.addi %mul3A_97, %add3A_98 : i32
    %get3A = arith.constant 0 : i32
    %get3A_100 = arith.index_cast %get3A : i32 to index
    %get3A_101 = arith.constant 0 : index
    %get3A_102 = tpu.vector_load %arg7[%get3A_100, %get3A_101] {strides = array<i32>} : memref<2x2000xi32, #tpu.memory_space<vmem>>, vector<1x16xi32>,
    %get3A_103 = vector.shape_cast %get3A_102 : vector<1x16xi32> to vector<16xi32>
    %mul3A_104 = arith.constant 4 : i32
    %mul3A_105 = vector.broadcast %mul3A_104 : i32 to vector<16xi32>
    %mul3A_106 = arith.muli %get3A_103, %mul3A_105 : vector<16xi32>
    %add3A_107 = vector.broadcast %add3A_99 : i32 to vector<16xi32>
    %add3A_108 = arith.addi %mul3A_106, %add3A_107 : vector<16xi32>
    %swap3A = arith.constant 0 : i32
    %swap3A_109 = arith.index_cast %swap3A : i32 to index
    %swap3A_110 = arith.constant 0 : index
    %swap3A_111 = tpu.vector_load %arg8[%swap3A_109, %swap3A_110] {strides = array<i32>} : memref<2x2000xi32, #tpu.memory_space<vmem>>, vector<1x16xi32>,
    %swap3A_112 = vector.shape_cast %swap3A_111 : vector<1x16xi32> to vector<16xi32>
    %swap3A_113 = vector.shape_cast %add3A_108 : vector<16xi32> to vector<1x16xi32>
    tpu.vector_store %arg8[%swap3A_109, %swap3A_110], %swap3A_113 {strides = array<i32>} : memref<2x2000xi32, #tpu.memory_space<vmem>>, vector<1x16xi32>,
    %get3A_114 = arith.constant 0 : i32
    %get3A_115 = arith.index_cast %get3A_114 : i32 to index
    %get3A_116 = arith.constant 16 : index
    %get3A_117 = tpu.vector_load %arg7[%get3A_115, %get3A_116] {strides = array<i32>} : memref<2x2000xi32, #tpu.memory_space<vmem>>, vector<1x16xi32>,
    %get3A_118 = vector.shape_cast %get3A_117 : vector<1x16xi32> to vector<16xi32>
    %mul3A_119 = arith.constant 4 : i32
    %mul3A_120 = vector.broadcast %mul3A_119 : i32 to vector<16xi32>
    %mul3A_121 = arith.muli %get3A_118, %mul3A_120 : vector<16xi32>
    %add3A_122 = vector.broadcast %add3A_99 : i32 to vector<16xi32>
    %add3A_123 = arith.addi %mul3A_121, %add3A_122 : vector<16xi32>
    %swap3A_124 = arith.constant 0 : i32
    %swap3A_125 = arith.index_cast %swap3A_124 : i32 to index
    %swap3A_126 = arith.constant 16 : index
    %swap3A_127 = tpu.vector_load %arg8[%swap3A_125, %swap3A_126] {strides = array<i32>} : memref<2x2000xi32, #tpu.memory_space<vmem>>, vector<1x16xi32>,
    %swap3A_128 = vector.shape_cast %swap3A_127 : vector<1x16xi32> to vector<16xi32>
    %swap3A_129 = vector.shape_cast %add3A_123 : vector<16xi32> to vector<1x16xi32>
    tpu.vector_store %arg8[%swap3A_125, %swap3A_126], %swap3A_129 {strides = array<i32>} : memref<2x2000xi32, #tpu.memory_space<vmem>>, vector<1x16xi32>,
    %get3A_130 = arith.constant 0 : i32
    %get3A_131 = arith.index_cast %get3A_130 : i32 to index
    %get3A_132 = arith.constant 32 : index
    %get3A_133 = tpu.vector_load %arg7[%get3A_131, %get3A_132] {strides = array<i32>} : memref<2x2000xi32, #tpu.memory_space<vmem>>, vector<1x16xi32>,
    %get3A_134 = vector.shape_cast %get3A_133 : vector<1x16xi32> to vector<16xi32>
    %mul3A_135 = arith.constant 4 : i32
    %mul3A_136 = vector.broadcast %mul3A_135 : i32 to vector<16xi32>
    %mul3A_137 = arith.muli %get3A_134, %mul3A_136 : vector<16xi32>
    %add3A_138 = vector.broadcast %add3A_99 : i32 to vector<16xi32>
    %add3A_139 = arith.addi %mul3A_137, %add3A_138 : vector<16xi32>
    %swap3A_140 = arith.constant 0 : i32
    %swap3A_141 = arith.index_cast %swap3A_140 : i32 to index
    %swap3A_142 = arith.constant 32 : index
    %swap3A_143 = tpu.vector_load %arg8[%swap3A_141, %swap3A_142] {strides = array<i32>} : memref<2x2000xi32, #tpu.memory_space<vmem>>, vector<1x16xi32>,
    %swap3A_144 = vector.shape_cast %swap3A_143 : vector<1x16xi32> to vector<16xi32>
    %swap3A_145 = vector.shape_cast %add3A_139 : vector<16xi32> to vector<1x16xi32>
    tpu.vector_store %arg8[%swap3A_141, %swap3A_142], %swap3A_145 {strides = array<i32>} : memref<2x2000xi32, #tpu.memory_space<vmem>>, vector<1x16xi32>,
    %get3A_146 = arith.constant 0 : i32
    %get3A_147 = arith.index_cast %get3A_146 : i32 to index
    %get3A_148 = arith.constant 48 : index
    %get3A_149 = tpu.vector_load %arg7[%get3A_147, %get3A_148] {strides = array<i32>} : memref<2x2000xi32, #tpu.memory_space<vmem>>, vector<1x16xi32>,
    %get3A_150 = vector.shape_cast %get3A_149 : vector<1x16xi32> to vector<16xi32>
    %mul3A_151 = arith.constant 4 : i32
    %mul3A_152 = vector.broadcast %mul3A_151 : i32 to vector<16xi32>
    %mul3A_153 = arith.muli %get3A_150, %mul3A_152 : vector<16xi32>
    %add3A_154 = vector.broadcast %add3A_99 : i32 to vector<16xi32>
    %add3A_155 = arith.addi %mul3A_153, %add3A_154 : vector<16xi32>
    %swap3A_156 = arith.constant 0 : i32
    %swap3A_157 = arith.index_cast %swap3A_156 : i32 to index
    %swap3A_158 = arith.constant 48 : index
    %swap3A_159 = tpu.vector_load %arg8[%swap3A_157, %swap3A_158] {strides = array<i32>} : memref<2x2000xi32, #tpu.memory_space<vmem>>, vector<1x16xi32>,
    %swap3A_160 = vector.shape_cast %swap3A_159 : vector<1x16xi32> to vector<16xi32>
    %swap3A_161 = vector.shape_cast %add3A_155 : vector<16xi32> to vector<1x16xi32>
    tpu.vector_store %arg8[%swap3A_157, %swap3A_158], %swap3A_161 {strides = array<i32>} : memref<2x2000xi32, #tpu.memory_space<vmem>>, vector<1x16xi32>,
    %get3A_162 = arith.constant 0 : i32
    %get3A_163 = arith.index_cast %get3A_162 : i32 to index
    %get3A_164 = arith.constant 64 : index
    %get3A_165 = tpu.vector_load %arg7[%get3A_163, %get3A_164] {strides = array<i32>} : memref<2x2000xi32, #tpu.memory_space<vmem>>, vector<1x16xi32>,
    %get3A_166 = vector.shape_cast %get3A_165 : vector<1x16xi32> to vector<16xi32>
    %mul3A_167 = arith.constant 4 : i32
    %mul3A_168 = vector.broadcast %mul3A_167 : i32 to vector<16xi32>
    %mul3A_169 = arith.muli %get3A_166, %mul3A_168 : vector<16xi32>
    %add3A_170 = vector.broadcast %add3A_99 : i32 to vector<16xi32>
    %add3A_171 = arith.addi %mul3A_169, %add3A_170 : vector<16xi32>
    %swap3A_172 = arith.constant 0 : i32
    %swap3A_173 = arith.index_cast %swap3A_172 : i32 to index
    %swap3A_174 = arith.constant 64 : index
    %swap3A_175 = tpu.vector_load %arg8[%swap3A_173, %swap3A_174] {strides = array<i32>} : memref<2x2000xi32, #tpu.memory_space<vmem>>, vector<1x16xi32>,
    %swap3A_176 = vector.shape_cast %swap3A_175 : vector<1x16xi32> to vector<16xi32>
    %swap3A_177 = vector.shape_cast %add3A_171 : vector<16xi32> to vector<1x16xi32>
    tpu.vector_store %arg8[%swap3A_173, %swap3A_174], %swap3A_177 {strides = array<i32>} : memref<2x2000xi32, #tpu.memory_space<vmem>>, vector<1x16xi32>,
    %get3A_178 = arith.constant 0 : i32
    %get3A_179 = arith.index_cast %get3A_178 : i32 to index
    %get3A_180 = arith.constant 80 : index
    %get3A_181 = tpu.vector_load %arg7[%get3A_179, %get3A_180] {strides = array<i32>} : memref<2x2000xi32, #tpu.memory_space<vmem>>, vector<1x16xi32>,
    %get3A_182 = vector.shape_cast %get3A_181 : vector<1x16xi32> to vector<16xi32>
    %mul3A_183 = arith.constant 4 : i32
    %mul3A_184 = vector.broadcast %mul3A_183 : i32 to vector<16xi32>
    %mul3A_185 = arith.muli %get3A_182, %mul3A_184 : vector<16xi32>
    %add3A_186 = vector.broadcast %add3A_99 : i32 to vector<16xi32>
    %add3A_187 = arith.addi %mul3A_185, %add3A_186 : vector<16xi32>
    %swap3A_188 = arith.constant 0 : i32
    %swap3A_189 = arith.index_cast %swap3A_188 : i32 to index
    %swap3A_190 = arith.constant 80 : index
    %swap3A_191 = tpu.vector_load %arg8[%swap3A_189, %swap3A_190] {strides = array<i32>} : memref<2x2000xi32, #tpu.memory_space<vmem>>, vector<1x16xi32>,
    %swap3A_192 = vector.shape_cast %swap3A_191 : vector<1x16xi32> to vector<16xi32>
    %swap3A_193 = vector.shape_cast %add3A_187 : vector<16xi32> to vector<1x16xi32>
    tpu.vector_store %arg8[%swap3A_189, %swap3A_190], %swap3A_193 {strides = array<i32>} : memref<2x2000xi32, #tpu.memory_space<vmem>>, vector<1x16xi32>,
    %get3A_194 = arith.constant 0 : i32
    %get3A_195 = arith.index_cast %get3A_194 : i32 to index
    %get3A_196 = arith.constant 96 : index
    %get3A_197 = tpu.vector_load %arg7[%get3A_195, %get3A_196] {strides = array<i32>} : memref<2x2000xi32, #tpu.memory_space<vmem>>, vector<1x16xi32>,
    %get3A_198 = vector.shape_cast %get3A_197 : vector<1x16xi32> to vector<16xi32>
    %mul3A_199 = arith.constant 4 : i32
    %mul3A_200 = vector.broadcast %mul3A_199 : i32 to vector<16xi32>
    %mul3A_201 = arith.muli %get3A_198, %mul3A_200 : vector<16xi32>
    %add3A_202 = vector.broadcast %add3A_99 : i32 to vector<16xi32>
    %add3A_203 = arith.addi %mul3A_201, %add3A_202 : vector<16xi32>
    %swap3A_204 = arith.constant 0 : i32
    %swap3A_205 = arith.index_cast %swap3A_204 : i32 to index
    %swap3A_206 = arith.constant 96 : index
    %swap3A_207 = tpu.vector_load %arg8[%swap3A_205, %swap3A_206] {strides = array<i32>} : memref<2x2000xi32, #tpu.memory_space<vmem>>, vector<1x16xi32>,
    %swap3A_208 = vector.shape_cast %swap3A_207 : vector<1x16xi32> to vector<16xi32>
    %swap3A_209 = vector.shape_cast %add3A_203 : vector<16xi32> to vector<1x16xi32>
    tpu.vector_store %arg8[%swap3A_205, %swap3A_206], %swap3A_209 {strides = array<i32>} : memref<2x2000xi32, #tpu.memory_space<vmem>>, vector<1x16xi32>,
    %get3A_210 = arith.constant 0 : i32
    %get3A_211 = arith.index_cast %get3A_210 : i32 to index
    %get3A_212 = arith.constant 112 : index
    %get3A_213 = tpu.vector_load %arg7[%get3A_211, %get3A_212] {strides = array<i32>} : memref<2x2000xi32, #tpu.memory_space<vmem>>, vector<1x16xi32>,
    %get3A_214 = vector.shape_cast %get3A_213 : vector<1x16xi32> to vector<16xi32>
    %mul3A_215 = arith.constant 4 : i32
    %mul3A_216 = vector.broadcast %mul3A_215 : i32 to vector<16xi32>
    %mul3A_217 = arith.muli %get3A_214, %mul3A_216 : vector<16xi32>
    %add3A_218 = vector.broadcast %add3A_99 : i32 to vector<16xi32>
    %add3A_219 = arith.addi %mul3A_217, %add3A_218 : vector<16xi32>
    %swap3A_220 = arith.constant 0 : i32
    %swap3A_221 = arith.index_cast %swap3A_220 : i32 to index
    %swap3A_222 = arith.constant 112 : index
    %swap3A_223 = tpu.vector_load %arg8[%swap3A_221, %swap3A_222] {strides = array<i32>} : memref<2x2000xi32, #tpu.memory_space<vmem>>, vector<1x16xi32>,
    %swap3A_224 = vector.shape_cast %swap3A_223 : vector<1x16xi32> to vector<16xi32>
    %swap3A_225 = vector.shape_cast %add3A_219 : vector<16xi32> to vector<1x16xi32>
    tpu.vector_store %arg8[%swap3A_221, %swap3A_222], %swap3A_225 {strides = array<i32>} : memref<2x2000xi32, #tpu.memory_space<vmem>>, vector<1x16xi32>,
    %get3A_226 = arith.constant 0 : i32
    %get3A_227 = arith.index_cast %get3A_226 : i32 to index
    %get3A_228 = arith.constant 128 : index
    %get3A_229 = tpu.vector_load %arg7[%get3A_227, %get3A_228] {strides = array<i32>} : memref<2x2000xi32, #tpu.memory_space<vmem>>, vector<1x16xi32>,
    %get3A_230 = vector.shape_cast %get3A_229 : vector<1x16xi32> to vector<16xi32>
    %mul3A_231 = arith.constant 4 : i32
    %mul3A_232 = vector.broadcast %mul3A_231 : i32 to vector<16xi32>
    %mul3A_233 = arith.muli %get3A_230, %mul3A_232 : vector<16xi32>
    %add3A_234 = vector.broadcast %add3A_99 : i32 to vector<16xi32>
    %add3A_235 = arith.addi %mul3A_233, %add3A_234 : vector<16xi32>
    %swap3A_236 = arith.constant 0 : i32
    %swap3A_237 = arith.index_cast %swap3A_236 : i32 to index
    %swap3A_238 = arith.constant 128 : index
    %swap3A_239 = tpu.vector_load %arg8[%swap3A_237, %swap3A_238] {strides = array<i32>} : memref<2x2000xi32, #tpu.memory_space<vmem>>, vector<1x16xi32>,
    %swap3A_240 = vector.shape_cast %swap3A_239 : vector<1x16xi32> to vector<16xi32>
    %swap3A_241 = vector.shape_cast %add3A_235 : vector<16xi32> to vector<1x16xi32>
    tpu.vector_store %arg8[%swap3A_237, %swap3A_238], %swap3A_241 {strides = array<i32>} : memref<2x2000xi32, #tpu.memory_space<vmem>>, vector<1x16xi32>,
    %get3A_242 = arith.constant 0 : i32
    %get3A_243 = arith.index_cast %get3A_242 : i32 to index
    %get3A_244 = arith.constant 144 : index
    %get3A_245 = tpu.vector_load %arg7[%get3A_243, %get3A_244] {strides = array<i32>} : memref<2x2000xi32, #tpu.memory_space<vmem>>, vector<1x16xi32>,
    %get3A_246 = vector.shape_cast %get3A_245 : vector<1x16xi32> to vector<16xi32>
    %mul3A_247 = arith.constant 4 : i32
    %mul3A_248 = vector.broadcast %mul3A_247 : i32 to vector<16xi32>
    %mul3A_249 = arith.muli %get3A_246, %mul3A_248 : vector<16xi32>
    %add3A_250 = vector.broadcast %add3A_99 : i32 to vector<16xi32>
    %add3A_251 = arith.addi %mul3A_249, %add3A_250 : vector<16xi32>
    %swap3A_252 = arith.constant 0 : i32
    %swap3A_253 = arith.index_cast %swap3A_252 : i32 to index
    %swap3A_254 = arith.constant 144 : index
    %swap3A_255 = tpu.vector_load %arg8[%swap3A_253, %swap3A_254] {strides = array<i32>} : memref<2x2000xi32, #tpu.memory_space<vmem>>, vector<1x16xi32>,
    %swap3A_256 = vector.shape_cast %swap3A_255 : vector<1x16xi32> to vector<16xi32>
    %swap3A_257 = vector.shape_cast %add3A_251 : vector<16xi32> to vector<1x16xi32>
    tpu.vector_store %arg8[%swap3A_253, %swap3A_254], %swap3A_257 {strides = array<i32>} : memref<2x2000xi32, #tpu.memory_space<vmem>>, vector<1x16xi32>,
    %get3A_258 = arith.constant 0 : i32
    %get3A_259 = arith.index_cast %get3A_258 : i32 to index
    %get3A_260 = arith.constant 160 : index
    %get3A_261 = tpu.vector_load %arg7[%get3A_259, %get3A_260] {strides = array<i32>} : memref<2x2000xi32, #tpu.memory_space<vmem>>, vector<1x16xi32>,
    %get3A_262 = vector.shape_cast %get3A_261 : vector<1x16xi32> to vector<16xi32>
    %mul3A_263 = arith.constant 4 : i32
    %mul3A_264 = vector.broadcast %mul3A_263 : i32 to vector<16xi32>
    %mul3A_265 = arith.muli %get3A_262, %mul3A_264 : vector<16xi32>
    %add3A_266 = vector.broadcast %add3A_99 : i32 to vector<16xi32>
    %add3A_267 = arith.addi %mul3A_265, %add3A_266 : vector<16xi32>
    %swap3A_268 = arith.constant 0 : i32
    %swap3A_269 = arith.index_cast %swap3A_268 : i32 to index
    %swap3A_270 = arith.constant 160 : index
    %swap3A_271 = tpu.vector_load %arg8[%swap3A_269, %swap3A_270] {strides = array<i32>} : memref<2x2000xi32, #tpu.memory_space<vmem>>, vector<1x16xi32>,
    %swap3A_272 = vector.shape_cast %swap3A_271 : vector<1x16xi32> to vector<16xi32>
    %swap3A_273 = vector.shape_cast %add3A_267 : vector<16xi32> to vector<1x16xi32>
    tpu.vector_store %arg8[%swap3A_269, %swap3A_270], %swap3A_273 {strides = array<i32>} : memref<2x2000xi32, #tpu.memory_space<vmem>>, vector<1x16xi32>,
    %get3A_274 = arith.constant 0 : i32
    %get3A_275 = arith.index_cast %get3A_274 : i32 to index
    %get3A_276 = arith.constant 176 : index
    %get3A_277 = tpu.vector_load %arg7[%get3A_275, %get3A_276] {strides = array<i32>} : memref<2x2000xi32, #tpu.memory_space<vmem>>, vector<1x16xi32>,
    %get3A_278 = vector.shape_cast %get3A_277 : vector<1x16xi32> to vector<16xi32>
    %mul3A_279 = arith.constant 4 : i32
    %mul3A_280 = vector.broadcast %mul3A_279 : i32 to vector<16xi32>
    %mul3A_281 = arith.muli %get3A_278, %mul3A_280 : vector<16xi32>
    %add3A_282 = vector.broadcast %add3A_99 : i32 to vector<16xi32>
    %add3A_283 = arith.addi %mul3A_281, %add3A_282 : vector<16xi32>
    %swap3A_284 = arith.constant 0 : i32
    %swap3A_285 = arith.index_cast %swap3A_284 : i32 to index
    %swap3A_286 = arith.constant 176 : index
    %swap3A_287 = tpu.vector_load %arg8[%swap3A_285, %swap3A_286] {strides = array<i32>} : memref<2x2000xi32, #tpu.memory_space<vmem>>, vector<1x16xi32>,
    %swap3A_288 = vector.shape_cast %swap3A_287 : vector<1x16xi32> to vector<16xi32>
    %swap3A_289 = vector.shape_cast %add3A_283 : vector<16xi32> to vector<1x16xi32>
    tpu.vector_store %arg8[%swap3A_285, %swap3A_286], %swap3A_289 {strides = array<i32>} : memref<2x2000xi32, #tpu.memory_space<vmem>>, vector<1x16xi32>,
    %get3A_290 = arith.constant 0 : i32
    %get3A_291 = arith.index_cast %get3A_290 : i32 to index
    %get3A_292 = arith.constant 192 : index
    %get3A_293 = tpu.vector_load %arg7[%get3A_291, %get3A_292] {strides = array<i32>} : memref<2x2000xi32, #tpu.memory_space<vmem>>, vector<1x16xi32>,
    %get3A_294 = vector.shape_cast %get3A_293 : vector<1x16xi32> to vector<16xi32>
    %mul3A_295 = arith.constant 4 : i32
    %mul3A_296 = vector.broadcast %mul3A_295 : i32 to vector<16xi32>
    %mul3A_297 = arith.muli %get3A_294, %mul3A_296 : vector<16xi32>
    %add3A_298 = vector.broadcast %add3A_99 : i32 to vector<16xi32>
    %add3A_299 = arith.addi %mul3A_297, %add3A_298 : vector<16xi32>
    %swap3A_300 = arith.constant 0 : i32
    %swap3A_301 = arith.index_cast %swap3A_300 : i32 to index
    %swap3A_302 = arith.constant 192 : index
    %swap3A_303 = tpu.vector_load %arg8[%swap3A_301, %swap3A_302] {strides = array<i32>} : memref<2x2000xi32, #tpu.memory_space<vmem>>, vector<1x16xi32>,
    %swap3A_304 = vector.shape_cast %swap3A_303 : vector<1x16xi32> to vector<16xi32>
    %swap3A_305 = vector.shape_cast %add3A_299 : vector<16xi32> to vector<1x16xi32>
    tpu.vector_store %arg8[%swap3A_301, %swap3A_302], %swap3A_305 {strides = array<i32>} : memref<2x2000xi32, #tpu.memory_space<vmem>>, vector<1x16xi32>,
    %get3A_306 = arith.constant 0 : i32
    %get3A_307 = arith.index_cast %get3A_306 : i32 to index
    %get3A_308 = arith.constant 208 : index
    %get3A_309 = tpu.vector_load %arg7[%get3A_307, %get3A_308] {strides = array<i32>} : memref<2x2000xi32, #tpu.memory_space<vmem>>, vector<1x16xi32>,
    %get3A_310 = vector.shape_cast %get3A_309 : vector<1x16xi32> to vector<16xi32>
    %mul3A_311 = arith.constant 4 : i32
    %mul3A_312 = vector.broadcast %mul3A_311 : i32 to vector<16xi32>
    %mul3A_313 = arith.muli %get3A_310, %mul3A_312 : vector<16xi32>
    %add3A_314 = vector.broadcast %add3A_99 : i32 to vector<16xi32>
    %add3A_315 = arith.addi %mul3A_313, %add3A_314 : vector<16xi32>
    %swap3A_316 = arith.constant 0 : i32
    %swap3A_317 = arith.index_cast %swap3A_316 : i32 to index
    %swap3A_318 = arith.constant 208 : index
    %swap3A_319 = tpu.vector_load %arg8[%swap3A_317, %swap3A_318] {strides = array<i32>} : memref<2x2000xi32, #tpu.memory_space<vmem>>, vector<1x16xi32>,
    %swap3A_320 = vector.shape_cast %swap3A_319 : vector<1x16xi32> to vector<16xi32>
    %swap3A_321 = vector.shape_cast %add3A_315 : vector<16xi32> to vector<1x16xi32>
    tpu.vector_store %arg8[%swap3A_317, %swap3A_318], %swap3A_321 {strides = array<i32>} : memref<2x2000xi32, #tpu.memory_space<vmem>>, vector<1x16xi32>,
    %get3A_322 = arith.constant 0 : i32
    %get3A_323 = arith.index_cast %get3A_322 : i32 to index
    %get3A_324 = arith.constant 224 : index
    %get3A_325 = tpu.vector_load %arg7[%get3A_323, %get3A_324] {strides = array<i32>} : memref<2x2000xi32, #tpu.memory_space<vmem>>, vector<1x16xi32>,
    %get3A_326 = vector.shape_cast %get3A_325 : vector<1x16xi32> to vector<16xi32>
    %mul3A_327 = arith.constant 4 : i32
    %mul3A_328 = vector.broadcast %mul3A_327 : i32 to vector<16xi32>
    %mul3A_329 = arith.muli %get3A_326, %mul3A_328 : vector<16xi32>
    %add3A_330 = vector.broadcast %add3A_99 : i32 to vector<16xi32>
    %add3A_331 = arith.addi %mul3A_329, %add3A_330 : vector<16xi32>
    %swap3A_332 = arith.constant 0 : i32
    %swap3A_333 = arith.index_cast %swap3A_332 : i32 to index
    %swap3A_334 = arith.constant 224 : index
    %swap3A_335 = tpu.vector_load %arg8[%swap3A_333, %swap3A_334] {strides = array<i32>} : memref<2x2000xi32, #tpu.memory_space<vmem>>, vector<1x16xi32>,
    %swap3A_336 = vector.shape_cast %swap3A_335 : vector<1x16xi32> to vector<16xi32>
    %swap3A_337 = vector.shape_cast %add3A_331 : vector<16xi32> to vector<1x16xi32>
    tpu.vector_store %arg8[%swap3A_333, %swap3A_334], %swap3A_337 {strides = array<i32>} : memref<2x2000xi32, #tpu.memory_space<vmem>>, vector<1x16xi32>,
    %get3A_338 = arith.constant 0 : i32
    %get3A_339 = arith.index_cast %get3A_338 : i32 to index
    %get3A_340 = arith.constant 240 : index
    %get3A_341 = tpu.vector_load %arg7[%get3A_339, %get3A_340] {strides = array<i32>} : memref<2x2000xi32, #tpu.memory_space<vmem>>, vector<1x16xi32>,
    %get3A_342 = vector.shape_cast %get3A_341 : vector<1x16xi32> to vector<16xi32>
    %mul3A_343 = arith.constant 4 : i32
    %mul3A_344 = vector.broadcast %mul3A_343 : i32 to vector<16xi32>
    %mul3A_345 = arith.muli %get3A_342, %mul3A_344 : vector<16xi32>
    %add3A_346 = vector.broadcast %add3A_99 : i32 to vector<16xi32>
    %add3A_347 = arith.addi %mul3A_345, %add3A_346 : vector<16xi32>
    %swap3A_348 = arith.constant 0 : i32
    %swap3A_349 = arith.index_cast %swap3A_348 : i32 to index
    %swap3A_350 = arith.constant 240 : index
    %swap3A_351 = tpu.vector_load %arg8[%swap3A_349, %swap3A_350] {strides = array<i32>} : memref<2x2000xi32, #tpu.memory_space<vmem>>, vector<1x16xi32>,
    %swap3A_352 = vector.shape_cast %swap3A_351 : vector<1x16xi32> to vector<16xi32>
    %swap3A_353 = vector.shape_cast %add3A_347 : vector<16xi32> to vector<1x16xi32>
    tpu.vector_store %arg8[%swap3A_349, %swap3A_350], %swap3A_353 {strides = array<i32>} : memref<2x2000xi32, #tpu.memory_space<vmem>>, vector<1x16xi32>,
    %get3A_354 = arith.constant 0 : i32
    %get3A_355 = arith.index_cast %get3A_354 : i32 to index
    %get3A_356 = arith.constant 256 : index
    %get3A_357 = tpu.vector_load %arg7[%get3A_355, %get3A_356] {strides = array<i32>} : memref<2x2000xi32, #tpu.memory_space<vmem>>, vector<1x16xi32>,
    %get3A_358 = vector.shape_cast %get3A_357 : vector<1x16xi32> to vector<16xi32>
    %mul3A_359 = arith.constant 4 : i32
    %mul3A_360 = vector.broadcast %mul3A_359 : i32 to vector<16xi32>
    %mul3A_361 = arith.muli %get3A_358, %mul3A_360 : vector<16xi32>
    %add3A_362 = vector.broadcast %add3A_99 : i32 to vector<16xi32>
    %add3A_363 = arith.addi %mul3A_361, %add3A_362 : vector<16xi32>
    %swap3A_364 = arith.constant 0 : i32
    %swap3A_365 = arith.index_cast %swap3A_364 : i32 to index
    %swap3A_366 = arith.constant 256 : index
    %swap3A_367 = tpu.vector_load %arg8[%swap3A_365, %swap3A_366] {strides = array<i32>} : memref<2x2000xi32, #tpu.memory_space<vmem>>, vector<1x16xi32>,
    %swap3A_368 = vector.shape_cast %swap3A_367 : vector<1x16xi32> to vector<16xi32>
    %swap3A_369 = vector.shape_cast %add3A_363 : vector<16xi32> to vector<1x16xi32>
    tpu.vector_store %arg8[%swap3A_365, %swap3A_366], %swap3A_369 {strides = array<i32>} : memref<2x2000xi32, #tpu.memory_space<vmem>>, vector<1x16xi32>,
    %get3A_370 = arith.constant 0 : i32
    %get3A_371 = arith.index_cast %get3A_370 : i32 to index
    %get3A_372 = arith.constant 272 : index
    %get3A_373 = tpu.vector_load %arg7[%get3A_371, %get3A_372] {strides = array<i32>} : memref<2x2000xi32, #tpu.memory_space<vmem>>, vector<1x16xi32>,
    %get3A_374 = vector.shape_cast %get3A_373 : vector<1x16xi32> to vector<16xi32>
    %mul3A_375 = arith.constant 4 : i32
    %mul3A_376 = vector.broadcast %mul3A_375 : i32 to vector<16xi32>
    %mul3A_377 = arith.muli %get3A_374, %mul3A_376 : vector<16xi32>
    %add3A_378 = vector.broadcast %add3A_99 : i32 to vector<16xi32>
    %add3A_379 = arith.addi %mul3A_377, %add3A_378 : vector<16xi32>
    %swap3A_380 = arith.constant 0 : i32
    %swap3A_381 = arith.index_cast %swap3A_380 : i32 to index
    %swap3A_382 = arith.constant 272 : index
    %swap3A_383 = tpu.vector_load %arg8[%swap3A_381, %swap3A_382] {strides = array<i32>} : memref<2x2000xi32, #tpu.memory_space<vmem>>, vector<1x16xi32>,
    %swap3A_384 = vector.shape_cast %swap3A_383 : vector<1x16xi32> to vector<16xi32>
    %swap3A_385 = vector.shape_cast %add3A_379 : vector<16xi32> to vector<1x16xi32>
    tpu.vector_store %arg8[%swap3A_381, %swap3A_382], %swap3A_385 {strides = array<i32>} : memref<2x2000xi32, #tpu.memory_space<vmem>>, vector<1x16xi32>,
    %get3A_386 = arith.constant 0 : i32
    %get3A_387 = arith.index_cast %get3A_386 : i32 to index
    %get3A_388 = arith.constant 288 : index
    %get3A_389 = tpu.vector_load %arg7[%get3A_387, %get3A_388] {strides = array<i32>} : memref<2x2000xi32, #tpu.memory_space<vmem>>, vector<1x16xi32>,
    %get3A_390 = vector.shape_cast %get3A_389 : vector<1x16xi32> to vector<16xi32>
    %mul3A_391 = arith.constant 4 : i32
    %mul3A_392 = vector.broadcast %mul3A_391 : i32 to vector<16xi32>
    %mul3A_393 = arith.muli %get3A_390, %mul3A_392 : vector<16xi32>
    %add3A_394 = vector.broadcast %add3A_99 : i32 to vector<16xi32>
    %add3A_395 = arith.addi %mul3A_393, %add3A_394 : vector<16xi32>
    %swap3A_396 = arith.constant 0 : i32
    %swap3A_397 = arith.index_cast %swap3A_396 : i32 to index
    %swap3A_398 = arith.constant 288 : index
    %swap3A_399 = tpu.vector_load %arg8[%swap3A_397, %swap3A_398] {strides = array<i32>} : memref<2x2000xi32, #tpu.memory_space<vmem>>, vector<1x16xi32>,
    %swap3A_400 = vector.shape_cast %swap3A_399 : vector<1x16xi32> to vector<16xi32>
    %swap3A_401 = vector.shape_cast %add3A_395 : vector<16xi32> to vector<1x16xi32>
    tpu.vector_store %arg8[%swap3A_397, %swap3A_398], %swap3A_401 {strides = array<i32>} : memref<2x2000xi32, #tpu.memory_space<vmem>>, vector<1x16xi32>,
    %get3A_402 = arith.constant 0 : i32
    %get3A_403 = arith.index_cast %get3A_402 : i32 to index
    %get3A_404 = arith.constant 304 : index
    %get3A_405 = tpu.vector_load %arg7[%get3A_403, %get3A_404] {strides = array<i32>} : memref<2x2000xi32, #tpu.memory_space<vmem>>, vector<1x16xi32>,
    %get3A_406 = vector.shape_cast %get3A_405 : vector<1x16xi32> to vector<16xi32>
    %mul3A_407 = arith.constant 4 : i32
    %mul3A_408 = vector.broadcast %mul3A_407 : i32 to vector<16xi32>
    %mul3A_409 = arith.muli %get3A_406, %mul3A_408 : vector<16xi32>
    %add3A_410 = vector.broadcast %add3A_99 : i32 to vector<16xi32>
    %add3A_411 = arith.addi %mul3A_409, %add3A_410 : vector<16xi32>
    %swap3A_412 = arith.constant 0 : i32
    %swap3A_413 = arith.index_cast %swap3A_412 : i32 to index
    %swap3A_414 = arith.constant 304 : index
    %swap3A_415 = tpu.vector_load %arg8[%swap3A_413, %swap3A_414] {strides = array<i32>} : memref<2x2000xi32, #tpu.memory_space<vmem>>, vector<1x16xi32>,
    %swap3A_416 = vector.shape_cast %swap3A_415 : vector<1x16xi32> to vector<16xi32>
    %swap3A_417 = vector.shape_cast %add3A_411 : vector<16xi32> to vector<1x16xi32>
    tpu.vector_store %arg8[%swap3A_413, %swap3A_414], %swap3A_417 {strides = array<i32>} : memref<2x2000xi32, #tpu.memory_space<vmem>>, vector<1x16xi32>,
    %get3A_418 = arith.constant 0 : i32
    %get3A_419 = arith.index_cast %get3A_418 : i32 to index
    %get3A_420 = arith.constant 320 : index
    %get3A_421 = tpu.vector_load %arg7[%get3A_419, %get3A_420] {strides = array<i32>} : memref<2x2000xi32, #tpu.memory_space<vmem>>, vector<1x16xi32>,
    %get3A_422 = vector.shape_cast %get3A_421 : vector<1x16xi32> to vector<16xi32>
    %mul3A_423 = arith.constant 4 : i32
    %mul3A_424 = vector.broadcast %mul3A_423 : i32 to vector<16xi32>
    %mul3A_425 = arith.muli %get3A_422, %mul3A_424 : vector<16xi32>
    %add3A_426 = vector.broadcast %add3A_99 : i32 to vector<16xi32>
    %add3A_427 = arith.addi %mul3A_425, %add3A_426 : vector<16xi32>
    %swap3A_428 = arith.constant 0 : i32
    %swap3A_429 = arith.index_cast %swap3A_428 : i32 to index
    %swap3A_430 = arith.constant 320 : index
    %swap3A_431 = tpu.vector_load %arg8[%swap3A_429, %swap3A_430] {strides = array<i32>} : memref<2x2000xi32, #tpu.memory_space<vmem>>, vector<1x16xi32>,
    %swap3A_432 = vector.shape_cast %swap3A_431 : vector<1x16xi32> to vector<16xi32>
    %swap3A_433 = vector.shape_cast %add3A_427 : vector<16xi32> to vector<1x16xi32>
    tpu.vector_store %arg8[%swap3A_429, %swap3A_430], %swap3A_433 {strides = array<i32>} : memref<2x2000xi32, #tpu.memory_space<vmem>>, vector<1x16xi32>,
    %get3A_434 = arith.constant 0 : i32
    %get3A_435 = arith.index_cast %get3A_434 : i32 to index
    %get3A_436 = arith.constant 336 : index
    %get3A_437 = tpu.vector_load %arg7[%get3A_435, %get3A_436] {strides = array<i32>} : memref<2x2000xi32, #tpu.memory_space<vmem>>, vector<1x16xi32>,
    %get3A_438 = vector.shape_cast %get3A_437 : vector<1x16xi32> to vector<16xi32>
    %mul3A_439 = arith.constant 4 : i32
    %mul3A_440 = vector.broadcast %mul3A_439 : i32 to vector<16xi32>
    %mul3A_441 = arith.muli %get3A_438, %mul3A_440 : vector<16xi32>
    %add3A_442 = vector.broadcast %add3A_99 : i32 to vector<16xi32>
    %add3A_443 = arith.addi %mul3A_441, %add3A_442 : vector<16xi32>
    %swap3A_444 = arith.constant 0 : i32
    %swap3A_445 = arith.index_cast %swap3A_444 : i32 to index
    %swap3A_446 = arith.constant 336 : index
    %swap3A_447 = tpu.vector_load %arg8[%swap3A_445, %swap3A_446] {strides = array<i32>} : memref<2x2000xi32, #tpu.memory_space<vmem>>, vector<1x16xi32>,
    %swap3A_448 = vector.shape_cast %swap3A_447 : vector<1x16xi32> to vector<16xi32>
    %swap3A_449 = vector.shape_cast %add3A_443 : vector<16xi32> to vector<1x16xi32>
    tpu.vector_store %arg8[%swap3A_445, %swap3A_446], %swap3A_449 {strides = array<i32>} : memref<2x2000xi32, #tpu.memory_space<vmem>>, vector<1x16xi32>,
    %get3A_450 = arith.constant 0 : i32
    %get3A_451 = arith.index_cast %get3A_450 : i32 to index
    %get3A_452 = arith.constant 352 : index
    %get3A_453 = tpu.vector_load %arg7[%get3A_451, %get3A_452] {strides = array<i32>} : memref<2x2000xi32, #tpu.memory_space<vmem>>, vector<1x16xi32>,
    %get3A_454 = vector.shape_cast %get3A_453 : vector<1x16xi32> to vector<16xi32>
    %mul3A_455 = arith.constant 4 : i32
    %mul3A_456 = vector.broadcast %mul3A_455 : i32 to vector<16xi32>
    %mul3A_457 = arith.muli %get3A_454, %mul3A_456 : vector<16xi32>
    %add3A_458 = vector.broadcast %add3A_99 : i32 to vector<16xi32>
    %add3A_459 = arith.addi %mul3A_457, %add3A_458 : vector<16xi32>
    %swap3A_460 = arith.constant 0 : i32
    %swap3A_461 = arith.index_cast %swap3A_460 : i32 to index
    %swap3A_462 = arith.constant 352 : index
    %swap3A_463 = tpu.vector_load %arg8[%swap3A_461, %swap3A_462] {strides = array<i32>} : memref<2x2000xi32, #tpu.memory_space<vmem>>, vector<1x16xi32>,
    %swap3A_464 = vector.shape_cast %swap3A_463 : vector<1x16xi32> to vector<16xi32>
    %swap3A_465 = vector.shape_cast %add3A_459 : vector<16xi32> to vector<1x16xi32>
    tpu.vector_store %arg8[%swap3A_461, %swap3A_462], %swap3A_465 {strides = array<i32>} : memref<2x2000xi32, #tpu.memory_space<vmem>>, vector<1x16xi32>,
    %get3A_466 = arith.constant 0 : i32
    %get3A_467 = arith.index_cast %get3A_466 : i32 to index
    %get3A_468 = arith.constant 368 : index
    %get3A_469 = tpu.vector_load %arg7[%get3A_467, %get3A_468] {strides = array<i32>} : memref<2x2000xi32, #tpu.memory_space<vmem>>, vector<1x16xi32>,
    %get3A_470 = vector.shape_cast %get3A_469 : vector<1x16xi32> to vector<16xi32>
    %mul3A_471 = arith.constant 4 : i32
    %mul3A_472 = vector.broadcast %mul3A_471 : i32 to vector<16xi32>
    %mul3A_473 = arith.muli %get3A_470, %mul3A_472 : vector<16xi32>
    %add3A_474 = vector.broadcast %add3A_99 : i32 to vector<16xi32>
    %add3A_475 = arith.addi %mul3A_473, %add3A_474 : vector<16xi32>
    %swap3A_476 = arith.constant 0 : i32
    %swap3A_477 = arith.index_cast %swap3A_476 : i32 to index
    %swap3A_478 = arith.constant 368 : index
    %swap3A_479 = tpu.vector_load %arg8[%swap3A_477, %swap3A_478] {strides = array<i32>} : memref<2x2000xi32, #tpu.memory_space<vmem>>, vector<1x16xi32>,
    %swap3A_480 = vector.shape_cast %swap3A_479 : vector<1x16xi32> to vector<16xi32>
    %swap3A_481 = vector.shape_cast %add3A_475 : vector<16xi32> to vector<1x16xi32>
    tpu.vector_store %arg8[%swap3A_477, %swap3A_478], %swap3A_481 {strides = array<i32>} : memref<2x2000xi32, #tpu.memory_space<vmem>>, vector<1x16xi32>,
    %get3A_482 = arith.constant 0 : i32
    %get3A_483 = arith.index_cast %get3A_482 : i32 to index
    %get3A_484 = arith.constant 384 : index
    %get3A_485 = tpu.vector_load %arg7[%get3A_483, %get3A_484] {strides = array<i32>} : memref<2x2000xi32, #tpu.memory_space<vmem>>, vector<1x16xi32>,
    %get3A_486 = vector.shape_cast %get3A_485 : vector<1x16xi32> to vector<16xi32>
    %mul3A_487 = arith.constant 4 : i32
    %mul3A_488 = vector.broadcast %mul3A_487 : i32 to vector<16xi32>
    %mul3A_489 = arith.muli %get3A_486, %mul3A_488 : vector<16xi32>
    %add3A_490 = vector.broadcast %add3A_99 : i32 to vector<16xi32>
    %add3A_491 = arith.addi %mul3A_489, %add3A_490 : vector<16xi32>
    %swap3A_492 = arith.constant 0 : i32
    %swap3A_493 = arith.index_cast %swap3A_492 : i32 to index
    %swap3A_494 = arith.constant 384 : index
    %swap3A_495 = tpu.vector_load %arg8[%swap3A_493, %swap3A_494] {strides = array<i32>} : memref<2x2000xi32, #tpu.memory_space<vmem>>, vector<1x16xi32>,
    %swap3A_496 = vector.shape_cast %swap3A_495 : vector<1x16xi32> to vector<16xi32>
    %swap3A_497 = vector.shape_cast %add3A_491 : vector<16xi32> to vector<1x16xi32>
    tpu.vector_store %arg8[%swap3A_493, %swap3A_494], %swap3A_497 {strides = array<i32>} : memref<2x2000xi32, #tpu.memory_space<vmem>>, vector<1x16xi32>,
    %get3A_498 = arith.constant 0 : i32
    %get3A_499 = arith.index_cast %get3A_498 : i32 to index
    %get3A_500 = arith.constant 400 : index
    %get3A_501 = tpu.vector_load %arg7[%get3A_499, %get3A_500] {strides = array<i32>} : memref<2x2000xi32, #tpu.memory_space<vmem>>, vector<1x16xi32>,
    %get3A_502 = vector.shape_cast %get3A_501 : vector<1x16xi32> to vector<16xi32>
    %mul3A_503 = arith.constant 4 : i32
    %mul3A_504 = vector.broadcast %mul3A_503 : i32 to vector<16xi32>
    %mul3A_505 = arith.muli %get3A_502, %mul3A_504 : vector<16xi32>
    %add3A_506 = vector.broadcast %add3A_99 : i32 to vector<16xi32>
    %add3A_507 = arith.addi %mul3A_505, %add3A_506 : vector<16xi32>
    %swap3A_508 = arith.constant 0 : i32
    %swap3A_509 = arith.index_cast %swap3A_508 : i32 to index
    %swap3A_510 = arith.constant 400 : index
    %swap3A_511 = tpu.vector_load %arg8[%swap3A_509, %swap3A_510] {strides = array<i32>} : memref<2x2000xi32, #tpu.memory_space<vmem>>, vector<1x16xi32>,
    %swap3A_512 = vector.shape_cast %swap3A_511 : vector<1x16xi32> to vector<16xi32>
    %swap3A_513 = vector.shape_cast %add3A_507 : vector<16xi32> to vector<1x16xi32>
    tpu.vector_store %arg8[%swap3A_509, %swap3A_510], %swap3A_513 {strides = array<i32>} : memref<2x2000xi32, #tpu.memory_space<vmem>>, vector<1x16xi32>,
    %get3A_514 = arith.constant 0 : i32
    %get3A_515 = arith.index_cast %get3A_514 : i32 to index
    %get3A_516 = arith.constant 416 : index
    %get3A_517 = tpu.vector_load %arg7[%get3A_515, %get3A_516] {strides = array<i32>} : memref<2x2000xi32, #tpu.memory_space<vmem>>, vector<1x16xi32>,
    %get3A_518 = vector.shape_cast %get3A_517 : vector<1x16xi32> to vector<16xi32>
    %mul3A_519 = arith.constant 4 : i32
    %mul3A_520 = vector.broadcast %mul3A_519 : i32 to vector<16xi32>
    %mul3A_521 = arith.muli %get3A_518, %mul3A_520 : vector<16xi32>
    %add3A_522 = vector.broadcast %add3A_99 : i32 to vector<16xi32>
    %add3A_523 = arith.addi %mul3A_521, %add3A_522 : vector<16xi32>
    %swap3A_524 = arith.constant 0 : i32
    %swap3A_525 = arith.index_cast %swap3A_524 : i32 to index
    %swap3A_526 = arith.constant 416 : index
    %swap3A_527 = tpu.vector_load %arg8[%swap3A_525, %swap3A_526] {strides = array<i32>} : memref<2x2000xi32, #tpu.memory_space<vmem>>, vector<1x16xi32>,
    %swap3A_528 = vector.shape_cast %swap3A_527 : vector<1x16xi32> to vector<16xi32>
    %swap3A_529 = vector.shape_cast %add3A_523 : vector<16xi32> to vector<1x16xi32>
    tpu.vector_store %arg8[%swap3A_525, %swap3A_526], %swap3A_529 {strides = array<i32>} : memref<2x2000xi32, #tpu.memory_space<vmem>>, vector<1x16xi32>,
    %get3A_530 = arith.constant 0 : i32
    %get3A_531 = arith.index_cast %get3A_530 : i32 to index
    %get3A_532 = arith.constant 432 : index
    %get3A_533 = tpu.vector_load %arg7[%get3A_531, %get3A_532] {strides = array<i32>} : memref<2x2000xi32, #tpu.memory_space<vmem>>, vector<1x16xi32>,
    %get3A_534 = vector.shape_cast %get3A_533 : vector<1x16xi32> to vector<16xi32>
    %mul3A_535 = arith.constant 4 : i32
    %mul3A_536 = vector.broadcast %mul3A_535 : i32 to vector<16xi32>
    %mul3A_537 = arith.muli %get3A_534, %mul3A_536 : vector<16xi32>
    %add3A_538 = vector.broadcast %add3A_99 : i32 to vector<16xi32>
    %add3A_539 = arith.addi %mul3A_537, %add3A_538 : vector<16xi32>
    %swap3A_540 = arith.constant 0 : i32
    %swap3A_541 = arith.index_cast %swap3A_540 : i32 to index
    %swap3A_542 = arith.constant 432 : index
    %swap3A_543 = tpu.vector_load %arg8[%swap3A_541, %swap3A_542] {strides = array<i32>} : memref<2x2000xi32, #tpu.memory_space<vmem>>, vector<1x16xi32>,
    %swap3A_544 = vector.shape_cast %swap3A_543 : vector<1x16xi32> to vector<16xi32>
    %swap3A_545 = vector.shape_cast %add3A_539 : vector<16xi32> to vector<1x16xi32>
    tpu.vector_store %arg8[%swap3A_541, %swap3A_542], %swap3A_545 {strides = array<i32>} : memref<2x2000xi32, #tpu.memory_space<vmem>>, vector<1x16xi32>,
    %get3A_546 = arith.constant 0 : i32
    %get3A_547 = arith.index_cast %get3A_546 : i32 to index
    %get3A_548 = arith.constant 448 : index
    %get3A_549 = tpu.vector_load %arg7[%get3A_547, %get3A_548] {strides = array<i32>} : memref<2x2000xi32, #tpu.memory_space<vmem>>, vector<1x16xi32>,
    %get3A_550 = vector.shape_cast %get3A_549 : vector<1x16xi32> to vector<16xi32>
    %mul3A_551 = arith.constant 4 : i32
    %mul3A_552 = vector.broadcast %mul3A_551 : i32 to vector<16xi32>
    %mul3A_553 = arith.muli %get3A_550, %mul3A_552 : vector<16xi32>
    %add3A_554 = vector.broadcast %add3A_99 : i32 to vector<16xi32>
    %add3A_555 = arith.addi %mul3A_553, %add3A_554 : vector<16xi32>
    %swap3A_556 = arith.constant 0 : i32
    %swap3A_557 = arith.index_cast %swap3A_556 : i32 to index
    %swap3A_558 = arith.constant 448 : index
    %swap3A_559 = tpu.vector_load %arg8[%swap3A_557, %swap3A_558] {strides = array<i32>} : memref<2x2000xi32, #tpu.memory_space<vmem>>, vector<1x16xi32>,
    %swap3A_560 = vector.shape_cast %swap3A_559 : vector<1x16xi32> to vector<16xi32>
    %swap3A_561 = vector.shape_cast %add3A_555 : vector<16xi32> to vector<1x16xi32>
    tpu.vector_store %arg8[%swap3A_557, %swap3A_558], %swap3A_561 {strides = array<i32>} : memref<2x2000xi32, #tpu.memory_space<vmem>>, vector<1x16xi32>,
    %get3A_562 = arith.constant 0 : i32
    %get3A_563 = arith.index_cast %get3A_562 : i32 to index
    %get3A_564 = arith.constant 464 : index
    %get3A_565 = tpu.vector_load %arg7[%get3A_563, %get3A_564] {strides = array<i32>} : memref<2x2000xi32, #tpu.memory_space<vmem>>, vector<1x16xi32>,
    %get3A_566 = vector.shape_cast %get3A_565 : vector<1x16xi32> to vector<16xi32>
    %mul3A_567 = arith.constant 4 : i32
    %mul3A_568 = vector.broadcast %mul3A_567 : i32 to vector<16xi32>
    %mul3A_569 = arith.muli %get3A_566, %mul3A_568 : vector<16xi32>
    %add3A_570 = vector.broadcast %add3A_99 : i32 to vector<16xi32>
    %add3A_571 = arith.addi %mul3A_569, %add3A_570 : vector<16xi32>
    %swap3A_572 = arith.constant 0 : i32
    %swap3A_573 = arith.index_cast %swap3A_572 : i32 to index
    %swap3A_574 = arith.constant 464 : index
    %swap3A_575 = tpu.vector_load %arg8[%swap3A_573, %swap3A_574] {strides = array<i32>} : memref<2x2000xi32, #tpu.memory_space<vmem>>, vector<1x16xi32>,
    %swap3A_576 = vector.shape_cast %swap3A_575 : vector<1x16xi32> to vector<16xi32>
    %swap3A_577 = vector.shape_cast %add3A_571 : vector<16xi32> to vector<1x16xi32>
    tpu.vector_store %arg8[%swap3A_573, %swap3A_574], %swap3A_577 {strides = array<i32>} : memref<2x2000xi32, #tpu.memory_space<vmem>>, vector<1x16xi32>,
    %get3A_578 = arith.constant 0 : i32
    %get3A_579 = arith.index_cast %get3A_578 : i32 to index
    %get3A_580 = arith.constant 480 : index
    %get3A_581 = tpu.vector_load %arg7[%get3A_579, %get3A_580] {strides = array<i32>} : memref<2x2000xi32, #tpu.memory_space<vmem>>, vector<1x16xi32>,
    %get3A_582 = vector.shape_cast %get3A_581 : vector<1x16xi32> to vector<16xi32>
    %mul3A_583 = arith.constant 4 : i32
    %mul3A_584 = vector.broadcast %mul3A_583 : i32 to vector<16xi32>
    %mul3A_585 = arith.muli %get3A_582, %mul3A_584 : vector<16xi32>
    %add3A_586 = vector.broadcast %add3A_99 : i32 to vector<16xi32>
    %add3A_587 = arith.addi %mul3A_585, %add3A_586 : vector<16xi32>
    %swap3A_588 = arith.constant 0 : i32
    %swap3A_589 = arith.index_cast %swap3A_588 : i32 to index
    %swap3A_590 = arith.constant 480 : index
    %swap3A_591 = tpu.vector_load %arg8[%swap3A_589, %swap3A_590] {strides = array<i32>} : memref<2x2000xi32, #tpu.memory_space<vmem>>, vector<1x16xi32>,
    %swap3A_592 = vector.shape_cast %swap3A_591 : vector<1x16xi32> to vector<16xi32>
    %swap3A_593 = vector.shape_cast %add3A_587 : vector<16xi32> to vector<1x16xi32>
    tpu.vector_store %arg8[%swap3A_589, %swap3A_590], %swap3A_593 {strides = array<i32>} : memref<2x2000xi32, #tpu.memory_space<vmem>>, vector<1x16xi32>,
    %get3A_594 = arith.constant 0 : i32
    %get3A_595 = arith.index_cast %get3A_594 : i32 to index
    %get3A_596 = arith.constant 496 : index
    %get3A_597 = tpu.vector_load %arg7[%get3A_595, %get3A_596] {strides = array<i32>} : memref<2x2000xi32, #tpu.memory_space<vmem>>, vector<1x16xi32>,
    %get3A_598 = vector.shape_cast %get3A_597 : vector<1x16xi32> to vector<16xi32>
    %mul3A_599 = arith.constant 4 : i32
    %mul3A_600 = vector.broadcast %mul3A_599 : i32 to vector<16xi32>
    %mul3A_601 = arith.muli %get3A_598, %mul3A_600 : vector<16xi32>
    %add3A_602 = vector.broadcast %add3A_99 : i32 to vector<16xi32>
    %add3A_603 = arith.addi %mul3A_601, %add3A_602 : vector<16xi32>
    %swap3A_604 = arith.constant 0 : i32
    %swap3A_605 = arith.index_cast %swap3A_604 : i32 to index
    %swap3A_606 = arith.constant 496 : index
    %swap3A_607 = tpu.vector_load %arg8[%swap3A_605, %swap3A_606] {strides = array<i32>} : memref<2x2000xi32, #tpu.memory_space<vmem>>, vector<1x16xi32>,
    %swap3A_608 = vector.shape_cast %swap3A_607 : vector<1x16xi32> to vector<16xi32>
    %swap3A_609 = vector.shape_cast %add3A_603 : vector<16xi32> to vector<1x16xi32>
    tpu.vector_store %arg8[%swap3A_605, %swap3A_606], %swap3A_609 {strides = array<i32>} : memref<2x2000xi32, #tpu.memory_space<vmem>>, vector<1x16xi32>,
    %get3A_610 = arith.constant 0 : i32
    %get3A_611 = arith.index_cast %get3A_610 : i32 to index
    %get3A_612 = arith.constant 512 : index
    %get3A_613 = tpu.vector_load %arg7[%get3A_611, %get3A_612] {strides = array<i32>} : memref<2x2000xi32, #tpu.memory_space<vmem>>, vector<1x16xi32>,
    %get3A_614 = vector.shape_cast %get3A_613 : vector<1x16xi32> to vector<16xi32>
    %mul3A_615 = arith.constant 4 : i32
    %mul3A_616 = vector.broadcast %mul3A_615 : i32 to vector<16xi32>
    %mul3A_617 = arith.muli %get3A_614, %mul3A_616 : vector<16xi32>
    %add3A_618 = vector.broadcast %add3A_99 : i32 to vector<16xi32>
    %add3A_619 = arith.addi %mul3A_617, %add3A_618 : vector<16xi32>
    %swap3A_620 = arith.constant 0 : i32
    %swap3A_621 = arith.index_cast %swap3A_620 : i32 to index
    %swap3A_622 = arith.constant 512 : index
    %swap3A_623 = tpu.vector_load %arg8[%swap3A_621, %swap3A_622] {strides = array<i32>} : memref<2x2000xi32, #tpu.memory_space<vmem>>, vector<1x16xi32>,
    %swap3A_624 = vector.shape_cast %swap3A_623 : vector<1x16xi32> to vector<16xi32>
    %swap3A_625 = vector.shape_cast %add3A_619 : vector<16xi32> to vector<1x16xi32>
    tpu.vector_store %arg8[%swap3A_621, %swap3A_622], %swap3A_625 {strides = array<i32>} : memref<2x2000xi32, #tpu.memory_space<vmem>>, vector<1x16xi32>,
    %get3A_626 = arith.constant 0 : i32
    %get3A_627 = arith.index_cast %get3A_626 : i32 to index
    %get3A_628 = arith.constant 528 : index
    %get3A_629 = tpu.vector_load %arg7[%get3A_627, %get3A_628] {strides = array<i32>} : memref<2x2000xi32, #tpu.memory_space<vmem>>, vector<1x16xi32>,
    %get3A_630 = vector.shape_cast %get3A_629 : vector<1x16xi32> to vector<16xi32>
    %mul3A_631 = arith.constant 4 : i32
    %mul3A_632 = vector.broadcast %mul3A_631 : i32 to vector<16xi32>
    %mul3A_633 = arith.muli %get3A_630, %mul3A_632 : vector<16xi32>
    %add3A_634 = vector.broadcast %add3A_99 : i32 to vector<16xi32>
    %add3A_635 = arith.addi %mul3A_633, %add3A_634 : vector<16xi32>
    %swap3A_636 = arith.constant 0 : i32
    %swap3A_637 = arith.index_cast %swap3A_636 : i32 to index
    %swap3A_638 = arith.constant 528 : index
    %swap3A_639 = tpu.vector_load %arg8[%swap3A_637, %swap3A_638] {strides = array<i32>} : memref<2x2000xi32, #tpu.memory_space<vmem>>, vector<1x16xi32>,
    %swap3A_640 = vector.shape_cast %swap3A_639 : vector<1x16xi32> to vector<16xi32>
    %swap3A_641 = vector.shape_cast %add3A_635 : vector<16xi32> to vector<1x16xi32>
    tpu.vector_store %arg8[%swap3A_637, %swap3A_638], %swap3A_641 {strides = array<i32>} : memref<2x2000xi32, #tpu.memory_space<vmem>>, vector<1x16xi32>,
    %get3A_642 = arith.constant 0 : i32
    %get3A_643 = arith.index_cast %get3A_642 : i32 to index
    %get3A_644 = arith.constant 544 : index
    %get3A_645 = tpu.vector_load %arg7[%get3A_643, %get3A_644] {strides = array<i32>} : memref<2x2000xi32, #tpu.memory_space<vmem>>, vector<1x16xi32>,
    %get3A_646 = vector.shape_cast %get3A_645 : vector<1x16xi32> to vector<16xi32>
    %mul3A_647 = arith.constant 4 : i32
    %mul3A_648 = vector.broadcast %mul3A_647 : i32 to vector<16xi32>
    %mul3A_649 = arith.muli %get3A_646, %mul3A_648 : vector<16xi32>
    %add3A_650 = vector.broadcast %add3A_99 : i32 to vector<16xi32>
    %add3A_651 = arith.addi %mul3A_649, %add3A_650 : vector<16xi32>
    %swap3A_652 = arith.constant 0 : i32
    %swap3A_653 = arith.index_cast %swap3A_652 : i32 to index
    %swap3A_654 = arith.constant 544 : index
    %swap3A_655 = tpu.vector_load %arg8[%swap3A_653, %swap3A_654] {strides = array<i32>} : memref<2x2000xi32, #tpu.memory_space<vmem>>, vector<1x16xi32>,
    %swap3A_656 = vector.shape_cast %swap3A_655 : vector<1x16xi32> to vector<16xi32>
    %swap3A_657 = vector.shape_cast %add3A_651 : vector<16xi32> to vector<1x16xi32>
    tpu.vector_store %arg8[%swap3A_653, %swap3A_654], %swap3A_657 {strides = array<i32>} : memref<2x2000xi32, #tpu.memory_space<vmem>>, vector<1x16xi32>,
    %get3A_658 = arith.constant 0 : i32
    %get3A_659 = arith.index_cast %get3A_658 : i32 to index
    %get3A_660 = arith.constant 560 : index
    %get3A_661 = tpu.vector_load %arg7[%get3A_659, %get3A_660] {strides = array<i32>} : memref<2x2000xi32, #tpu.memory_space<vmem>>, vector<1x16xi32>,
    %get3A_662 = vector.shape_cast %get3A_661 : vector<1x16xi32> to vector<16xi32>
    %mul3A_663 = arith.constant 4 : i32
    %mul3A_664 = vector.broadcast %mul3A_663 : i32 to vector<16xi32>
    %mul3A_665 = arith.muli %get3A_662, %mul3A_664 : vector<16xi32>
    %add3A_666 = vector.broadcast %add3A_99 : i32 to vector<16xi32>
    %add3A_667 = arith.addi %mul3A_665, %add3A_666 : vector<16xi32>
    %swap3A_668 = arith.constant 0 : i32
    %swap3A_669 = arith.index_cast %swap3A_668 : i32 to index
    %swap3A_670 = arith.constant 560 : index
    %swap3A_671 = tpu.vector_load %arg8[%swap3A_669, %swap3A_670] {strides = array<i32>} : memref<2x2000xi32, #tpu.memory_space<vmem>>, vector<1x16xi32>,
    %swap3A_672 = vector.shape_cast %swap3A_671 : vector<1x16xi32> to vector<16xi32>
    %swap3A_673 = vector.shape_cast %add3A_667 : vector<16xi32> to vector<1x16xi32>
    tpu.vector_store %arg8[%swap3A_669, %swap3A_670], %swap3A_673 {strides = array<i32>} : memref<2x2000xi32, #tpu.memory_space<vmem>>, vector<1x16xi32>,
    %get3A_674 = arith.constant 0 : i32
    %get3A_675 = arith.index_cast %get3A_674 : i32 to index
    %get3A_676 = arith.constant 576 : index
    %get3A_677 = tpu.vector_load %arg7[%get3A_675, %get3A_676] {strides = array<i32>} : memref<2x2000xi32, #tpu.memory_space<vmem>>, vector<1x16xi32>,
    %get3A_678 = vector.shape_cast %get3A_677 : vector<1x16xi32> to vector<16xi32>
    %mul3A_679 = arith.constant 4 : i32
    %mul3A_680 = vector.broadcast %mul3A_679 : i32 to vector<16xi32>
    %mul3A_681 = arith.muli %get3A_678, %mul3A_680 : vector<16xi32>
    %add3A_682 = vector.broadcast %add3A_99 : i32 to vector<16xi32>
    %add3A_683 = arith.addi %mul3A_681, %add3A_682 : vector<16xi32>
    %swap3A_684 = arith.constant 0 : i32
    %swap3A_685 = arith.index_cast %swap3A_684 : i32 to index
    %swap3A_686 = arith.constant 576 : index
    %swap3A_687 = tpu.vector_load %arg8[%swap3A_685, %swap3A_686] {strides = array<i32>} : memref<2x2000xi32, #tpu.memory_space<vmem>>, vector<1x16xi32>,
    %swap3A_688 = vector.shape_cast %swap3A_687 : vector<1x16xi32> to vector<16xi32>
    %swap3A_689 = vector.shape_cast %add3A_683 : vector<16xi32> to vector<1x16xi32>
    tpu.vector_store %arg8[%swap3A_685, %swap3A_686], %swap3A_689 {strides = array<i32>} : memref<2x2000xi32, #tpu.memory_space<vmem>>, vector<1x16xi32>,
    %get3A_690 = arith.constant 0 : i32
    %get3A_691 = arith.index_cast %get3A_690 : i32 to index
    %get3A_692 = arith.constant 592 : index
    %get3A_693 = tpu.vector_load %arg7[%get3A_691, %get3A_692] {strides = array<i32>} : memref<2x2000xi32, #tpu.memory_space<vmem>>, vector<1x16xi32>,
    %get3A_694 = vector.shape_cast %get3A_693 : vector<1x16xi32> to vector<16xi32>
    %mul3A_695 = arith.constant 4 : i32
    %mul3A_696 = vector.broadcast %mul3A_695 : i32 to vector<16xi32>
    %mul3A_697 = arith.muli %get3A_694, %mul3A_696 : vector<16xi32>
    %add3A_698 = vector.broadcast %add3A_99 : i32 to vector<16xi32>
    %add3A_699 = arith.addi %mul3A_697, %add3A_698 : vector<16xi32>
    %swap3A_700 = arith.constant 0 : i32
    %swap3A_701 = arith.index_cast %swap3A_700 : i32 to index
    %swap3A_702 = arith.constant 592 : index
    %swap3A_703 = tpu.vector_load %arg8[%swap3A_701, %swap3A_702] {strides = array<i32>} : memref<2x2000xi32, #tpu.memory_space<vmem>>, vector<1x16xi32>,
    %swap3A_704 = vector.shape_cast %swap3A_703 : vector<1x16xi32> to vector<16xi32>
    %swap3A_705 = vector.shape_cast %add3A_699 : vector<16xi32> to vector<1x16xi32>
    tpu.vector_store %arg8[%swap3A_701, %swap3A_702], %swap3A_705 {strides = array<i32>} : memref<2x2000xi32, #tpu.memory_space<vmem>>, vector<1x16xi32>,
    %get3A_706 = arith.constant 0 : i32
    %get3A_707 = arith.index_cast %get3A_706 : i32 to index
    %get3A_708 = arith.constant 608 : index
    %get3A_709 = tpu.vector_load %arg7[%get3A_707, %get3A_708] {strides = array<i32>} : memref<2x2000xi32, #tpu.memory_space<vmem>>, vector<1x16xi32>,
    %get3A_710 = vector.shape_cast %get3A_709 : vector<1x16xi32> to vector<16xi32>
    %mul3A_711 = arith.constant 4 : i32
    %mul3A_712 = vector.broadcast %mul3A_711 : i32 to vector<16xi32>
    %mul3A_713 = arith.muli %get3A_710, %mul3A_712 : vector<16xi32>
    %add3A_714 = vector.broadcast %add3A_99 : i32 to vector<16xi32>
    %add3A_715 = arith.addi %mul3A_713, %add3A_714 : vector<16xi32>
    %swap3A_716 = arith.constant 0 : i32
    %swap3A_717 = arith.index_cast %swap3A_716 : i32 to index
    %swap3A_718 = arith.constant 608 : index
    %swap3A_719 = tpu.vector_load %arg8[%swap3A_717, %swap3A_718] {strides = array<i32>} : memref<2x2000xi32, #tpu.memory_space<vmem>>, vector<1x16xi32>,
    %swap3A_720 = vector.shape_cast %swap3A_719 : vector<1x16xi32> to vector<16xi32>
    %swap3A_721 = vector.shape_cast %add3A_715 : vector<16xi32> to vector<1x16xi32>
    tpu.vector_store %arg8[%swap3A_717, %swap3A_718], %swap3A_721 {strides = array<i32>} : memref<2x2000xi32, #tpu.memory_space<vmem>>, vector<1x16xi32>,
    %get3A_722 = arith.constant 0 : i32
    %get3A_723 = arith.index_cast %get3A_722 : i32 to index
    %get3A_724 = arith.constant 624 : index
    %get3A_725 = tpu.vector_load %arg7[%get3A_723, %get3A_724] {strides = array<i32>} : memref<2x2000xi32, #tpu.memory_space<vmem>>, vector<1x16xi32>,
    %get3A_726 = vector.shape_cast %get3A_725 : vector<1x16xi32> to vector<16xi32>
    %mul3A_727 = arith.constant 4 : i32
    %mul3A_728 = vector.broadcast %mul3A_727 : i32 to vector<16xi32>
    %mul3A_729 = arith.muli %get3A_726, %mul3A_728 : vector<16xi32>
    %add3A_730 = vector.broadcast %add3A_99 : i32 to vector<16xi32>
    %add3A_731 = arith.addi %mul3A_729, %add3A_730 : vector<16xi32>
    %swap3A_732 = arith.constant 0 : i32
    %swap3A_733 = arith.index_cast %swap3A_732 : i32 to index
    %swap3A_734 = arith.constant 624 : index
    %swap3A_735 = tpu.vector_load %arg8[%swap3A_733, %swap3A_734] {strides = array<i32>} : memref<2x2000xi32, #tpu.memory_space<vmem>>, vector<1x16xi32>,
    %swap3A_736 = vector.shape_cast %swap3A_735 : vector<1x16xi32> to vector<16xi32>
    %swap3A_737 = vector.shape_cast %add3A_731 : vector<16xi32> to vector<1x16xi32>
    tpu.vector_store %arg8[%swap3A_733, %swap3A_734], %swap3A_737 {strides = array<i32>} : memref<2x2000xi32, #tpu.memory_space<vmem>>, vector<1x16xi32>,
    %get3A_738 = arith.constant 0 : i32
    %get3A_739 = arith.index_cast %get3A_738 : i32 to index
    %get3A_740 = arith.constant 640 : index
    %get3A_741 = tpu.vector_load %arg7[%get3A_739, %get3A_740] {strides = array<i32>} : memref<2x2000xi32, #tpu.memory_space<vmem>>, vector<1x16xi32>,
    %get3A_742 = vector.shape_cast %get3A_741 : vector<1x16xi32> to vector<16xi32>
    %mul3A_743 = arith.constant 4 : i32
    %mul3A_744 = vector.broadcast %mul3A_743 : i32 to vector<16xi32>
    %mul3A_745 = arith.muli %get3A_742, %mul3A_744 : vector<16xi32>
    %add3A_746 = vector.broadcast %add3A_99 : i32 to vector<16xi32>
    %add3A_747 = arith.addi %mul3A_745, %add3A_746 : vector<16xi32>
    %swap3A_748 = arith.constant 0 : i32
    %swap3A_749 = arith.index_cast %swap3A_748 : i32 to index
    %swap3A_750 = arith.constant 640 : index
    %swap3A_751 = tpu.vector_load %arg8[%swap3A_749, %swap3A_750] {strides = array<i32>} : memref<2x2000xi32, #tpu.memory_space<vmem>>, vector<1x16xi32>,
    %swap3A_752 = vector.shape_cast %swap3A_751 : vector<1x16xi32> to vector<16xi32>
    %swap3A_753 = vector.shape_cast %add3A_747 : vector<16xi32> to vector<1x16xi32>
    tpu.vector_store %arg8[%swap3A_749, %swap3A_750], %swap3A_753 {strides = array<i32>} : memref<2x2000xi32, #tpu.memory_space<vmem>>, vector<1x16xi32>,
    %get3A_754 = arith.constant 0 : i32
    %get3A_755 = arith.index_cast %get3A_754 : i32 to index
    %get3A_756 = arith.constant 656 : index
    %get3A_757 = tpu.vector_load %arg7[%get3A_755, %get3A_756] {strides = array<i32>} : memref<2x2000xi32, #tpu.memory_space<vmem>>, vector<1x16xi32>,
    %get3A_758 = vector.shape_cast %get3A_757 : vector<1x16xi32> to vector<16xi32>
    %mul3A_759 = arith.constant 4 : i32
    %mul3A_760 = vector.broadcast %mul3A_759 : i32 to vector<16xi32>
    %mul3A_761 = arith.muli %get3A_758, %mul3A_760 : vector<16xi32>
    %add3A_762 = vector.broadcast %add3A_99 : i32 to vector<16xi32>
    %add3A_763 = arith.addi %mul3A_761, %add3A_762 : vector<16xi32>
    %swap3A_764 = arith.constant 0 : i32
    %swap3A_765 = arith.index_cast %swap3A_764 : i32 to index
    %swap3A_766 = arith.constant 656 : index
    %swap3A_767 = tpu.vector_load %arg8[%swap3A_765, %swap3A_766] {strides = array<i32>} : memref<2x2000xi32, #tpu.memory_space<vmem>>, vector<1x16xi32>,
    %swap3A_768 = vector.shape_cast %swap3A_767 : vector<1x16xi32> to vector<16xi32>
    %swap3A_769 = vector.shape_cast %add3A_763 : vector<16xi32> to vector<1x16xi32>
    tpu.vector_store %arg8[%swap3A_765, %swap3A_766], %swap3A_769 {strides = array<i32>} : memref<2x2000xi32, #tpu.memory_space<vmem>>, vector<1x16xi32>,
    %get3A_770 = arith.constant 0 : i32
    %get3A_771 = arith.index_cast %get3A_770 : i32 to index
    %get3A_772 = arith.constant 672 : index
    %get3A_773 = tpu.vector_load %arg7[%get3A_771, %get3A_772] {strides = array<i32>} : memref<2x2000xi32, #tpu.memory_space<vmem>>, vector<1x16xi32>,
    %get3A_774 = vector.shape_cast %get3A_773 : vector<1x16xi32> to vector<16xi32>
    %mul3A_775 = arith.constant 4 : i32
    %mul3A_776 = vector.broadcast %mul3A_775 : i32 to vector<16xi32>
    %mul3A_777 = arith.muli %get3A_774, %mul3A_776 : vector<16xi32>
    %add3A_778 = vector.broadcast %add3A_99 : i32 to vector<16xi32>
    %add3A_779 = arith.addi %mul3A_777, %add3A_778 : vector<16xi32>
    %swap3A_780 = arith.constant 0 : i32
    %swap3A_781 = arith.index_cast %swap3A_780 : i32 to index
    %swap3A_782 = arith.constant 672 : index
    %swap3A_783 = tpu.vector_load %arg8[%swap3A_781, %swap3A_782] {strides = array<i32>} : memref<2x2000xi32, #tpu.memory_space<vmem>>, vector<1x16xi32>,
    %swap3A_784 = vector.shape_cast %swap3A_783 : vector<1x16xi32> to vector<16xi32>
    %swap3A_785 = vector.shape_cast %add3A_779 : vector<16xi32> to vector<1x16xi32>
    tpu.vector_store %arg8[%swap3A_781, %swap3A_782], %swap3A_785 {strides = array<i32>} : memref<2x2000xi32, #tpu.memory_space<vmem>>, vector<1x16xi32>,
    %get3A_786 = arith.constant 0 : i32
    %get3A_787 = arith.index_cast %get3A_786 : i32 to index
    %get3A_788 = arith.constant 688 : index
    %get3A_789 = tpu.vector_load %arg7[%get3A_787, %get3A_788] {strides = array<i32>} : memref<2x2000xi32, #tpu.memory_space<vmem>>, vector<1x16xi32>,
    %get3A_790 = vector.shape_cast %get3A_789 : vector<1x16xi32> to vector<16xi32>
    %mul3A_791 = arith.constant 4 : i32
    %mul3A_792 = vector.broadcast %mul3A_791 : i32 to vector<16xi32>
    %mul3A_793 = arith.muli %get3A_790, %mul3A_792 : vector<16xi32>
    %add3A_794 = vector.broadcast %add3A_99 : i32 to vector<16xi32>
    %add3A_795 = arith.addi %mul3A_793, %add3A_794 : vector<16xi32>
    %swap3A_796 = arith.constant 0 : i32
    %swap3A_797 = arith.index_cast %swap3A_796 : i32 to index
    %swap3A_798 = arith.constant 688 : index
    %swap3A_799 = tpu.vector_load %arg8[%swap3A_797, %swap3A_798] {strides = array<i32>} : memref<2x2000xi32, #tpu.memory_space<vmem>>, vector<1x16xi32>,
    %swap3A_800 = vector.shape_cast %swap3A_799 : vector<1x16xi32> to vector<16xi32>
    %swap3A_801 = vector.shape_cast %add3A_795 : vector<16xi32> to vector<1x16xi32>
    tpu.vector_store %arg8[%swap3A_797, %swap3A_798], %swap3A_801 {strides = array<i32>} : memref<2x2000xi32, #tpu.memory_space<vmem>>, vector<1x16xi32>,
    %get3A_802 = arith.constant 0 : i32
    %get3A_803 = arith.index_cast %get3A_802 : i32 to index
    %get3A_804 = arith.constant 704 : index
    %get3A_805 = tpu.vector_load %arg7[%get3A_803, %get3A_804] {strides = array<i32>} : memref<2x2000xi32, #tpu.memory_space<vmem>>, vector<1x16xi32>,
    %get3A_806 = vector.shape_cast %get3A_805 : vector<1x16xi32> to vector<16xi32>
    %mul3A_807 = arith.constant 4 : i32
    %mul3A_808 = vector.broadcast %mul3A_807 : i32 to vector<16xi32>
    %mul3A_809 = arith.muli %get3A_806, %mul3A_808 : vector<16xi32>
    %add3A_810 = vector.broadcast %add3A_99 : i32 to vector<16xi32>
    %add3A_811 = arith.addi %mul3A_809, %add3A_810 : vector<16xi32>
    %swap3A_812 = arith.constant 0 : i32
    %swap3A_813 = arith.index_cast %swap3A_812 : i32 to index
    %swap3A_814 = arith.constant 704 : index
    %swap3A_815 = tpu.vector_load %arg8[%swap3A_813, %swap3A_814] {strides = array<i32>} : memref<2x2000xi32, #tpu.memory_space<vmem>>, vector<1x16xi32>,
    %swap3A_816 = vector.shape_cast %swap3A_815 : vector<1x16xi32> to vector<16xi32>
    %swap3A_817 = vector.shape_cast %add3A_811 : vector<16xi32> to vector<1x16xi32>
    tpu.vector_store %arg8[%swap3A_813, %swap3A_814], %swap3A_817 {strides = array<i32>} : memref<2x2000xi32, #tpu.memory_space<vmem>>, vector<1x16xi32>,
    %get3A_818 = arith.constant 0 : i32
    %get3A_819 = arith.index_cast %get3A_818 : i32 to index
    %get3A_820 = arith.constant 720 : index
    %get3A_821 = tpu.vector_load %arg7[%get3A_819, %get3A_820] {strides = array<i32>} : memref<2x2000xi32, #tpu.memory_space<vmem>>, vector<1x16xi32>,
    %get3A_822 = vector.shape_cast %get3A_821 : vector<1x16xi32> to vector<16xi32>
    %mul3A_823 = arith.constant 4 : i32
    %mul3A_824 = vector.broadcast %mul3A_823 : i32 to vector<16xi32>
    %mul3A_825 = arith.muli %get3A_822, %mul3A_824 : vector<16xi32>
    %add3A_826 = vector.broadcast %add3A_99 : i32 to vector<16xi32>
    %add3A_827 = arith.addi %mul3A_825, %add3A_826 : vector<16xi32>
    %swap3A_828 = arith.constant 0 : i32
    %swap3A_829 = arith.index_cast %swap3A_828 : i32 to index
    %swap3A_830 = arith.constant 720 : index
    %swap3A_831 = tpu.vector_load %arg8[%swap3A_829, %swap3A_830] {strides = array<i32>} : memref<2x2000xi32, #tpu.memory_space<vmem>>, vector<1x16xi32>,
    %swap3A_832 = vector.shape_cast %swap3A_831 : vector<1x16xi32> to vector<16xi32>
    %swap3A_833 = vector.shape_cast %add3A_827 : vector<16xi32> to vector<1x16xi32>
    tpu.vector_store %arg8[%swap3A_829, %swap3A_830], %swap3A_833 {strides = array<i32>} : memref<2x2000xi32, #tpu.memory_space<vmem>>, vector<1x16xi32>,
    %get3A_834 = arith.constant 0 : i32
    %get3A_835 = arith.index_cast %get3A_834 : i32 to index
    %get3A_836 = arith.constant 736 : index
    %get3A_837 = tpu.vector_load %arg7[%get3A_835, %get3A_836] {strides = array<i32>} : memref<2x2000xi32, #tpu.memory_space<vmem>>, vector<1x16xi32>,
    %get3A_838 = vector.shape_cast %get3A_837 : vector<1x16xi32> to vector<16xi32>
    %mul3A_839 = arith.constant 4 : i32
    %mul3A_840 = vector.broadcast %mul3A_839 : i32 to vector<16xi32>
    %mul3A_841 = arith.muli %get3A_838, %mul3A_840 : vector<16xi32>
    %add3A_842 = vector.broadcast %add3A_99 : i32 to vector<16xi32>
    %add3A_843 = arith.addi %mul3A_841, %add3A_842 : vector<16xi32>
    %swap3A_844 = arith.constant 0 : i32
    %swap3A_845 = arith.index_cast %swap3A_844 : i32 to index
    %swap3A_846 = arith.constant 736 : index
    %swap3A_847 = tpu.vector_load %arg8[%swap3A_845, %swap3A_846] {strides = array<i32>} : memref<2x2000xi32, #tpu.memory_space<vmem>>, vector<1x16xi32>,
    %swap3A_848 = vector.shape_cast %swap3A_847 : vector<1x16xi32> to vector<16xi32>
    %swap3A_849 = vector.shape_cast %add3A_843 : vector<16xi32> to vector<1x16xi32>
    tpu.vector_store %arg8[%swap3A_845, %swap3A_846], %swap3A_849 {strides = array<i32>} : memref<2x2000xi32, #tpu.memory_space<vmem>>, vector<1x16xi32>,
    %get3A_850 = arith.constant 0 : i32
    %get3A_851 = arith.index_cast %get3A_850 : i32 to index
    %get3A_852 = arith.constant 752 : index
    %get3A_853 = tpu.vector_load %arg7[%get3A_851, %get3A_852] {strides = array<i32>} : memref<2x2000xi32, #tpu.memory_space<vmem>>, vector<1x16xi32>,
    %get3A_854 = vector.shape_cast %get3A_853 : vector<1x16xi32> to vector<16xi32>
    %mul3A_855 = arith.constant 4 : i32
    %mul3A_856 = vector.broadcast %mul3A_855 : i32 to vector<16xi32>
    %mul3A_857 = arith.muli %get3A_854, %mul3A_856 : vector<16xi32>
    %add3A_858 = vector.broadcast %add3A_99 : i32 to vector<16xi32>
    %add3A_859 = arith.addi %mul3A_857, %add3A_858 : vector<16xi32>
    %swap3A_860 = arith.constant 0 : i32
    %swap3A_861 = arith.index_cast %swap3A_860 : i32 to index
    %swap3A_862 = arith.constant 752 : index
    %swap3A_863 = tpu.vector_load %arg8[%swap3A_861, %swap3A_862] {strides = array<i32>} : memref<2x2000xi32, #tpu.memory_space<vmem>>, vector<1x16xi32>,
    %swap3A_864 = vector.shape_cast %swap3A_863 : vector<1x16xi32> to vector<16xi32>
    %swap3A_865 = vector.shape_cast %add3A_859 : vector<16xi32> to vector<1x16xi32>
    tpu.vector_store %arg8[%swap3A_861, %swap3A_862], %swap3A_865 {strides = array<i32>} : memref<2x2000xi32, #tpu.memory_space<vmem>>, vector<1x16xi32>,
    %get3A_866 = arith.constant 0 : i32
    %get3A_867 = arith.index_cast %get3A_866 : i32 to index
    %get3A_868 = arith.constant 768 : index
    %get3A_869 = tpu.vector_load %arg7[%get3A_867, %get3A_868] {strides = array<i32>} : memref<2x2000xi32, #tpu.memory_space<vmem>>, vector<1x16xi32>,
    %get3A_870 = vector.shape_cast %get3A_869 : vector<1x16xi32> to vector<16xi32>
    %mul3A_871 = arith.constant 4 : i32
    %mul3A_872 = vector.broadcast %mul3A_871 : i32 to vector<16xi32>
    %mul3A_873 = arith.muli %get3A_870, %mul3A_872 : vector<16xi32>
    %add3A_874 = vector.broadcast %add3A_99 : i32 to vector<16xi32>
    %add3A_875 = arith.addi %mul3A_873, %add3A_874 : vector<16xi32>
    %swap3A_876 = arith.constant 0 : i32
    %swap3A_877 = arith.index_cast %swap3A_876 : i32 to index
    %swap3A_878 = arith.constant 768 : index
    %swap3A_879 = tpu.vector_load %arg8[%swap3A_877, %swap3A_878] {strides = array<i32>} : memref<2x2000xi32, #tpu.memory_space<vmem>>, vector<1x16xi32>,
    %swap3A_880 = vector.shape_cast %swap3A_879 : vector<1x16xi32> to vector<16xi32>
    %swap3A_881 = vector.shape_cast %add3A_875 : vector<16xi32> to vector<1x16xi32>
    tpu.vector_store %arg8[%swap3A_877, %swap3A_878], %swap3A_881 {strides = array<i32>} : memref<2x2000xi32, #tpu.memory_space<vmem>>, vector<1x16xi32>,
    %get3A_882 = arith.constant 0 : i32
    %get3A_883 = arith.index_cast %get3A_882 : i32 to index
    %get3A_884 = arith.constant 784 : index
    %get3A_885 = tpu.vector_load %arg7[%get3A_883, %get3A_884] {strides = array<i32>} : memref<2x2000xi32, #tpu.memory_space<vmem>>, vector<1x16xi32>,
    %get3A_886 = vector.shape_cast %get3A_885 : vector<1x16xi32> to vector<16xi32>
    %mul3A_887 = arith.constant 4 : i32
    %mul3A_888 = vector.broadcast %mul3A_887 : i32 to vector<16xi32>
    %mul3A_889 = arith.muli %get3A_886, %mul3A_888 : vector<16xi32>
    %add3A_890 = vector.broadcast %add3A_99 : i32 to vector<16xi32>
    %add3A_891 = arith.addi %mul3A_889, %add3A_890 : vector<16xi32>
    %swap3A_892 = arith.constant 0 : i32
    %swap3A_893 = arith.index_cast %swap3A_892 : i32 to index
    %swap3A_894 = arith.constant 784 : index
    %swap3A_895 = tpu.vector_load %arg8[%swap3A_893, %swap3A_894] {strides = array<i32>} : memref<2x2000xi32, #tpu.memory_space<vmem>>, vector<1x16xi32>,
    %swap3A_896 = vector.shape_cast %swap3A_895 : vector<1x16xi32> to vector<16xi32>
    %swap3A_897 = vector.shape_cast %add3A_891 : vector<16xi32> to vector<1x16xi32>
    tpu.vector_store %arg8[%swap3A_893, %swap3A_894], %swap3A_897 {strides = array<i32>} : memref<2x2000xi32, #tpu.memory_space<vmem>>, vector<1x16xi32>,
    %get3A_898 = arith.constant 0 : i32
    %get3A_899 = arith.index_cast %get3A_898 : i32 to index
    %get3A_900 = arith.constant 800 : index
    %get3A_901 = tpu.vector_load %arg7[%get3A_899, %get3A_900] {strides = array<i32>} : memref<2x2000xi32, #tpu.memory_space<vmem>>, vector<1x16xi32>,
    %get3A_902 = vector.shape_cast %get3A_901 : vector<1x16xi32> to vector<16xi32>
    %mul3A_903 = arith.constant 4 : i32
    %mul3A_904 = vector.broadcast %mul3A_903 : i32 to vector<16xi32>
    %mul3A_905 = arith.muli %get3A_902, %mul3A_904 : vector<16xi32>
    %add3A_906 = vector.broadcast %add3A_99 : i32 to vector<16xi32>
    %add3A_907 = arith.addi %mul3A_905, %add3A_906 : vector<16xi32>
    %swap3A_908 = arith.constant 0 : i32
    %swap3A_909 = arith.index_cast %swap3A_908 : i32 to index
    %swap3A_910 = arith.constant 800 : index
    %swap3A_911 = tpu.vector_load %arg8[%swap3A_909, %swap3A_910] {strides = array<i32>} : memref<2x2000xi32, #tpu.memory_space<vmem>>, vector<1x16xi32>,
    %swap3A_912 = vector.shape_cast %swap3A_911 : vector<1x16xi32> to vector<16xi32>
    %swap3A_913 = vector.shape_cast %add3A_907 : vector<16xi32> to vector<1x16xi32>
    tpu.vector_store %arg8[%swap3A_909, %swap3A_910], %swap3A_913 {strides = array<i32>} : memref<2x2000xi32, #tpu.memory_space<vmem>>, vector<1x16xi32>,
    %get3A_914 = arith.constant 0 : i32
    %get3A_915 = arith.index_cast %get3A_914 : i32 to index
    %get3A_916 = arith.constant 816 : index
    %get3A_917 = tpu.vector_load %arg7[%get3A_915, %get3A_916] {strides = array<i32>} : memref<2x2000xi32, #tpu.memory_space<vmem>>, vector<1x16xi32>,
    %get3A_918 = vector.shape_cast %get3A_917 : vector<1x16xi32> to vector<16xi32>
    %mul3A_919 = arith.constant 4 : i32
    %mul3A_920 = vector.broadcast %mul3A_919 : i32 to vector<16xi32>
    %mul3A_921 = arith.muli %get3A_918, %mul3A_920 : vector<16xi32>
    %add3A_922 = vector.broadcast %add3A_99 : i32 to vector<16xi32>
    %add3A_923 = arith.addi %mul3A_921, %add3A_922 : vector<16xi32>
    %swap3A_924 = arith.constant 0 : i32
    %swap3A_925 = arith.index_cast %swap3A_924 : i32 to index
    %swap3A_926 = arith.constant 816 : index
    %swap3A_927 = tpu.vector_load %arg8[%swap3A_925, %swap3A_926] {strides = array<i32>} : memref<2x2000xi32, #tpu.memory_space<vmem>>, vector<1x16xi32>,
    %swap3A_928 = vector.shape_cast %swap3A_927 : vector<1x16xi32> to vector<16xi32>
    %swap3A_929 = vector.shape_cast %add3A_923 : vector<16xi32> to vector<1x16xi32>
    tpu.vector_store %arg8[%swap3A_925, %swap3A_926], %swap3A_929 {strides = array<i32>} : memref<2x2000xi32, #tpu.memory_space<vmem>>, vector<1x16xi32>,
    %get3A_930 = arith.constant 0 : i32
    %get3A_931 = arith.index_cast %get3A_930 : i32 to index
    %get3A_932 = arith.constant 832 : index
    %get3A_933 = tpu.vector_load %arg7[%get3A_931, %get3A_932] {strides = array<i32>} : memref<2x2000xi32, #tpu.memory_space<vmem>>, vector<1x16xi32>,
    %get3A_934 = vector.shape_cast %get3A_933 : vector<1x16xi32> to vector<16xi32>
    %mul3A_935 = arith.constant 4 : i32
    %mul3A_936 = vector.broadcast %mul3A_935 : i32 to vector<16xi32>
    %mul3A_937 = arith.muli %get3A_934, %mul3A_936 : vector<16xi32>
    %add3A_938 = vector.broadcast %add3A_99 : i32 to vector<16xi32>
    %add3A_939 = arith.addi %mul3A_937, %add3A_938 : vector<16xi32>
    %swap3A_940 = arith.constant 0 : i32
    %swap3A_941 = arith.index_cast %swap3A_940 : i32 to index
    %swap3A_942 = arith.constant 832 : index
    %swap3A_943 = tpu.vector_load %arg8[%swap3A_941, %swap3A_942] {strides = array<i32>} : memref<2x2000xi32, #tpu.memory_space<vmem>>, vector<1x16xi32>,
    %swap3A_944 = vector.shape_cast %swap3A_943 : vector<1x16xi32> to vector<16xi32>
    %swap3A_945 = vector.shape_cast %add3A_939 : vector<16xi32> to vector<1x16xi32>
    tpu.vector_store %arg8[%swap3A_941, %swap3A_942], %swap3A_945 {strides = array<i32>} : memref<2x2000xi32, #tpu.memory_space<vmem>>, vector<1x16xi32>,
    %get3A_946 = arith.constant 0 : i32
    %get3A_947 = arith.index_cast %get3A_946 : i32 to index
    %get3A_948 = arith.constant 848 : index
    %get3A_949 = tpu.vector_load %arg7[%get3A_947, %get3A_948] {strides = array<i32>} : memref<2x2000xi32, #tpu.memory_space<vmem>>, vector<1x16xi32>,
    %get3A_950 = vector.shape_cast %get3A_949 : vector<1x16xi32> to vector<16xi32>
    %mul3A_951 = arith.constant 4 : i32
    %mul3A_952 = vector.broadcast %mul3A_951 : i32 to vector<16xi32>
    %mul3A_953 = arith.muli %get3A_950, %mul3A_952 : vector<16xi32>
    %add3A_954 = vector.broadcast %add3A_99 : i32 to vector<16xi32>
    %add3A_955 = arith.addi %mul3A_953, %add3A_954 : vector<16xi32>
    %swap3A_956 = arith.constant 0 : i32
    %swap3A_957 = arith.index_cast %swap3A_956 : i32 to index
    %swap3A_958 = arith.constant 848 : index
    %swap3A_959 = tpu.vector_load %arg8[%swap3A_957, %swap3A_958] {strides = array<i32>} : memref<2x2000xi32, #tpu.memory_space<vmem>>, vector<1x16xi32>,
    %swap3A_960 = vector.shape_cast %swap3A_959 : vector<1x16xi32> to vector<16xi32>
    %swap3A_961 = vector.shape_cast %add3A_955 : vector<16xi32> to vector<1x16xi32>
    tpu.vector_store %arg8[%swap3A_957, %swap3A_958], %swap3A_961 {strides = array<i32>} : memref<2x2000xi32, #tpu.memory_space<vmem>>, vector<1x16xi32>,
    %get3A_962 = arith.constant 0 : i32
    %get3A_963 = arith.index_cast %get3A_962 : i32 to index
    %get3A_964 = arith.constant 864 : index
    %get3A_965 = tpu.vector_load %arg7[%get3A_963, %get3A_964] {strides = array<i32>} : memref<2x2000xi32, #tpu.memory_space<vmem>>, vector<1x16xi32>,
    %get3A_966 = vector.shape_cast %get3A_965 : vector<1x16xi32> to vector<16xi32>
    %mul3A_967 = arith.constant 4 : i32
    %mul3A_968 = vector.broadcast %mul3A_967 : i32 to vector<16xi32>
    %mul3A_969 = arith.muli %get3A_966, %mul3A_968 : vector<16xi32>
    %add3A_970 = vector.broadcast %add3A_99 : i32 to vector<16xi32>
    %add3A_971 = arith.addi %mul3A_969, %add3A_970 : vector<16xi32>
    %swap3A_972 = arith.constant 0 : i32
    %swap3A_973 = arith.index_cast %swap3A_972 : i32 to index
    %swap3A_974 = arith.constant 864 : index
    %swap3A_975 = tpu.vector_load %arg8[%swap3A_973, %swap3A_974] {strides = array<i32>} : memref<2x2000xi32, #tpu.memory_space<vmem>>, vector<1x16xi32>,
    %swap3A_976 = vector.shape_cast %swap3A_975 : vector<1x16xi32> to vector<16xi32>
    %swap3A_977 = vector.shape_cast %add3A_971 : vector<16xi32> to vector<1x16xi32>
    tpu.vector_store %arg8[%swap3A_973, %swap3A_974], %swap3A_977 {strides = array<i32>} : memref<2x2000xi32, #tpu.memory_space<vmem>>, vector<1x16xi32>,
    %get3A_978 = arith.constant 0 : i32
    %get3A_979 = arith.index_cast %get3A_978 : i32 to index
    %get3A_980 = arith.constant 880 : index
    %get3A_981 = tpu.vector_load %arg7[%get3A_979, %get3A_980] {strides = array<i32>} : memref<2x2000xi32, #tpu.memory_space<vmem>>, vector<1x16xi32>,
    %get3A_982 = vector.shape_cast %get3A_981 : vector<1x16xi32> to vector<16xi32>
    %mul3A_983 = arith.constant 4 : i32
    %mul3A_984 = vector.broadcast %mul3A_983 : i32 to vector<16xi32>
    %mul3A_985 = arith.muli %get3A_982, %mul3A_984 : vector<16xi32>
    %add3A_986 = vector.broadcast %add3A_99 : i32 to vector<16xi32>
    %add3A_987 = arith.addi %mul3A_985, %add3A_986 : vector<16xi32>
    %swap3A_988 = arith.constant 0 : i32
    %swap3A_989 = arith.index_cast %swap3A_988 : i32 to index
    %swap3A_990 = arith.constant 880 : index
    %swap3A_991 = tpu.vector_load %arg8[%swap3A_989, %swap3A_990] {strides = array<i32>} : memref<2x2000xi32, #tpu.memory_space<vmem>>, vector<1x16xi32>,
    %swap3A_992 = vector.shape_cast %swap3A_991 : vector<1x16xi32> to vector<16xi32>
    %swap3A_993 = vector.shape_cast %add3A_987 : vector<16xi32> to vector<1x16xi32>
    tpu.vector_store %arg8[%swap3A_989, %swap3A_990], %swap3A_993 {strides = array<i32>} : memref<2x2000xi32, #tpu.memory_space<vmem>>, vector<1x16xi32>,
    %get3A_994 = arith.constant 0 : i32
    %get3A_995 = arith.index_cast %get3A_994 : i32 to index
    %get3A_996 = arith.constant 896 : index
    %get3A_997 = tpu.vector_load %arg7[%get3A_995, %get3A_996] {strides = array<i32>} : memref<2x2000xi32, #tpu.memory_space<vmem>>, vector<1x16xi32>,
    %get3A_998 = vector.shape_cast %get3A_997 : vector<1x16xi32> to vector<16xi32>
    %mul3A_999 = arith.constant 4 : i32
    %mul3A_1000 = vector.broadcast %mul3A_999 : i32 to vector<16xi32>
    %mul3A_1001 = arith.muli %get3A_998, %mul3A_1000 : vector<16xi32>
    %add3A_1002 = vector.broadcast %add3A_99 : i32 to vector<16xi32>
    %add3A_1003 = arith.addi %mul3A_1001, %add3A_1002 : vector<16xi32>
    %swap3A_1004 = arith.constant 0 : i32
    %swap3A_1005 = arith.index_cast %swap3A_1004 : i32 to index
    %swap3A_1006 = arith.constant 896 : index
    %swap3A_1007 = tpu.vector_load %arg8[%swap3A_1005, %swap3A_1006] {strides = array<i32>} : memref<2x2000xi32, #tpu.memory_space<vmem>>, vector<1x16xi32>,
    %swap3A_1008 = vector.shape_cast %swap3A_1007 : vector<1x16xi32> to vector<16xi32>
    %swap3A_1009 = vector.shape_cast %add3A_1003 : vector<16xi32> to vector<1x16xi32>
    tpu.vector_store %arg8[%swap3A_1005, %swap3A_1006], %swap3A_1009 {strides = array<i32>} : memref<2x2000xi32, #tpu.memory_space<vmem>>, vector<1x16xi32>,
    %get3A_1010 = arith.constant 0 : i32
    %get3A_1011 = arith.index_cast %get3A_1010 : i32 to index
    %get3A_1012 = arith.constant 912 : index
    %get3A_1013 = tpu.vector_load %arg7[%get3A_1011, %get3A_1012] {strides = array<i32>} : memref<2x2000xi32, #tpu.memory_space<vmem>>, vector<1x16xi32>,
    %get3A_1014 = vector.shape_cast %get3A_1013 : vector<1x16xi32> to vector<16xi32>
    %mul3A_1015 = arith.constant 4 : i32
    %mul3A_1016 = vector.broadcast %mul3A_1015 : i32 to vector<16xi32>
    %mul3A_1017 = arith.muli %get3A_1014, %mul3A_1016 : vector<16xi32>
    %add3A_1018 = vector.broadcast %add3A_99 : i32 to vector<16xi32>
    %add3A_1019 = arith.addi %mul3A_1017, %add3A_1018 : vector<16xi32>
    %swap3A_1020 = arith.constant 0 : i32
    %swap3A_1021 = arith.index_cast %swap3A_1020 : i32 to index
    %swap3A_1022 = arith.constant 912 : index
    %swap3A_1023 = tpu.vector_load %arg8[%swap3A_1021, %swap3A_1022] {strides = array<i32>} : memref<2x2000xi32, #tpu.memory_space<vmem>>, vector<1x16xi32>,
    %swap3A_1024 = vector.shape_cast %swap3A_1023 : vector<1x16xi32> to vector<16xi32>
    %swap3A_1025 = vector.shape_cast %add3A_1019 : vector<16xi32> to vector<1x16xi32>
    tpu.vector_store %arg8[%swap3A_1021, %swap3A_1022], %swap3A_1025 {strides = array<i32>} : memref<2x2000xi32, #tpu.memory_space<vmem>>, vector<1x16xi32>,
    %get3A_1026 = arith.constant 0 : i32
    %get3A_1027 = arith.index_cast %get3A_1026 : i32 to index
    %get3A_1028 = arith.constant 928 : index
    %get3A_1029 = tpu.vector_load %arg7[%get3A_1027, %get3A_1028] {strides = array<i32>} : memref<2x2000xi32, #tpu.memory_space<vmem>>, vector<1x16xi32>,
    %get3A_1030 = vector.shape_cast %get3A_1029 : vector<1x16xi32> to vector<16xi32>
    %mul3A_1031 = arith.constant 4 : i32
    %mul3A_1032 = vector.broadcast %mul3A_1031 : i32 to vector<16xi32>
    %mul3A_1033 = arith.muli %get3A_1030, %mul3A_1032 : vector<16xi32>
    %add3A_1034 = vector.broadcast %add3A_99 : i32 to vector<16xi32>
    %add3A_1035 = arith.addi %mul3A_1033, %add3A_1034 : vector<16xi32>
    %swap3A_1036 = arith.constant 0 : i32
    %swap3A_1037 = arith.index_cast %swap3A_1036 : i32 to index
    %swap3A_1038 = arith.constant 928 : index
    %swap3A_1039 = tpu.vector_load %arg8[%swap3A_1037, %swap3A_1038] {strides = array<i32>} : memref<2x2000xi32, #tpu.memory_space<vmem>>, vector<1x16xi32>,
    %swap3A_1040 = vector.shape_cast %swap3A_1039 : vector<1x16xi32> to vector<16xi32>
    %swap3A_1041 = vector.shape_cast %add3A_1035 : vector<16xi32> to vector<1x16xi32>
    tpu.vector_store %arg8[%swap3A_1037, %swap3A_1038], %swap3A_1041 {strides = array<i32>} : memref<2x2000xi32, #tpu.memory_space<vmem>>, vector<1x16xi32>,
    %get3A_1042 = arith.constant 0 : i32
    %get3A_1043 = arith.index_cast %get3A_1042 : i32 to index
    %get3A_1044 = arith.constant 944 : index
    %get3A_1045 = tpu.vector_load %arg7[%get3A_1043, %get3A_1044] {strides = array<i32>} : memref<2x2000xi32, #tpu.memory_space<vmem>>, vector<1x16xi32>,
    %get3A_1046 = vector.shape_cast %get3A_1045 : vector<1x16xi32> to vector<16xi32>
    %mul3A_1047 = arith.constant 4 : i32
    %mul3A_1048 = vector.broadcast %mul3A_1047 : i32 to vector<16xi32>
    %mul3A_1049 = arith.muli %get3A_1046, %mul3A_1048 : vector<16xi32>
    %add3A_1050 = vector.broadcast %add3A_99 : i32 to vector<16xi32>
    %add3A_1051 = arith.addi %mul3A_1049, %add3A_1050 : vector<16xi32>
    %swap3A_1052 = arith.constant 0 : i32
    %swap3A_1053 = arith.index_cast %swap3A_1052 : i32 to index
    %swap3A_1054 = arith.constant 944 : index
    %swap3A_1055 = tpu.vector_load %arg8[%swap3A_1053, %swap3A_1054] {strides = array<i32>} : memref<2x2000xi32, #tpu.memory_space<vmem>>, vector<1x16xi32>,
    %swap3A_1056 = vector.shape_cast %swap3A_1055 : vector<1x16xi32> to vector<16xi32>
    %swap3A_1057 = vector.shape_cast %add3A_1051 : vector<16xi32> to vector<1x16xi32>
    tpu.vector_store %arg8[%swap3A_1053, %swap3A_1054], %swap3A_1057 {strides = array<i32>} : memref<2x2000xi32, #tpu.memory_space<vmem>>, vector<1x16xi32>,
    %get3A_1058 = arith.constant 0 : i32
    %get3A_1059 = arith.index_cast %get3A_1058 : i32 to index
    %get3A_1060 = arith.constant 960 : index
    %get3A_1061 = tpu.vector_load %arg7[%get3A_1059, %get3A_1060] {strides = array<i32>} : memref<2x2000xi32, #tpu.memory_space<vmem>>, vector<1x16xi32>,
    %get3A_1062 = vector.shape_cast %get3A_1061 : vector<1x16xi32> to vector<16xi32>
    %mul3A_1063 = arith.constant 4 : i32
    %mul3A_1064 = vector.broadcast %mul3A_1063 : i32 to vector<16xi32>
    %mul3A_1065 = arith.muli %get3A_1062, %mul3A_1064 : vector<16xi32>
    %add3A_1066 = vector.broadcast %add3A_99 : i32 to vector<16xi32>
    %add3A_1067 = arith.addi %mul3A_1065, %add3A_1066 : vector<16xi32>
    %swap3A_1068 = arith.constant 0 : i32
    %swap3A_1069 = arith.index_cast %swap3A_1068 : i32 to index
    %swap3A_1070 = arith.constant 960 : index
    %swap3A_1071 = tpu.vector_load %arg8[%swap3A_1069, %swap3A_1070] {strides = array<i32>} : memref<2x2000xi32, #tpu.memory_space<vmem>>, vector<1x16xi32>,
    %swap3A_1072 = vector.shape_cast %swap3A_1071 : vector<1x16xi32> to vector<16xi32>
    %swap3A_1073 = vector.shape_cast %add3A_1067 : vector<16xi32> to vector<1x16xi32>
    tpu.vector_store %arg8[%swap3A_1069, %swap3A_1070], %swap3A_1073 {strides = array<i32>} : memref<2x2000xi32, #tpu.memory_space<vmem>>, vector<1x16xi32>,
    %get3A_1074 = arith.constant 0 : i32
    %get3A_1075 = arith.index_cast %get3A_1074 : i32 to index
    %get3A_1076 = arith.constant 976 : index
    %get3A_1077 = tpu.vector_load %arg7[%get3A_1075, %get3A_1076] {strides = array<i32>} : memref<2x2000xi32, #tpu.memory_space<vmem>>, vector<1x16xi32>,
    %get3A_1078 = vector.shape_cast %get3A_1077 : vector<1x16xi32> to vector<16xi32>
    %mul3A_1079 = arith.constant 4 : i32
    %mul3A_1080 = vector.broadcast %mul3A_1079 : i32 to vector<16xi32>
    %mul3A_1081 = arith.muli %get3A_1078, %mul3A_1080 : vector<16xi32>
    %add3A_1082 = vector.broadcast %add3A_99 : i32 to vector<16xi32>
    %add3A_1083 = arith.addi %mul3A_1081, %add3A_1082 : vector<16xi32>
    %swap3A_1084 = arith.constant 0 : i32
    %swap3A_1085 = arith.index_cast %swap3A_1084 : i32 to index
    %swap3A_1086 = arith.constant 976 : index
    %swap3A_1087 = tpu.vector_load %arg8[%swap3A_1085, %swap3A_1086] {strides = array<i32>} : memref<2x2000xi32, #tpu.memory_space<vmem>>, vector<1x16xi32>,
    %swap3A_1088 = vector.shape_cast %swap3A_1087 : vector<1x16xi32> to vector<16xi32>
    %swap3A_1089 = vector.shape_cast %add3A_1083 : vector<16xi32> to vector<1x16xi32>
    tpu.vector_store %arg8[%swap3A_1085, %swap3A_1086], %swap3A_1089 {strides = array<i32>} : memref<2x2000xi32, #tpu.memory_space<vmem>>, vector<1x16xi32>,
    %get3A_1090 = arith.constant 0 : i32
    %get3A_1091 = arith.index_cast %get3A_1090 : i32 to index
    %get3A_1092 = arith.constant 992 : index
    %get3A_1093 = tpu.vector_load %arg7[%get3A_1091, %get3A_1092] {strides = array<i32>} : memref<2x2000xi32, #tpu.memory_space<vmem>>, vector<1x16xi32>,
    %get3A_1094 = vector.shape_cast %get3A_1093 : vector<1x16xi32> to vector<16xi32>
    %mul3A_1095 = arith.constant 4 : i32
    %mul3A_1096 = vector.broadcast %mul3A_1095 : i32 to vector<16xi32>
    %mul3A_1097 = arith.muli %get3A_1094, %mul3A_1096 : vector<16xi32>
    %add3A_1098 = vector.broadcast %add3A_99 : i32 to vector<16xi32>
    %add3A_1099 = arith.addi %mul3A_1097, %add3A_1098 : vector<16xi32>
    %swap3A_1100 = arith.constant 0 : i32
    %swap3A_1101 = arith.index_cast %swap3A_1100 : i32 to index
    %swap3A_1102 = arith.constant 992 : index
    %swap3A_1103 = tpu.vector_load %arg8[%swap3A_1101, %swap3A_1102] {strides = array<i32>} : memref<2x2000xi32, #tpu.memory_space<vmem>>, vector<1x16xi32>,
    %swap3A_1104 = vector.shape_cast %swap3A_1103 : vector<1x16xi32> to vector<16xi32>
    %swap3A_1105 = vector.shape_cast %add3A_1099 : vector<16xi32> to vector<1x16xi32>
    tpu.vector_store %arg8[%swap3A_1101, %swap3A_1102], %swap3A_1105 {strides = array<i32>} : memref<2x2000xi32, #tpu.memory_space<vmem>>, vector<1x16xi32>,
    %get3A_1106 = arith.constant 0 : i32
    %get3A_1107 = arith.index_cast %get3A_1106 : i32 to index
    %get3A_1108 = arith.constant 1008 : index
    %get3A_1109 = tpu.vector_load %arg7[%get3A_1107, %get3A_1108] {strides = array<i32>} : memref<2x2000xi32, #tpu.memory_space<vmem>>, vector<1x16xi32>,
    %get3A_1110 = vector.shape_cast %get3A_1109 : vector<1x16xi32> to vector<16xi32>
    %mul3A_1111 = arith.constant 4 : i32
    %mul3A_1112 = vector.broadcast %mul3A_1111 : i32 to vector<16xi32>
    %mul3A_1113 = arith.muli %get3A_1110, %mul3A_1112 : vector<16xi32>
    %add3A_1114 = vector.broadcast %add3A_99 : i32 to vector<16xi32>
    %add3A_1115 = arith.addi %mul3A_1113, %add3A_1114 : vector<16xi32>
    %swap3A_1116 = arith.constant 0 : i32
    %swap3A_1117 = arith.index_cast %swap3A_1116 : i32 to index
    %swap3A_1118 = arith.constant 1008 : index
    %swap3A_1119 = tpu.vector_load %arg8[%swap3A_1117, %swap3A_1118] {strides = array<i32>} : memref<2x2000xi32, #tpu.memory_space<vmem>>, vector<1x16xi32>,
    %swap3A_1120 = vector.shape_cast %swap3A_1119 : vector<1x16xi32> to vector<16xi32>
    %swap3A_1121 = vector.shape_cast %add3A_1115 : vector<16xi32> to vector<1x16xi32>
    tpu.vector_store %arg8[%swap3A_1117, %swap3A_1118], %swap3A_1121 {strides = array<i32>} : memref<2x2000xi32, #tpu.memory_space<vmem>>, vector<1x16xi32>,
    %get3A_1122 = arith.constant 0 : i32
    %get3A_1123 = arith.index_cast %get3A_1122 : i32 to index
    %get3A_1124 = arith.constant 1024 : index
    %get3A_1125 = tpu.vector_load %arg7[%get3A_1123, %get3A_1124] {strides = array<i32>} : memref<2x2000xi32, #tpu.memory_space<vmem>>, vector<1x16xi32>,
    %get3A_1126 = vector.shape_cast %get3A_1125 : vector<1x16xi32> to vector<16xi32>
    %mul3A_1127 = arith.constant 4 : i32
    %mul3A_1128 = vector.broadcast %mul3A_1127 : i32 to vector<16xi32>
    %mul3A_1129 = arith.muli %get3A_1126, %mul3A_1128 : vector<16xi32>
    %add3A_1130 = vector.broadcast %add3A_99 : i32 to vector<16xi32>
    %add3A_1131 = arith.addi %mul3A_1129, %add3A_1130 : vector<16xi32>
    %swap3A_1132 = arith.constant 0 : i32
    %swap3A_1133 = arith.index_cast %swap3A_1132 : i32 to index
    %swap3A_1134 = arith.constant 1024 : index
    %swap3A_1135 = tpu.vector_load %arg8[%swap3A_1133, %swap3A_1134] {strides = array<i32>} : memref<2x2000xi32, #tpu.memory_space<vmem>>, vector<1x16xi32>,
    %swap3A_1136 = vector.shape_cast %swap3A_1135 : vector<1x16xi32> to vector<16xi32>
    %swap3A_1137 = vector.shape_cast %add3A_1131 : vector<16xi32> to vector<1x16xi32>
    tpu.vector_store %arg8[%swap3A_1133, %swap3A_1134], %swap3A_1137 {strides = array<i32>} : memref<2x2000xi32, #tpu.memory_space<vmem>>, vector<1x16xi32>,
    %get3A_1138 = arith.constant 0 : i32
    %get3A_1139 = arith.index_cast %get3A_1138 : i32 to index
    %get3A_1140 = arith.constant 1040 : index
    %get3A_1141 = tpu.vector_load %arg7[%get3A_1139, %get3A_1140] {strides = array<i32>} : memref<2x2000xi32, #tpu.memory_space<vmem>>, vector<1x16xi32>,
    %get3A_1142 = vector.shape_cast %get3A_1141 : vector<1x16xi32> to vector<16xi32>
    %mul3A_1143 = arith.constant 4 : i32
    %mul3A_1144 = vector.broadcast %mul3A_1143 : i32 to vector<16xi32>
    %mul3A_1145 = arith.muli %get3A_1142, %mul3A_1144 : vector<16xi32>
    %add3A_1146 = vector.broadcast %add3A_99 : i32 to vector<16xi32>
    %add3A_1147 = arith.addi %mul3A_1145, %add3A_1146 : vector<16xi32>
    %swap3A_1148 = arith.constant 0 : i32
    %swap3A_1149 = arith.index_cast %swap3A_1148 : i32 to index
    %swap3A_1150 = arith.constant 1040 : index
    %swap3A_1151 = tpu.vector_load %arg8[%swap3A_1149, %swap3A_1150] {strides = array<i32>} : memref<2x2000xi32, #tpu.memory_space<vmem>>, vector<1x16xi32>,
    %swap3A_1152 = vector.shape_cast %swap3A_1151 : vector<1x16xi32> to vector<16xi32>
    %swap3A_1153 = vector.shape_cast %add3A_1147 : vector<16xi32> to vector<1x16xi32>
    tpu.vector_store %arg8[%swap3A_1149, %swap3A_1150], %swap3A_1153 {strides = array<i32>} : memref<2x2000xi32, #tpu.memory_space<vmem>>, vector<1x16xi32>,
    %get3A_1154 = arith.constant 0 : i32
    %get3A_1155 = arith.index_cast %get3A_1154 : i32 to index
    %get3A_1156 = arith.constant 1056 : index
    %get3A_1157 = tpu.vector_load %arg7[%get3A_1155, %get3A_1156] {strides = array<i32>} : memref<2x2000xi32, #tpu.memory_space<vmem>>, vector<1x16xi32>,
    %get3A_1158 = vector.shape_cast %get3A_1157 : vector<1x16xi32> to vector<16xi32>
    %mul3A_1159 = arith.constant 4 : i32
    %mul3A_1160 = vector.broadcast %mul3A_1159 : i32 to vector<16xi32>
    %mul3A_1161 = arith.muli %get3A_1158, %mul3A_1160 : vector<16xi32>
    %add3A_1162 = vector.broadcast %add3A_99 : i32 to vector<16xi32>
    %add3A_1163 = arith.addi %mul3A_1161, %add3A_1162 : vector<16xi32>
    %swap3A_1164 = arith.constant 0 : i32
    %swap3A_1165 = arith.index_cast %swap3A_1164 : i32 to index
    %swap3A_1166 = arith.constant 1056 : index
    %swap3A_1167 = tpu.vector_load %arg8[%swap3A_1165, %swap3A_1166] {strides = array<i32>} : memref<2x2000xi32, #tpu.memory_space<vmem>>, vector<1x16xi32>,
    %swap3A_1168 = vector.shape_cast %swap3A_1167 : vector<1x16xi32> to vector<16xi32>
    %swap3A_1169 = vector.shape_cast %add3A_1163 : vector<16xi32> to vector<1x16xi32>
    tpu.vector_store %arg8[%swap3A_1165, %swap3A_1166], %swap3A_1169 {strides = array<i32>} : memref<2x2000xi32, #tpu.memory_space<vmem>>, vector<1x16xi32>,
    %get3A_1170 = arith.constant 0 : i32
    %get3A_1171 = arith.index_cast %get3A_1170 : i32 to index
    %get3A_1172 = arith.constant 1072 : index
    %get3A_1173 = tpu.vector_load %arg7[%get3A_1171, %get3A_1172] {strides = array<i32>} : memref<2x2000xi32, #tpu.memory_space<vmem>>, vector<1x16xi32>,
    %get3A_1174 = vector.shape_cast %get3A_1173 : vector<1x16xi32> to vector<16xi32>
    %mul3A_1175 = arith.constant 4 : i32
    %mul3A_1176 = vector.broadcast %mul3A_1175 : i32 to vector<16xi32>
    %mul3A_1177 = arith.muli %get3A_1174, %mul3A_1176 : vector<16xi32>
    %add3A_1178 = vector.broadcast %add3A_99 : i32 to vector<16xi32>
    %add3A_1179 = arith.addi %mul3A_1177, %add3A_1178 : vector<16xi32>
    %swap3A_1180 = arith.constant 0 : i32
    %swap3A_1181 = arith.index_cast %swap3A_1180 : i32 to index
    %swap3A_1182 = arith.constant 1072 : index
    %swap3A_1183 = tpu.vector_load %arg8[%swap3A_1181, %swap3A_1182] {strides = array<i32>} : memref<2x2000xi32, #tpu.memory_space<vmem>>, vector<1x16xi32>,
    %swap3A_1184 = vector.shape_cast %swap3A_1183 : vector<1x16xi32> to vector<16xi32>
    %swap3A_1185 = vector.shape_cast %add3A_1179 : vector<16xi32> to vector<1x16xi32>
    tpu.vector_store %arg8[%swap3A_1181, %swap3A_1182], %swap3A_1185 {strides = array<i32>} : memref<2x2000xi32, #tpu.memory_space<vmem>>, vector<1x16xi32>,
    %get3A_1186 = arith.constant 0 : i32
    %get3A_1187 = arith.index_cast %get3A_1186 : i32 to index
    %get3A_1188 = arith.constant 1088 : index
    %get3A_1189 = tpu.vector_load %arg7[%get3A_1187, %get3A_1188] {strides = array<i32>} : memref<2x2000xi32, #tpu.memory_space<vmem>>, vector<1x16xi32>,
    %get3A_1190 = vector.shape_cast %get3A_1189 : vector<1x16xi32> to vector<16xi32>
    %mul3A_1191 = arith.constant 4 : i32
    %mul3A_1192 = vector.broadcast %mul3A_1191 : i32 to vector<16xi32>
    %mul3A_1193 = arith.muli %get3A_1190, %mul3A_1192 : vector<16xi32>
    %add3A_1194 = vector.broadcast %add3A_99 : i32 to vector<16xi32>
    %add3A_1195 = arith.addi %mul3A_1193, %add3A_1194 : vector<16xi32>
    %swap3A_1196 = arith.constant 0 : i32
    %swap3A_1197 = arith.index_cast %swap3A_1196 : i32 to index
    %swap3A_1198 = arith.constant 1088 : index
    %swap3A_1199 = tpu.vector_load %arg8[%swap3A_1197, %swap3A_1198] {strides = array<i32>} : memref<2x2000xi32, #tpu.memory_space<vmem>>, vector<1x16xi32>,
    %swap3A_1200 = vector.shape_cast %swap3A_1199 : vector<1x16xi32> to vector<16xi32>
    %swap3A_1201 = vector.shape_cast %add3A_1195 : vector<16xi32> to vector<1x16xi32>
    tpu.vector_store %arg8[%swap3A_1197, %swap3A_1198], %swap3A_1201 {strides = array<i32>} : memref<2x2000xi32, #tpu.memory_space<vmem>>, vector<1x16xi32>,
    %get3A_1202 = arith.constant 0 : i32
    %get3A_1203 = arith.index_cast %get3A_1202 : i32 to index
    %get3A_1204 = arith.constant 1104 : index
    %get3A_1205 = tpu.vector_load %arg7[%get3A_1203, %get3A_1204] {strides = array<i32>} : memref<2x2000xi32, #tpu.memory_space<vmem>>, vector<1x16xi32>,
    %get3A_1206 = vector.shape_cast %get3A_1205 : vector<1x16xi32> to vector<16xi32>
    %mul3A_1207 = arith.constant 4 : i32
    %mul3A_1208 = vector.broadcast %mul3A_1207 : i32 to vector<16xi32>
    %mul3A_1209 = arith.muli %get3A_1206, %mul3A_1208 : vector<16xi32>
    %add3A_1210 = vector.broadcast %add3A_99 : i32 to vector<16xi32>
    %add3A_1211 = arith.addi %mul3A_1209, %add3A_1210 : vector<16xi32>
    %swap3A_1212 = arith.constant 0 : i32
    %swap3A_1213 = arith.index_cast %swap3A_1212 : i32 to index
    %swap3A_1214 = arith.constant 1104 : index
    %swap3A_1215 = tpu.vector_load %arg8[%swap3A_1213, %swap3A_1214] {strides = array<i32>} : memref<2x2000xi32, #tpu.memory_space<vmem>>, vector<1x16xi32>,
    %swap3A_1216 = vector.shape_cast %swap3A_1215 : vector<1x16xi32> to vector<16xi32>
    %swap3A_1217 = vector.shape_cast %add3A_1211 : vector<16xi32> to vector<1x16xi32>
    tpu.vector_store %arg8[%swap3A_1213, %swap3A_1214], %swap3A_1217 {strides = array<i32>} : memref<2x2000xi32, #tpu.memory_space<vmem>>, vector<1x16xi32>,
    %get3A_1218 = arith.constant 0 : i32
    %get3A_1219 = arith.index_cast %get3A_1218 : i32 to index
    %get3A_1220 = arith.constant 1120 : index
    %get3A_1221 = tpu.vector_load %arg7[%get3A_1219, %get3A_1220] {strides = array<i32>} : memref<2x2000xi32, #tpu.memory_space<vmem>>, vector<1x16xi32>,
    %get3A_1222 = vector.shape_cast %get3A_1221 : vector<1x16xi32> to vector<16xi32>
    %mul3A_1223 = arith.constant 4 : i32
    %mul3A_1224 = vector.broadcast %mul3A_1223 : i32 to vector<16xi32>
    %mul3A_1225 = arith.muli %get3A_1222, %mul3A_1224 : vector<16xi32>
    %add3A_1226 = vector.broadcast %add3A_99 : i32 to vector<16xi32>
    %add3A_1227 = arith.addi %mul3A_1225, %add3A_1226 : vector<16xi32>
    %swap3A_1228 = arith.constant 0 : i32
    %swap3A_1229 = arith.index_cast %swap3A_1228 : i32 to index
    %swap3A_1230 = arith.constant 1120 : index
    %swap3A_1231 = tpu.vector_load %arg8[%swap3A_1229, %swap3A_1230] {strides = array<i32>} : memref<2x2000xi32, #tpu.memory_space<vmem>>, vector<1x16xi32>,
    %swap3A_1232 = vector.shape_cast %swap3A_1231 : vector<1x16xi32> to vector<16xi32>
    %swap3A_1233 = vector.shape_cast %add3A_1227 : vector<16xi32> to vector<1x16xi32>
    tpu.vector_store %arg8[%swap3A_1229, %swap3A_1230], %swap3A_1233 {strides = array<i32>} : memref<2x2000xi32, #tpu.memory_space<vmem>>, vector<1x16xi32>,
    %get3A_1234 = arith.constant 0 : i32
    %get3A_1235 = arith.index_cast %get3A_1234 : i32 to index
    %get3A_1236 = arith.constant 1136 : index
    %get3A_1237 = tpu.vector_load %arg7[%get3A_1235, %get3A_1236] {strides = array<i32>} : memref<2x2000xi32, #tpu.memory_space<vmem>>, vector<1x16xi32>,
    %get3A_1238 = vector.shape_cast %get3A_1237 : vector<1x16xi32> to vector<16xi32>
    %mul3A_1239 = arith.constant 4 : i32
    %mul3A_1240 = vector.broadcast %mul3A_1239 : i32 to vector<16xi32>
    %mul3A_1241 = arith.muli %get3A_1238, %mul3A_1240 : vector<16xi32>
    %add3A_1242 = vector.broadcast %add3A_99 : i32 to vector<16xi32>
    %add3A_1243 = arith.addi %mul3A_1241, %add3A_1242 : vector<16xi32>
    %swap3A_1244 = arith.constant 0 : i32
    %swap3A_1245 = arith.index_cast %swap3A_1244 : i32 to index
    %swap3A_1246 = arith.constant 1136 : index
    %swap3A_1247 = tpu.vector_load %arg8[%swap3A_1245, %swap3A_1246] {strides = array<i32>} : memref<2x2000xi32, #tpu.memory_space<vmem>>, vector<1x16xi32>,
    %swap3A_1248 = vector.shape_cast %swap3A_1247 : vector<1x16xi32> to vector<16xi32>
    %swap3A_1249 = vector.shape_cast %add3A_1243 : vector<16xi32> to vector<1x16xi32>
    tpu.vector_store %arg8[%swap3A_1245, %swap3A_1246], %swap3A_1249 {strides = array<i32>} : memref<2x2000xi32, #tpu.memory_space<vmem>>, vector<1x16xi32>,
    %get3A_1250 = arith.constant 0 : i32
    %get3A_1251 = arith.index_cast %get3A_1250 : i32 to index
    %get3A_1252 = arith.constant 1152 : index
    %get3A_1253 = tpu.vector_load %arg7[%get3A_1251, %get3A_1252] {strides = array<i32>} : memref<2x2000xi32, #tpu.memory_space<vmem>>, vector<1x16xi32>,
    %get3A_1254 = vector.shape_cast %get3A_1253 : vector<1x16xi32> to vector<16xi32>
    %mul3A_1255 = arith.constant 4 : i32
    %mul3A_1256 = vector.broadcast %mul3A_1255 : i32 to vector<16xi32>
    %mul3A_1257 = arith.muli %get3A_1254, %mul3A_1256 : vector<16xi32>
    %add3A_1258 = vector.broadcast %add3A_99 : i32 to vector<16xi32>
    %add3A_1259 = arith.addi %mul3A_1257, %add3A_1258 : vector<16xi32>
    %swap3A_1260 = arith.constant 0 : i32
    %swap3A_1261 = arith.index_cast %swap3A_1260 : i32 to index
    %swap3A_1262 = arith.constant 1152 : index
    %swap3A_1263 = tpu.vector_load %arg8[%swap3A_1261, %swap3A_1262] {strides = array<i32>} : memref<2x2000xi32, #tpu.memory_space<vmem>>, vector<1x16xi32>,
    %swap3A_1264 = vector.shape_cast %swap3A_1263 : vector<1x16xi32> to vector<16xi32>
    %swap3A_1265 = vector.shape_cast %add3A_1259 : vector<16xi32> to vector<1x16xi32>
    tpu.vector_store %arg8[%swap3A_1261, %swap3A_1262], %swap3A_1265 {strides = array<i32>} : memref<2x2000xi32, #tpu.memory_space<vmem>>, vector<1x16xi32>,
    %get3A_1266 = arith.constant 0 : i32
    %get3A_1267 = arith.index_cast %get3A_1266 : i32 to index
    %get3A_1268 = arith.constant 1168 : index
    %get3A_1269 = tpu.vector_load %arg7[%get3A_1267, %get3A_1268] {strides = array<i32>} : memref<2x2000xi32, #tpu.memory_space<vmem>>, vector<1x16xi32>,
    %get3A_1270 = vector.shape_cast %get3A_1269 : vector<1x16xi32> to vector<16xi32>
    %mul3A_1271 = arith.constant 4 : i32
    %mul3A_1272 = vector.broadcast %mul3A_1271 : i32 to vector<16xi32>
    %mul3A_1273 = arith.muli %get3A_1270, %mul3A_1272 : vector<16xi32>
    %add3A_1274 = vector.broadcast %add3A_99 : i32 to vector<16xi32>
    %add3A_1275 = arith.addi %mul3A_1273, %add3A_1274 : vector<16xi32>
    %swap3A_1276 = arith.constant 0 : i32
    %swap3A_1277 = arith.index_cast %swap3A_1276 : i32 to index
    %swap3A_1278 = arith.constant 1168 : index
    %swap3A_1279 = tpu.vector_load %arg8[%swap3A_1277, %swap3A_1278] {strides = array<i32>} : memref<2x2000xi32, #tpu.memory_space<vmem>>, vector<1x16xi32>,
    %swap3A_1280 = vector.shape_cast %swap3A_1279 : vector<1x16xi32> to vector<16xi32>
    %swap3A_1281 = vector.shape_cast %add3A_1275 : vector<16xi32> to vector<1x16xi32>
    tpu.vector_store %arg8[%swap3A_1277, %swap3A_1278], %swap3A_1281 {strides = array<i32>} : memref<2x2000xi32, #tpu.memory_space<vmem>>, vector<1x16xi32>,
    %get3A_1282 = arith.constant 0 : i32
    %get3A_1283 = arith.index_cast %get3A_1282 : i32 to index
    %get3A_1284 = arith.constant 1184 : index
    %get3A_1285 = tpu.vector_load %arg7[%get3A_1283, %get3A_1284] {strides = array<i32>} : memref<2x2000xi32, #tpu.memory_space<vmem>>, vector<1x16xi32>,
    %get3A_1286 = vector.shape_cast %get3A_1285 : vector<1x16xi32> to vector<16xi32>
    %mul3A_1287 = arith.constant 4 : i32
    %mul3A_1288 = vector.broadcast %mul3A_1287 : i32 to vector<16xi32>
    %mul3A_1289 = arith.muli %get3A_1286, %mul3A_1288 : vector<16xi32>
    %add3A_1290 = vector.broadcast %add3A_99 : i32 to vector<16xi32>
    %add3A_1291 = arith.addi %mul3A_1289, %add3A_1290 : vector<16xi32>
    %swap3A_1292 = arith.constant 0 : i32
    %swap3A_1293 = arith.index_cast %swap3A_1292 : i32 to index
    %swap3A_1294 = arith.constant 1184 : index
    %swap3A_1295 = tpu.vector_load %arg8[%swap3A_1293, %swap3A_1294] {strides = array<i32>} : memref<2x2000xi32, #tpu.memory_space<vmem>>, vector<1x16xi32>,
    %swap3A_1296 = vector.shape_cast %swap3A_1295 : vector<1x16xi32> to vector<16xi32>
    %swap3A_1297 = vector.shape_cast %add3A_1291 : vector<16xi32> to vector<1x16xi32>
    tpu.vector_store %arg8[%swap3A_1293, %swap3A_1294], %swap3A_1297 {strides = array<i32>} : memref<2x2000xi32, #tpu.memory_space<vmem>>, vector<1x16xi32>,
    %get3A_1298 = arith.constant 0 : i32
    %get3A_1299 = arith.index_cast %get3A_1298 : i32 to index
    %get3A_1300 = arith.constant 1200 : index
    %get3A_1301 = tpu.vector_load %arg7[%get3A_1299, %get3A_1300] {strides = array<i32>} : memref<2x2000xi32, #tpu.memory_space<vmem>>, vector<1x16xi32>,
    %get3A_1302 = vector.shape_cast %get3A_1301 : vector<1x16xi32> to vector<16xi32>
    %mul3A_1303 = arith.constant 4 : i32
    %mul3A_1304 = vector.broadcast %mul3A_1303 : i32 to vector<16xi32>
    %mul3A_1305 = arith.muli %get3A_1302, %mul3A_1304 : vector<16xi32>
    %add3A_1306 = vector.broadcast %add3A_99 : i32 to vector<16xi32>
    %add3A_1307 = arith.addi %mul3A_1305, %add3A_1306 : vector<16xi32>
    %swap3A_1308 = arith.constant 0 : i32
    %swap3A_1309 = arith.index_cast %swap3A_1308 : i32 to index
    %swap3A_1310 = arith.constant 1200 : index
    %swap3A_1311 = tpu.vector_load %arg8[%swap3A_1309, %swap3A_1310] {strides = array<i32>} : memref<2x2000xi32, #tpu.memory_space<vmem>>, vector<1x16xi32>,
    %swap3A_1312 = vector.shape_cast %swap3A_1311 : vector<1x16xi32> to vector<16xi32>
    %swap3A_1313 = vector.shape_cast %add3A_1307 : vector<16xi32> to vector<1x16xi32>
    tpu.vector_store %arg8[%swap3A_1309, %swap3A_1310], %swap3A_1313 {strides = array<i32>} : memref<2x2000xi32, #tpu.memory_space<vmem>>, vector<1x16xi32>,
    %get3A_1314 = arith.constant 0 : i32
    %get3A_1315 = arith.index_cast %get3A_1314 : i32 to index
    %get3A_1316 = arith.constant 1216 : index
    %get3A_1317 = tpu.vector_load %arg7[%get3A_1315, %get3A_1316] {strides = array<i32>} : memref<2x2000xi32, #tpu.memory_space<vmem>>, vector<1x16xi32>,
    %get3A_1318 = vector.shape_cast %get3A_1317 : vector<1x16xi32> to vector<16xi32>
    %mul3A_1319 = arith.constant 4 : i32
    %mul3A_1320 = vector.broadcast %mul3A_1319 : i32 to vector<16xi32>
    %mul3A_1321 = arith.muli %get3A_1318, %mul3A_1320 : vector<16xi32>
    %add3A_1322 = vector.broadcast %add3A_99 : i32 to vector<16xi32>
    %add3A_1323 = arith.addi %mul3A_1321, %add3A_1322 : vector<16xi32>
    %swap3A_1324 = arith.constant 0 : i32
    %swap3A_1325 = arith.index_cast %swap3A_1324 : i32 to index
    %swap3A_1326 = arith.constant 1216 : index
    %swap3A_1327 = tpu.vector_load %arg8[%swap3A_1325, %swap3A_1326] {strides = array<i32>} : memref<2x2000xi32, #tpu.memory_space<vmem>>, vector<1x16xi32>,
    %swap3A_1328 = vector.shape_cast %swap3A_1327 : vector<1x16xi32> to vector<16xi32>
    %swap3A_1329 = vector.shape_cast %add3A_1323 : vector<16xi32> to vector<1x16xi32>
    tpu.vector_store %arg8[%swap3A_1325, %swap3A_1326], %swap3A_1329 {strides = array<i32>} : memref<2x2000xi32, #tpu.memory_space<vmem>>, vector<1x16xi32>,
    %get3A_1330 = arith.constant 0 : i32
    %get3A_1331 = arith.index_cast %get3A_1330 : i32 to index
    %get3A_1332 = arith.constant 1232 : index
    %get3A_1333 = tpu.vector_load %arg7[%get3A_1331, %get3A_1332] {strides = array<i32>} : memref<2x2000xi32, #tpu.memory_space<vmem>>, vector<1x16xi32>,
    %get3A_1334 = vector.shape_cast %get3A_1333 : vector<1x16xi32> to vector<16xi32>
    %mul3A_1335 = arith.constant 4 : i32
    %mul3A_1336 = vector.broadcast %mul3A_1335 : i32 to vector<16xi32>
    %mul3A_1337 = arith.muli %get3A_1334, %mul3A_1336 : vector<16xi32>
    %add3A_1338 = vector.broadcast %add3A_99 : i32 to vector<16xi32>
    %add3A_1339 = arith.addi %mul3A_1337, %add3A_1338 : vector<16xi32>
    %swap3A_1340 = arith.constant 0 : i32
    %swap3A_1341 = arith.index_cast %swap3A_1340 : i32 to index
    %swap3A_1342 = arith.constant 1232 : index
    %swap3A_1343 = tpu.vector_load %arg8[%swap3A_1341, %swap3A_1342] {strides = array<i32>} : memref<2x2000xi32, #tpu.memory_space<vmem>>, vector<1x16xi32>,
    %swap3A_1344 = vector.shape_cast %swap3A_1343 : vector<1x16xi32> to vector<16xi32>
    %swap3A_1345 = vector.shape_cast %add3A_1339 : vector<16xi32> to vector<1x16xi32>
    tpu.vector_store %arg8[%swap3A_1341, %swap3A_1342], %swap3A_1345 {strides = array<i32>} : memref<2x2000xi32, #tpu.memory_space<vmem>>, vector<1x16xi32>,
    %get3A_1346 = arith.constant 0 : i32
    %get3A_1347 = arith.index_cast %get3A_1346 : i32 to index
    %get3A_1348 = arith.constant 1248 : index
    %get3A_1349 = tpu.vector_load %arg7[%get3A_1347, %get3A_1348] {strides = array<i32>} : memref<2x2000xi32, #tpu.memory_space<vmem>>, vector<1x16xi32>,
    %get3A_1350 = vector.shape_cast %get3A_1349 : vector<1x16xi32> to vector<16xi32>
    %mul3A_1351 = arith.constant 4 : i32
    %mul3A_1352 = vector.broadcast %mul3A_1351 : i32 to vector<16xi32>
    %mul3A_1353 = arith.muli %get3A_1350, %mul3A_1352 : vector<16xi32>
    %add3A_1354 = vector.broadcast %add3A_99 : i32 to vector<16xi32>
    %add3A_1355 = arith.addi %mul3A_1353, %add3A_1354 : vector<16xi32>
    %swap3A_1356 = arith.constant 0 : i32
    %swap3A_1357 = arith.index_cast %swap3A_1356 : i32 to index
    %swap3A_1358 = arith.constant 1248 : index
    %swap3A_1359 = tpu.vector_load %arg8[%swap3A_1357, %swap3A_1358] {strides = array<i32>} : memref<2x2000xi32, #tpu.memory_space<vmem>>, vector<1x16xi32>,
    %swap3A_1360 = vector.shape_cast %swap3A_1359 : vector<1x16xi32> to vector<16xi32>
    %swap3A_1361 = vector.shape_cast %add3A_1355 : vector<16xi32> to vector<1x16xi32>
    tpu.vector_store %arg8[%swap3A_1357, %swap3A_1358], %swap3A_1361 {strides = array<i32>} : memref<2x2000xi32, #tpu.memory_space<vmem>>, vector<1x16xi32>,
    %get3A_1362 = arith.constant 0 : i32
    %get3A_1363 = arith.index_cast %get3A_1362 : i32 to index
    %get3A_1364 = arith.constant 1264 : index
    %get3A_1365 = tpu.vector_load %arg7[%get3A_1363, %get3A_1364] {strides = array<i32>} : memref<2x2000xi32, #tpu.memory_space<vmem>>, vector<1x16xi32>,
    %get3A_1366 = vector.shape_cast %get3A_1365 : vector<1x16xi32> to vector<16xi32>
    %mul3A_1367 = arith.constant 4 : i32
    %mul3A_1368 = vector.broadcast %mul3A_1367 : i32 to vector<16xi32>
    %mul3A_1369 = arith.muli %get3A_1366, %mul3A_1368 : vector<16xi32>
    %add3A_1370 = vector.broadcast %add3A_99 : i32 to vector<16xi32>
    %add3A_1371 = arith.addi %mul3A_1369, %add3A_1370 : vector<16xi32>
    %swap3A_1372 = arith.constant 0 : i32
    %swap3A_1373 = arith.index_cast %swap3A_1372 : i32 to index
    %swap3A_1374 = arith.constant 1264 : index
    %swap3A_1375 = tpu.vector_load %arg8[%swap3A_1373, %swap3A_1374] {strides = array<i32>} : memref<2x2000xi32, #tpu.memory_space<vmem>>, vector<1x16xi32>,
    %swap3A_1376 = vector.shape_cast %swap3A_1375 : vector<1x16xi32> to vector<16xi32>
    %swap3A_1377 = vector.shape_cast %add3A_1371 : vector<16xi32> to vector<1x16xi32>
    tpu.vector_store %arg8[%swap3A_1373, %swap3A_1374], %swap3A_1377 {strides = array<i32>} : memref<2x2000xi32, #tpu.memory_space<vmem>>, vector<1x16xi32>,
    %get3A_1378 = arith.constant 0 : i32
    %get3A_1379 = arith.index_cast %get3A_1378 : i32 to index
    %get3A_1380 = arith.constant 1280 : index
    %get3A_1381 = tpu.vector_load %arg7[%get3A_1379, %get3A_1380] {strides = array<i32>} : memref<2x2000xi32, #tpu.memory_space<vmem>>, vector<1x16xi32>,
    %get3A_1382 = vector.shape_cast %get3A_1381 : vector<1x16xi32> to vector<16xi32>
    %mul3A_1383 = arith.constant 4 : i32
    %mul3A_1384 = vector.broadcast %mul3A_1383 : i32 to vector<16xi32>
    %mul3A_1385 = arith.muli %get3A_1382, %mul3A_1384 : vector<16xi32>
    %add3A_1386 = vector.broadcast %add3A_99 : i32 to vector<16xi32>
    %add3A_1387 = arith.addi %mul3A_1385, %add3A_1386 : vector<16xi32>
    %swap3A_1388 = arith.constant 0 : i32
    %swap3A_1389 = arith.index_cast %swap3A_1388 : i32 to index
    %swap3A_1390 = arith.constant 1280 : index
    %swap3A_1391 = tpu.vector_load %arg8[%swap3A_1389, %swap3A_1390] {strides = array<i32>} : memref<2x2000xi32, #tpu.memory_space<vmem>>, vector<1x16xi32>,
    %swap3A_1392 = vector.shape_cast %swap3A_1391 : vector<1x16xi32> to vector<16xi32>
    %swap3A_1393 = vector.shape_cast %add3A_1387 : vector<16xi32> to vector<1x16xi32>
    tpu.vector_store %arg8[%swap3A_1389, %swap3A_1390], %swap3A_1393 {strides = array<i32>} : memref<2x2000xi32, #tpu.memory_space<vmem>>, vector<1x16xi32>,
    %get3A_1394 = arith.constant 0 : i32
    %get3A_1395 = arith.index_cast %get3A_1394 : i32 to index
    %get3A_1396 = arith.constant 1296 : index
    %get3A_1397 = tpu.vector_load %arg7[%get3A_1395, %get3A_1396] {strides = array<i32>} : memref<2x2000xi32, #tpu.memory_space<vmem>>, vector<1x16xi32>,
    %get3A_1398 = vector.shape_cast %get3A_1397 : vector<1x16xi32> to vector<16xi32>
    %mul3A_1399 = arith.constant 4 : i32
    %mul3A_1400 = vector.broadcast %mul3A_1399 : i32 to vector<16xi32>
    %mul3A_1401 = arith.muli %get3A_1398, %mul3A_1400 : vector<16xi32>
    %add3A_1402 = vector.broadcast %add3A_99 : i32 to vector<16xi32>
    %add3A_1403 = arith.addi %mul3A_1401, %add3A_1402 : vector<16xi32>
    %swap3A_1404 = arith.constant 0 : i32
    %swap3A_1405 = arith.index_cast %swap3A_1404 : i32 to index
    %swap3A_1406 = arith.constant 1296 : index
    %swap3A_1407 = tpu.vector_load %arg8[%swap3A_1405, %swap3A_1406] {strides = array<i32>} : memref<2x2000xi32, #tpu.memory_space<vmem>>, vector<1x16xi32>,
    %swap3A_1408 = vector.shape_cast %swap3A_1407 : vector<1x16xi32> to vector<16xi32>
    %swap3A_1409 = vector.shape_cast %add3A_1403 : vector<16xi32> to vector<1x16xi32>
    tpu.vector_store %arg8[%swap3A_1405, %swap3A_1406], %swap3A_1409 {strides = array<i32>} : memref<2x2000xi32, #tpu.memory_space<vmem>>, vector<1x16xi32>,
    %get3A_1410 = arith.constant 0 : i32
    %get3A_1411 = arith.index_cast %get3A_1410 : i32 to index
    %get3A_1412 = arith.constant 1312 : index
    %get3A_1413 = tpu.vector_load %arg7[%get3A_1411, %get3A_1412] {strides = array<i32>} : memref<2x2000xi32, #tpu.memory_space<vmem>>, vector<1x16xi32>,
    %get3A_1414 = vector.shape_cast %get3A_1413 : vector<1x16xi32> to vector<16xi32>
    %mul3A_1415 = arith.constant 4 : i32
    %mul3A_1416 = vector.broadcast %mul3A_1415 : i32 to vector<16xi32>
    %mul3A_1417 = arith.muli %get3A_1414, %mul3A_1416 : vector<16xi32>
    %add3A_1418 = vector.broadcast %add3A_99 : i32 to vector<16xi32>
    %add3A_1419 = arith.addi %mul3A_1417, %add3A_1418 : vector<16xi32>
    %swap3A_1420 = arith.constant 0 : i32
    %swap3A_1421 = arith.index_cast %swap3A_1420 : i32 to index
    %swap3A_1422 = arith.constant 1312 : index
    %swap3A_1423 = tpu.vector_load %arg8[%swap3A_1421, %swap3A_1422] {strides = array<i32>} : memref<2x2000xi32, #tpu.memory_space<vmem>>, vector<1x16xi32>,
    %swap3A_1424 = vector.shape_cast %swap3A_1423 : vector<1x16xi32> to vector<16xi32>
    %swap3A_1425 = vector.shape_cast %add3A_1419 : vector<16xi32> to vector<1x16xi32>
    tpu.vector_store %arg8[%swap3A_1421, %swap3A_1422], %swap3A_1425 {strides = array<i32>} : memref<2x2000xi32, #tpu.memory_space<vmem>>, vector<1x16xi32>,
    %get3A_1426 = arith.constant 0 : i32
    %get3A_1427 = arith.index_cast %get3A_1426 : i32 to index
    %get3A_1428 = arith.constant 1328 : index
    %get3A_1429 = tpu.vector_load %arg7[%get3A_1427, %get3A_1428] {strides = array<i32>} : memref<2x2000xi32, #tpu.memory_space<vmem>>, vector<1x16xi32>,
    %get3A_1430 = vector.shape_cast %get3A_1429 : vector<1x16xi32> to vector<16xi32>
    %mul3A_1431 = arith.constant 4 : i32
    %mul3A_1432 = vector.broadcast %mul3A_1431 : i32 to vector<16xi32>
    %mul3A_1433 = arith.muli %get3A_1430, %mul3A_1432 : vector<16xi32>
    %add3A_1434 = vector.broadcast %add3A_99 : i32 to vector<16xi32>
    %add3A_1435 = arith.addi %mul3A_1433, %add3A_1434 : vector<16xi32>
    %swap3A_1436 = arith.constant 0 : i32
    %swap3A_1437 = arith.index_cast %swap3A_1436 : i32 to index
    %swap3A_1438 = arith.constant 1328 : index
    %swap3A_1439 = tpu.vector_load %arg8[%swap3A_1437, %swap3A_1438] {strides = array<i32>} : memref<2x2000xi32, #tpu.memory_space<vmem>>, vector<1x16xi32>,
    %swap3A_1440 = vector.shape_cast %swap3A_1439 : vector<1x16xi32> to vector<16xi32>
    %swap3A_1441 = vector.shape_cast %add3A_1435 : vector<16xi32> to vector<1x16xi32>
    tpu.vector_store %arg8[%swap3A_1437, %swap3A_1438], %swap3A_1441 {strides = array<i32>} : memref<2x2000xi32, #tpu.memory_space<vmem>>, vector<1x16xi32>,
    %get3A_1442 = arith.constant 0 : i32
    %get3A_1443 = arith.index_cast %get3A_1442 : i32 to index
    %get3A_1444 = arith.constant 1344 : index
    %get3A_1445 = tpu.vector_load %arg7[%get3A_1443, %get3A_1444] {strides = array<i32>} : memref<2x2000xi32, #tpu.memory_space<vmem>>, vector<1x16xi32>,
    %get3A_1446 = vector.shape_cast %get3A_1445 : vector<1x16xi32> to vector<16xi32>
    %mul3A_1447 = arith.constant 4 : i32
    %mul3A_1448 = vector.broadcast %mul3A_1447 : i32 to vector<16xi32>
    %mul3A_1449 = arith.muli %get3A_1446, %mul3A_1448 : vector<16xi32>
    %add3A_1450 = vector.broadcast %add3A_99 : i32 to vector<16xi32>
    %add3A_1451 = arith.addi %mul3A_1449, %add3A_1450 : vector<16xi32>
    %swap3A_1452 = arith.constant 0 : i32
    %swap3A_1453 = arith.index_cast %swap3A_1452 : i32 to index
    %swap3A_1454 = arith.constant 1344 : index
    %swap3A_1455 = tpu.vector_load %arg8[%swap3A_1453, %swap3A_1454] {strides = array<i32>} : memref<2x2000xi32, #tpu.memory_space<vmem>>, vector<1x16xi32>,
    %swap3A_1456 = vector.shape_cast %swap3A_1455 : vector<1x16xi32> to vector<16xi32>
    %swap3A_1457 = vector.shape_cast %add3A_1451 : vector<16xi32> to vector<1x16xi32>
    tpu.vector_store %arg8[%swap3A_1453, %swap3A_1454], %swap3A_1457 {strides = array<i32>} : memref<2x2000xi32, #tpu.memory_space<vmem>>, vector<1x16xi32>,
    %get3A_1458 = arith.constant 0 : i32
    %get3A_1459 = arith.index_cast %get3A_1458 : i32 to index
    %get3A_1460 = arith.constant 1360 : index
    %get3A_1461 = tpu.vector_load %arg7[%get3A_1459, %get3A_1460] {strides = array<i32>} : memref<2x2000xi32, #tpu.memory_space<vmem>>, vector<1x16xi32>,
    %get3A_1462 = vector.shape_cast %get3A_1461 : vector<1x16xi32> to vector<16xi32>
    %mul3A_1463 = arith.constant 4 : i32
    %mul3A_1464 = vector.broadcast %mul3A_1463 : i32 to vector<16xi32>
    %mul3A_1465 = arith.muli %get3A_1462, %mul3A_1464 : vector<16xi32>
    %add3A_1466 = vector.broadcast %add3A_99 : i32 to vector<16xi32>
    %add3A_1467 = arith.addi %mul3A_1465, %add3A_1466 : vector<16xi32>
    %swap3A_1468 = arith.constant 0 : i32
    %swap3A_1469 = arith.index_cast %swap3A_1468 : i32 to index
    %swap3A_1470 = arith.constant 1360 : index
    %swap3A_1471 = tpu.vector_load %arg8[%swap3A_1469, %swap3A_1470] {strides = array<i32>} : memref<2x2000xi32, #tpu.memory_space<vmem>>, vector<1x16xi32>,
    %swap3A_1472 = vector.shape_cast %swap3A_1471 : vector<1x16xi32> to vector<16xi32>
    %swap3A_1473 = vector.shape_cast %add3A_1467 : vector<16xi32> to vector<1x16xi32>
    tpu.vector_store %arg8[%swap3A_1469, %swap3A_1470], %swap3A_1473 {strides = array<i32>} : memref<2x2000xi32, #tpu.memory_space<vmem>>, vector<1x16xi32>,
    %get3A_1474 = arith.constant 0 : i32
    %get3A_1475 = arith.index_cast %get3A_1474 : i32 to index
    %get3A_1476 = arith.constant 1376 : index
    %get3A_1477 = tpu.vector_load %arg7[%get3A_1475, %get3A_1476] {strides = array<i32>} : memref<2x2000xi32, #tpu.memory_space<vmem>>, vector<1x16xi32>,
    %get3A_1478 = vector.shape_cast %get3A_1477 : vector<1x16xi32> to vector<16xi32>
    %mul3A_1479 = arith.constant 4 : i32
    %mul3A_1480 = vector.broadcast %mul3A_1479 : i32 to vector<16xi32>
    %mul3A_1481 = arith.muli %get3A_1478, %mul3A_1480 : vector<16xi32>
    %add3A_1482 = vector.broadcast %add3A_99 : i32 to vector<16xi32>
    %add3A_1483 = arith.addi %mul3A_1481, %add3A_1482 : vector<16xi32>
    %swap3A_1484 = arith.constant 0 : i32
    %swap3A_1485 = arith.index_cast %swap3A_1484 : i32 to index
    %swap3A_1486 = arith.constant 1376 : index
    %swap3A_1487 = tpu.vector_load %arg8[%swap3A_1485, %swap3A_1486] {strides = array<i32>} : memref<2x2000xi32, #tpu.memory_space<vmem>>, vector<1x16xi32>,
    %swap3A_1488 = vector.shape_cast %swap3A_1487 : vector<1x16xi32> to vector<16xi32>
    %swap3A_1489 = vector.shape_cast %add3A_1483 : vector<16xi32> to vector<1x16xi32>
    tpu.vector_store %arg8[%swap3A_1485, %swap3A_1486], %swap3A_1489 {strides = array<i32>} : memref<2x2000xi32, #tpu.memory_space<vmem>>, vector<1x16xi32>,
    %get3A_1490 = arith.constant 0 : i32
    %get3A_1491 = arith.index_cast %get3A_1490 : i32 to index
    %get3A_1492 = arith.constant 1392 : index
    %get3A_1493 = tpu.vector_load %arg7[%get3A_1491, %get3A_1492] {strides = array<i32>} : memref<2x2000xi32, #tpu.memory_space<vmem>>, vector<1x16xi32>,
    %get3A_1494 = vector.shape_cast %get3A_1493 : vector<1x16xi32> to vector<16xi32>
    %mul3A_1495 = arith.constant 4 : i32
    %mul3A_1496 = vector.broadcast %mul3A_1495 : i32 to vector<16xi32>
    %mul3A_1497 = arith.muli %get3A_1494, %mul3A_1496 : vector<16xi32>
    %add3A_1498 = vector.broadcast %add3A_99 : i32 to vector<16xi32>
    %add3A_1499 = arith.addi %mul3A_1497, %add3A_1498 : vector<16xi32>
    %swap3A_1500 = arith.constant 0 : i32
    %swap3A_1501 = arith.index_cast %swap3A_1500 : i32 to index
    %swap3A_1502 = arith.constant 1392 : index
    %swap3A_1503 = tpu.vector_load %arg8[%swap3A_1501, %swap3A_1502] {strides = array<i32>} : memref<2x2000xi32, #tpu.memory_space<vmem>>, vector<1x16xi32>,
    %swap3A_1504 = vector.shape_cast %swap3A_1503 : vector<1x16xi32> to vector<16xi32>
    %swap3A_1505 = vector.shape_cast %add3A_1499 : vector<16xi32> to vector<1x16xi32>
    tpu.vector_store %arg8[%swap3A_1501, %swap3A_1502], %swap3A_1505 {strides = array<i32>} : memref<2x2000xi32, #tpu.memory_space<vmem>>, vector<1x16xi32>,
    %get3A_1506 = arith.constant 0 : i32
    %get3A_1507 = arith.index_cast %get3A_1506 : i32 to index
    %get3A_1508 = arith.constant 1408 : index
    %get3A_1509 = tpu.vector_load %arg7[%get3A_1507, %get3A_1508] {strides = array<i32>} : memref<2x2000xi32, #tpu.memory_space<vmem>>, vector<1x16xi32>,
    %get3A_1510 = vector.shape_cast %get3A_1509 : vector<1x16xi32> to vector<16xi32>
    %mul3A_1511 = arith.constant 4 : i32
    %mul3A_1512 = vector.broadcast %mul3A_1511 : i32 to vector<16xi32>
    %mul3A_1513 = arith.muli %get3A_1510, %mul3A_1512 : vector<16xi32>
    %add3A_1514 = vector.broadcast %add3A_99 : i32 to vector<16xi32>
    %add3A_1515 = arith.addi %mul3A_1513, %add3A_1514 : vector<16xi32>
    %swap3A_1516 = arith.constant 0 : i32
    %swap3A_1517 = arith.index_cast %swap3A_1516 : i32 to index
    %swap3A_1518 = arith.constant 1408 : index
    %swap3A_1519 = tpu.vector_load %arg8[%swap3A_1517, %swap3A_1518] {strides = array<i32>} : memref<2x2000xi32, #tpu.memory_space<vmem>>, vector<1x16xi32>,
    %swap3A_1520 = vector.shape_cast %swap3A_1519 : vector<1x16xi32> to vector<16xi32>
    %swap3A_1521 = vector.shape_cast %add3A_1515 : vector<16xi32> to vector<1x16xi32>
    tpu.vector_store %arg8[%swap3A_1517, %swap3A_1518], %swap3A_1521 {strides = array<i32>} : memref<2x2000xi32, #tpu.memory_space<vmem>>, vector<1x16xi32>,
    %get3A_1522 = arith.constant 0 : i32
    %get3A_1523 = arith.index_cast %get3A_1522 : i32 to index
    %get3A_1524 = arith.constant 1424 : index
    %get3A_1525 = tpu.vector_load %arg7[%get3A_1523, %get3A_1524] {strides = array<i32>} : memref<2x2000xi32, #tpu.memory_space<vmem>>, vector<1x16xi32>,
    %get3A_1526 = vector.shape_cast %get3A_1525 : vector<1x16xi32> to vector<16xi32>
    %mul3A_1527 = arith.constant 4 : i32
    %mul3A_1528 = vector.broadcast %mul3A_1527 : i32 to vector<16xi32>
    %mul3A_1529 = arith.muli %get3A_1526, %mul3A_1528 : vector<16xi32>
    %add3A_1530 = vector.broadcast %add3A_99 : i32 to vector<16xi32>
    %add3A_1531 = arith.addi %mul3A_1529, %add3A_1530 : vector<16xi32>
    %swap3A_1532 = arith.constant 0 : i32
    %swap3A_1533 = arith.index_cast %swap3A_1532 : i32 to index
    %swap3A_1534 = arith.constant 1424 : index
    %swap3A_1535 = tpu.vector_load %arg8[%swap3A_1533, %swap3A_1534] {strides = array<i32>} : memref<2x2000xi32, #tpu.memory_space<vmem>>, vector<1x16xi32>,
    %swap3A_1536 = vector.shape_cast %swap3A_1535 : vector<1x16xi32> to vector<16xi32>
    %swap3A_1537 = vector.shape_cast %add3A_1531 : vector<16xi32> to vector<1x16xi32>
    tpu.vector_store %arg8[%swap3A_1533, %swap3A_1534], %swap3A_1537 {strides = array<i32>} : memref<2x2000xi32, #tpu.memory_space<vmem>>, vector<1x16xi32>,
    %get3A_1538 = arith.constant 0 : i32
    %get3A_1539 = arith.index_cast %get3A_1538 : i32 to index
    %get3A_1540 = arith.constant 1440 : index
    %get3A_1541 = tpu.vector_load %arg7[%get3A_1539, %get3A_1540] {strides = array<i32>} : memref<2x2000xi32, #tpu.memory_space<vmem>>, vector<1x16xi32>,
    %get3A_1542 = vector.shape_cast %get3A_1541 : vector<1x16xi32> to vector<16xi32>
    %mul3A_1543 = arith.constant 4 : i32
    %mul3A_1544 = vector.broadcast %mul3A_1543 : i32 to vector<16xi32>
    %mul3A_1545 = arith.muli %get3A_1542, %mul3A_1544 : vector<16xi32>
    %add3A_1546 = vector.broadcast %add3A_99 : i32 to vector<16xi32>
    %add3A_1547 = arith.addi %mul3A_1545, %add3A_1546 : vector<16xi32>
    %swap3A_1548 = arith.constant 0 : i32
    %swap3A_1549 = arith.index_cast %swap3A_1548 : i32 to index
    %swap3A_1550 = arith.constant 1440 : index
    %swap3A_1551 = tpu.vector_load %arg8[%swap3A_1549, %swap3A_1550] {strides = array<i32>} : memref<2x2000xi32, #tpu.memory_space<vmem>>, vector<1x16xi32>,
    %swap3A_1552 = vector.shape_cast %swap3A_1551 : vector<1x16xi32> to vector<16xi32>
    %swap3A_1553 = vector.shape_cast %add3A_1547 : vector<16xi32> to vector<1x16xi32>
    tpu.vector_store %arg8[%swap3A_1549, %swap3A_1550], %swap3A_1553 {strides = array<i32>} : memref<2x2000xi32, #tpu.memory_space<vmem>>, vector<1x16xi32>,
    %get3A_1554 = arith.constant 0 : i32
    %get3A_1555 = arith.index_cast %get3A_1554 : i32 to index
    %get3A_1556 = arith.constant 1456 : index
    %get3A_1557 = tpu.vector_load %arg7[%get3A_1555, %get3A_1556] {strides = array<i32>} : memref<2x2000xi32, #tpu.memory_space<vmem>>, vector<1x16xi32>,
    %get3A_1558 = vector.shape_cast %get3A_1557 : vector<1x16xi32> to vector<16xi32>
    %mul3A_1559 = arith.constant 4 : i32
    %mul3A_1560 = vector.broadcast %mul3A_1559 : i32 to vector<16xi32>
    %mul3A_1561 = arith.muli %get3A_1558, %mul3A_1560 : vector<16xi32>
    %add3A_1562 = vector.broadcast %add3A_99 : i32 to vector<16xi32>
    %add3A_1563 = arith.addi %mul3A_1561, %add3A_1562 : vector<16xi32>
    %swap3A_1564 = arith.constant 0 : i32
    %swap3A_1565 = arith.index_cast %swap3A_1564 : i32 to index
    %swap3A_1566 = arith.constant 1456 : index
    %swap3A_1567 = tpu.vector_load %arg8[%swap3A_1565, %swap3A_1566] {strides = array<i32>} : memref<2x2000xi32, #tpu.memory_space<vmem>>, vector<1x16xi32>,
    %swap3A_1568 = vector.shape_cast %swap3A_1567 : vector<1x16xi32> to vector<16xi32>
    %swap3A_1569 = vector.shape_cast %add3A_1563 : vector<16xi32> to vector<1x16xi32>
    tpu.vector_store %arg8[%swap3A_1565, %swap3A_1566], %swap3A_1569 {strides = array<i32>} : memref<2x2000xi32, #tpu.memory_space<vmem>>, vector<1x16xi32>,
    %get3A_1570 = arith.constant 0 : i32
    %get3A_1571 = arith.index_cast %get3A_1570 : i32 to index
    %get3A_1572 = arith.constant 1472 : index
    %get3A_1573 = tpu.vector_load %arg7[%get3A_1571, %get3A_1572] {strides = array<i32>} : memref<2x2000xi32, #tpu.memory_space<vmem>>, vector<1x16xi32>,
    %get3A_1574 = vector.shape_cast %get3A_1573 : vector<1x16xi32> to vector<16xi32>
    %mul3A_1575 = arith.constant 4 : i32
    %mul3A_1576 = vector.broadcast %mul3A_1575 : i32 to vector<16xi32>
    %mul3A_1577 = arith.muli %get3A_1574, %mul3A_1576 : vector<16xi32>
    %add3A_1578 = vector.broadcast %add3A_99 : i32 to vector<16xi32>
    %add3A_1579 = arith.addi %mul3A_1577, %add3A_1578 : vector<16xi32>
    %swap3A_1580 = arith.constant 0 : i32
    %swap3A_1581 = arith.index_cast %swap3A_1580 : i32 to index
    %swap3A_1582 = arith.constant 1472 : index
    %swap3A_1583 = tpu.vector_load %arg8[%swap3A_1581, %swap3A_1582] {strides = array<i32>} : memref<2x2000xi32, #tpu.memory_space<vmem>>, vector<1x16xi32>,
    %swap3A_1584 = vector.shape_cast %swap3A_1583 : vector<1x16xi32> to vector<16xi32>
    %swap3A_1585 = vector.shape_cast %add3A_1579 : vector<16xi32> to vector<1x16xi32>
    tpu.vector_store %arg8[%swap3A_1581, %swap3A_1582], %swap3A_1585 {strides = array<i32>} : memref<2x2000xi32, #tpu.memory_space<vmem>>, vector<1x16xi32>,
    %get3A_1586 = arith.constant 0 : i32
    %get3A_1587 = arith.index_cast %get3A_1586 : i32 to index
    %get3A_1588 = arith.constant 1488 : index
    %get3A_1589 = tpu.vector_load %arg7[%get3A_1587, %get3A_1588] {strides = array<i32>} : memref<2x2000xi32, #tpu.memory_space<vmem>>, vector<1x16xi32>,
    %get3A_1590 = vector.shape_cast %get3A_1589 : vector<1x16xi32> to vector<16xi32>
    %mul3A_1591 = arith.constant 4 : i32
    %mul3A_1592 = vector.broadcast %mul3A_1591 : i32 to vector<16xi32>
    %mul3A_1593 = arith.muli %get3A_1590, %mul3A_1592 : vector<16xi32>
    %add3A_1594 = vector.broadcast %add3A_99 : i32 to vector<16xi32>
    %add3A_1595 = arith.addi %mul3A_1593, %add3A_1594 : vector<16xi32>
    %swap3A_1596 = arith.constant 0 : i32
    %swap3A_1597 = arith.index_cast %swap3A_1596 : i32 to index
    %swap3A_1598 = arith.constant 1488 : index
    %swap3A_1599 = tpu.vector_load %arg8[%swap3A_1597, %swap3A_1598] {strides = array<i32>} : memref<2x2000xi32, #tpu.memory_space<vmem>>, vector<1x16xi32>,
    %swap3A_1600 = vector.shape_cast %swap3A_1599 : vector<1x16xi32> to vector<16xi32>
    %swap3A_1601 = vector.shape_cast %add3A_1595 : vector<16xi32> to vector<1x16xi32>
    tpu.vector_store %arg8[%swap3A_1597, %swap3A_1598], %swap3A_1601 {strides = array<i32>} : memref<2x2000xi32, #tpu.memory_space<vmem>>, vector<1x16xi32>,
    %get3A_1602 = arith.constant 0 : i32
    %get3A_1603 = arith.index_cast %get3A_1602 : i32 to index
    %get3A_1604 = arith.constant 1504 : index
    %get3A_1605 = tpu.vector_load %arg7[%get3A_1603, %get3A_1604] {strides = array<i32>} : memref<2x2000xi32, #tpu.memory_space<vmem>>, vector<1x16xi32>,
    %get3A_1606 = vector.shape_cast %get3A_1605 : vector<1x16xi32> to vector<16xi32>
    %mul3A_1607 = arith.constant 4 : i32
    %mul3A_1608 = vector.broadcast %mul3A_1607 : i32 to vector<16xi32>
    %mul3A_1609 = arith.muli %get3A_1606, %mul3A_1608 : vector<16xi32>
    %add3A_1610 = vector.broadcast %add3A_99 : i32 to vector<16xi32>
    %add3A_1611 = arith.addi %mul3A_1609, %add3A_1610 : vector<16xi32>
    %swap3A_1612 = arith.constant 0 : i32
    %swap3A_1613 = arith.index_cast %swap3A_1612 : i32 to index
    %swap3A_1614 = arith.constant 1504 : index
    %swap3A_1615 = tpu.vector_load %arg8[%swap3A_1613, %swap3A_1614] {strides = array<i32>} : memref<2x2000xi32, #tpu.memory_space<vmem>>, vector<1x16xi32>,
    %swap3A_1616 = vector.shape_cast %swap3A_1615 : vector<1x16xi32> to vector<16xi32>
    %swap3A_1617 = vector.shape_cast %add3A_1611 : vector<16xi32> to vector<1x16xi32>
    tpu.vector_store %arg8[%swap3A_1613, %swap3A_1614], %swap3A_1617 {strides = array<i32>} : memref<2x2000xi32, #tpu.memory_space<vmem>>, vector<1x16xi32>,
    %get3A_1618 = arith.constant 0 : i32
    %get3A_1619 = arith.index_cast %get3A_1618 : i32 to index
    %get3A_1620 = arith.constant 1520 : index
    %get3A_1621 = tpu.vector_load %arg7[%get3A_1619, %get3A_1620] {strides = array<i32>} : memref<2x2000xi32, #tpu.memory_space<vmem>>, vector<1x16xi32>,
    %get3A_1622 = vector.shape_cast %get3A_1621 : vector<1x16xi32> to vector<16xi32>
    %mul3A_1623 = arith.constant 4 : i32
    %mul3A_1624 = vector.broadcast %mul3A_1623 : i32 to vector<16xi32>
    %mul3A_1625 = arith.muli %get3A_1622, %mul3A_1624 : vector<16xi32>
    %add3A_1626 = vector.broadcast %add3A_99 : i32 to vector<16xi32>
    %add3A_1627 = arith.addi %mul3A_1625, %add3A_1626 : vector<16xi32>
    %swap3A_1628 = arith.constant 0 : i32
    %swap3A_1629 = arith.index_cast %swap3A_1628 : i32 to index
    %swap3A_1630 = arith.constant 1520 : index
    %swap3A_1631 = tpu.vector_load %arg8[%swap3A_1629, %swap3A_1630] {strides = array<i32>} : memref<2x2000xi32, #tpu.memory_space<vmem>>, vector<1x16xi32>,
    %swap3A_1632 = vector.shape_cast %swap3A_1631 : vector<1x16xi32> to vector<16xi32>
    %swap3A_1633 = vector.shape_cast %add3A_1627 : vector<16xi32> to vector<1x16xi32>
    tpu.vector_store %arg8[%swap3A_1629, %swap3A_1630], %swap3A_1633 {strides = array<i32>} : memref<2x2000xi32, #tpu.memory_space<vmem>>, vector<1x16xi32>,
    %get3A_1634 = arith.constant 0 : i32
    %get3A_1635 = arith.index_cast %get3A_1634 : i32 to index
    %get3A_1636 = arith.constant 1536 : index
    %get3A_1637 = tpu.vector_load %arg7[%get3A_1635, %get3A_1636] {strides = array<i32>} : memref<2x2000xi32, #tpu.memory_space<vmem>>, vector<1x16xi32>,
    %get3A_1638 = vector.shape_cast %get3A_1637 : vector<1x16xi32> to vector<16xi32>
    %mul3A_1639 = arith.constant 4 : i32
    %mul3A_1640 = vector.broadcast %mul3A_1639 : i32 to vector<16xi32>
    %mul3A_1641 = arith.muli %get3A_1638, %mul3A_1640 : vector<16xi32>
    %add3A_1642 = vector.broadcast %add3A_99 : i32 to vector<16xi32>
    %add3A_1643 = arith.addi %mul3A_1641, %add3A_1642 : vector<16xi32>
    %swap3A_1644 = arith.constant 0 : i32
    %swap3A_1645 = arith.index_cast %swap3A_1644 : i32 to index
    %swap3A_1646 = arith.constant 1536 : index
    %swap3A_1647 = tpu.vector_load %arg8[%swap3A_1645, %swap3A_1646] {strides = array<i32>} : memref<2x2000xi32, #tpu.memory_space<vmem>>, vector<1x16xi32>,
    %swap3A_1648 = vector.shape_cast %swap3A_1647 : vector<1x16xi32> to vector<16xi32>
    %swap3A_1649 = vector.shape_cast %add3A_1643 : vector<16xi32> to vector<1x16xi32>
    tpu.vector_store %arg8[%swap3A_1645, %swap3A_1646], %swap3A_1649 {strides = array<i32>} : memref<2x2000xi32, #tpu.memory_space<vmem>>, vector<1x16xi32>,
    %get3A_1650 = arith.constant 0 : i32
    %get3A_1651 = arith.index_cast %get3A_1650 : i32 to index
    %get3A_1652 = arith.constant 1552 : index
    %get3A_1653 = tpu.vector_load %arg7[%get3A_1651, %get3A_1652] {strides = array<i32>} : memref<2x2000xi32, #tpu.memory_space<vmem>>, vector<1x16xi32>,
    %get3A_1654 = vector.shape_cast %get3A_1653 : vector<1x16xi32> to vector<16xi32>
    %mul3A_1655 = arith.constant 4 : i32
    %mul3A_1656 = vector.broadcast %mul3A_1655 : i32 to vector<16xi32>
    %mul3A_1657 = arith.muli %get3A_1654, %mul3A_1656 : vector<16xi32>
    %add3A_1658 = vector.broadcast %add3A_99 : i32 to vector<16xi32>
    %add3A_1659 = arith.addi %mul3A_1657, %add3A_1658 : vector<16xi32>
    %swap3A_1660 = arith.constant 0 : i32
    %swap3A_1661 = arith.index_cast %swap3A_1660 : i32 to index
    %swap3A_1662 = arith.constant 1552 : index
    %swap3A_1663 = tpu.vector_load %arg8[%swap3A_1661, %swap3A_1662] {strides = array<i32>} : memref<2x2000xi32, #tpu.memory_space<vmem>>, vector<1x16xi32>,
    %swap3A_1664 = vector.shape_cast %swap3A_1663 : vector<1x16xi32> to vector<16xi32>
    %swap3A_1665 = vector.shape_cast %add3A_1659 : vector<16xi32> to vector<1x16xi32>
    tpu.vector_store %arg8[%swap3A_1661, %swap3A_1662], %swap3A_1665 {strides = array<i32>} : memref<2x2000xi32, #tpu.memory_space<vmem>>, vector<1x16xi32>,
    %get3A_1666 = arith.constant 0 : i32
    %get3A_1667 = arith.index_cast %get3A_1666 : i32 to index
    %get3A_1668 = arith.constant 1568 : index
    %get3A_1669 = tpu.vector_load %arg7[%get3A_1667, %get3A_1668] {strides = array<i32>} : memref<2x2000xi32, #tpu.memory_space<vmem>>, vector<1x16xi32>,
    %get3A_1670 = vector.shape_cast %get3A_1669 : vector<1x16xi32> to vector<16xi32>
    %mul3A_1671 = arith.constant 4 : i32
    %mul3A_1672 = vector.broadcast %mul3A_1671 : i32 to vector<16xi32>
    %mul3A_1673 = arith.muli %get3A_1670, %mul3A_1672 : vector<16xi32>
    %add3A_1674 = vector.broadcast %add3A_99 : i32 to vector<16xi32>
    %add3A_1675 = arith.addi %mul3A_1673, %add3A_1674 : vector<16xi32>
    %swap3A_1676 = arith.constant 0 : i32
    %swap3A_1677 = arith.index_cast %swap3A_1676 : i32 to index
    %swap3A_1678 = arith.constant 1568 : index
    %swap3A_1679 = tpu.vector_load %arg8[%swap3A_1677, %swap3A_1678] {strides = array<i32>} : memref<2x2000xi32, #tpu.memory_space<vmem>>, vector<1x16xi32>,
    %swap3A_1680 = vector.shape_cast %swap3A_1679 : vector<1x16xi32> to vector<16xi32>
    %swap3A_1681 = vector.shape_cast %add3A_1675 : vector<16xi32> to vector<1x16xi32>
    tpu.vector_store %arg8[%swap3A_1677, %swap3A_1678], %swap3A_1681 {strides = array<i32>} : memref<2x2000xi32, #tpu.memory_space<vmem>>, vector<1x16xi32>,
    %get3A_1682 = arith.constant 0 : i32
    %get3A_1683 = arith.index_cast %get3A_1682 : i32 to index
    %get3A_1684 = arith.constant 1584 : index
    %get3A_1685 = tpu.vector_load %arg7[%get3A_1683, %get3A_1684] {strides = array<i32>} : memref<2x2000xi32, #tpu.memory_space<vmem>>, vector<1x16xi32>,
    %get3A_1686 = vector.shape_cast %get3A_1685 : vector<1x16xi32> to vector<16xi32>
    %mul3A_1687 = arith.constant 4 : i32
    %mul3A_1688 = vector.broadcast %mul3A_1687 : i32 to vector<16xi32>
    %mul3A_1689 = arith.muli %get3A_1686, %mul3A_1688 : vector<16xi32>
    %add3A_1690 = vector.broadcast %add3A_99 : i32 to vector<16xi32>
    %add3A_1691 = arith.addi %mul3A_1689, %add3A_1690 : vector<16xi32>
    %swap3A_1692 = arith.constant 0 : i32
    %swap3A_1693 = arith.index_cast %swap3A_1692 : i32 to index
    %swap3A_1694 = arith.constant 1584 : index
    %swap3A_1695 = tpu.vector_load %arg8[%swap3A_1693, %swap3A_1694] {strides = array<i32>} : memref<2x2000xi32, #tpu.memory_space<vmem>>, vector<1x16xi32>,
    %swap3A_1696 = vector.shape_cast %swap3A_1695 : vector<1x16xi32> to vector<16xi32>
    %swap3A_1697 = vector.shape_cast %add3A_1691 : vector<16xi32> to vector<1x16xi32>
    tpu.vector_store %arg8[%swap3A_1693, %swap3A_1694], %swap3A_1697 {strides = array<i32>} : memref<2x2000xi32, #tpu.memory_space<vmem>>, vector<1x16xi32>,
    %get3A_1698 = arith.constant 0 : i32
    %get3A_1699 = arith.index_cast %get3A_1698 : i32 to index
    %get3A_1700 = arith.constant 1600 : index
    %get3A_1701 = tpu.vector_load %arg7[%get3A_1699, %get3A_1700] {strides = array<i32>} : memref<2x2000xi32, #tpu.memory_space<vmem>>, vector<1x16xi32>,
    %get3A_1702 = vector.shape_cast %get3A_1701 : vector<1x16xi32> to vector<16xi32>
    %mul3A_1703 = arith.constant 4 : i32
    %mul3A_1704 = vector.broadcast %mul3A_1703 : i32 to vector<16xi32>
    %mul3A_1705 = arith.muli %get3A_1702, %mul3A_1704 : vector<16xi32>
    %add3A_1706 = vector.broadcast %add3A_99 : i32 to vector<16xi32>
    %add3A_1707 = arith.addi %mul3A_1705, %add3A_1706 : vector<16xi32>
    %swap3A_1708 = arith.constant 0 : i32
    %swap3A_1709 = arith.index_cast %swap3A_1708 : i32 to index
    %swap3A_1710 = arith.constant 1600 : index
    %swap3A_1711 = tpu.vector_load %arg8[%swap3A_1709, %swap3A_1710] {strides = array<i32>} : memref<2x2000xi32, #tpu.memory_space<vmem>>, vector<1x16xi32>,
    %swap3A_1712 = vector.shape_cast %swap3A_1711 : vector<1x16xi32> to vector<16xi32>
    %swap3A_1713 = vector.shape_cast %add3A_1707 : vector<16xi32> to vector<1x16xi32>
    tpu.vector_store %arg8[%swap3A_1709, %swap3A_1710], %swap3A_1713 {strides = array<i32>} : memref<2x2000xi32, #tpu.memory_space<vmem>>, vector<1x16xi32>,
    %get3A_1714 = arith.constant 0 : i32
    %get3A_1715 = arith.index_cast %get3A_1714 : i32 to index
    %get3A_1716 = arith.constant 1616 : index
    %get3A_1717 = tpu.vector_load %arg7[%get3A_1715, %get3A_1716] {strides = array<i32>} : memref<2x2000xi32, #tpu.memory_space<vmem>>, vector<1x16xi32>,
    %get3A_1718 = vector.shape_cast %get3A_1717 : vector<1x16xi32> to vector<16xi32>
    %mul3A_1719 = arith.constant 4 : i32
    %mul3A_1720 = vector.broadcast %mul3A_1719 : i32 to vector<16xi32>
    %mul3A_1721 = arith.muli %get3A_1718, %mul3A_1720 : vector<16xi32>
    %add3A_1722 = vector.broadcast %add3A_99 : i32 to vector<16xi32>
    %add3A_1723 = arith.addi %mul3A_1721, %add3A_1722 : vector<16xi32>
    %swap3A_1724 = arith.constant 0 : i32
    %swap3A_1725 = arith.index_cast %swap3A_1724 : i32 to index
    %swap3A_1726 = arith.constant 1616 : index
    %swap3A_1727 = tpu.vector_load %arg8[%swap3A_1725, %swap3A_1726] {strides = array<i32>} : memref<2x2000xi32, #tpu.memory_space<vmem>>, vector<1x16xi32>,
    %swap3A_1728 = vector.shape_cast %swap3A_1727 : vector<1x16xi32> to vector<16xi32>
    %swap3A_1729 = vector.shape_cast %add3A_1723 : vector<16xi32> to vector<1x16xi32>
    tpu.vector_store %arg8[%swap3A_1725, %swap3A_1726], %swap3A_1729 {strides = array<i32>} : memref<2x2000xi32, #tpu.memory_space<vmem>>, vector<1x16xi32>,
    %get3A_1730 = arith.constant 0 : i32
    %get3A_1731 = arith.index_cast %get3A_1730 : i32 to index
    %get3A_1732 = arith.constant 1632 : index
    %get3A_1733 = tpu.vector_load %arg7[%get3A_1731, %get3A_1732] {strides = array<i32>} : memref<2x2000xi32, #tpu.memory_space<vmem>>, vector<1x16xi32>,
    %get3A_1734 = vector.shape_cast %get3A_1733 : vector<1x16xi32> to vector<16xi32>
    %mul3A_1735 = arith.constant 4 : i32
    %mul3A_1736 = vector.broadcast %mul3A_1735 : i32 to vector<16xi32>
    %mul3A_1737 = arith.muli %get3A_1734, %mul3A_1736 : vector<16xi32>
    %add3A_1738 = vector.broadcast %add3A_99 : i32 to vector<16xi32>
    %add3A_1739 = arith.addi %mul3A_1737, %add3A_1738 : vector<16xi32>
    %swap3A_1740 = arith.constant 0 : i32
    %swap3A_1741 = arith.index_cast %swap3A_1740 : i32 to index
    %swap3A_1742 = arith.constant 1632 : index
    %swap3A_1743 = tpu.vector_load %arg8[%swap3A_1741, %swap3A_1742] {strides = array<i32>} : memref<2x2000xi32, #tpu.memory_space<vmem>>, vector<1x16xi32>,
    %swap3A_1744 = vector.shape_cast %swap3A_1743 : vector<1x16xi32> to vector<16xi32>
    %swap3A_1745 = vector.shape_cast %add3A_1739 : vector<16xi32> to vector<1x16xi32>
    tpu.vector_store %arg8[%swap3A_1741, %swap3A_1742], %swap3A_1745 {strides = array<i32>} : memref<2x2000xi32, #tpu.memory_space<vmem>>, vector<1x16xi32>,
    %get3A_1746 = arith.constant 0 : i32
    %get3A_1747 = arith.index_cast %get3A_1746 : i32 to index
    %get3A_1748 = arith.constant 1648 : index
    %get3A_1749 = tpu.vector_load %arg7[%get3A_1747, %get3A_1748] {strides = array<i32>} : memref<2x2000xi32, #tpu.memory_space<vmem>>, vector<1x16xi32>,
    %get3A_1750 = vector.shape_cast %get3A_1749 : vector<1x16xi32> to vector<16xi32>
    %mul3A_1751 = arith.constant 4 : i32
    %mul3A_1752 = vector.broadcast %mul3A_1751 : i32 to vector<16xi32>
    %mul3A_1753 = arith.muli %get3A_1750, %mul3A_1752 : vector<16xi32>
    %add3A_1754 = vector.broadcast %add3A_99 : i32 to vector<16xi32>
    %add3A_1755 = arith.addi %mul3A_1753, %add3A_1754 : vector<16xi32>
    %swap3A_1756 = arith.constant 0 : i32
    %swap3A_1757 = arith.index_cast %swap3A_1756 : i32 to index
    %swap3A_1758 = arith.constant 1648 : index
    %swap3A_1759 = tpu.vector_load %arg8[%swap3A_1757, %swap3A_1758] {strides = array<i32>} : memref<2x2000xi32, #tpu.memory_space<vmem>>, vector<1x16xi32>,
    %swap3A_1760 = vector.shape_cast %swap3A_1759 : vector<1x16xi32> to vector<16xi32>
    %swap3A_1761 = vector.shape_cast %add3A_1755 : vector<16xi32> to vector<1x16xi32>
    tpu.vector_store %arg8[%swap3A_1757, %swap3A_1758], %swap3A_1761 {strides = array<i32>} : memref<2x2000xi32, #tpu.memory_space<vmem>>, vector<1x16xi32>,
    %get3A_1762 = arith.constant 0 : i32
    %get3A_1763 = arith.index_cast %get3A_1762 : i32 to index
    %get3A_1764 = arith.constant 1664 : index
    %get3A_1765 = tpu.vector_load %arg7[%get3A_1763, %get3A_1764] {strides = array<i32>} : memref<2x2000xi32, #tpu.memory_space<vmem>>, vector<1x16xi32>,
    %get3A_1766 = vector.shape_cast %get3A_1765 : vector<1x16xi32> to vector<16xi32>
    %mul3A_1767 = arith.constant 4 : i32
    %mul3A_1768 = vector.broadcast %mul3A_1767 : i32 to vector<16xi32>
    %mul3A_1769 = arith.muli %get3A_1766, %mul3A_1768 : vector<16xi32>
    %add3A_1770 = vector.broadcast %add3A_99 : i32 to vector<16xi32>
    %add3A_1771 = arith.addi %mul3A_1769, %add3A_1770 : vector<16xi32>
    %swap3A_1772 = arith.constant 0 : i32
    %swap3A_1773 = arith.index_cast %swap3A_1772 : i32 to index
    %swap3A_1774 = arith.constant 1664 : index
    %swap3A_1775 = tpu.vector_load %arg8[%swap3A_1773, %swap3A_1774] {strides = array<i32>} : memref<2x2000xi32, #tpu.memory_space<vmem>>, vector<1x16xi32>,
    %swap3A_1776 = vector.shape_cast %swap3A_1775 : vector<1x16xi32> to vector<16xi32>
    %swap3A_1777 = vector.shape_cast %add3A_1771 : vector<16xi32> to vector<1x16xi32>
    tpu.vector_store %arg8[%swap3A_1773, %swap3A_1774], %swap3A_1777 {strides = array<i32>} : memref<2x2000xi32, #tpu.memory_space<vmem>>, vector<1x16xi32>,
    %get3A_1778 = arith.constant 0 : i32
    %get3A_1779 = arith.index_cast %get3A_1778 : i32 to index
    %get3A_1780 = arith.constant 1680 : index
    %get3A_1781 = tpu.vector_load %arg7[%get3A_1779, %get3A_1780] {strides = array<i32>} : memref<2x2000xi32, #tpu.memory_space<vmem>>, vector<1x16xi32>,
    %get3A_1782 = vector.shape_cast %get3A_1781 : vector<1x16xi32> to vector<16xi32>
    %mul3A_1783 = arith.constant 4 : i32
    %mul3A_1784 = vector.broadcast %mul3A_1783 : i32 to vector<16xi32>
    %mul3A_1785 = arith.muli %get3A_1782, %mul3A_1784 : vector<16xi32>
    %add3A_1786 = vector.broadcast %add3A_99 : i32 to vector<16xi32>
    %add3A_1787 = arith.addi %mul3A_1785, %add3A_1786 : vector<16xi32>
    %swap3A_1788 = arith.constant 0 : i32
    %swap3A_1789 = arith.index_cast %swap3A_1788 : i32 to index
    %swap3A_1790 = arith.constant 1680 : index
    %swap3A_1791 = tpu.vector_load %arg8[%swap3A_1789, %swap3A_1790] {strides = array<i32>} : memref<2x2000xi32, #tpu.memory_space<vmem>>, vector<1x16xi32>,
    %swap3A_1792 = vector.shape_cast %swap3A_1791 : vector<1x16xi32> to vector<16xi32>
    %swap3A_1793 = vector.shape_cast %add3A_1787 : vector<16xi32> to vector<1x16xi32>
    tpu.vector_store %arg8[%swap3A_1789, %swap3A_1790], %swap3A_1793 {strides = array<i32>} : memref<2x2000xi32, #tpu.memory_space<vmem>>, vector<1x16xi32>,
    %get3A_1794 = arith.constant 0 : i32
    %get3A_1795 = arith.index_cast %get3A_1794 : i32 to index
    %get3A_1796 = arith.constant 1696 : index
    %get3A_1797 = tpu.vector_load %arg7[%get3A_1795, %get3A_1796] {strides = array<i32>} : memref<2x2000xi32, #tpu.memory_space<vmem>>, vector<1x16xi32>,
    %get3A_1798 = vector.shape_cast %get3A_1797 : vector<1x16xi32> to vector<16xi32>
    %mul3A_1799 = arith.constant 4 : i32
    %mul3A_1800 = vector.broadcast %mul3A_1799 : i32 to vector<16xi32>
    %mul3A_1801 = arith.muli %get3A_1798, %mul3A_1800 : vector<16xi32>
    %add3A_1802 = vector.broadcast %add3A_99 : i32 to vector<16xi32>
    %add3A_1803 = arith.addi %mul3A_1801, %add3A_1802 : vector<16xi32>
    %swap3A_1804 = arith.constant 0 : i32
    %swap3A_1805 = arith.index_cast %swap3A_1804 : i32 to index
    %swap3A_1806 = arith.constant 1696 : index
    %swap3A_1807 = tpu.vector_load %arg8[%swap3A_1805, %swap3A_1806] {strides = array<i32>} : memref<2x2000xi32, #tpu.memory_space<vmem>>, vector<1x16xi32>,
    %swap3A_1808 = vector.shape_cast %swap3A_1807 : vector<1x16xi32> to vector<16xi32>
    %swap3A_1809 = vector.shape_cast %add3A_1803 : vector<16xi32> to vector<1x16xi32>
    tpu.vector_store %arg8[%swap3A_1805, %swap3A_1806], %swap3A_1809 {strides = array<i32>} : memref<2x2000xi32, #tpu.memory_space<vmem>>, vector<1x16xi32>,
    %get3A_1810 = arith.constant 0 : i32
    %get3A_1811 = arith.index_cast %get3A_1810 : i32 to index
    %get3A_1812 = arith.constant 1712 : index
    %get3A_1813 = tpu.vector_load %arg7[%get3A_1811, %get3A_1812] {strides = array<i32>} : memref<2x2000xi32, #tpu.memory_space<vmem>>, vector<1x16xi32>,
    %get3A_1814 = vector.shape_cast %get3A_1813 : vector<1x16xi32> to vector<16xi32>
    %mul3A_1815 = arith.constant 4 : i32
    %mul3A_1816 = vector.broadcast %mul3A_1815 : i32 to vector<16xi32>
    %mul3A_1817 = arith.muli %get3A_1814, %mul3A_1816 : vector<16xi32>
    %add3A_1818 = vector.broadcast %add3A_99 : i32 to vector<16xi32>
    %add3A_1819 = arith.addi %mul3A_1817, %add3A_1818 : vector<16xi32>
    %swap3A_1820 = arith.constant 0 : i32
    %swap3A_1821 = arith.index_cast %swap3A_1820 : i32 to index
    %swap3A_1822 = arith.constant 1712 : index
    %swap3A_1823 = tpu.vector_load %arg8[%swap3A_1821, %swap3A_1822] {strides = array<i32>} : memref<2x2000xi32, #tpu.memory_space<vmem>>, vector<1x16xi32>,
    %swap3A_1824 = vector.shape_cast %swap3A_1823 : vector<1x16xi32> to vector<16xi32>
    %swap3A_1825 = vector.shape_cast %add3A_1819 : vector<16xi32> to vector<1x16xi32>
    tpu.vector_store %arg8[%swap3A_1821, %swap3A_1822], %swap3A_1825 {strides = array<i32>} : memref<2x2000xi32, #tpu.memory_space<vmem>>, vector<1x16xi32>,
    %get3A_1826 = arith.constant 0 : i32
    %get3A_1827 = arith.index_cast %get3A_1826 : i32 to index
    %get3A_1828 = arith.constant 1728 : index
    %get3A_1829 = tpu.vector_load %arg7[%get3A_1827, %get3A_1828] {strides = array<i32>} : memref<2x2000xi32, #tpu.memory_space<vmem>>, vector<1x16xi32>,
    %get3A_1830 = vector.shape_cast %get3A_1829 : vector<1x16xi32> to vector<16xi32>
    %mul3A_1831 = arith.constant 4 : i32
    %mul3A_1832 = vector.broadcast %mul3A_1831 : i32 to vector<16xi32>
    %mul3A_1833 = arith.muli %get3A_1830, %mul3A_1832 : vector<16xi32>
    %add3A_1834 = vector.broadcast %add3A_99 : i32 to vector<16xi32>
    %add3A_1835 = arith.addi %mul3A_1833, %add3A_1834 : vector<16xi32>
    %swap3A_1836 = arith.constant 0 : i32
    %swap3A_1837 = arith.index_cast %swap3A_1836 : i32 to index
    %swap3A_1838 = arith.constant 1728 : index
    %swap3A_1839 = tpu.vector_load %arg8[%swap3A_1837, %swap3A_1838] {strides = array<i32>} : memref<2x2000xi32, #tpu.memory_space<vmem>>, vector<1x16xi32>,
    %swap3A_1840 = vector.shape_cast %swap3A_1839 : vector<1x16xi32> to vector<16xi32>
    %swap3A_1841 = vector.shape_cast %add3A_1835 : vector<16xi32> to vector<1x16xi32>
    tpu.vector_store %arg8[%swap3A_1837, %swap3A_1838], %swap3A_1841 {strides = array<i32>} : memref<2x2000xi32, #tpu.memory_space<vmem>>, vector<1x16xi32>,
    %get3A_1842 = arith.constant 0 : i32
    %get3A_1843 = arith.index_cast %get3A_1842 : i32 to index
    %get3A_1844 = arith.constant 1744 : index
    %get3A_1845 = tpu.vector_load %arg7[%get3A_1843, %get3A_1844] {strides = array<i32>} : memref<2x2000xi32, #tpu.memory_space<vmem>>, vector<1x16xi32>,
    %get3A_1846 = vector.shape_cast %get3A_1845 : vector<1x16xi32> to vector<16xi32>
    %mul3A_1847 = arith.constant 4 : i32
    %mul3A_1848 = vector.broadcast %mul3A_1847 : i32 to vector<16xi32>
    %mul3A_1849 = arith.muli %get3A_1846, %mul3A_1848 : vector<16xi32>
    %add3A_1850 = vector.broadcast %add3A_99 : i32 to vector<16xi32>
    %add3A_1851 = arith.addi %mul3A_1849, %add3A_1850 : vector<16xi32>
    %swap3A_1852 = arith.constant 0 : i32
    %swap3A_1853 = arith.index_cast %swap3A_1852 : i32 to index
    %swap3A_1854 = arith.constant 1744 : index
    %swap3A_1855 = tpu.vector_load %arg8[%swap3A_1853, %swap3A_1854] {strides = array<i32>} : memref<2x2000xi32, #tpu.memory_space<vmem>>, vector<1x16xi32>,
    %swap3A_1856 = vector.shape_cast %swap3A_1855 : vector<1x16xi32> to vector<16xi32>
    %swap3A_1857 = vector.shape_cast %add3A_1851 : vector<16xi32> to vector<1x16xi32>
    tpu.vector_store %arg8[%swap3A_1853, %swap3A_1854], %swap3A_1857 {strides = array<i32>} : memref<2x2000xi32, #tpu.memory_space<vmem>>, vector<1x16xi32>,
    %get3A_1858 = arith.constant 0 : i32
    %get3A_1859 = arith.index_cast %get3A_1858 : i32 to index
    %get3A_1860 = arith.constant 1760 : index
    %get3A_1861 = tpu.vector_load %arg7[%get3A_1859, %get3A_1860] {strides = array<i32>} : memref<2x2000xi32, #tpu.memory_space<vmem>>, vector<1x16xi32>,
    %get3A_1862 = vector.shape_cast %get3A_1861 : vector<1x16xi32> to vector<16xi32>
    %mul3A_1863 = arith.constant 4 : i32
    %mul3A_1864 = vector.broadcast %mul3A_1863 : i32 to vector<16xi32>
    %mul3A_1865 = arith.muli %get3A_1862, %mul3A_1864 : vector<16xi32>
    %add3A_1866 = vector.broadcast %add3A_99 : i32 to vector<16xi32>
    %add3A_1867 = arith.addi %mul3A_1865, %add3A_1866 : vector<16xi32>
    %swap3A_1868 = arith.constant 0 : i32
    %swap3A_1869 = arith.index_cast %swap3A_1868 : i32 to index
    %swap3A_1870 = arith.constant 1760 : index
    %swap3A_1871 = tpu.vector_load %arg8[%swap3A_1869, %swap3A_1870] {strides = array<i32>} : memref<2x2000xi32, #tpu.memory_space<vmem>>, vector<1x16xi32>,
    %swap3A_1872 = vector.shape_cast %swap3A_1871 : vector<1x16xi32> to vector<16xi32>
    %swap3A_1873 = vector.shape_cast %add3A_1867 : vector<16xi32> to vector<1x16xi32>
    tpu.vector_store %arg8[%swap3A_1869, %swap3A_1870], %swap3A_1873 {strides = array<i32>} : memref<2x2000xi32, #tpu.memory_space<vmem>>, vector<1x16xi32>,
    %get3A_1874 = arith.constant 0 : i32
    %get3A_1875 = arith.index_cast %get3A_1874 : i32 to index
    %get3A_1876 = arith.constant 1776 : index
    %get3A_1877 = tpu.vector_load %arg7[%get3A_1875, %get3A_1876] {strides = array<i32>} : memref<2x2000xi32, #tpu.memory_space<vmem>>, vector<1x16xi32>,
    %get3A_1878 = vector.shape_cast %get3A_1877 : vector<1x16xi32> to vector<16xi32>
    %mul3A_1879 = arith.constant 4 : i32
    %mul3A_1880 = vector.broadcast %mul3A_1879 : i32 to vector<16xi32>
    %mul3A_1881 = arith.muli %get3A_1878, %mul3A_1880 : vector<16xi32>
    %add3A_1882 = vector.broadcast %add3A_99 : i32 to vector<16xi32>
    %add3A_1883 = arith.addi %mul3A_1881, %add3A_1882 : vector<16xi32>
    %swap3A_1884 = arith.constant 0 : i32
    %swap3A_1885 = arith.index_cast %swap3A_1884 : i32 to index
    %swap3A_1886 = arith.constant 1776 : index
    %swap3A_1887 = tpu.vector_load %arg8[%swap3A_1885, %swap3A_1886] {strides = array<i32>} : memref<2x2000xi32, #tpu.memory_space<vmem>>, vector<1x16xi32>,
    %swap3A_1888 = vector.shape_cast %swap3A_1887 : vector<1x16xi32> to vector<16xi32>
    %swap3A_1889 = vector.shape_cast %add3A_1883 : vector<16xi32> to vector<1x16xi32>
    tpu.vector_store %arg8[%swap3A_1885, %swap3A_1886], %swap3A_1889 {strides = array<i32>} : memref<2x2000xi32, #tpu.memory_space<vmem>>, vector<1x16xi32>,
    %get3A_1890 = arith.constant 0 : i32
    %get3A_1891 = arith.index_cast %get3A_1890 : i32 to index
    %get3A_1892 = arith.constant 1792 : index
    %get3A_1893 = tpu.vector_load %arg7[%get3A_1891, %get3A_1892] {strides = array<i32>} : memref<2x2000xi32, #tpu.memory_space<vmem>>, vector<1x16xi32>,
    %get3A_1894 = vector.shape_cast %get3A_1893 : vector<1x16xi32> to vector<16xi32>
    %mul3A_1895 = arith.constant 4 : i32
    %mul3A_1896 = vector.broadcast %mul3A_1895 : i32 to vector<16xi32>
    %mul3A_1897 = arith.muli %get3A_1894, %mul3A_1896 : vector<16xi32>
    %add3A_1898 = vector.broadcast %add3A_99 : i32 to vector<16xi32>
    %add3A_1899 = arith.addi %mul3A_1897, %add3A_1898 : vector<16xi32>
    %swap3A_1900 = arith.constant 0 : i32
    %swap3A_1901 = arith.index_cast %swap3A_1900 : i32 to index
    %swap3A_1902 = arith.constant 1792 : index
    %swap3A_1903 = tpu.vector_load %arg8[%swap3A_1901, %swap3A_1902] {strides = array<i32>} : memref<2x2000xi32, #tpu.memory_space<vmem>>, vector<1x16xi32>,
    %swap3A_1904 = vector.shape_cast %swap3A_1903 : vector<1x16xi32> to vector<16xi32>
    %swap3A_1905 = vector.shape_cast %add3A_1899 : vector<16xi32> to vector<1x16xi32>
    tpu.vector_store %arg8[%swap3A_1901, %swap3A_1902], %swap3A_1905 {strides = array<i32>} : memref<2x2000xi32, #tpu.memory_space<vmem>>, vector<1x16xi32>,
    %get3A_1906 = arith.constant 0 : i32
    %get3A_1907 = arith.index_cast %get3A_1906 : i32 to index
    %get3A_1908 = arith.constant 1808 : index
    %get3A_1909 = tpu.vector_load %arg7[%get3A_1907, %get3A_1908] {strides = array<i32>} : memref<2x2000xi32, #tpu.memory_space<vmem>>, vector<1x16xi32>,
    %get3A_1910 = vector.shape_cast %get3A_1909 : vector<1x16xi32> to vector<16xi32>
    %mul3A_1911 = arith.constant 4 : i32
    %mul3A_1912 = vector.broadcast %mul3A_1911 : i32 to vector<16xi32>
    %mul3A_1913 = arith.muli %get3A_1910, %mul3A_1912 : vector<16xi32>
    %add3A_1914 = vector.broadcast %add3A_99 : i32 to vector<16xi32>
    %add3A_1915 = arith.addi %mul3A_1913, %add3A_1914 : vector<16xi32>
    %swap3A_1916 = arith.constant 0 : i32
    %swap3A_1917 = arith.index_cast %swap3A_1916 : i32 to index
    %swap3A_1918 = arith.constant 1808 : index
    %swap3A_1919 = tpu.vector_load %arg8[%swap3A_1917, %swap3A_1918] {strides = array<i32>} : memref<2x2000xi32, #tpu.memory_space<vmem>>, vector<1x16xi32>,
    %swap3A_1920 = vector.shape_cast %swap3A_1919 : vector<1x16xi32> to vector<16xi32>
    %swap3A_1921 = vector.shape_cast %add3A_1915 : vector<16xi32> to vector<1x16xi32>
    tpu.vector_store %arg8[%swap3A_1917, %swap3A_1918], %swap3A_1921 {strides = array<i32>} : memref<2x2000xi32, #tpu.memory_space<vmem>>, vector<1x16xi32>,
    %get3A_1922 = arith.constant 0 : i32
    %get3A_1923 = arith.index_cast %get3A_1922 : i32 to index
    %get3A_1924 = arith.constant 1824 : index
    %get3A_1925 = tpu.vector_load %arg7[%get3A_1923, %get3A_1924] {strides = array<i32>} : memref<2x2000xi32, #tpu.memory_space<vmem>>, vector<1x16xi32>,
    %get3A_1926 = vector.shape_cast %get3A_1925 : vector<1x16xi32> to vector<16xi32>
    %mul3A_1927 = arith.constant 4 : i32
    %mul3A_1928 = vector.broadcast %mul3A_1927 : i32 to vector<16xi32>
    %mul3A_1929 = arith.muli %get3A_1926, %mul3A_1928 : vector<16xi32>
    %add3A_1930 = vector.broadcast %add3A_99 : i32 to vector<16xi32>
    %add3A_1931 = arith.addi %mul3A_1929, %add3A_1930 : vector<16xi32>
    %swap3A_1932 = arith.constant 0 : i32
    %swap3A_1933 = arith.index_cast %swap3A_1932 : i32 to index
    %swap3A_1934 = arith.constant 1824 : index
    %swap3A_1935 = tpu.vector_load %arg8[%swap3A_1933, %swap3A_1934] {strides = array<i32>} : memref<2x2000xi32, #tpu.memory_space<vmem>>, vector<1x16xi32>,
    %swap3A_1936 = vector.shape_cast %swap3A_1935 : vector<1x16xi32> to vector<16xi32>
    %swap3A_1937 = vector.shape_cast %add3A_1931 : vector<16xi32> to vector<1x16xi32>
    tpu.vector_store %arg8[%swap3A_1933, %swap3A_1934], %swap3A_1937 {strides = array<i32>} : memref<2x2000xi32, #tpu.memory_space<vmem>>, vector<1x16xi32>,
    %get3A_1938 = arith.constant 0 : i32
    %get3A_1939 = arith.index_cast %get3A_1938 : i32 to index
    %get3A_1940 = arith.constant 1840 : index
    %get3A_1941 = tpu.vector_load %arg7[%get3A_1939, %get3A_1940] {strides = array<i32>} : memref<2x2000xi32, #tpu.memory_space<vmem>>, vector<1x16xi32>,
    %get3A_1942 = vector.shape_cast %get3A_1941 : vector<1x16xi32> to vector<16xi32>
    %mul3A_1943 = arith.constant 4 : i32
    %mul3A_1944 = vector.broadcast %mul3A_1943 : i32 to vector<16xi32>
    %mul3A_1945 = arith.muli %get3A_1942, %mul3A_1944 : vector<16xi32>
    %add3A_1946 = vector.broadcast %add3A_99 : i32 to vector<16xi32>
    %add3A_1947 = arith.addi %mul3A_1945, %add3A_1946 : vector<16xi32>
    %swap3A_1948 = arith.constant 0 : i32
    %swap3A_1949 = arith.index_cast %swap3A_1948 : i32 to index
    %swap3A_1950 = arith.constant 1840 : index
    %swap3A_1951 = tpu.vector_load %arg8[%swap3A_1949, %swap3A_1950] {strides = array<i32>} : memref<2x2000xi32, #tpu.memory_space<vmem>>, vector<1x16xi32>,
    %swap3A_1952 = vector.shape_cast %swap3A_1951 : vector<1x16xi32> to vector<16xi32>
    %swap3A_1953 = vector.shape_cast %add3A_1947 : vector<16xi32> to vector<1x16xi32>
    tpu.vector_store %arg8[%swap3A_1949, %swap3A_1950], %swap3A_1953 {strides = array<i32>} : memref<2x2000xi32, #tpu.memory_space<vmem>>, vector<1x16xi32>,
    %get3A_1954 = arith.constant 0 : i32
    %get3A_1955 = arith.index_cast %get3A_1954 : i32 to index
    %get3A_1956 = arith.constant 1856 : index
    %get3A_1957 = tpu.vector_load %arg7[%get3A_1955, %get3A_1956] {strides = array<i32>} : memref<2x2000xi32, #tpu.memory_space<vmem>>, vector<1x16xi32>,
    %get3A_1958 = vector.shape_cast %get3A_1957 : vector<1x16xi32> to vector<16xi32>
    %mul3A_1959 = arith.constant 4 : i32
    %mul3A_1960 = vector.broadcast %mul3A_1959 : i32 to vector<16xi32>
    %mul3A_1961 = arith.muli %get3A_1958, %mul3A_1960 : vector<16xi32>
    %add3A_1962 = vector.broadcast %add3A_99 : i32 to vector<16xi32>
    %add3A_1963 = arith.addi %mul3A_1961, %add3A_1962 : vector<16xi32>
    %swap3A_1964 = arith.constant 0 : i32
    %swap3A_1965 = arith.index_cast %swap3A_1964 : i32 to index
    %swap3A_1966 = arith.constant 1856 : index
    %swap3A_1967 = tpu.vector_load %arg8[%swap3A_1965, %swap3A_1966] {strides = array<i32>} : memref<2x2000xi32, #tpu.memory_space<vmem>>, vector<1x16xi32>,
    %swap3A_1968 = vector.shape_cast %swap3A_1967 : vector<1x16xi32> to vector<16xi32>
    %swap3A_1969 = vector.shape_cast %add3A_1963 : vector<16xi32> to vector<1x16xi32>
    tpu.vector_store %arg8[%swap3A_1965, %swap3A_1966], %swap3A_1969 {strides = array<i32>} : memref<2x2000xi32, #tpu.memory_space<vmem>>, vector<1x16xi32>,
    %get3A_1970 = arith.constant 0 : i32
    %get3A_1971 = arith.index_cast %get3A_1970 : i32 to index
    %get3A_1972 = arith.constant 1872 : index
    %get3A_1973 = tpu.vector_load %arg7[%get3A_1971, %get3A_1972] {strides = array<i32>} : memref<2x2000xi32, #tpu.memory_space<vmem>>, vector<1x16xi32>,
    %get3A_1974 = vector.shape_cast %get3A_1973 : vector<1x16xi32> to vector<16xi32>
    %mul3A_1975 = arith.constant 4 : i32
    %mul3A_1976 = vector.broadcast %mul3A_1975 : i32 to vector<16xi32>
    %mul3A_1977 = arith.muli %get3A_1974, %mul3A_1976 : vector<16xi32>
    %add3A_1978 = vector.broadcast %add3A_99 : i32 to vector<16xi32>
    %add3A_1979 = arith.addi %mul3A_1977, %add3A_1978 : vector<16xi32>
    %swap3A_1980 = arith.constant 0 : i32
    %swap3A_1981 = arith.index_cast %swap3A_1980 : i32 to index
    %swap3A_1982 = arith.constant 1872 : index
    %swap3A_1983 = tpu.vector_load %arg8[%swap3A_1981, %swap3A_1982] {strides = array<i32>} : memref<2x2000xi32, #tpu.memory_space<vmem>>, vector<1x16xi32>,
    %swap3A_1984 = vector.shape_cast %swap3A_1983 : vector<1x16xi32> to vector<16xi32>
    %swap3A_1985 = vector.shape_cast %add3A_1979 : vector<16xi32> to vector<1x16xi32>
    tpu.vector_store %arg8[%swap3A_1981, %swap3A_1982], %swap3A_1985 {strides = array<i32>} : memref<2x2000xi32, #tpu.memory_space<vmem>>, vector<1x16xi32>,
    %get3A_1986 = arith.constant 0 : i32
    %get3A_1987 = arith.index_cast %get3A_1986 : i32 to index
    %get3A_1988 = arith.constant 1888 : index
    %get3A_1989 = tpu.vector_load %arg7[%get3A_1987, %get3A_1988] {strides = array<i32>} : memref<2x2000xi32, #tpu.memory_space<vmem>>, vector<1x16xi32>,
    %get3A_1990 = vector.shape_cast %get3A_1989 : vector<1x16xi32> to vector<16xi32>
    %mul3A_1991 = arith.constant 4 : i32
    %mul3A_1992 = vector.broadcast %mul3A_1991 : i32 to vector<16xi32>
    %mul3A_1993 = arith.muli %get3A_1990, %mul3A_1992 : vector<16xi32>
    %add3A_1994 = vector.broadcast %add3A_99 : i32 to vector<16xi32>
    %add3A_1995 = arith.addi %mul3A_1993, %add3A_1994 : vector<16xi32>
    %swap3A_1996 = arith.constant 0 : i32
    %swap3A_1997 = arith.index_cast %swap3A_1996 : i32 to index
    %swap3A_1998 = arith.constant 1888 : index
    %swap3A_1999 = tpu.vector_load %arg8[%swap3A_1997, %swap3A_1998] {strides = array<i32>} : memref<2x2000xi32, #tpu.memory_space<vmem>>, vector<1x16xi32>,
    %swap3A_2000 = vector.shape_cast %swap3A_1999 : vector<1x16xi32> to vector<16xi32>
    %swap3A_2001 = vector.shape_cast %add3A_1995 : vector<16xi32> to vector<1x16xi32>
    tpu.vector_store %arg8[%swap3A_1997, %swap3A_1998], %swap3A_2001 {strides = array<i32>} : memref<2x2000xi32, #tpu.memory_space<vmem>>, vector<1x16xi32>,
    %get3A_2002 = arith.constant 0 : i32
    %get3A_2003 = arith.index_cast %get3A_2002 : i32 to index
    %get3A_2004 = arith.constant 1904 : index
    %get3A_2005 = tpu.vector_load %arg7[%get3A_2003, %get3A_2004] {strides = array<i32>} : memref<2x2000xi32, #tpu.memory_space<vmem>>, vector<1x16xi32>,
    %get3A_2006 = vector.shape_cast %get3A_2005 : vector<1x16xi32> to vector<16xi32>
    %mul3A_2007 = arith.constant 4 : i32
    %mul3A_2008 = vector.broadcast %mul3A_2007 : i32 to vector<16xi32>
    %mul3A_2009 = arith.muli %get3A_2006, %mul3A_2008 : vector<16xi32>
    %add3A_2010 = vector.broadcast %add3A_99 : i32 to vector<16xi32>
    %add3A_2011 = arith.addi %mul3A_2009, %add3A_2010 : vector<16xi32>
    %swap3A_2012 = arith.constant 0 : i32
    %swap3A_2013 = arith.index_cast %swap3A_2012 : i32 to index
    %swap3A_2014 = arith.constant 1904 : index
    %swap3A_2015 = tpu.vector_load %arg8[%swap3A_2013, %swap3A_2014] {strides = array<i32>} : memref<2x2000xi32, #tpu.memory_space<vmem>>, vector<1x16xi32>,
    %swap3A_2016 = vector.shape_cast %swap3A_2015 : vector<1x16xi32> to vector<16xi32>
    %swap3A_2017 = vector.shape_cast %add3A_2011 : vector<16xi32> to vector<1x16xi32>
    tpu.vector_store %arg8[%swap3A_2013, %swap3A_2014], %swap3A_2017 {strides = array<i32>} : memref<2x2000xi32, #tpu.memory_space<vmem>>, vector<1x16xi32>,
    %get3A_2018 = arith.constant 0 : i32
    %get3A_2019 = arith.index_cast %get3A_2018 : i32 to index
    %get3A_2020 = arith.constant 1920 : index
    %get3A_2021 = tpu.vector_load %arg7[%get3A_2019, %get3A_2020] {strides = array<i32>} : memref<2x2000xi32, #tpu.memory_space<vmem>>, vector<1x16xi32>,
    %get3A_2022 = vector.shape_cast %get3A_2021 : vector<1x16xi32> to vector<16xi32>
    %mul3A_2023 = arith.constant 4 : i32
    %mul3A_2024 = vector.broadcast %mul3A_2023 : i32 to vector<16xi32>
    %mul3A_2025 = arith.muli %get3A_2022, %mul3A_2024 : vector<16xi32>
    %add3A_2026 = vector.broadcast %add3A_99 : i32 to vector<16xi32>
    %add3A_2027 = arith.addi %mul3A_2025, %add3A_2026 : vector<16xi32>
    %swap3A_2028 = arith.constant 0 : i32
    %swap3A_2029 = arith.index_cast %swap3A_2028 : i32 to index
    %swap3A_2030 = arith.constant 1920 : index
    %swap3A_2031 = tpu.vector_load %arg8[%swap3A_2029, %swap3A_2030] {strides = array<i32>} : memref<2x2000xi32, #tpu.memory_space<vmem>>, vector<1x16xi32>,
    %swap3A_2032 = vector.shape_cast %swap3A_2031 : vector<1x16xi32> to vector<16xi32>
    %swap3A_2033 = vector.shape_cast %add3A_2027 : vector<16xi32> to vector<1x16xi32>
    tpu.vector_store %arg8[%swap3A_2029, %swap3A_2030], %swap3A_2033 {strides = array<i32>} : memref<2x2000xi32, #tpu.memory_space<vmem>>, vector<1x16xi32>,
    %get3A_2034 = arith.constant 0 : i32
    %get3A_2035 = arith.index_cast %get3A_2034 : i32 to index
    %get3A_2036 = arith.constant 1936 : index
    %get3A_2037 = tpu.vector_load %arg7[%get3A_2035, %get3A_2036] {strides = array<i32>} : memref<2x2000xi32, #tpu.memory_space<vmem>>, vector<1x16xi32>,
    %get3A_2038 = vector.shape_cast %get3A_2037 : vector<1x16xi32> to vector<16xi32>
    %mul3A_2039 = arith.constant 4 : i32
    %mul3A_2040 = vector.broadcast %mul3A_2039 : i32 to vector<16xi32>
    %mul3A_2041 = arith.muli %get3A_2038, %mul3A_2040 : vector<16xi32>
    %add3A_2042 = vector.broadcast %add3A_99 : i32 to vector<16xi32>
    %add3A_2043 = arith.addi %mul3A_2041, %add3A_2042 : vector<16xi32>
    %swap3A_2044 = arith.constant 0 : i32
    %swap3A_2045 = arith.index_cast %swap3A_2044 : i32 to index
    %swap3A_2046 = arith.constant 1936 : index
    %swap3A_2047 = tpu.vector_load %arg8[%swap3A_2045, %swap3A_2046] {strides = array<i32>} : memref<2x2000xi32, #tpu.memory_space<vmem>>, vector<1x16xi32>,
    %swap3A_2048 = vector.shape_cast %swap3A_2047 : vector<1x16xi32> to vector<16xi32>
    %swap3A_2049 = vector.shape_cast %add3A_2043 : vector<16xi32> to vector<1x16xi32>
    tpu.vector_store %arg8[%swap3A_2045, %swap3A_2046], %swap3A_2049 {strides = array<i32>} : memref<2x2000xi32, #tpu.memory_space<vmem>>, vector<1x16xi32>,
    %get3A_2050 = arith.constant 0 : i32
    %get3A_2051 = arith.index_cast %get3A_2050 : i32 to index
    %get3A_2052 = arith.constant 1952 : index
    %get3A_2053 = tpu.vector_load %arg7[%get3A_2051, %get3A_2052] {strides = array<i32>} : memref<2x2000xi32, #tpu.memory_space<vmem>>, vector<1x16xi32>,
    %get3A_2054 = vector.shape_cast %get3A_2053 : vector<1x16xi32> to vector<16xi32>
    %mul3A_2055 = arith.constant 4 : i32
    %mul3A_2056 = vector.broadcast %mul3A_2055 : i32 to vector<16xi32>
    %mul3A_2057 = arith.muli %get3A_2054, %mul3A_2056 : vector<16xi32>
    %add3A_2058 = vector.broadcast %add3A_99 : i32 to vector<16xi32>
    %add3A_2059 = arith.addi %mul3A_2057, %add3A_2058 : vector<16xi32>
    %swap3A_2060 = arith.constant 0 : i32
    %swap3A_2061 = arith.index_cast %swap3A_2060 : i32 to index
    %swap3A_2062 = arith.constant 1952 : index
    %swap3A_2063 = tpu.vector_load %arg8[%swap3A_2061, %swap3A_2062] {strides = array<i32>} : memref<2x2000xi32, #tpu.memory_space<vmem>>, vector<1x16xi32>,
    %swap3A_2064 = vector.shape_cast %swap3A_2063 : vector<1x16xi32> to vector<16xi32>
    %swap3A_2065 = vector.shape_cast %add3A_2059 : vector<16xi32> to vector<1x16xi32>
    tpu.vector_store %arg8[%swap3A_2061, %swap3A_2062], %swap3A_2065 {strides = array<i32>} : memref<2x2000xi32, #tpu.memory_space<vmem>>, vector<1x16xi32>,
    %get3A_2066 = arith.constant 0 : i32
    %get3A_2067 = arith.index_cast %get3A_2066 : i32 to index
    %get3A_2068 = arith.constant 1968 : index
    %get3A_2069 = tpu.vector_load %arg7[%get3A_2067, %get3A_2068] {strides = array<i32>} : memref<2x2000xi32, #tpu.memory_space<vmem>>, vector<1x16xi32>,
    %get3A_2070 = vector.shape_cast %get3A_2069 : vector<1x16xi32> to vector<16xi32>
    %mul3A_2071 = arith.constant 4 : i32
    %mul3A_2072 = vector.broadcast %mul3A_2071 : i32 to vector<16xi32>
    %mul3A_2073 = arith.muli %get3A_2070, %mul3A_2072 : vector<16xi32>
    %add3A_2074 = vector.broadcast %add3A_99 : i32 to vector<16xi32>
    %add3A_2075 = arith.addi %mul3A_2073, %add3A_2074 : vector<16xi32>
    %swap3A_2076 = arith.constant 0 : i32
    %swap3A_2077 = arith.index_cast %swap3A_2076 : i32 to index
    %swap3A_2078 = arith.constant 1968 : index
    %swap3A_2079 = tpu.vector_load %arg8[%swap3A_2077, %swap3A_2078] {strides = array<i32>} : memref<2x2000xi32, #tpu.memory_space<vmem>>, vector<1x16xi32>,
    %swap3A_2080 = vector.shape_cast %swap3A_2079 : vector<1x16xi32> to vector<16xi32>
    %swap3A_2081 = vector.shape_cast %add3A_2075 : vector<16xi32> to vector<1x16xi32>
    tpu.vector_store %arg8[%swap3A_2077, %swap3A_2078], %swap3A_2081 {strides = array<i32>} : memref<2x2000xi32, #tpu.memory_space<vmem>>, vector<1x16xi32>,
    %get3A_2082 = arith.constant 0 : i32
    %get3A_2083 = arith.index_cast %get3A_2082 : i32 to index
    %get3A_2084 = arith.constant 1984 : index
    %get3A_2085 = tpu.vector_load %arg7[%get3A_2083, %get3A_2084] {strides = array<i32>} : memref<2x2000xi32, #tpu.memory_space<vmem>>, vector<1x16xi32>,
    %get3A_2086 = vector.shape_cast %get3A_2085 : vector<1x16xi32> to vector<16xi32>
    %mul3A_2087 = arith.constant 4 : i32
    %mul3A_2088 = vector.broadcast %mul3A_2087 : i32 to vector<16xi32>
    %mul3A_2089 = arith.muli %get3A_2086, %mul3A_2088 : vector<16xi32>
    %add3A_2090 = vector.broadcast %add3A_99 : i32 to vector<16xi32>
    %add3A_2091 = arith.addi %mul3A_2089, %add3A_2090 : vector<16xi32>
    %swap3A_2092 = arith.constant 0 : i32
    %swap3A_2093 = arith.index_cast %swap3A_2092 : i32 to index
    %swap3A_2094 = arith.constant 1984 : index
    %swap3A_2095 = tpu.vector_load %arg8[%swap3A_2093, %swap3A_2094] {strides = array<i32>} : memref<2x2000xi32, #tpu.memory_space<vmem>>, vector<1x16xi32>,
    %swap3A_2096 = vector.shape_cast %swap3A_2095 : vector<1x16xi32> to vector<16xi32>
    %swap3A_2097 = vector.shape_cast %add3A_2091 : vector<16xi32> to vector<1x16xi32>
    tpu.vector_store %arg8[%swap3A_2093, %swap3A_2094], %swap3A_2097 {strides = array<i32>} : memref<2x2000xi32, #tpu.memory_space<vmem>>, vector<1x16xi32>,
    %mul3A_2098 = arith.constant 20000 : i32
    %mul3A_2099 = arith.muli %arg1, %mul3A_2098 : i32
    %add3A_2100 = arith.constant 2000 : i32
    %add3A_2101 = arith.addi %mul3A_2099, %add3A_2100 : i32
    %mul3A_2102 = arith.constant 2 : i32
    %mul3A_2103 = arith.muli %mul3A_2102, %arg0 : i32
    %add3A_2104 = arith.constant 0 : i32
    %add3A_2105 = arith.addi %mul3A_2103, %add3A_2104 : i32
    %mul3A_2106 = arith.constant 2 : i32
    %mul3A_2107 = arith.muli %mul3A_2106, %add3A_2105 : i32
    %dma_start3A_2108 = arith.constant 1 : i32
    %dma_start3A_2109 = arith.constant 0 : i32
    %dma_start3A_2110 = tpu.memref_slice %arg6[%dma_start3A_2108, %dma_start3A_2109] : memref<2x2000xi32, #tpu.memory_space<vmem>> -> memref<1x2000xi32, #tpu.memory_space<vmem>>
    %dma_start3A_2111 = tpu.memref_squeeze %dma_start3A_2110 : memref<1x2000xi32, #tpu.memory_space<vmem>> -> memref<2000xi32, #tpu.memory_space<vmem>>
    %dma_start3A_2112 = tpu.memref_slice %arg3[%mul3A_2107, %add3A_2101] : memref<8x320000xi32, #tpu.memory_space<hbm>> -> memref<1x2000xi32, #tpu.memory_space<hbm>>
    %dma_start3A_2113 = tpu.memref_squeeze %dma_start3A_2112 : memref<1x2000xi32, #tpu.memory_space<hbm>> -> memref<2000xi32, #tpu.memory_space<hbm>>
    %dma_start3A_2114 = arith.constant 0 : i32
    %dma_start3A_2115 = tpu.memref_slice %arg6[%dma_start3A_2108, %dma_start3A_2114] : memref<2x2000xi32, #tpu.memory_space<vmem>> -> memref<1x2000xi32, #tpu.memory_space<vmem>>
    %dma_start3A_2116 = tpu.memref_squeeze %dma_start3A_2115 : memref<1x2000xi32, #tpu.memory_space<vmem>> -> memref<2000xi32, #tpu.memory_space<vmem>>
    %dma_start3A_2117 = tpu.memref_slice %arg3[%mul3A_2107, %add3A_2101] : memref<8x320000xi32, #tpu.memory_space<hbm>> -> memref<1x2000xi32, #tpu.memory_space<hbm>>
    %dma_start3A_2118 = tpu.memref_squeeze %dma_start3A_2117 : memref<1x2000xi32, #tpu.memory_space<hbm>> -> memref<2000xi32, #tpu.memory_space<hbm>>
    tpu.enqueue_dma source(%dma_start3A_2118 : memref<2000xi32, #tpu.memory_space<hbm>>) target(%dma_start3A_2116 : memref<2000xi32, #tpu.memory_space<vmem>>) target_semaphore(%arg12 : memref<!tpu.dma_semaphore, #tpu.memory_space<semaphore_mem>>)
    %mul3A_2119 = arith.constant 2 : i32
    %mul3A_2120 = arith.muli %mul3A_2119, %arg0 : i32
    %add3A_2121 = arith.constant 0 : i32
    %add3A_2122 = arith.addi %mul3A_2120, %add3A_2121 : i32
    %mul3A_2123 = arith.constant 2 : i32
    %mul3A_2124 = arith.muli %mul3A_2123, %add3A_2122 : i32
    %add3A_2125 = arith.constant 1 : i32
    %add3A_2126 = arith.addi %mul3A_2124, %add3A_2125 : i32
    %dma_start3A_2127 = arith.constant 1 : i32
    %dma_start3A_2128 = arith.constant 0 : i32
    %dma_start3A_2129 = tpu.memref_slice %arg7[%dma_start3A_2127, %dma_start3A_2128] : memref<2x2000xi32, #tpu.memory_space<vmem>> -> memref<1x2000xi32, #tpu.memory_space<vmem>>
    %dma_start3A_2130 = tpu.memref_squeeze %dma_start3A_2129 : memref<1x2000xi32, #tpu.memory_space<vmem>> -> memref<2000xi32, #tpu.memory_space<vmem>>
    %dma_start3A_2131 = tpu.memref_slice %arg3[%add3A_2126, %add3A_2101] : memref<8x320000xi32, #tpu.memory_space<hbm>> -> memref<1x2000xi32, #tpu.memory_space<hbm>>
    %dma_start3A_2132 = tpu.memref_squeeze %dma_start3A_2131 : memref<1x2000xi32, #tpu.memory_space<hbm>> -> memref<2000xi32, #tpu.memory_space<hbm>>
    %dma_start3A_2133 = arith.constant 0 : i32
    %dma_start3A_2134 = tpu.memref_slice %arg7[%dma_start3A_2127, %dma_start3A_2133] : memref<2x2000xi32, #tpu.memory_space<vmem>> -> memref<1x2000xi32, #tpu.memory_space<vmem>>
    %dma_start3A_2135 = tpu.memref_squeeze %dma_start3A_2134 : memref<1x2000xi32, #tpu.memory_space<vmem>> -> memref<2000xi32, #tpu.memory_space<vmem>>
    %dma_start3A_2136 = tpu.memref_slice %arg3[%add3A_2126, %add3A_2101] : memref<8x320000xi32, #tpu.memory_space<hbm>> -> memref<1x2000xi32, #tpu.memory_space<hbm>>
    %dma_start3A_2137 = tpu.memref_squeeze %dma_start3A_2136 : memref<1x2000xi32, #tpu.memory_space<hbm>> -> memref<2000xi32, #tpu.memory_space<hbm>>
    tpu.enqueue_dma source(%dma_start3A_2137 : memref<2000xi32, #tpu.memory_space<hbm>>) target(%dma_start3A_2135 : memref<2000xi32, #tpu.memory_space<vmem>>) target_semaphore(%arg12 : memref<!tpu.dma_semaphore, #tpu.memory_space<semaphore_mem>>)
    %scan3A = arith.constant 0 : i32
    %scan3A_2138 = arith.constant 0 : i32
    %scan3A_2139 = arith.constant 20 : i32
    %scan3A_2140 = arith.addi %scan3A_2138, %scan3A_2139 : i32
    %scan3A_2141 = arith.constant 1 : i32
    scf.for %scan3A_2177 = %scan3A_2138 to %scan3A_2140 step %scan3A_2141  : i32 {
      %jit3A_2178 = arith.constant 2 : i32
      %eq3A_2179 = arith.constant 0 : i32
      %eq3A_2180 = arith.cmpi eq, %jit3A_2178, %eq3A_2179 : i32
      %jit3A_2181 = arith.constant 1 : i32
      %select_n3A_2182 = arith.select %eq3A_2180, %jit3A_2181, %jit3A_2178 : i32
      %rem3A_2183 = arith.remsi %scan3A_2177, %select_n3A_2182 : i32
      %ne3A_2184 = arith.constant 0 : i32
      %ne3A_2185 = arith.cmpi ne, %rem3A_2183, %ne3A_2184 : i32
      %lt3A_2186 = arith.constant 0 : i32
      %lt3A_2187 = arith.cmpi slt, %rem3A_2183, %lt3A_2186 : i32
      %lt3A_2188 = arith.constant 0 : i32
      %lt3A_2189 = arith.cmpi slt, %select_n3A_2182, %lt3A_2188 : i32
      %ne3A_2190 = arith.xori %lt3A_2187, %lt3A_2189 : i1
      %and3A_2191 = arith.andi %ne3A_2190, %ne3A_2185 : i1
      %add3A_2192 = arith.addi %rem3A_2183, %select_n3A_2182 : i32
      %select_n3A_2193 = arith.select %and3A_2191, %add3A_2192, %rem3A_2183 : i32
      %jit3A_2194 = arith.constant 10 : i32
      %div3A_2195 = arith.divsi %scan3A_2177, %jit3A_2194 : i32
      %sign3A_2196 = arith.constant 0 : i32
      %sign3A_2197 = arith.cmpi sgt, %scan3A_2177, %sign3A_2196 : i32
      %sign3A_2198 = arith.extui %sign3A_2197 : i1 to i32
      %sign3A_2199 = arith.constant 0 : i32
      %sign3A_2200 = arith.cmpi slt, %scan3A_2177, %sign3A_2199 : i32
      %sign3A_2201 = arith.extui %sign3A_2200 : i1 to i32
      %sign3A_2202 = arith.subi %sign3A_2198, %sign3A_2201 : i32
      %sign3A_2203 = arith.constant 0 : i32
      %sign3A_2204 = arith.cmpi sgt, %jit3A_2194, %sign3A_2203 : i32
      %sign3A_2205 = arith.extui %sign3A_2204 : i1 to i32
      %sign3A_2206 = arith.constant 0 : i32
      %sign3A_2207 = arith.cmpi slt, %jit3A_2194, %sign3A_2206 : i32
      %sign3A_2208 = arith.extui %sign3A_2207 : i1 to i32
      %sign3A_2209 = arith.subi %sign3A_2205, %sign3A_2208 : i32
      %ne3A_2210 = arith.cmpi ne, %sign3A_2202, %sign3A_2209 : i32
      %rem3A_2211 = arith.remsi %scan3A_2177, %jit3A_2194 : i32
      %ne3A_2212 = arith.constant 0 : i32
      %ne3A_2213 = arith.cmpi ne, %rem3A_2211, %ne3A_2212 : i32
      %and3A_2214 = arith.andi %ne3A_2210, %ne3A_2213 : i1
      %sub3A_2215 = arith.constant 1 : i32
      %sub3A_2216 = arith.subi %div3A_2195, %sub3A_2215 : i32
      %select_n3A_2217 = arith.select %and3A_2214, %sub3A_2216, %div3A_2195 : i32
      %dma_start3A_2218 = arith.constant 0 : i32
      %dma_start3A_2219 = arith.constant 0 : i32
      %dma_start3A_2220 = tpu.memref_slice %arg9[%dma_start3A_2218, %dma_start3A_2219] : memref<2000x32xf32, #tpu.memory_space<vmem>> -> memref<128x32xf32, #tpu.memory_space<vmem>>
      %dma_start3A_2221 = arith.constant 0 : i32
      %dma_start3A_2222 = tpu.memref_slice %arg8[%select_n3A_2193, %dma_start3A_2221] : memref<2x2000xi32, #tpu.memory_space<vmem>> -> memref<1x128xi32, #tpu.memory_space<vmem>>
      %dma_start3A_2223 = tpu.memref_squeeze %dma_start3A_2222 : memref<1x128xi32, #tpu.memory_space<vmem>> -> memref<128xi32, #tpu.memory_space<vmem>>
      %dma_start3A_2224 = arith.constant 0 : i32
      %dma_start3A_2225 = arith.constant 0 : i32
      %dma_start3A_2226 = tpu.memref_slice %arg2[%dma_start3A_2224, %dma_start3A_2225] : memref<40000x32xf32, #tpu.memory_space<hbm>> -> memref<40000x32xf32, #tpu.memory_space<hbm>>
      tpu.enqueue_indirect_dma source(%dma_start3A_2226 : memref<40000x32xf32, #tpu.memory_space<hbm>>) target(%dma_start3A_2220 : memref<128x32xf32, #tpu.memory_space<vmem>>) offsets(%dma_start3A_2223 : memref<128xi32, #tpu.memory_space<vmem>>) semaphore(%arg11 : memref<!tpu.dma_semaphore, #tpu.memory_space<semaphore_mem>>)
      %dma_start3A_2227 = arith.constant 128 : i32
      %dma_start3A_2228 = arith.constant 0 : i32
      %dma_start3A_2229 = tpu.memref_slice %arg9[%dma_start3A_2227, %dma_start3A_2228] : memref<2000x32xf32, #tpu.memory_space<vmem>> -> memref<128x32xf32, #tpu.memory_space<vmem>>
      %dma_start3A_2230 = arith.constant 128 : i32
      %dma_start3A_2231 = tpu.memref_slice %arg8[%select_n3A_2193, %dma_start3A_2230] : memref<2x2000xi32, #tpu.memory_space<vmem>> -> memref<1x128xi32, #tpu.memory_space<vmem>>
      %dma_start3A_2232 = tpu.memref_squeeze %dma_start3A_2231 : memref<1x128xi32, #tpu.memory_space<vmem>> -> memref<128xi32, #tpu.memory_space<vmem>>
      %dma_start3A_2233 = arith.constant 0 : i32
      %dma_start3A_2234 = arith.constant 0 : i32
      %dma_start3A_2235 = tpu.memref_slice %arg2[%dma_start3A_2233, %dma_start3A_2234] : memref<40000x32xf32, #tpu.memory_space<hbm>> -> memref<40000x32xf32, #tpu.memory_space<hbm>>
      tpu.enqueue_indirect_dma source(%dma_start3A_2235 : memref<40000x32xf32, #tpu.memory_space<hbm>>) target(%dma_start3A_2229 : memref<128x32xf32, #tpu.memory_space<vmem>>) offsets(%dma_start3A_2232 : memref<128xi32, #tpu.memory_space<vmem>>) semaphore(%arg11 : memref<!tpu.dma_semaphore, #tpu.memory_space<semaphore_mem>>)
      %dma_start3A_2236 = arith.constant 256 : i32
      %dma_start3A_2237 = arith.constant 0 : i32
      %dma_start3A_2238 = tpu.memref_slice %arg9[%dma_start3A_2236, %dma_start3A_2237] : memref<2000x32xf32, #tpu.memory_space<vmem>> -> memref<128x32xf32, #tpu.memory_space<vmem>>
      %dma_start3A_2239 = arith.constant 256 : i32
      %dma_start3A_2240 = tpu.memref_slice %arg8[%select_n3A_2193, %dma_start3A_2239] : memref<2x2000xi32, #tpu.memory_space<vmem>> -> memref<1x128xi32, #tpu.memory_space<vmem>>
      %dma_start3A_2241 = tpu.memref_squeeze %dma_start3A_2240 : memref<1x128xi32, #tpu.memory_space<vmem>> -> memref<128xi32, #tpu.memory_space<vmem>>
      %dma_start3A_2242 = arith.constant 0 : i32
      %dma_start3A_2243 = arith.constant 0 : i32
      %dma_start3A_2244 = tpu.memref_slice %arg2[%dma_start3A_2242, %dma_start3A_2243] : memref<40000x32xf32, #tpu.memory_space<hbm>> -> memref<40000x32xf32, #tpu.memory_space<hbm>>
      tpu.enqueue_indirect_dma source(%dma_start3A_2244 : memref<40000x32xf32, #tpu.memory_space<hbm>>) target(%dma_start3A_2238 : memref<128x32xf32, #tpu.memory_space<vmem>>) offsets(%dma_start3A_2241 : memref<128xi32, #tpu.memory_space<vmem>>) semaphore(%arg11 : memref<!tpu.dma_semaphore, #tpu.memory_space<semaphore_mem>>)
      %dma_start3A_2245 = arith.constant 384 : i32
      %dma_start3A_2246 = arith.constant 0 : i32
      %dma_start3A_2247 = tpu.memref_slice %arg9[%dma_start3A_2245, %dma_start3A_2246] : memref<2000x32xf32, #tpu.memory_space<vmem>> -> memref<128x32xf32, #tpu.memory_space<vmem>>
      %dma_start3A_2248 = arith.constant 384 : i32
      %dma_start3A_2249 = tpu.memref_slice %arg8[%select_n3A_2193, %dma_start3A_2248] : memref<2x2000xi32, #tpu.memory_space<vmem>> -> memref<1x128xi32, #tpu.memory_space<vmem>>
      %dma_start3A_2250 = tpu.memref_squeeze %dma_start3A_2249 : memref<1x128xi32, #tpu.memory_space<vmem>> -> memref<128xi32, #tpu.memory_space<vmem>>
      %dma_start3A_2251 = arith.constant 0 : i32
      %dma_start3A_2252 = arith.constant 0 : i32
      %dma_start3A_2253 = tpu.memref_slice %arg2[%dma_start3A_2251, %dma_start3A_2252] : memref<40000x32xf32, #tpu.memory_space<hbm>> -> memref<40000x32xf32, #tpu.memory_space<hbm>>
      tpu.enqueue_indirect_dma source(%dma_start3A_2253 : memref<40000x32xf32, #tpu.memory_space<hbm>>) target(%dma_start3A_2247 : memref<128x32xf32, #tpu.memory_space<vmem>>) offsets(%dma_start3A_2250 : memref<128xi32, #tpu.memory_space<vmem>>) semaphore(%arg11 : memref<!tpu.dma_semaphore, #tpu.memory_space<semaphore_mem>>)
      %dma_start3A_2254 = arith.constant 512 : i32
      %dma_start3A_2255 = arith.constant 0 : i32
      %dma_start3A_2256 = tpu.memref_slice %arg9[%dma_start3A_2254, %dma_start3A_2255] : memref<2000x32xf32, #tpu.memory_space<vmem>> -> memref<128x32xf32, #tpu.memory_space<vmem>>
      %dma_start3A_2257 = arith.constant 512 : i32
      %dma_start3A_2258 = tpu.memref_slice %arg8[%select_n3A_2193, %dma_start3A_2257] : memref<2x2000xi32, #tpu.memory_space<vmem>> -> memref<1x128xi32, #tpu.memory_space<vmem>>
      %dma_start3A_2259 = tpu.memref_squeeze %dma_start3A_2258 : memref<1x128xi32, #tpu.memory_space<vmem>> -> memref<128xi32, #tpu.memory_space<vmem>>
      %dma_start3A_2260 = arith.constant 0 : i32
      %dma_start3A_2261 = arith.constant 0 : i32
      %dma_start3A_2262 = tpu.memref_slice %arg2[%dma_start3A_2260, %dma_start3A_2261] : memref<40000x32xf32, #tpu.memory_space<hbm>> -> memref<40000x32xf32, #tpu.memory_space<hbm>>
      tpu.enqueue_indirect_dma source(%dma_start3A_2262 : memref<40000x32xf32, #tpu.memory_space<hbm>>) target(%dma_start3A_2256 : memref<128x32xf32, #tpu.memory_space<vmem>>) offsets(%dma_start3A_2259 : memref<128xi32, #tpu.memory_space<vmem>>) semaphore(%arg11 : memref<!tpu.dma_semaphore, #tpu.memory_space<semaphore_mem>>)
      %dma_start3A_2263 = arith.constant 640 : i32
      %dma_start3A_2264 = arith.constant 0 : i32
      %dma_start3A_2265 = tpu.memref_slice %arg9[%dma_start3A_2263, %dma_start3A_2264] : memref<2000x32xf32, #tpu.memory_space<vmem>> -> memref<128x32xf32, #tpu.memory_space<vmem>>
      %dma_start3A_2266 = arith.constant 640 : i32
      %dma_start3A_2267 = tpu.memref_slice %arg8[%select_n3A_2193, %dma_start3A_2266] : memref<2x2000xi32, #tpu.memory_space<vmem>> -> memref<1x128xi32, #tpu.memory_space<vmem>>
      %dma_start3A_2268 = tpu.memref_squeeze %dma_start3A_2267 : memref<1x128xi32, #tpu.memory_space<vmem>> -> memref<128xi32, #tpu.memory_space<vmem>>
      %dma_start3A_2269 = arith.constant 0 : i32
      %dma_start3A_2270 = arith.constant 0 : i32
      %dma_start3A_2271 = tpu.memref_slice %arg2[%dma_start3A_2269, %dma_start3A_2270] : memref<40000x32xf32, #tpu.memory_space<hbm>> -> memref<40000x32xf32, #tpu.memory_space<hbm>>
      tpu.enqueue_indirect_dma source(%dma_start3A_2271 : memref<40000x32xf32, #tpu.memory_space<hbm>>) target(%dma_start3A_2265 : memref<128x32xf32, #tpu.memory_space<vmem>>) offsets(%dma_start3A_2268 : memref<128xi32, #tpu.memory_space<vmem>>) semaphore(%arg11 : memref<!tpu.dma_semaphore, #tpu.memory_space<semaphore_mem>>)
      %dma_start3A_2272 = arith.constant 768 : i32
      %dma_start3A_2273 = arith.constant 0 : i32
      %dma_start3A_2274 = tpu.memref_slice %arg9[%dma_start3A_2272, %dma_start3A_2273] : memref<2000x32xf32, #tpu.memory_space<vmem>> -> memref<128x32xf32, #tpu.memory_space<vmem>>
      %dma_start3A_2275 = arith.constant 768 : i32
      %dma_start3A_2276 = tpu.memref_slice %arg8[%select_n3A_2193, %dma_start3A_2275] : memref<2x2000xi32, #tpu.memory_space<vmem>> -> memref<1x128xi32, #tpu.memory_space<vmem>>
      %dma_start3A_2277 = tpu.memref_squeeze %dma_start3A_2276 : memref<1x128xi32, #tpu.memory_space<vmem>> -> memref<128xi32, #tpu.memory_space<vmem>>
      %dma_start3A_2278 = arith.constant 0 : i32
      %dma_start3A_2279 = arith.constant 0 : i32
      %dma_start3A_2280 = tpu.memref_slice %arg2[%dma_start3A_2278, %dma_start3A_2279] : memref<40000x32xf32, #tpu.memory_space<hbm>> -> memref<40000x32xf32, #tpu.memory_space<hbm>>
      tpu.enqueue_indirect_dma source(%dma_start3A_2280 : memref<40000x32xf32, #tpu.memory_space<hbm>>) target(%dma_start3A_2274 : memref<128x32xf32, #tpu.memory_space<vmem>>) offsets(%dma_start3A_2277 : memref<128xi32, #tpu.memory_space<vmem>>) semaphore(%arg11 : memref<!tpu.dma_semaphore, #tpu.memory_space<semaphore_mem>>)
      %dma_start3A_2281 = arith.constant 896 : i32
      %dma_start3A_2282 = arith.constant 0 : i32
      %dma_start3A_2283 = tpu.memref_slice %arg9[%dma_start3A_2281, %dma_start3A_2282] : memref<2000x32xf32, #tpu.memory_space<vmem>> -> memref<128x32xf32, #tpu.memory_space<vmem>>
      %dma_start3A_2284 = arith.constant 896 : i32
      %dma_start3A_2285 = tpu.memref_slice %arg8[%select_n3A_2193, %dma_start3A_2284] : memref<2x2000xi32, #tpu.memory_space<vmem>> -> memref<1x128xi32, #tpu.memory_space<vmem>>
      %dma_start3A_2286 = tpu.memref_squeeze %dma_start3A_2285 : memref<1x128xi32, #tpu.memory_space<vmem>> -> memref<128xi32, #tpu.memory_space<vmem>>
      %dma_start3A_2287 = arith.constant 0 : i32
      %dma_start3A_2288 = arith.constant 0 : i32
      %dma_start3A_2289 = tpu.memref_slice %arg2[%dma_start3A_2287, %dma_start3A_2288] : memref<40000x32xf32, #tpu.memory_space<hbm>> -> memref<40000x32xf32, #tpu.memory_space<hbm>>
      tpu.enqueue_indirect_dma source(%dma_start3A_2289 : memref<40000x32xf32, #tpu.memory_space<hbm>>) target(%dma_start3A_2283 : memref<128x32xf32, #tpu.memory_space<vmem>>) offsets(%dma_start3A_2286 : memref<128xi32, #tpu.memory_space<vmem>>) semaphore(%arg11 : memref<!tpu.dma_semaphore, #tpu.memory_space<semaphore_mem>>)
      %dma_start3A_2290 = arith.constant 1024 : i32
      %dma_start3A_2291 = arith.constant 0 : i32
      %dma_start3A_2292 = tpu.memref_slice %arg9[%dma_start3A_2290, %dma_start3A_2291] : memref<2000x32xf32, #tpu.memory_space<vmem>> -> memref<128x32xf32, #tpu.memory_space<vmem>>
      %dma_start3A_2293 = arith.constant 1024 : i32
      %dma_start3A_2294 = tpu.memref_slice %arg8[%select_n3A_2193, %dma_start3A_2293] : memref<2x2000xi32, #tpu.memory_space<vmem>> -> memref<1x128xi32, #tpu.memory_space<vmem>>
      %dma_start3A_2295 = tpu.memref_squeeze %dma_start3A_2294 : memref<1x128xi32, #tpu.memory_space<vmem>> -> memref<128xi32, #tpu.memory_space<vmem>>
      %dma_start3A_2296 = arith.constant 0 : i32
      %dma_start3A_2297 = arith.constant 0 : i32
      %dma_start3A_2298 = tpu.memref_slice %arg2[%dma_start3A_2296, %dma_start3A_2297] : memref<40000x32xf32, #tpu.memory_space<hbm>> -> memref<40000x32xf32, #tpu.memory_space<hbm>>
      tpu.enqueue_indirect_dma source(%dma_start3A_2298 : memref<40000x32xf32, #tpu.memory_space<hbm>>) target(%dma_start3A_2292 : memref<128x32xf32, #tpu.memory_space<vmem>>) offsets(%dma_start3A_2295 : memref<128xi32, #tpu.memory_space<vmem>>) semaphore(%arg11 : memref<!tpu.dma_semaphore, #tpu.memory_space<semaphore_mem>>)
      %dma_start3A_2299 = arith.constant 1152 : i32
      %dma_start3A_2300 = arith.constant 0 : i32
      %dma_start3A_2301 = tpu.memref_slice %arg9[%dma_start3A_2299, %dma_start3A_2300] : memref<2000x32xf32, #tpu.memory_space<vmem>> -> memref<128x32xf32, #tpu.memory_space<vmem>>
      %dma_start3A_2302 = arith.constant 1152 : i32
      %dma_start3A_2303 = tpu.memref_slice %arg8[%select_n3A_2193, %dma_start3A_2302] : memref<2x2000xi32, #tpu.memory_space<vmem>> -> memref<1x128xi32, #tpu.memory_space<vmem>>
      %dma_start3A_2304 = tpu.memref_squeeze %dma_start3A_2303 : memref<1x128xi32, #tpu.memory_space<vmem>> -> memref<128xi32, #tpu.memory_space<vmem>>
      %dma_start3A_2305 = arith.constant 0 : i32
      %dma_start3A_2306 = arith.constant 0 : i32
      %dma_start3A_2307 = tpu.memref_slice %arg2[%dma_start3A_2305, %dma_start3A_2306] : memref<40000x32xf32, #tpu.memory_space<hbm>> -> memref<40000x32xf32, #tpu.memory_space<hbm>>
      tpu.enqueue_indirect_dma source(%dma_start3A_2307 : memref<40000x32xf32, #tpu.memory_space<hbm>>) target(%dma_start3A_2301 : memref<128x32xf32, #tpu.memory_space<vmem>>) offsets(%dma_start3A_2304 : memref<128xi32, #tpu.memory_space<vmem>>) semaphore(%arg11 : memref<!tpu.dma_semaphore, #tpu.memory_space<semaphore_mem>>)
      %dma_start3A_2308 = arith.constant 1280 : i32
      %dma_start3A_2309 = arith.constant 0 : i32
      %dma_start3A_2310 = tpu.memref_slice %arg9[%dma_start3A_2308, %dma_start3A_2309] : memref<2000x32xf32, #tpu.memory_space<vmem>> -> memref<128x32xf32, #tpu.memory_space<vmem>>
      %dma_start3A_2311 = arith.constant 1280 : i32
      %dma_start3A_2312 = tpu.memref_slice %arg8[%select_n3A_2193, %dma_start3A_2311] : memref<2x2000xi32, #tpu.memory_space<vmem>> -> memref<1x128xi32, #tpu.memory_space<vmem>>
      %dma_start3A_2313 = tpu.memref_squeeze %dma_start3A_2312 : memref<1x128xi32, #tpu.memory_space<vmem>> -> memref<128xi32, #tpu.memory_space<vmem>>
      %dma_start3A_2314 = arith.constant 0 : i32
      %dma_start3A_2315 = arith.constant 0 : i32
      %dma_start3A_2316 = tpu.memref_slice %arg2[%dma_start3A_2314, %dma_start3A_2315] : memref<40000x32xf32, #tpu.memory_space<hbm>> -> memref<40000x32xf32, #tpu.memory_space<hbm>>
      tpu.enqueue_indirect_dma source(%dma_start3A_2316 : memref<40000x32xf32, #tpu.memory_space<hbm>>) target(%dma_start3A_2310 : memref<128x32xf32, #tpu.memory_space<vmem>>) offsets(%dma_start3A_2313 : memref<128xi32, #tpu.memory_space<vmem>>) semaphore(%arg11 : memref<!tpu.dma_semaphore, #tpu.memory_space<semaphore_mem>>)
      %dma_start3A_2317 = arith.constant 1408 : i32
      %dma_start3A_2318 = arith.constant 0 : i32
      %dma_start3A_2319 = tpu.memref_slice %arg9[%dma_start3A_2317, %dma_start3A_2318] : memref<2000x32xf32, #tpu.memory_space<vmem>> -> memref<128x32xf32, #tpu.memory_space<vmem>>
      %dma_start3A_2320 = arith.constant 1408 : i32
      %dma_start3A_2321 = tpu.memref_slice %arg8[%select_n3A_2193, %dma_start3A_2320] : memref<2x2000xi32, #tpu.memory_space<vmem>> -> memref<1x128xi32, #tpu.memory_space<vmem>>
      %dma_start3A_2322 = tpu.memref_squeeze %dma_start3A_2321 : memref<1x128xi32, #tpu.memory_space<vmem>> -> memref<128xi32, #tpu.memory_space<vmem>>
      %dma_start3A_2323 = arith.constant 0 : i32
      %dma_start3A_2324 = arith.constant 0 : i32
      %dma_start3A_2325 = tpu.memref_slice %arg2[%dma_start3A_2323, %dma_start3A_2324] : memref<40000x32xf32, #tpu.memory_space<hbm>> -> memref<40000x32xf32, #tpu.memory_space<hbm>>
      tpu.enqueue_indirect_dma source(%dma_start3A_2325 : memref<40000x32xf32, #tpu.memory_space<hbm>>) target(%dma_start3A_2319 : memref<128x32xf32, #tpu.memory_space<vmem>>) offsets(%dma_start3A_2322 : memref<128xi32, #tpu.memory_space<vmem>>) semaphore(%arg11 : memref<!tpu.dma_semaphore, #tpu.memory_space<semaphore_mem>>)
      %dma_start3A_2326 = arith.constant 1536 : i32
      %dma_start3A_2327 = arith.constant 0 : i32
      %dma_start3A_2328 = tpu.memref_slice %arg9[%dma_start3A_2326, %dma_start3A_2327] : memref<2000x32xf32, #tpu.memory_space<vmem>> -> memref<128x32xf32, #tpu.memory_space<vmem>>
      %dma_start3A_2329 = arith.constant 1536 : i32
      %dma_start3A_2330 = tpu.memref_slice %arg8[%select_n3A_2193, %dma_start3A_2329] : memref<2x2000xi32, #tpu.memory_space<vmem>> -> memref<1x128xi32, #tpu.memory_space<vmem>>
      %dma_start3A_2331 = tpu.memref_squeeze %dma_start3A_2330 : memref<1x128xi32, #tpu.memory_space<vmem>> -> memref<128xi32, #tpu.memory_space<vmem>>
      %dma_start3A_2332 = arith.constant 0 : i32
      %dma_start3A_2333 = arith.constant 0 : i32
      %dma_start3A_2334 = tpu.memref_slice %arg2[%dma_start3A_2332, %dma_start3A_2333] : memref<40000x32xf32, #tpu.memory_space<hbm>> -> memref<40000x32xf32, #tpu.memory_space<hbm>>
      tpu.enqueue_indirect_dma source(%dma_start3A_2334 : memref<40000x32xf32, #tpu.memory_space<hbm>>) target(%dma_start3A_2328 : memref<128x32xf32, #tpu.memory_space<vmem>>) offsets(%dma_start3A_2331 : memref<128xi32, #tpu.memory_space<vmem>>) semaphore(%arg11 : memref<!tpu.dma_semaphore, #tpu.memory_space<semaphore_mem>>)
      %dma_start3A_2335 = arith.constant 1664 : i32
      %dma_start3A_2336 = arith.constant 0 : i32
      %dma_start3A_2337 = tpu.memref_slice %arg9[%dma_start3A_2335, %dma_start3A_2336] : memref<2000x32xf32, #tpu.memory_space<vmem>> -> memref<128x32xf32, #tpu.memory_space<vmem>>
      %dma_start3A_2338 = arith.constant 1664 : i32
      %dma_start3A_2339 = tpu.memref_slice %arg8[%select_n3A_2193, %dma_start3A_2338] : memref<2x2000xi32, #tpu.memory_space<vmem>> -> memref<1x128xi32, #tpu.memory_space<vmem>>
      %dma_start3A_2340 = tpu.memref_squeeze %dma_start3A_2339 : memref<1x128xi32, #tpu.memory_space<vmem>> -> memref<128xi32, #tpu.memory_space<vmem>>
      %dma_start3A_2341 = arith.constant 0 : i32
      %dma_start3A_2342 = arith.constant 0 : i32
      %dma_start3A_2343 = tpu.memref_slice %arg2[%dma_start3A_2341, %dma_start3A_2342] : memref<40000x32xf32, #tpu.memory_space<hbm>> -> memref<40000x32xf32, #tpu.memory_space<hbm>>
      tpu.enqueue_indirect_dma source(%dma_start3A_2343 : memref<40000x32xf32, #tpu.memory_space<hbm>>) target(%dma_start3A_2337 : memref<128x32xf32, #tpu.memory_space<vmem>>) offsets(%dma_start3A_2340 : memref<128xi32, #tpu.memory_space<vmem>>) semaphore(%arg11 : memref<!tpu.dma_semaphore, #tpu.memory_space<semaphore_mem>>)
      %dma_start3A_2344 = arith.constant 1792 : i32
      %dma_start3A_2345 = arith.constant 0 : i32
      %dma_start3A_2346 = tpu.memref_slice %arg9[%dma_start3A_2344, %dma_start3A_2345] : memref<2000x32xf32, #tpu.memory_space<vmem>> -> memref<128x32xf32, #tpu.memory_space<vmem>>
      %dma_start3A_2347 = arith.constant 1792 : i32
      %dma_start3A_2348 = tpu.memref_slice %arg8[%select_n3A_2193, %dma_start3A_2347] : memref<2x2000xi32, #tpu.memory_space<vmem>> -> memref<1x128xi32, #tpu.memory_space<vmem>>
      %dma_start3A_2349 = tpu.memref_squeeze %dma_start3A_2348 : memref<1x128xi32, #tpu.memory_space<vmem>> -> memref<128xi32, #tpu.memory_space<vmem>>
      %dma_start3A_2350 = arith.constant 0 : i32
      %dma_start3A_2351 = arith.constant 0 : i32
      %dma_start3A_2352 = tpu.memref_slice %arg2[%dma_start3A_2350, %dma_start3A_2351] : memref<40000x32xf32, #tpu.memory_space<hbm>> -> memref<40000x32xf32, #tpu.memory_space<hbm>>
      tpu.enqueue_indirect_dma source(%dma_start3A_2352 : memref<40000x32xf32, #tpu.memory_space<hbm>>) target(%dma_start3A_2346 : memref<128x32xf32, #tpu.memory_space<vmem>>) offsets(%dma_start3A_2349 : memref<128xi32, #tpu.memory_space<vmem>>) semaphore(%arg11 : memref<!tpu.dma_semaphore, #tpu.memory_space<semaphore_mem>>)
      %dma_start3A_2353 = arith.constant 1920 : i32
      %dma_start3A_2354 = arith.constant 0 : i32
      %dma_start3A_2355 = tpu.memref_slice %arg9[%dma_start3A_2353, %dma_start3A_2354] : memref<2000x32xf32, #tpu.memory_space<vmem>> -> memref<80x32xf32, #tpu.memory_space<vmem>>
      %dma_start3A_2356 = arith.constant 1920 : i32
      %dma_start3A_2357 = tpu.memref_slice %arg8[%select_n3A_2193, %dma_start3A_2356] : memref<2x2000xi32, #tpu.memory_space<vmem>> -> memref<1x80xi32, #tpu.memory_space<vmem>>
      %dma_start3A_2358 = tpu.memref_squeeze %dma_start3A_2357 : memref<1x80xi32, #tpu.memory_space<vmem>> -> memref<80xi32, #tpu.memory_space<vmem>>
      %dma_start3A_2359 = arith.constant 0 : i32
      %dma_start3A_2360 = arith.constant 0 : i32
      %dma_start3A_2361 = tpu.memref_slice %arg2[%dma_start3A_2359, %dma_start3A_2360] : memref<40000x32xf32, #tpu.memory_space<hbm>> -> memref<40000x32xf32, #tpu.memory_space<hbm>>
      tpu.enqueue_indirect_dma source(%dma_start3A_2361 : memref<40000x32xf32, #tpu.memory_space<hbm>>) target(%dma_start3A_2355 : memref<80x32xf32, #tpu.memory_space<vmem>>) offsets(%dma_start3A_2358 : memref<80xi32, #tpu.memory_space<vmem>>) semaphore(%arg11 : memref<!tpu.dma_semaphore, #tpu.memory_space<semaphore_mem>>)
      %sub3A_2362 = arith.constant 1 : i32
      %sub3A_2363 = arith.subi %sub3A_2362, %select_n3A_2193 : i32
      %dma_wait3A_2364 = arith.constant 0 : i32
      %dma_wait3A_2365 = arith.constant 0 : i32
      %dma_wait3A_2366 = tpu.memref_slice %arg6[%sub3A_2363, %dma_wait3A_2365] : memref<2x2000xi32, #tpu.memory_space<vmem>> -> memref<1x2000xi32, #tpu.memory_space<vmem>>
      %dma_wait3A_2367 = tpu.memref_squeeze %dma_wait3A_2366 : memref<1x2000xi32, #tpu.memory_space<vmem>> -> memref<2000xi32, #tpu.memory_space<vmem>>
      %dma_wait3A_2368 = arith.constant 0 : i32
      %dma_wait3A_2369 = tpu.memref_slice %arg3[%dma_wait3A_2364, %dma_wait3A_2368] : memref<8x320000xi32, #tpu.memory_space<hbm>> -> memref<1x2000xi32, #tpu.memory_space<hbm>>
      %dma_wait3A_2370 = tpu.memref_squeeze %dma_wait3A_2369 : memref<1x2000xi32, #tpu.memory_space<hbm>> -> memref<2000xi32, #tpu.memory_space<hbm>>
      %dma_wait3A_2371 = arith.constant 0 : i32
      %dma_wait3A_2372 = tpu.memref_slice %arg6[%sub3A_2363, %dma_wait3A_2371] : memref<2x2000xi32, #tpu.memory_space<vmem>> -> memref<1x2000xi32, #tpu.memory_space<vmem>>
      %dma_wait3A_2373 = tpu.memref_squeeze %dma_wait3A_2372 : memref<1x2000xi32, #tpu.memory_space<vmem>> -> memref<2000xi32, #tpu.memory_space<vmem>>
      %dma_wait3A_2374 = arith.constant 0 : i32
      %dma_wait3A_2375 = tpu.memref_slice %arg3[%dma_wait3A_2364, %dma_wait3A_2374] : memref<8x320000xi32, #tpu.memory_space<hbm>> -> memref<1x2000xi32, #tpu.memory_space<hbm>>
      %dma_wait3A_2376 = tpu.memref_squeeze %dma_wait3A_2375 : memref<1x2000xi32, #tpu.memory_space<hbm>> -> memref<2000xi32, #tpu.memory_space<hbm>>
      tpu.wait_dma2 semaphore(%arg12 : memref<!tpu.dma_semaphore, #tpu.memory_space<semaphore_mem>>) src(%dma_wait3A_2376 : memref<2000xi32, #tpu.memory_space<hbm>>) dst(%dma_wait3A_2373 : memref<2000xi32, #tpu.memory_space<vmem>>)
      %dma_wait3A_2377 = arith.constant 0 : i32
      %dma_wait3A_2378 = arith.constant 0 : i32
      %dma_wait3A_2379 = tpu.memref_slice %arg7[%sub3A_2363, %dma_wait3A_2378] : memref<2x2000xi32, #tpu.memory_space<vmem>> -> memref<1x2000xi32, #tpu.memory_space<vmem>>
      %dma_wait3A_2380 = tpu.memref_squeeze %dma_wait3A_2379 : memref<1x2000xi32, #tpu.memory_space<vmem>> -> memref<2000xi32, #tpu.memory_space<vmem>>
      %dma_wait3A_2381 = arith.constant 0 : i32
      %dma_wait3A_2382 = tpu.memref_slice %arg3[%dma_wait3A_2377, %dma_wait3A_2381] : memref<8x320000xi32, #tpu.memory_space<hbm>> -> memref<1x2000xi32, #tpu.memory_space<hbm>>
      %dma_wait3A_2383 = tpu.memref_squeeze %dma_wait3A_2382 : memref<1x2000xi32, #tpu.memory_space<hbm>> -> memref<2000xi32, #tpu.memory_space<hbm>>
      %dma_wait3A_2384 = arith.constant 0 : i32
      %dma_wait3A_2385 = tpu.memref_slice %arg7[%sub3A_2363, %dma_wait3A_2384] : memref<2x2000xi32, #tpu.memory_space<vmem>> -> memref<1x2000xi32, #tpu.memory_space<vmem>>
      %dma_wait3A_2386 = tpu.memref_squeeze %dma_wait3A_2385 : memref<1x2000xi32, #tpu.memory_space<vmem>> -> memref<2000xi32, #tpu.memory_space<vmem>>
      %dma_wait3A_2387 = arith.constant 0 : i32
      %dma_wait3A_2388 = tpu.memref_slice %arg3[%dma_wait3A_2377, %dma_wait3A_2387] : memref<8x320000xi32, #tpu.memory_space<hbm>> -> memref<1x2000xi32, #tpu.memory_space<hbm>>
      %dma_wait3A_2389 = tpu.memref_squeeze %dma_wait3A_2388 : memref<1x2000xi32, #tpu.memory_space<hbm>> -> memref<2000xi32, #tpu.memory_space<hbm>>
      tpu.wait_dma2 semaphore(%arg12 : memref<!tpu.dma_semaphore, #tpu.memory_space<semaphore_mem>>) src(%dma_wait3A_2389 : memref<2000xi32, #tpu.memory_space<hbm>>) dst(%dma_wait3A_2386 : memref<2000xi32, #tpu.memory_space<vmem>>)
      %add3A_2390 = arith.constant 1 : i32
      %add3A_2391 = arith.addi %scan3A_2177, %add3A_2390 : i32
      %sub3A_2392 = arith.constant 1 : i32
      %sub3A_2393 = arith.subi %sub3A_2392, %select_n3A_2193 : i32
      %mul3A_2394 = arith.constant 2 : i32
      %mul3A_2395 = arith.muli %mul3A_2394, %arg0 : i32
      %jit3A_2396 = arith.constant 20 : i32
      %eq3A_2397 = arith.constant 0 : i32
      %eq3A_2398 = arith.cmpi eq, %jit3A_2396, %eq3A_2397 : i32
      %jit3A_2399 = arith.constant 1 : i32
      %select_n3A_2400 = arith.select %eq3A_2398, %jit3A_2399, %jit3A_2396 : i32
      %rem3A_2401 = arith.remsi %add3A_2391, %select_n3A_2400 : i32
      %ne3A_2402 = arith.constant 0 : i32
      %ne3A_2403 = arith.cmpi ne, %rem3A_2401, %ne3A_2402 : i32
      %lt3A_2404 = arith.constant 0 : i32
      %lt3A_2405 = arith.cmpi slt, %rem3A_2401, %lt3A_2404 : i32
      %lt3A_2406 = arith.constant 0 : i32
      %lt3A_2407 = arith.cmpi slt, %select_n3A_2400, %lt3A_2406 : i32
      %ne3A_2408 = arith.xori %lt3A_2405, %lt3A_2407 : i1
      %and3A_2409 = arith.andi %ne3A_2408, %ne3A_2403 : i1
      %add3A_2410 = arith.addi %rem3A_2401, %select_n3A_2400 : i32
      %select_n3A_2411 = arith.select %and3A_2409, %add3A_2410, %rem3A_2401 : i32
      %jit3A_2412 = arith.constant 10 : i32
      %div3A_2413 = arith.divsi %select_n3A_2411, %jit3A_2412 : i32
      %sign3A_2414 = arith.constant 0 : i32
      %sign3A_2415 = arith.cmpi sgt, %select_n3A_2411, %sign3A_2414 : i32
      %sign3A_2416 = arith.extui %sign3A_2415 : i1 to i32
      %sign3A_2417 = arith.constant 0 : i32
      %sign3A_2418 = arith.cmpi slt, %select_n3A_2411, %sign3A_2417 : i32
      %sign3A_2419 = arith.extui %sign3A_2418 : i1 to i32
      %sign3A_2420 = arith.subi %sign3A_2416, %sign3A_2419 : i32
      %sign3A_2421 = arith.constant 0 : i32
      %sign3A_2422 = arith.cmpi sgt, %jit3A_2412, %sign3A_2421 : i32
      %sign3A_2423 = arith.extui %sign3A_2422 : i1 to i32
      %sign3A_2424 = arith.constant 0 : i32
      %sign3A_2425 = arith.cmpi slt, %jit3A_2412, %sign3A_2424 : i32
      %sign3A_2426 = arith.extui %sign3A_2425 : i1 to i32
      %sign3A_2427 = arith.subi %sign3A_2423, %sign3A_2426 : i32
      %ne3A_2428 = arith.cmpi ne, %sign3A_2420, %sign3A_2427 : i32
      %rem3A_2429 = arith.remsi %select_n3A_2411, %jit3A_2412 : i32
      %ne3A_2430 = arith.constant 0 : i32
      %ne3A_2431 = arith.cmpi ne, %rem3A_2429, %ne3A_2430 : i32
      %and3A_2432 = arith.andi %ne3A_2428, %ne3A_2431 : i1
      %sub3A_2433 = arith.constant 1 : i32
      %sub3A_2434 = arith.subi %div3A_2413, %sub3A_2433 : i32
      %select_n3A_2435 = arith.select %and3A_2432, %sub3A_2434, %div3A_2413 : i32
      %add3A_2436 = arith.addi %mul3A_2395, %select_n3A_2435 : i32
      %get3A_2437 = arith.index_cast %sub3A_2393 : i32 to index
      %get3A_2438 = arith.constant 0 : index
      %get3A_2439 = tpu.vector_load %arg7[%get3A_2437, %get3A_2438] {strides = array<i32>} : memref<2x2000xi32, #tpu.memory_space<vmem>>, vector<1x16xi32>,
      %get3A_2440 = vector.shape_cast %get3A_2439 : vector<1x16xi32> to vector<16xi32>
      %mul3A_2441 = arith.constant 4 : i32
      %mul3A_2442 = vector.broadcast %mul3A_2441 : i32 to vector<16xi32>
      %mul3A_2443 = arith.muli %get3A_2440, %mul3A_2442 : vector<16xi32>
      %add3A_2444 = vector.broadcast %add3A_2436 : i32 to vector<16xi32>
      %add3A_2445 = arith.addi %mul3A_2443, %add3A_2444 : vector<16xi32>
      %swap3A_2446 = arith.index_cast %sub3A_2393 : i32 to index
      %swap3A_2447 = arith.constant 0 : index
      %swap3A_2448 = tpu.vector_load %arg8[%swap3A_2446, %swap3A_2447] {strides = array<i32>} : memref<2x2000xi32, #tpu.memory_space<vmem>>, vector<1x16xi32>,
      %swap3A_2449 = vector.shape_cast %swap3A_2448 : vector<1x16xi32> to vector<16xi32>
      %swap3A_2450 = vector.shape_cast %add3A_2445 : vector<16xi32> to vector<1x16xi32>
      tpu.vector_store %arg8[%swap3A_2446, %swap3A_2447], %swap3A_2450 {strides = array<i32>} : memref<2x2000xi32, #tpu.memory_space<vmem>>, vector<1x16xi32>,
      %get3A_2451 = arith.index_cast %sub3A_2393 : i32 to index
      %get3A_2452 = arith.constant 16 : index
      %get3A_2453 = tpu.vector_load %arg7[%get3A_2451, %get3A_2452] {strides = array<i32>} : memref<2x2000xi32, #tpu.memory_space<vmem>>, vector<1x16xi32>,
      %get3A_2454 = vector.shape_cast %get3A_2453 : vector<1x16xi32> to vector<16xi32>
      %mul3A_2455 = arith.constant 4 : i32
      %mul3A_2456 = vector.broadcast %mul3A_2455 : i32 to vector<16xi32>
      %mul3A_2457 = arith.muli %get3A_2454, %mul3A_2456 : vector<16xi32>
      %add3A_2458 = vector.broadcast %add3A_2436 : i32 to vector<16xi32>
      %add3A_2459 = arith.addi %mul3A_2457, %add3A_2458 : vector<16xi32>
      %swap3A_2460 = arith.index_cast %sub3A_2393 : i32 to index
      %swap3A_2461 = arith.constant 16 : index
      %swap3A_2462 = tpu.vector_load %arg8[%swap3A_2460, %swap3A_2461] {strides = array<i32>} : memref<2x2000xi32, #tpu.memory_space<vmem>>, vector<1x16xi32>,
      %swap3A_2463 = vector.shape_cast %swap3A_2462 : vector<1x16xi32> to vector<16xi32>
      %swap3A_2464 = vector.shape_cast %add3A_2459 : vector<16xi32> to vector<1x16xi32>
      tpu.vector_store %arg8[%swap3A_2460, %swap3A_2461], %swap3A_2464 {strides = array<i32>} : memref<2x2000xi32, #tpu.memory_space<vmem>>, vector<1x16xi32>,
      %get3A_2465 = arith.index_cast %sub3A_2393 : i32 to index
      %get3A_2466 = arith.constant 32 : index
      %get3A_2467 = tpu.vector_load %arg7[%get3A_2465, %get3A_2466] {strides = array<i32>} : memref<2x2000xi32, #tpu.memory_space<vmem>>, vector<1x16xi32>,
      %get3A_2468 = vector.shape_cast %get3A_2467 : vector<1x16xi32> to vector<16xi32>
      %mul3A_2469 = arith.constant 4 : i32
      %mul3A_2470 = vector.broadcast %mul3A_2469 : i32 to vector<16xi32>
      %mul3A_2471 = arith.muli %get3A_2468, %mul3A_2470 : vector<16xi32>
      %add3A_2472 = vector.broadcast %add3A_2436 : i32 to vector<16xi32>
      %add3A_2473 = arith.addi %mul3A_2471, %add3A_2472 : vector<16xi32>
      %swap3A_2474 = arith.index_cast %sub3A_2393 : i32 to index
      %swap3A_2475 = arith.constant 32 : index
      %swap3A_2476 = tpu.vector_load %arg8[%swap3A_2474, %swap3A_2475] {strides = array<i32>} : memref<2x2000xi32, #tpu.memory_space<vmem>>, vector<1x16xi32>,
      %swap3A_2477 = vector.shape_cast %swap3A_2476 : vector<1x16xi32> to vector<16xi32>
      %swap3A_2478 = vector.shape_cast %add3A_2473 : vector<16xi32> to vector<1x16xi32>
      tpu.vector_store %arg8[%swap3A_2474, %swap3A_2475], %swap3A_2478 {strides = array<i32>} : memref<2x2000xi32, #tpu.memory_space<vmem>>, vector<1x16xi32>,
      %get3A_2479 = arith.index_cast %sub3A_2393 : i32 to index
      %get3A_2480 = arith.constant 48 : index
      %get3A_2481 = tpu.vector_load %arg7[%get3A_2479, %get3A_2480] {strides = array<i32>} : memref<2x2000xi32, #tpu.memory_space<vmem>>, vector<1x16xi32>,
      %get3A_2482 = vector.shape_cast %get3A_2481 : vector<1x16xi32> to vector<16xi32>
      %mul3A_2483 = arith.constant 4 : i32
      %mul3A_2484 = vector.broadcast %mul3A_2483 : i32 to vector<16xi32>
      %mul3A_2485 = arith.muli %get3A_2482, %mul3A_2484 : vector<16xi32>
      %add3A_2486 = vector.broadcast %add3A_2436 : i32 to vector<16xi32>
      %add3A_2487 = arith.addi %mul3A_2485, %add3A_2486 : vector<16xi32>
      %swap3A_2488 = arith.index_cast %sub3A_2393 : i32 to index
      %swap3A_2489 = arith.constant 48 : index
      %swap3A_2490 = tpu.vector_load %arg8[%swap3A_2488, %swap3A_2489] {strides = array<i32>} : memref<2x2000xi32, #tpu.memory_space<vmem>>, vector<1x16xi32>,
      %swap3A_2491 = vector.shape_cast %swap3A_2490 : vector<1x16xi32> to vector<16xi32>
      %swap3A_2492 = vector.shape_cast %add3A_2487 : vector<16xi32> to vector<1x16xi32>
      tpu.vector_store %arg8[%swap3A_2488, %swap3A_2489], %swap3A_2492 {strides = array<i32>} : memref<2x2000xi32, #tpu.memory_space<vmem>>, vector<1x16xi32>,
      %get3A_2493 = arith.index_cast %sub3A_2393 : i32 to index
      %get3A_2494 = arith.constant 64 : index
      %get3A_2495 = tpu.vector_load %arg7[%get3A_2493, %get3A_2494] {strides = array<i32>} : memref<2x2000xi32, #tpu.memory_space<vmem>>, vector<1x16xi32>,
      %get3A_2496 = vector.shape_cast %get3A_2495 : vector<1x16xi32> to vector<16xi32>
      %mul3A_2497 = arith.constant 4 : i32
      %mul3A_2498 = vector.broadcast %mul3A_2497 : i32 to vector<16xi32>
      %mul3A_2499 = arith.muli %get3A_2496, %mul3A_2498 : vector<16xi32>
      %add3A_2500 = vector.broadcast %add3A_2436 : i32 to vector<16xi32>
      %add3A_2501 = arith.addi %mul3A_2499, %add3A_2500 : vector<16xi32>
      %swap3A_2502 = arith.index_cast %sub3A_2393 : i32 to index
      %swap3A_2503 = arith.constant 64 : index
      %swap3A_2504 = tpu.vector_load %arg8[%swap3A_2502, %swap3A_2503] {strides = array<i32>} : memref<2x2000xi32, #tpu.memory_space<vmem>>, vector<1x16xi32>,
      %swap3A_2505 = vector.shape_cast %swap3A_2504 : vector<1x16xi32> to vector<16xi32>
      %swap3A_2506 = vector.shape_cast %add3A_2501 : vector<16xi32> to vector<1x16xi32>
      tpu.vector_store %arg8[%swap3A_2502, %swap3A_2503], %swap3A_2506 {strides = array<i32>} : memref<2x2000xi32, #tpu.memory_space<vmem>>, vector<1x16xi32>,
      %get3A_2507 = arith.index_cast %sub3A_2393 : i32 to index
      %get3A_2508 = arith.constant 80 : index
      %get3A_2509 = tpu.vector_load %arg7[%get3A_2507, %get3A_2508] {strides = array<i32>} : memref<2x2000xi32, #tpu.memory_space<vmem>>, vector<1x16xi32>,
      %get3A_2510 = vector.shape_cast %get3A_2509 : vector<1x16xi32> to vector<16xi32>
      %mul3A_2511 = arith.constant 4 : i32
      %mul3A_2512 = vector.broadcast %mul3A_2511 : i32 to vector<16xi32>
      %mul3A_2513 = arith.muli %get3A_2510, %mul3A_2512 : vector<16xi32>
      %add3A_2514 = vector.broadcast %add3A_2436 : i32 to vector<16xi32>
      %add3A_2515 = arith.addi %mul3A_2513, %add3A_2514 : vector<16xi32>
      %swap3A_2516 = arith.index_cast %sub3A_2393 : i32 to index
      %swap3A_2517 = arith.constant 80 : index
      %swap3A_2518 = tpu.vector_load %arg8[%swap3A_2516, %swap3A_2517] {strides = array<i32>} : memref<2x2000xi32, #tpu.memory_space<vmem>>, vector<1x16xi32>,
      %swap3A_2519 = vector.shape_cast %swap3A_2518 : vector<1x16xi32> to vector<16xi32>
      %swap3A_2520 = vector.shape_cast %add3A_2515 : vector<16xi32> to vector<1x16xi32>
      tpu.vector_store %arg8[%swap3A_2516, %swap3A_2517], %swap3A_2520 {strides = array<i32>} : memref<2x2000xi32, #tpu.memory_space<vmem>>, vector<1x16xi32>,
      %get3A_2521 = arith.index_cast %sub3A_2393 : i32 to index
      %get3A_2522 = arith.constant 96 : index
      %get3A_2523 = tpu.vector_load %arg7[%get3A_2521, %get3A_2522] {strides = array<i32>} : memref<2x2000xi32, #tpu.memory_space<vmem>>, vector<1x16xi32>,
      %get3A_2524 = vector.shape_cast %get3A_2523 : vector<1x16xi32> to vector<16xi32>
      %mul3A_2525 = arith.constant 4 : i32
      %mul3A_2526 = vector.broadcast %mul3A_2525 : i32 to vector<16xi32>
      %mul3A_2527 = arith.muli %get3A_2524, %mul3A_2526 : vector<16xi32>
      %add3A_2528 = vector.broadcast %add3A_2436 : i32 to vector<16xi32>
      %add3A_2529 = arith.addi %mul3A_2527, %add3A_2528 : vector<16xi32>
      %swap3A_2530 = arith.index_cast %sub3A_2393 : i32 to index
      %swap3A_2531 = arith.constant 96 : index
      %swap3A_2532 = tpu.vector_load %arg8[%swap3A_2530, %swap3A_2531] {strides = array<i32>} : memref<2x2000xi32, #tpu.memory_space<vmem>>, vector<1x16xi32>,
      %swap3A_2533 = vector.shape_cast %swap3A_2532 : vector<1x16xi32> to vector<16xi32>
      %swap3A_2534 = vector.shape_cast %add3A_2529 : vector<16xi32> to vector<1x16xi32>
      tpu.vector_store %arg8[%swap3A_2530, %swap3A_2531], %swap3A_2534 {strides = array<i32>} : memref<2x2000xi32, #tpu.memory_space<vmem>>, vector<1x16xi32>,
      %get3A_2535 = arith.index_cast %sub3A_2393 : i32 to index
      %get3A_2536 = arith.constant 112 : index
      %get3A_2537 = tpu.vector_load %arg7[%get3A_2535, %get3A_2536] {strides = array<i32>} : memref<2x2000xi32, #tpu.memory_space<vmem>>, vector<1x16xi32>,
      %get3A_2538 = vector.shape_cast %get3A_2537 : vector<1x16xi32> to vector<16xi32>
      %mul3A_2539 = arith.constant 4 : i32
      %mul3A_2540 = vector.broadcast %mul3A_2539 : i32 to vector<16xi32>
      %mul3A_2541 = arith.muli %get3A_2538, %mul3A_2540 : vector<16xi32>
      %add3A_2542 = vector.broadcast %add3A_2436 : i32 to vector<16xi32>
      %add3A_2543 = arith.addi %mul3A_2541, %add3A_2542 : vector<16xi32>
      %swap3A_2544 = arith.index_cast %sub3A_2393 : i32 to index
      %swap3A_2545 = arith.constant 112 : index
      %swap3A_2546 = tpu.vector_load %arg8[%swap3A_2544, %swap3A_2545] {strides = array<i32>} : memref<2x2000xi32, #tpu.memory_space<vmem>>, vector<1x16xi32>,
      %swap3A_2547 = vector.shape_cast %swap3A_2546 : vector<1x16xi32> to vector<16xi32>
      %swap3A_2548 = vector.shape_cast %add3A_2543 : vector<16xi32> to vector<1x16xi32>
      tpu.vector_store %arg8[%swap3A_2544, %swap3A_2545], %swap3A_2548 {strides = array<i32>} : memref<2x2000xi32, #tpu.memory_space<vmem>>, vector<1x16xi32>,
      %get3A_2549 = arith.index_cast %sub3A_2393 : i32 to index
      %get3A_2550 = arith.constant 128 : index
      %get3A_2551 = tpu.vector_load %arg7[%get3A_2549, %get3A_2550] {strides = array<i32>} : memref<2x2000xi32, #tpu.memory_space<vmem>>, vector<1x16xi32>,
      %get3A_2552 = vector.shape_cast %get3A_2551 : vector<1x16xi32> to vector<16xi32>
      %mul3A_2553 = arith.constant 4 : i32
      %mul3A_2554 = vector.broadcast %mul3A_2553 : i32 to vector<16xi32>
      %mul3A_2555 = arith.muli %get3A_2552, %mul3A_2554 : vector<16xi32>
      %add3A_2556 = vector.broadcast %add3A_2436 : i32 to vector<16xi32>
      %add3A_2557 = arith.addi %mul3A_2555, %add3A_2556 : vector<16xi32>
      %swap3A_2558 = arith.index_cast %sub3A_2393 : i32 to index
      %swap3A_2559 = arith.constant 128 : index
      %swap3A_2560 = tpu.vector_load %arg8[%swap3A_2558, %swap3A_2559] {strides = array<i32>} : memref<2x2000xi32, #tpu.memory_space<vmem>>, vector<1x16xi32>,
      %swap3A_2561 = vector.shape_cast %swap3A_2560 : vector<1x16xi32> to vector<16xi32>
      %swap3A_2562 = vector.shape_cast %add3A_2557 : vector<16xi32> to vector<1x16xi32>
      tpu.vector_store %arg8[%swap3A_2558, %swap3A_2559], %swap3A_2562 {strides = array<i32>} : memref<2x2000xi32, #tpu.memory_space<vmem>>, vector<1x16xi32>,
      %get3A_2563 = arith.index_cast %sub3A_2393 : i32 to index
      %get3A_2564 = arith.constant 144 : index
      %get3A_2565 = tpu.vector_load %arg7[%get3A_2563, %get3A_2564] {strides = array<i32>} : memref<2x2000xi32, #tpu.memory_space<vmem>>, vector<1x16xi32>,
      %get3A_2566 = vector.shape_cast %get3A_2565 : vector<1x16xi32> to vector<16xi32>
      %mul3A_2567 = arith.constant 4 : i32
      %mul3A_2568 = vector.broadcast %mul3A_2567 : i32 to vector<16xi32>
      %mul3A_2569 = arith.muli %get3A_2566, %mul3A_2568 : vector<16xi32>
      %add3A_2570 = vector.broadcast %add3A_2436 : i32 to vector<16xi32>
      %add3A_2571 = arith.addi %mul3A_2569, %add3A_2570 : vector<16xi32>
      %swap3A_2572 = arith.index_cast %sub3A_2393 : i32 to index
      %swap3A_2573 = arith.constant 144 : index
      %swap3A_2574 = tpu.vector_load %arg8[%swap3A_2572, %swap3A_2573] {strides = array<i32>} : memref<2x2000xi32, #tpu.memory_space<vmem>>, vector<1x16xi32>,
      %swap3A_2575 = vector.shape_cast %swap3A_2574 : vector<1x16xi32> to vector<16xi32>
      %swap3A_2576 = vector.shape_cast %add3A_2571 : vector<16xi32> to vector<1x16xi32>
      tpu.vector_store %arg8[%swap3A_2572, %swap3A_2573], %swap3A_2576 {strides = array<i32>} : memref<2x2000xi32, #tpu.memory_space<vmem>>, vector<1x16xi32>,
      %get3A_2577 = arith.index_cast %sub3A_2393 : i32 to index
      %get3A_2578 = arith.constant 160 : index
      %get3A_2579 = tpu.vector_load %arg7[%get3A_2577, %get3A_2578] {strides = array<i32>} : memref<2x2000xi32, #tpu.memory_space<vmem>>, vector<1x16xi32>,
      %get3A_2580 = vector.shape_cast %get3A_2579 : vector<1x16xi32> to vector<16xi32>
      %mul3A_2581 = arith.constant 4 : i32
      %mul3A_2582 = vector.broadcast %mul3A_2581 : i32 to vector<16xi32>
      %mul3A_2583 = arith.muli %get3A_2580, %mul3A_2582 : vector<16xi32>
      %add3A_2584 = vector.broadcast %add3A_2436 : i32 to vector<16xi32>
      %add3A_2585 = arith.addi %mul3A_2583, %add3A_2584 : vector<16xi32>
      %swap3A_2586 = arith.index_cast %sub3A_2393 : i32 to index
      %swap3A_2587 = arith.constant 160 : index
      %swap3A_2588 = tpu.vector_load %arg8[%swap3A_2586, %swap3A_2587] {strides = array<i32>} : memref<2x2000xi32, #tpu.memory_space<vmem>>, vector<1x16xi32>,
      %swap3A_2589 = vector.shape_cast %swap3A_2588 : vector<1x16xi32> to vector<16xi32>
      %swap3A_2590 = vector.shape_cast %add3A_2585 : vector<16xi32> to vector<1x16xi32>
      tpu.vector_store %arg8[%swap3A_2586, %swap3A_2587], %swap3A_2590 {strides = array<i32>} : memref<2x2000xi32, #tpu.memory_space<vmem>>, vector<1x16xi32>,
      %get3A_2591 = arith.index_cast %sub3A_2393 : i32 to index
      %get3A_2592 = arith.constant 176 : index
      %get3A_2593 = tpu.vector_load %arg7[%get3A_2591, %get3A_2592] {strides = array<i32>} : memref<2x2000xi32, #tpu.memory_space<vmem>>, vector<1x16xi32>,
      %get3A_2594 = vector.shape_cast %get3A_2593 : vector<1x16xi32> to vector<16xi32>
      %mul3A_2595 = arith.constant 4 : i32
      %mul3A_2596 = vector.broadcast %mul3A_2595 : i32 to vector<16xi32>
      %mul3A_2597 = arith.muli %get3A_2594, %mul3A_2596 : vector<16xi32>
      %add3A_2598 = vector.broadcast %add3A_2436 : i32 to vector<16xi32>
      %add3A_2599 = arith.addi %mul3A_2597, %add3A_2598 : vector<16xi32>
      %swap3A_2600 = arith.index_cast %sub3A_2393 : i32 to index
      %swap3A_2601 = arith.constant 176 : index
      %swap3A_2602 = tpu.vector_load %arg8[%swap3A_2600, %swap3A_2601] {strides = array<i32>} : memref<2x2000xi32, #tpu.memory_space<vmem>>, vector<1x16xi32>,
      %swap3A_2603 = vector.shape_cast %swap3A_2602 : vector<1x16xi32> to vector<16xi32>
      %swap3A_2604 = vector.shape_cast %add3A_2599 : vector<16xi32> to vector<1x16xi32>
      tpu.vector_store %arg8[%swap3A_2600, %swap3A_2601], %swap3A_2604 {strides = array<i32>} : memref<2x2000xi32, #tpu.memory_space<vmem>>, vector<1x16xi32>,
      %get3A_2605 = arith.index_cast %sub3A_2393 : i32 to index
      %get3A_2606 = arith.constant 192 : index
      %get3A_2607 = tpu.vector_load %arg7[%get3A_2605, %get3A_2606] {strides = array<i32>} : memref<2x2000xi32, #tpu.memory_space<vmem>>, vector<1x16xi32>,
      %get3A_2608 = vector.shape_cast %get3A_2607 : vector<1x16xi32> to vector<16xi32>
      %mul3A_2609 = arith.constant 4 : i32
      %mul3A_2610 = vector.broadcast %mul3A_2609 : i32 to vector<16xi32>
      %mul3A_2611 = arith.muli %get3A_2608, %mul3A_2610 : vector<16xi32>
      %add3A_2612 = vector.broadcast %add3A_2436 : i32 to vector<16xi32>
      %add3A_2613 = arith.addi %mul3A_2611, %add3A_2612 : vector<16xi32>
      %swap3A_2614 = arith.index_cast %sub3A_2393 : i32 to index
      %swap3A_2615 = arith.constant 192 : index
      %swap3A_2616 = tpu.vector_load %arg8[%swap3A_2614, %swap3A_2615] {strides = array<i32>} : memref<2x2000xi32, #tpu.memory_space<vmem>>, vector<1x16xi32>,
      %swap3A_2617 = vector.shape_cast %swap3A_2616 : vector<1x16xi32> to vector<16xi32>
      %swap3A_2618 = vector.shape_cast %add3A_2613 : vector<16xi32> to vector<1x16xi32>
      tpu.vector_store %arg8[%swap3A_2614, %swap3A_2615], %swap3A_2618 {strides = array<i32>} : memref<2x2000xi32, #tpu.memory_space<vmem>>, vector<1x16xi32>,
      %get3A_2619 = arith.index_cast %sub3A_2393 : i32 to index
      %get3A_2620 = arith.constant 208 : index
      %get3A_2621 = tpu.vector_load %arg7[%get3A_2619, %get3A_2620] {strides = array<i32>} : memref<2x2000xi32, #tpu.memory_space<vmem>>, vector<1x16xi32>,
      %get3A_2622 = vector.shape_cast %get3A_2621 : vector<1x16xi32> to vector<16xi32>
      %mul3A_2623 = arith.constant 4 : i32
      %mul3A_2624 = vector.broadcast %mul3A_2623 : i32 to vector<16xi32>
      %mul3A_2625 = arith.muli %get3A_2622, %mul3A_2624 : vector<16xi32>
      %add3A_2626 = vector.broadcast %add3A_2436 : i32 to vector<16xi32>
      %add3A_2627 = arith.addi %mul3A_2625, %add3A_2626 : vector<16xi32>
      %swap3A_2628 = arith.index_cast %sub3A_2393 : i32 to index
      %swap3A_2629 = arith.constant 208 : index
      %swap3A_2630 = tpu.vector_load %arg8[%swap3A_2628, %swap3A_2629] {strides = array<i32>} : memref<2x2000xi32, #tpu.memory_space<vmem>>, vector<1x16xi32>,
      %swap3A_2631 = vector.shape_cast %swap3A_2630 : vector<1x16xi32> to vector<16xi32>
      %swap3A_2632 = vector.shape_cast %add3A_2627 : vector<16xi32> to vector<1x16xi32>
      tpu.vector_store %arg8[%swap3A_2628, %swap3A_2629], %swap3A_2632 {strides = array<i32>} : memref<2x2000xi32, #tpu.memory_space<vmem>>, vector<1x16xi32>,
      %get3A_2633 = arith.index_cast %sub3A_2393 : i32 to index
      %get3A_2634 = arith.constant 224 : index
      %get3A_2635 = tpu.vector_load %arg7[%get3A_2633, %get3A_2634] {strides = array<i32>} : memref<2x2000xi32, #tpu.memory_space<vmem>>, vector<1x16xi32>,
      %get3A_2636 = vector.shape_cast %get3A_2635 : vector<1x16xi32> to vector<16xi32>
      %mul3A_2637 = arith.constant 4 : i32
      %mul3A_2638 = vector.broadcast %mul3A_2637 : i32 to vector<16xi32>
      %mul3A_2639 = arith.muli %get3A_2636, %mul3A_2638 : vector<16xi32>
      %add3A_2640 = vector.broadcast %add3A_2436 : i32 to vector<16xi32>
      %add3A_2641 = arith.addi %mul3A_2639, %add3A_2640 : vector<16xi32>
      %swap3A_2642 = arith.index_cast %sub3A_2393 : i32 to index
      %swap3A_2643 = arith.constant 224 : index
      %swap3A_2644 = tpu.vector_load %arg8[%swap3A_2642, %swap3A_2643] {strides = array<i32>} : memref<2x2000xi32, #tpu.memory_space<vmem>>, vector<1x16xi32>,
      %swap3A_2645 = vector.shape_cast %swap3A_2644 : vector<1x16xi32> to vector<16xi32>
      %swap3A_2646 = vector.shape_cast %add3A_2641 : vector<16xi32> to vector<1x16xi32>
      tpu.vector_store %arg8[%swap3A_2642, %swap3A_2643], %swap3A_2646 {strides = array<i32>} : memref<2x2000xi32, #tpu.memory_space<vmem>>, vector<1x16xi32>,
      %get3A_2647 = arith.index_cast %sub3A_2393 : i32 to index
      %get3A_2648 = arith.constant 240 : index
      %get3A_2649 = tpu.vector_load %arg7[%get3A_2647, %get3A_2648] {strides = array<i32>} : memref<2x2000xi32, #tpu.memory_space<vmem>>, vector<1x16xi32>,
      %get3A_2650 = vector.shape_cast %get3A_2649 : vector<1x16xi32> to vector<16xi32>
      %mul3A_2651 = arith.constant 4 : i32
      %mul3A_2652 = vector.broadcast %mul3A_2651 : i32 to vector<16xi32>
      %mul3A_2653 = arith.muli %get3A_2650, %mul3A_2652 : vector<16xi32>
      %add3A_2654 = vector.broadcast %add3A_2436 : i32 to vector<16xi32>
      %add3A_2655 = arith.addi %mul3A_2653, %add3A_2654 : vector<16xi32>
      %swap3A_2656 = arith.index_cast %sub3A_2393 : i32 to index
      %swap3A_2657 = arith.constant 240 : index
      %swap3A_2658 = tpu.vector_load %arg8[%swap3A_2656, %swap3A_2657] {strides = array<i32>} : memref<2x2000xi32, #tpu.memory_space<vmem>>, vector<1x16xi32>,
      %swap3A_2659 = vector.shape_cast %swap3A_2658 : vector<1x16xi32> to vector<16xi32>
      %swap3A_2660 = vector.shape_cast %add3A_2655 : vector<16xi32> to vector<1x16xi32>
      tpu.vector_store %arg8[%swap3A_2656, %swap3A_2657], %swap3A_2660 {strides = array<i32>} : memref<2x2000xi32, #tpu.memory_space<vmem>>, vector<1x16xi32>,
      %get3A_2661 = arith.index_cast %sub3A_2393 : i32 to index
      %get3A_2662 = arith.constant 256 : index
      %get3A_2663 = tpu.vector_load %arg7[%get3A_2661, %get3A_2662] {strides = array<i32>} : memref<2x2000xi32, #tpu.memory_space<vmem>>, vector<1x16xi32>,
      %get3A_2664 = vector.shape_cast %get3A_2663 : vector<1x16xi32> to vector<16xi32>
      %mul3A_2665 = arith.constant 4 : i32
      %mul3A_2666 = vector.broadcast %mul3A_2665 : i32 to vector<16xi32>
      %mul3A_2667 = arith.muli %get3A_2664, %mul3A_2666 : vector<16xi32>
      %add3A_2668 = vector.broadcast %add3A_2436 : i32 to vector<16xi32>
      %add3A_2669 = arith.addi %mul3A_2667, %add3A_2668 : vector<16xi32>
      %swap3A_2670 = arith.index_cast %sub3A_2393 : i32 to index
      %swap3A_2671 = arith.constant 256 : index
      %swap3A_2672 = tpu.vector_load %arg8[%swap3A_2670, %swap3A_2671] {strides = array<i32>} : memref<2x2000xi32, #tpu.memory_space<vmem>>, vector<1x16xi32>,
      %swap3A_2673 = vector.shape_cast %swap3A_2672 : vector<1x16xi32> to vector<16xi32>
      %swap3A_2674 = vector.shape_cast %add3A_2669 : vector<16xi32> to vector<1x16xi32>
      tpu.vector_store %arg8[%swap3A_2670, %swap3A_2671], %swap3A_2674 {strides = array<i32>} : memref<2x2000xi32, #tpu.memory_space<vmem>>, vector<1x16xi32>,
      %get3A_2675 = arith.index_cast %sub3A_2393 : i32 to index
      %get3A_2676 = arith.constant 272 : index
      %get3A_2677 = tpu.vector_load %arg7[%get3A_2675, %get3A_2676] {strides = array<i32>} : memref<2x2000xi32, #tpu.memory_space<vmem>>, vector<1x16xi32>,
      %get3A_2678 = vector.shape_cast %get3A_2677 : vector<1x16xi32> to vector<16xi32>
      %mul3A_2679 = arith.constant 4 : i32
      %mul3A_2680 = vector.broadcast %mul3A_2679 : i32 to vector<16xi32>
      %mul3A_2681 = arith.muli %get3A_2678, %mul3A_2680 : vector<16xi32>
      %add3A_2682 = vector.broadcast %add3A_2436 : i32 to vector<16xi32>
      %add3A_2683 = arith.addi %mul3A_2681, %add3A_2682 : vector<16xi32>
      %swap3A_2684 = arith.index_cast %sub3A_2393 : i32 to index
      %swap3A_2685 = arith.constant 272 : index
      %swap3A_2686 = tpu.vector_load %arg8[%swap3A_2684, %swap3A_2685] {strides = array<i32>} : memref<2x2000xi32, #tpu.memory_space<vmem>>, vector<1x16xi32>,
      %swap3A_2687 = vector.shape_cast %swap3A_2686 : vector<1x16xi32> to vector<16xi32>
      %swap3A_2688 = vector.shape_cast %add3A_2683 : vector<16xi32> to vector<1x16xi32>
      tpu.vector_store %arg8[%swap3A_2684, %swap3A_2685], %swap3A_2688 {strides = array<i32>} : memref<2x2000xi32, #tpu.memory_space<vmem>>, vector<1x16xi32>,
      %get3A_2689 = arith.index_cast %sub3A_2393 : i32 to index
      %get3A_2690 = arith.constant 288 : index
      %get3A_2691 = tpu.vector_load %arg7[%get3A_2689, %get3A_2690] {strides = array<i32>} : memref<2x2000xi32, #tpu.memory_space<vmem>>, vector<1x16xi32>,
      %get3A_2692 = vector.shape_cast %get3A_2691 : vector<1x16xi32> to vector<16xi32>
      %mul3A_2693 = arith.constant 4 : i32
      %mul3A_2694 = vector.broadcast %mul3A_2693 : i32 to vector<16xi32>
      %mul3A_2695 = arith.muli %get3A_2692, %mul3A_2694 : vector<16xi32>
      %add3A_2696 = vector.broadcast %add3A_2436 : i32 to vector<16xi32>
      %add3A_2697 = arith.addi %mul3A_2695, %add3A_2696 : vector<16xi32>
      %swap3A_2698 = arith.index_cast %sub3A_2393 : i32 to index
      %swap3A_2699 = arith.constant 288 : index
      %swap3A_2700 = tpu.vector_load %arg8[%swap3A_2698, %swap3A_2699] {strides = array<i32>} : memref<2x2000xi32, #tpu.memory_space<vmem>>, vector<1x16xi32>,
      %swap3A_2701 = vector.shape_cast %swap3A_2700 : vector<1x16xi32> to vector<16xi32>
      %swap3A_2702 = vector.shape_cast %add3A_2697 : vector<16xi32> to vector<1x16xi32>
      tpu.vector_store %arg8[%swap3A_2698, %swap3A_2699], %swap3A_2702 {strides = array<i32>} : memref<2x2000xi32, #tpu.memory_space<vmem>>, vector<1x16xi32>,
      %get3A_2703 = arith.index_cast %sub3A_2393 : i32 to index
      %get3A_2704 = arith.constant 304 : index
      %get3A_2705 = tpu.vector_load %arg7[%get3A_2703, %get3A_2704] {strides = array<i32>} : memref<2x2000xi32, #tpu.memory_space<vmem>>, vector<1x16xi32>,
      %get3A_2706 = vector.shape_cast %get3A_2705 : vector<1x16xi32> to vector<16xi32>
      %mul3A_2707 = arith.constant 4 : i32
      %mul3A_2708 = vector.broadcast %mul3A_2707 : i32 to vector<16xi32>
      %mul3A_2709 = arith.muli %get3A_2706, %mul3A_2708 : vector<16xi32>
      %add3A_2710 = vector.broadcast %add3A_2436 : i32 to vector<16xi32>
      %add3A_2711 = arith.addi %mul3A_2709, %add3A_2710 : vector<16xi32>
      %swap3A_2712 = arith.index_cast %sub3A_2393 : i32 to index
      %swap3A_2713 = arith.constant 304 : index
      %swap3A_2714 = tpu.vector_load %arg8[%swap3A_2712, %swap3A_2713] {strides = array<i32>} : memref<2x2000xi32, #tpu.memory_space<vmem>>, vector<1x16xi32>,
      %swap3A_2715 = vector.shape_cast %swap3A_2714 : vector<1x16xi32> to vector<16xi32>
      %swap3A_2716 = vector.shape_cast %add3A_2711 : vector<16xi32> to vector<1x16xi32>
      tpu.vector_store %arg8[%swap3A_2712, %swap3A_2713], %swap3A_2716 {strides = array<i32>} : memref<2x2000xi32, #tpu.memory_space<vmem>>, vector<1x16xi32>,
      %get3A_2717 = arith.index_cast %sub3A_2393 : i32 to index
      %get3A_2718 = arith.constant 320 : index
      %get3A_2719 = tpu.vector_load %arg7[%get3A_2717, %get3A_2718] {strides = array<i32>} : memref<2x2000xi32, #tpu.memory_space<vmem>>, vector<1x16xi32>,
      %get3A_2720 = vector.shape_cast %get3A_2719 : vector<1x16xi32> to vector<16xi32>
      %mul3A_2721 = arith.constant 4 : i32
      %mul3A_2722 = vector.broadcast %mul3A_2721 : i32 to vector<16xi32>
      %mul3A_2723 = arith.muli %get3A_2720, %mul3A_2722 : vector<16xi32>
      %add3A_2724 = vector.broadcast %add3A_2436 : i32 to vector<16xi32>
      %add3A_2725 = arith.addi %mul3A_2723, %add3A_2724 : vector<16xi32>
      %swap3A_2726 = arith.index_cast %sub3A_2393 : i32 to index
      %swap3A_2727 = arith.constant 320 : index
      %swap3A_2728 = tpu.vector_load %arg8[%swap3A_2726, %swap3A_2727] {strides = array<i32>} : memref<2x2000xi32, #tpu.memory_space<vmem>>, vector<1x16xi32>,
      %swap3A_2729 = vector.shape_cast %swap3A_2728 : vector<1x16xi32> to vector<16xi32>
      %swap3A_2730 = vector.shape_cast %add3A_2725 : vector<16xi32> to vector<1x16xi32>
      tpu.vector_store %arg8[%swap3A_2726, %swap3A_2727], %swap3A_2730 {strides = array<i32>} : memref<2x2000xi32, #tpu.memory_space<vmem>>, vector<1x16xi32>,
      %get3A_2731 = arith.index_cast %sub3A_2393 : i32 to index
      %get3A_2732 = arith.constant 336 : index
      %get3A_2733 = tpu.vector_load %arg7[%get3A_2731, %get3A_2732] {strides = array<i32>} : memref<2x2000xi32, #tpu.memory_space<vmem>>, vector<1x16xi32>,
      %get3A_2734 = vector.shape_cast %get3A_2733 : vector<1x16xi32> to vector<16xi32>
      %mul3A_2735 = arith.constant 4 : i32
      %mul3A_2736 = vector.broadcast %mul3A_2735 : i32 to vector<16xi32>
      %mul3A_2737 = arith.muli %get3A_2734, %mul3A_2736 : vector<16xi32>
      %add3A_2738 = vector.broadcast %add3A_2436 : i32 to vector<16xi32>
      %add3A_2739 = arith.addi %mul3A_2737, %add3A_2738 : vector<16xi32>
      %swap3A_2740 = arith.index_cast %sub3A_2393 : i32 to index
      %swap3A_2741 = arith.constant 336 : index
      %swap3A_2742 = tpu.vector_load %arg8[%swap3A_2740, %swap3A_2741] {strides = array<i32>} : memref<2x2000xi32, #tpu.memory_space<vmem>>, vector<1x16xi32>,
      %swap3A_2743 = vector.shape_cast %swap3A_2742 : vector<1x16xi32> to vector<16xi32>
      %swap3A_2744 = vector.shape_cast %add3A_2739 : vector<16xi32> to vector<1x16xi32>
      tpu.vector_store %arg8[%swap3A_2740, %swap3A_2741], %swap3A_2744 {strides = array<i32>} : memref<2x2000xi32, #tpu.memory_space<vmem>>, vector<1x16xi32>,
      %get3A_2745 = arith.index_cast %sub3A_2393 : i32 to index
      %get3A_2746 = arith.constant 352 : index
      %get3A_2747 = tpu.vector_load %arg7[%get3A_2745, %get3A_2746] {strides = array<i32>} : memref<2x2000xi32, #tpu.memory_space<vmem>>, vector<1x16xi32>,
      %get3A_2748 = vector.shape_cast %get3A_2747 : vector<1x16xi32> to vector<16xi32>
      %mul3A_2749 = arith.constant 4 : i32
      %mul3A_2750 = vector.broadcast %mul3A_2749 : i32 to vector<16xi32>
      %mul3A_2751 = arith.muli %get3A_2748, %mul3A_2750 : vector<16xi32>
      %add3A_2752 = vector.broadcast %add3A_2436 : i32 to vector<16xi32>
      %add3A_2753 = arith.addi %mul3A_2751, %add3A_2752 : vector<16xi32>
      %swap3A_2754 = arith.index_cast %sub3A_2393 : i32 to index
      %swap3A_2755 = arith.constant 352 : index
      %swap3A_2756 = tpu.vector_load %arg8[%swap3A_2754, %swap3A_2755] {strides = array<i32>} : memref<2x2000xi32, #tpu.memory_space<vmem>>, vector<1x16xi32>,
      %swap3A_2757 = vector.shape_cast %swap3A_2756 : vector<1x16xi32> to vector<16xi32>
      %swap3A_2758 = vector.shape_cast %add3A_2753 : vector<16xi32> to vector<1x16xi32>
      tpu.vector_store %arg8[%swap3A_2754, %swap3A_2755], %swap3A_2758 {strides = array<i32>} : memref<2x2000xi32, #tpu.memory_space<vmem>>, vector<1x16xi32>,
      %get3A_2759 = arith.index_cast %sub3A_2393 : i32 to index
      %get3A_2760 = arith.constant 368 : index
      %get3A_2761 = tpu.vector_load %arg7[%get3A_2759, %get3A_2760] {strides = array<i32>} : memref<2x2000xi32, #tpu.memory_space<vmem>>, vector<1x16xi32>,
      %get3A_2762 = vector.shape_cast %get3A_2761 : vector<1x16xi32> to vector<16xi32>
      %mul3A_2763 = arith.constant 4 : i32
      %mul3A_2764 = vector.broadcast %mul3A_2763 : i32 to vector<16xi32>
      %mul3A_2765 = arith.muli %get3A_2762, %mul3A_2764 : vector<16xi32>
      %add3A_2766 = vector.broadcast %add3A_2436 : i32 to vector<16xi32>
      %add3A_2767 = arith.addi %mul3A_2765, %add3A_2766 : vector<16xi32>
      %swap3A_2768 = arith.index_cast %sub3A_2393 : i32 to index
      %swap3A_2769 = arith.constant 368 : index
      %swap3A_2770 = tpu.vector_load %arg8[%swap3A_2768, %swap3A_2769] {strides = array<i32>} : memref<2x2000xi32, #tpu.memory_space<vmem>>, vector<1x16xi32>,
      %swap3A_2771 = vector.shape_cast %swap3A_2770 : vector<1x16xi32> to vector<16xi32>
      %swap3A_2772 = vector.shape_cast %add3A_2767 : vector<16xi32> to vector<1x16xi32>
      tpu.vector_store %arg8[%swap3A_2768, %swap3A_2769], %swap3A_2772 {strides = array<i32>} : memref<2x2000xi32, #tpu.memory_space<vmem>>, vector<1x16xi32>,
      %get3A_2773 = arith.index_cast %sub3A_2393 : i32 to index
      %get3A_2774 = arith.constant 384 : index
      %get3A_2775 = tpu.vector_load %arg7[%get3A_2773, %get3A_2774] {strides = array<i32>} : memref<2x2000xi32, #tpu.memory_space<vmem>>, vector<1x16xi32>,
      %get3A_2776 = vector.shape_cast %get3A_2775 : vector<1x16xi32> to vector<16xi32>
      %mul3A_2777 = arith.constant 4 : i32
      %mul3A_2778 = vector.broadcast %mul3A_2777 : i32 to vector<16xi32>
      %mul3A_2779 = arith.muli %get3A_2776, %mul3A_2778 : vector<16xi32>
      %add3A_2780 = vector.broadcast %add3A_2436 : i32 to vector<16xi32>
      %add3A_2781 = arith.addi %mul3A_2779, %add3A_2780 : vector<16xi32>
      %swap3A_2782 = arith.index_cast %sub3A_2393 : i32 to index
      %swap3A_2783 = arith.constant 384 : index
      %swap3A_2784 = tpu.vector_load %arg8[%swap3A_2782, %swap3A_2783] {strides = array<i32>} : memref<2x2000xi32, #tpu.memory_space<vmem>>, vector<1x16xi32>,
      %swap3A_2785 = vector.shape_cast %swap3A_2784 : vector<1x16xi32> to vector<16xi32>
      %swap3A_2786 = vector.shape_cast %add3A_2781 : vector<16xi32> to vector<1x16xi32>
      tpu.vector_store %arg8[%swap3A_2782, %swap3A_2783], %swap3A_2786 {strides = array<i32>} : memref<2x2000xi32, #tpu.memory_space<vmem>>, vector<1x16xi32>,
      %get3A_2787 = arith.index_cast %sub3A_2393 : i32 to index
      %get3A_2788 = arith.constant 400 : index
      %get3A_2789 = tpu.vector_load %arg7[%get3A_2787, %get3A_2788] {strides = array<i32>} : memref<2x2000xi32, #tpu.memory_space<vmem>>, vector<1x16xi32>,
      %get3A_2790 = vector.shape_cast %get3A_2789 : vector<1x16xi32> to vector<16xi32>
      %mul3A_2791 = arith.constant 4 : i32
      %mul3A_2792 = vector.broadcast %mul3A_2791 : i32 to vector<16xi32>
      %mul3A_2793 = arith.muli %get3A_2790, %mul3A_2792 : vector<16xi32>
      %add3A_2794 = vector.broadcast %add3A_2436 : i32 to vector<16xi32>
      %add3A_2795 = arith.addi %mul3A_2793, %add3A_2794 : vector<16xi32>
      %swap3A_2796 = arith.index_cast %sub3A_2393 : i32 to index
      %swap3A_2797 = arith.constant 400 : index
      %swap3A_2798 = tpu.vector_load %arg8[%swap3A_2796, %swap3A_2797] {strides = array<i32>} : memref<2x2000xi32, #tpu.memory_space<vmem>>, vector<1x16xi32>,
      %swap3A_2799 = vector.shape_cast %swap3A_2798 : vector<1x16xi32> to vector<16xi32>
      %swap3A_2800 = vector.shape_cast %add3A_2795 : vector<16xi32> to vector<1x16xi32>
      tpu.vector_store %arg8[%swap3A_2796, %swap3A_2797], %swap3A_2800 {strides = array<i32>} : memref<2x2000xi32, #tpu.memory_space<vmem>>, vector<1x16xi32>,
      %get3A_2801 = arith.index_cast %sub3A_2393 : i32 to index
      %get3A_2802 = arith.constant 416 : index
      %get3A_2803 = tpu.vector_load %arg7[%get3A_2801, %get3A_2802] {strides = array<i32>} : memref<2x2000xi32, #tpu.memory_space<vmem>>, vector<1x16xi32>,
      %get3A_2804 = vector.shape_cast %get3A_2803 : vector<1x16xi32> to vector<16xi32>
      %mul3A_2805 = arith.constant 4 : i32
      %mul3A_2806 = vector.broadcast %mul3A_2805 : i32 to vector<16xi32>
      %mul3A_2807 = arith.muli %get3A_2804, %mul3A_2806 : vector<16xi32>
      %add3A_2808 = vector.broadcast %add3A_2436 : i32 to vector<16xi32>
      %add3A_2809 = arith.addi %mul3A_2807, %add3A_2808 : vector<16xi32>
      %swap3A_2810 = arith.index_cast %sub3A_2393 : i32 to index
      %swap3A_2811 = arith.constant 416 : index
      %swap3A_2812 = tpu.vector_load %arg8[%swap3A_2810, %swap3A_2811] {strides = array<i32>} : memref<2x2000xi32, #tpu.memory_space<vmem>>, vector<1x16xi32>,
      %swap3A_2813 = vector.shape_cast %swap3A_2812 : vector<1x16xi32> to vector<16xi32>
      %swap3A_2814 = vector.shape_cast %add3A_2809 : vector<16xi32> to vector<1x16xi32>
      tpu.vector_store %arg8[%swap3A_2810, %swap3A_2811], %swap3A_2814 {strides = array<i32>} : memref<2x2000xi32, #tpu.memory_space<vmem>>, vector<1x16xi32>,
      %get3A_2815 = arith.index_cast %sub3A_2393 : i32 to index
      %get3A_2816 = arith.constant 432 : index
      %get3A_2817 = tpu.vector_load %arg7[%get3A_2815, %get3A_2816] {strides = array<i32>} : memref<2x2000xi32, #tpu.memory_space<vmem>>, vector<1x16xi32>,
      %get3A_2818 = vector.shape_cast %get3A_2817 : vector<1x16xi32> to vector<16xi32>
      %mul3A_2819 = arith.constant 4 : i32
      %mul3A_2820 = vector.broadcast %mul3A_2819 : i32 to vector<16xi32>
      %mul3A_2821 = arith.muli %get3A_2818, %mul3A_2820 : vector<16xi32>
      %add3A_2822 = vector.broadcast %add3A_2436 : i32 to vector<16xi32>
      %add3A_2823 = arith.addi %mul3A_2821, %add3A_2822 : vector<16xi32>
      %swap3A_2824 = arith.index_cast %sub3A_2393 : i32 to index
      %swap3A_2825 = arith.constant 432 : index
      %swap3A_2826 = tpu.vector_load %arg8[%swap3A_2824, %swap3A_2825] {strides = array<i32>} : memref<2x2000xi32, #tpu.memory_space<vmem>>, vector<1x16xi32>,
      %swap3A_2827 = vector.shape_cast %swap3A_2826 : vector<1x16xi32> to vector<16xi32>
      %swap3A_2828 = vector.shape_cast %add3A_2823 : vector<16xi32> to vector<1x16xi32>
      tpu.vector_store %arg8[%swap3A_2824, %swap3A_2825], %swap3A_2828 {strides = array<i32>} : memref<2x2000xi32, #tpu.memory_space<vmem>>, vector<1x16xi32>,
      %get3A_2829 = arith.index_cast %sub3A_2393 : i32 to index
      %get3A_2830 = arith.constant 448 : index
      %get3A_2831 = tpu.vector_load %arg7[%get3A_2829, %get3A_2830] {strides = array<i32>} : memref<2x2000xi32, #tpu.memory_space<vmem>>, vector<1x16xi32>,
      %get3A_2832 = vector.shape_cast %get3A_2831 : vector<1x16xi32> to vector<16xi32>
      %mul3A_2833 = arith.constant 4 : i32
      %mul3A_2834 = vector.broadcast %mul3A_2833 : i32 to vector<16xi32>
      %mul3A_2835 = arith.muli %get3A_2832, %mul3A_2834 : vector<16xi32>
      %add3A_2836 = vector.broadcast %add3A_2436 : i32 to vector<16xi32>
      %add3A_2837 = arith.addi %mul3A_2835, %add3A_2836 : vector<16xi32>
      %swap3A_2838 = arith.index_cast %sub3A_2393 : i32 to index
      %swap3A_2839 = arith.constant 448 : index
      %swap3A_2840 = tpu.vector_load %arg8[%swap3A_2838, %swap3A_2839] {strides = array<i32>} : memref<2x2000xi32, #tpu.memory_space<vmem>>, vector<1x16xi32>,
      %swap3A_2841 = vector.shape_cast %swap3A_2840 : vector<1x16xi32> to vector<16xi32>
      %swap3A_2842 = vector.shape_cast %add3A_2837 : vector<16xi32> to vector<1x16xi32>
      tpu.vector_store %arg8[%swap3A_2838, %swap3A_2839], %swap3A_2842 {strides = array<i32>} : memref<2x2000xi32, #tpu.memory_space<vmem>>, vector<1x16xi32>,
      %get3A_2843 = arith.index_cast %sub3A_2393 : i32 to index
      %get3A_2844 = arith.constant 464 : index
      %get3A_2845 = tpu.vector_load %arg7[%get3A_2843, %get3A_2844] {strides = array<i32>} : memref<2x2000xi32, #tpu.memory_space<vmem>>, vector<1x16xi32>,
      %get3A_2846 = vector.shape_cast %get3A_2845 : vector<1x16xi32> to vector<16xi32>
      %mul3A_2847 = arith.constant 4 : i32
      %mul3A_2848 = vector.broadcast %mul3A_2847 : i32 to vector<16xi32>
      %mul3A_2849 = arith.muli %get3A_2846, %mul3A_2848 : vector<16xi32>
      %add3A_2850 = vector.broadcast %add3A_2436 : i32 to vector<16xi32>
      %add3A_2851 = arith.addi %mul3A_2849, %add3A_2850 : vector<16xi32>
      %swap3A_2852 = arith.index_cast %sub3A_2393 : i32 to index
      %swap3A_2853 = arith.constant 464 : index
      %swap3A_2854 = tpu.vector_load %arg8[%swap3A_2852, %swap3A_2853] {strides = array<i32>} : memref<2x2000xi32, #tpu.memory_space<vmem>>, vector<1x16xi32>,
      %swap3A_2855 = vector.shape_cast %swap3A_2854 : vector<1x16xi32> to vector<16xi32>
      %swap3A_2856 = vector.shape_cast %add3A_2851 : vector<16xi32> to vector<1x16xi32>
      tpu.vector_store %arg8[%swap3A_2852, %swap3A_2853], %swap3A_2856 {strides = array<i32>} : memref<2x2000xi32, #tpu.memory_space<vmem>>, vector<1x16xi32>,
      %get3A_2857 = arith.index_cast %sub3A_2393 : i32 to index
      %get3A_2858 = arith.constant 480 : index
      %get3A_2859 = tpu.vector_load %arg7[%get3A_2857, %get3A_2858] {strides = array<i32>} : memref<2x2000xi32, #tpu.memory_space<vmem>>, vector<1x16xi32>,
      %get3A_2860 = vector.shape_cast %get3A_2859 : vector<1x16xi32> to vector<16xi32>
      %mul3A_2861 = arith.constant 4 : i32
      %mul3A_2862 = vector.broadcast %mul3A_2861 : i32 to vector<16xi32>
      %mul3A_2863 = arith.muli %get3A_2860, %mul3A_2862 : vector<16xi32>
      %add3A_2864 = vector.broadcast %add3A_2436 : i32 to vector<16xi32>
      %add3A_2865 = arith.addi %mul3A_2863, %add3A_2864 : vector<16xi32>
      %swap3A_2866 = arith.index_cast %sub3A_2393 : i32 to index
      %swap3A_2867 = arith.constant 480 : index
      %swap3A_2868 = tpu.vector_load %arg8[%swap3A_2866, %swap3A_2867] {strides = array<i32>} : memref<2x2000xi32, #tpu.memory_space<vmem>>, vector<1x16xi32>,
      %swap3A_2869 = vector.shape_cast %swap3A_2868 : vector<1x16xi32> to vector<16xi32>
      %swap3A_2870 = vector.shape_cast %add3A_2865 : vector<16xi32> to vector<1x16xi32>
      tpu.vector_store %arg8[%swap3A_2866, %swap3A_2867], %swap3A_2870 {strides = array<i32>} : memref<2x2000xi32, #tpu.memory_space<vmem>>, vector<1x16xi32>,
      %get3A_2871 = arith.index_cast %sub3A_2393 : i32 to index
      %get3A_2872 = arith.constant 496 : index
      %get3A_2873 = tpu.vector_load %arg7[%get3A_2871, %get3A_2872] {strides = array<i32>} : memref<2x2000xi32, #tpu.memory_space<vmem>>, vector<1x16xi32>,
      %get3A_2874 = vector.shape_cast %get3A_2873 : vector<1x16xi32> to vector<16xi32>
      %mul3A_2875 = arith.constant 4 : i32
      %mul3A_2876 = vector.broadcast %mul3A_2875 : i32 to vector<16xi32>
      %mul3A_2877 = arith.muli %get3A_2874, %mul3A_2876 : vector<16xi32>
      %add3A_2878 = vector.broadcast %add3A_2436 : i32 to vector<16xi32>
      %add3A_2879 = arith.addi %mul3A_2877, %add3A_2878 : vector<16xi32>
      %swap3A_2880 = arith.index_cast %sub3A_2393 : i32 to index
      %swap3A_2881 = arith.constant 496 : index
      %swap3A_2882 = tpu.vector_load %arg8[%swap3A_2880, %swap3A_2881] {strides = array<i32>} : memref<2x2000xi32, #tpu.memory_space<vmem>>, vector<1x16xi32>,
      %swap3A_2883 = vector.shape_cast %swap3A_2882 : vector<1x16xi32> to vector<16xi32>
      %swap3A_2884 = vector.shape_cast %add3A_2879 : vector<16xi32> to vector<1x16xi32>
      tpu.vector_store %arg8[%swap3A_2880, %swap3A_2881], %swap3A_2884 {strides = array<i32>} : memref<2x2000xi32, #tpu.memory_space<vmem>>, vector<1x16xi32>,
      %get3A_2885 = arith.index_cast %sub3A_2393 : i32 to index
      %get3A_2886 = arith.constant 512 : index
      %get3A_2887 = tpu.vector_load %arg7[%get3A_2885, %get3A_2886] {strides = array<i32>} : memref<2x2000xi32, #tpu.memory_space<vmem>>, vector<1x16xi32>,
      %get3A_2888 = vector.shape_cast %get3A_2887 : vector<1x16xi32> to vector<16xi32>
      %mul3A_2889 = arith.constant 4 : i32
      %mul3A_2890 = vector.broadcast %mul3A_2889 : i32 to vector<16xi32>
      %mul3A_2891 = arith.muli %get3A_2888, %mul3A_2890 : vector<16xi32>
      %add3A_2892 = vector.broadcast %add3A_2436 : i32 to vector<16xi32>
      %add3A_2893 = arith.addi %mul3A_2891, %add3A_2892 : vector<16xi32>
      %swap3A_2894 = arith.index_cast %sub3A_2393 : i32 to index
      %swap3A_2895 = arith.constant 512 : index
      %swap3A_2896 = tpu.vector_load %arg8[%swap3A_2894, %swap3A_2895] {strides = array<i32>} : memref<2x2000xi32, #tpu.memory_space<vmem>>, vector<1x16xi32>,
      %swap3A_2897 = vector.shape_cast %swap3A_2896 : vector<1x16xi32> to vector<16xi32>
      %swap3A_2898 = vector.shape_cast %add3A_2893 : vector<16xi32> to vector<1x16xi32>
      tpu.vector_store %arg8[%swap3A_2894, %swap3A_2895], %swap3A_2898 {strides = array<i32>} : memref<2x2000xi32, #tpu.memory_space<vmem>>, vector<1x16xi32>,
      %get3A_2899 = arith.index_cast %sub3A_2393 : i32 to index
      %get3A_2900 = arith.constant 528 : index
      %get3A_2901 = tpu.vector_load %arg7[%get3A_2899, %get3A_2900] {strides = array<i32>} : memref<2x2000xi32, #tpu.memory_space<vmem>>, vector<1x16xi32>,
      %get3A_2902 = vector.shape_cast %get3A_2901 : vector<1x16xi32> to vector<16xi32>
      %mul3A_2903 = arith.constant 4 : i32
      %mul3A_2904 = vector.broadcast %mul3A_2903 : i32 to vector<16xi32>
      %mul3A_2905 = arith.muli %get3A_2902, %mul3A_2904 : vector<16xi32>
      %add3A_2906 = vector.broadcast %add3A_2436 : i32 to vector<16xi32>
      %add3A_2907 = arith.addi %mul3A_2905, %add3A_2906 : vector<16xi32>
      %swap3A_2908 = arith.index_cast %sub3A_2393 : i32 to index
      %swap3A_2909 = arith.constant 528 : index
      %swap3A_2910 = tpu.vector_load %arg8[%swap3A_2908, %swap3A_2909] {strides = array<i32>} : memref<2x2000xi32, #tpu.memory_space<vmem>>, vector<1x16xi32>,
      %swap3A_2911 = vector.shape_cast %swap3A_2910 : vector<1x16xi32> to vector<16xi32>
      %swap3A_2912 = vector.shape_cast %add3A_2907 : vector<16xi32> to vector<1x16xi32>
      tpu.vector_store %arg8[%swap3A_2908, %swap3A_2909], %swap3A_2912 {strides = array<i32>} : memref<2x2000xi32, #tpu.memory_space<vmem>>, vector<1x16xi32>,
      %get3A_2913 = arith.index_cast %sub3A_2393 : i32 to index
      %get3A_2914 = arith.constant 544 : index
      %get3A_2915 = tpu.vector_load %arg7[%get3A_2913, %get3A_2914] {strides = array<i32>} : memref<2x2000xi32, #tpu.memory_space<vmem>>, vector<1x16xi32>,
      %get3A_2916 = vector.shape_cast %get3A_2915 : vector<1x16xi32> to vector<16xi32>
      %mul3A_2917 = arith.constant 4 : i32
      %mul3A_2918 = vector.broadcast %mul3A_2917 : i32 to vector<16xi32>
      %mul3A_2919 = arith.muli %get3A_2916, %mul3A_2918 : vector<16xi32>
      %add3A_2920 = vector.broadcast %add3A_2436 : i32 to vector<16xi32>
      %add3A_2921 = arith.addi %mul3A_2919, %add3A_2920 : vector<16xi32>
      %swap3A_2922 = arith.index_cast %sub3A_2393 : i32 to index
      %swap3A_2923 = arith.constant 544 : index
      %swap3A_2924 = tpu.vector_load %arg8[%swap3A_2922, %swap3A_2923] {strides = array<i32>} : memref<2x2000xi32, #tpu.memory_space<vmem>>, vector<1x16xi32>,
      %swap3A_2925 = vector.shape_cast %swap3A_2924 : vector<1x16xi32> to vector<16xi32>
      %swap3A_2926 = vector.shape_cast %add3A_2921 : vector<16xi32> to vector<1x16xi32>
      tpu.vector_store %arg8[%swap3A_2922, %swap3A_2923], %swap3A_2926 {strides = array<i32>} : memref<2x2000xi32, #tpu.memory_space<vmem>>, vector<1x16xi32>,
      %get3A_2927 = arith.index_cast %sub3A_2393 : i32 to index
      %get3A_2928 = arith.constant 560 : index
      %get3A_2929 = tpu.vector_load %arg7[%get3A_2927, %get3A_2928] {strides = array<i32>} : memref<2x2000xi32, #tpu.memory_space<vmem>>, vector<1x16xi32>,
      %get3A_2930 = vector.shape_cast %get3A_2929 : vector<1x16xi32> to vector<16xi32>
      %mul3A_2931 = arith.constant 4 : i32
      %mul3A_2932 = vector.broadcast %mul3A_2931 : i32 to vector<16xi32>
      %mul3A_2933 = arith.muli %get3A_2930, %mul3A_2932 : vector<16xi32>
      %add3A_2934 = vector.broadcast %add3A_2436 : i32 to vector<16xi32>
      %add3A_2935 = arith.addi %mul3A_2933, %add3A_2934 : vector<16xi32>
      %swap3A_2936 = arith.index_cast %sub3A_2393 : i32 to index
      %swap3A_2937 = arith.constant 560 : index
      %swap3A_2938 = tpu.vector_load %arg8[%swap3A_2936, %swap3A_2937] {strides = array<i32>} : memref<2x2000xi32, #tpu.memory_space<vmem>>, vector<1x16xi32>,
      %swap3A_2939 = vector.shape_cast %swap3A_2938 : vector<1x16xi32> to vector<16xi32>
      %swap3A_2940 = vector.shape_cast %add3A_2935 : vector<16xi32> to vector<1x16xi32>
      tpu.vector_store %arg8[%swap3A_2936, %swap3A_2937], %swap3A_2940 {strides = array<i32>} : memref<2x2000xi32, #tpu.memory_space<vmem>>, vector<1x16xi32>,
      %get3A_2941 = arith.index_cast %sub3A_2393 : i32 to index
      %get3A_2942 = arith.constant 576 : index
      %get3A_2943 = tpu.vector_load %arg7[%get3A_2941, %get3A_2942] {strides = array<i32>} : memref<2x2000xi32, #tpu.memory_space<vmem>>, vector<1x16xi32>,
      %get3A_2944 = vector.shape_cast %get3A_2943 : vector<1x16xi32> to vector<16xi32>
      %mul3A_2945 = arith.constant 4 : i32
      %mul3A_2946 = vector.broadcast %mul3A_2945 : i32 to vector<16xi32>
      %mul3A_2947 = arith.muli %get3A_2944, %mul3A_2946 : vector<16xi32>
      %add3A_2948 = vector.broadcast %add3A_2436 : i32 to vector<16xi32>
      %add3A_2949 = arith.addi %mul3A_2947, %add3A_2948 : vector<16xi32>
      %swap3A_2950 = arith.index_cast %sub3A_2393 : i32 to index
      %swap3A_2951 = arith.constant 576 : index
      %swap3A_2952 = tpu.vector_load %arg8[%swap3A_2950, %swap3A_2951] {strides = array<i32>} : memref<2x2000xi32, #tpu.memory_space<vmem>>, vector<1x16xi32>,
      %swap3A_2953 = vector.shape_cast %swap3A_2952 : vector<1x16xi32> to vector<16xi32>
      %swap3A_2954 = vector.shape_cast %add3A_2949 : vector<16xi32> to vector<1x16xi32>
      tpu.vector_store %arg8[%swap3A_2950, %swap3A_2951], %swap3A_2954 {strides = array<i32>} : memref<2x2000xi32, #tpu.memory_space<vmem>>, vector<1x16xi32>,
      %get3A_2955 = arith.index_cast %sub3A_2393 : i32 to index
      %get3A_2956 = arith.constant 592 : index
      %get3A_2957 = tpu.vector_load %arg7[%get3A_2955, %get3A_2956] {strides = array<i32>} : memref<2x2000xi32, #tpu.memory_space<vmem>>, vector<1x16xi32>,
      %get3A_2958 = vector.shape_cast %get3A_2957 : vector<1x16xi32> to vector<16xi32>
      %mul3A_2959 = arith.constant 4 : i32
      %mul3A_2960 = vector.broadcast %mul3A_2959 : i32 to vector<16xi32>
      %mul3A_2961 = arith.muli %get3A_2958, %mul3A_2960 : vector<16xi32>
      %add3A_2962 = vector.broadcast %add3A_2436 : i32 to vector<16xi32>
      %add3A_2963 = arith.addi %mul3A_2961, %add3A_2962 : vector<16xi32>
      %swap3A_2964 = arith.index_cast %sub3A_2393 : i32 to index
      %swap3A_2965 = arith.constant 592 : index
      %swap3A_2966 = tpu.vector_load %arg8[%swap3A_2964, %swap3A_2965] {strides = array<i32>} : memref<2x2000xi32, #tpu.memory_space<vmem>>, vector<1x16xi32>,
      %swap3A_2967 = vector.shape_cast %swap3A_2966 : vector<1x16xi32> to vector<16xi32>
      %swap3A_2968 = vector.shape_cast %add3A_2963 : vector<16xi32> to vector<1x16xi32>
      tpu.vector_store %arg8[%swap3A_2964, %swap3A_2965], %swap3A_2968 {strides = array<i32>} : memref<2x2000xi32, #tpu.memory_space<vmem>>, vector<1x16xi32>,
      %get3A_2969 = arith.index_cast %sub3A_2393 : i32 to index
      %get3A_2970 = arith.constant 608 : index
      %get3A_2971 = tpu.vector_load %arg7[%get3A_2969, %get3A_2970] {strides = array<i32>} : memref<2x2000xi32, #tpu.memory_space<vmem>>, vector<1x16xi32>,
      %get3A_2972 = vector.shape_cast %get3A_2971 : vector<1x16xi32> to vector<16xi32>
      %mul3A_2973 = arith.constant 4 : i32
      %mul3A_2974 = vector.broadcast %mul3A_2973 : i32 to vector<16xi32>
      %mul3A_2975 = arith.muli %get3A_2972, %mul3A_2974 : vector<16xi32>
      %add3A_2976 = vector.broadcast %add3A_2436 : i32 to vector<16xi32>
      %add3A_2977 = arith.addi %mul3A_2975, %add3A_2976 : vector<16xi32>
      %swap3A_2978 = arith.index_cast %sub3A_2393 : i32 to index
      %swap3A_2979 = arith.constant 608 : index
      %swap3A_2980 = tpu.vector_load %arg8[%swap3A_2978, %swap3A_2979] {strides = array<i32>} : memref<2x2000xi32, #tpu.memory_space<vmem>>, vector<1x16xi32>,
      %swap3A_2981 = vector.shape_cast %swap3A_2980 : vector<1x16xi32> to vector<16xi32>
      %swap3A_2982 = vector.shape_cast %add3A_2977 : vector<16xi32> to vector<1x16xi32>
      tpu.vector_store %arg8[%swap3A_2978, %swap3A_2979], %swap3A_2982 {strides = array<i32>} : memref<2x2000xi32, #tpu.memory_space<vmem>>, vector<1x16xi32>,
      %get3A_2983 = arith.index_cast %sub3A_2393 : i32 to index
      %get3A_2984 = arith.constant 624 : index
      %get3A_2985 = tpu.vector_load %arg7[%get3A_2983, %get3A_2984] {strides = array<i32>} : memref<2x2000xi32, #tpu.memory_space<vmem>>, vector<1x16xi32>,
      %get3A_2986 = vector.shape_cast %get3A_2985 : vector<1x16xi32> to vector<16xi32>
      %mul3A_2987 = arith.constant 4 : i32
      %mul3A_2988 = vector.broadcast %mul3A_2987 : i32 to vector<16xi32>
      %mul3A_2989 = arith.muli %get3A_2986, %mul3A_2988 : vector<16xi32>
      %add3A_2990 = vector.broadcast %add3A_2436 : i32 to vector<16xi32>
      %add3A_2991 = arith.addi %mul3A_2989, %add3A_2990 : vector<16xi32>
      %swap3A_2992 = arith.index_cast %sub3A_2393 : i32 to index
      %swap3A_2993 = arith.constant 624 : index
      %swap3A_2994 = tpu.vector_load %arg8[%swap3A_2992, %swap3A_2993] {strides = array<i32>} : memref<2x2000xi32, #tpu.memory_space<vmem>>, vector<1x16xi32>,
      %swap3A_2995 = vector.shape_cast %swap3A_2994 : vector<1x16xi32> to vector<16xi32>
      %swap3A_2996 = vector.shape_cast %add3A_2991 : vector<16xi32> to vector<1x16xi32>
      tpu.vector_store %arg8[%swap3A_2992, %swap3A_2993], %swap3A_2996 {strides = array<i32>} : memref<2x2000xi32, #tpu.memory_space<vmem>>, vector<1x16xi32>,
      %get3A_2997 = arith.index_cast %sub3A_2393 : i32 to index
      %get3A_2998 = arith.constant 640 : index
      %get3A_2999 = tpu.vector_load %arg7[%get3A_2997, %get3A_2998] {strides = array<i32>} : memref<2x2000xi32, #tpu.memory_space<vmem>>, vector<1x16xi32>,
      %get3A_3000 = vector.shape_cast %get3A_2999 : vector<1x16xi32> to vector<16xi32>
      %mul3A_3001 = arith.constant 4 : i32
      %mul3A_3002 = vector.broadcast %mul3A_3001 : i32 to vector<16xi32>
      %mul3A_3003 = arith.muli %get3A_3000, %mul3A_3002 : vector<16xi32>
      %add3A_3004 = vector.broadcast %add3A_2436 : i32 to vector<16xi32>
      %add3A_3005 = arith.addi %mul3A_3003, %add3A_3004 : vector<16xi32>
      %swap3A_3006 = arith.index_cast %sub3A_2393 : i32 to index
      %swap3A_3007 = arith.constant 640 : index
      %swap3A_3008 = tpu.vector_load %arg8[%swap3A_3006, %swap3A_3007] {strides = array<i32>} : memref<2x2000xi32, #tpu.memory_space<vmem>>, vector<1x16xi32>,
      %swap3A_3009 = vector.shape_cast %swap3A_3008 : vector<1x16xi32> to vector<16xi32>
      %swap3A_3010 = vector.shape_cast %add3A_3005 : vector<16xi32> to vector<1x16xi32>
      tpu.vector_store %arg8[%swap3A_3006, %swap3A_3007], %swap3A_3010 {strides = array<i32>} : memref<2x2000xi32, #tpu.memory_space<vmem>>, vector<1x16xi32>,
      %get3A_3011 = arith.index_cast %sub3A_2393 : i32 to index
      %get3A_3012 = arith.constant 656 : index
      %get3A_3013 = tpu.vector_load %arg7[%get3A_3011, %get3A_3012] {strides = array<i32>} : memref<2x2000xi32, #tpu.memory_space<vmem>>, vector<1x16xi32>,
      %get3A_3014 = vector.shape_cast %get3A_3013 : vector<1x16xi32> to vector<16xi32>
      %mul3A_3015 = arith.constant 4 : i32
      %mul3A_3016 = vector.broadcast %mul3A_3015 : i32 to vector<16xi32>
      %mul3A_3017 = arith.muli %get3A_3014, %mul3A_3016 : vector<16xi32>
      %add3A_3018 = vector.broadcast %add3A_2436 : i32 to vector<16xi32>
      %add3A_3019 = arith.addi %mul3A_3017, %add3A_3018 : vector<16xi32>
      %swap3A_3020 = arith.index_cast %sub3A_2393 : i32 to index
      %swap3A_3021 = arith.constant 656 : index
      %swap3A_3022 = tpu.vector_load %arg8[%swap3A_3020, %swap3A_3021] {strides = array<i32>} : memref<2x2000xi32, #tpu.memory_space<vmem>>, vector<1x16xi32>,
      %swap3A_3023 = vector.shape_cast %swap3A_3022 : vector<1x16xi32> to vector<16xi32>
      %swap3A_3024 = vector.shape_cast %add3A_3019 : vector<16xi32> to vector<1x16xi32>
      tpu.vector_store %arg8[%swap3A_3020, %swap3A_3021], %swap3A_3024 {strides = array<i32>} : memref<2x2000xi32, #tpu.memory_space<vmem>>, vector<1x16xi32>,
      %get3A_3025 = arith.index_cast %sub3A_2393 : i32 to index
      %get3A_3026 = arith.constant 672 : index
      %get3A_3027 = tpu.vector_load %arg7[%get3A_3025, %get3A_3026] {strides = array<i32>} : memref<2x2000xi32, #tpu.memory_space<vmem>>, vector<1x16xi32>,
      %get3A_3028 = vector.shape_cast %get3A_3027 : vector<1x16xi32> to vector<16xi32>
      %mul3A_3029 = arith.constant 4 : i32
      %mul3A_3030 = vector.broadcast %mul3A_3029 : i32 to vector<16xi32>
      %mul3A_3031 = arith.muli %get3A_3028, %mul3A_3030 : vector<16xi32>
      %add3A_3032 = vector.broadcast %add3A_2436 : i32 to vector<16xi32>
      %add3A_3033 = arith.addi %mul3A_3031, %add3A_3032 : vector<16xi32>
      %swap3A_3034 = arith.index_cast %sub3A_2393 : i32 to index
      %swap3A_3035 = arith.constant 672 : index
      %swap3A_3036 = tpu.vector_load %arg8[%swap3A_3034, %swap3A_3035] {strides = array<i32>} : memref<2x2000xi32, #tpu.memory_space<vmem>>, vector<1x16xi32>,
      %swap3A_3037 = vector.shape_cast %swap3A_3036 : vector<1x16xi32> to vector<16xi32>
      %swap3A_3038 = vector.shape_cast %add3A_3033 : vector<16xi32> to vector<1x16xi32>
      tpu.vector_store %arg8[%swap3A_3034, %swap3A_3035], %swap3A_3038 {strides = array<i32>} : memref<2x2000xi32, #tpu.memory_space<vmem>>, vector<1x16xi32>,
      %get3A_3039 = arith.index_cast %sub3A_2393 : i32 to index
      %get3A_3040 = arith.constant 688 : index
      %get3A_3041 = tpu.vector_load %arg7[%get3A_3039, %get3A_3040] {strides = array<i32>} : memref<2x2000xi32, #tpu.memory_space<vmem>>, vector<1x16xi32>,
      %get3A_3042 = vector.shape_cast %get3A_3041 : vector<1x16xi32> to vector<16xi32>
      %mul3A_3043 = arith.constant 4 : i32
      %mul3A_3044 = vector.broadcast %mul3A_3043 : i32 to vector<16xi32>
      %mul3A_3045 = arith.muli %get3A_3042, %mul3A_3044 : vector<16xi32>
      %add3A_3046 = vector.broadcast %add3A_2436 : i32 to vector<16xi32>
      %add3A_3047 = arith.addi %mul3A_3045, %add3A_3046 : vector<16xi32>
      %swap3A_3048 = arith.index_cast %sub3A_2393 : i32 to index
      %swap3A_3049 = arith.constant 688 : index
      %swap3A_3050 = tpu.vector_load %arg8[%swap3A_3048, %swap3A_3049] {strides = array<i32>} : memref<2x2000xi32, #tpu.memory_space<vmem>>, vector<1x16xi32>,
      %swap3A_3051 = vector.shape_cast %swap3A_3050 : vector<1x16xi32> to vector<16xi32>
      %swap3A_3052 = vector.shape_cast %add3A_3047 : vector<16xi32> to vector<1x16xi32>
      tpu.vector_store %arg8[%swap3A_3048, %swap3A_3049], %swap3A_3052 {strides = array<i32>} : memref<2x2000xi32, #tpu.memory_space<vmem>>, vector<1x16xi32>,
      %get3A_3053 = arith.index_cast %sub3A_2393 : i32 to index
      %get3A_3054 = arith.constant 704 : index
      %get3A_3055 = tpu.vector_load %arg7[%get3A_3053, %get3A_3054] {strides = array<i32>} : memref<2x2000xi32, #tpu.memory_space<vmem>>, vector<1x16xi32>,
      %get3A_3056 = vector.shape_cast %get3A_3055 : vector<1x16xi32> to vector<16xi32>
      %mul3A_3057 = arith.constant 4 : i32
      %mul3A_3058 = vector.broadcast %mul3A_3057 : i32 to vector<16xi32>
      %mul3A_3059 = arith.muli %get3A_3056, %mul3A_3058 : vector<16xi32>
      %add3A_3060 = vector.broadcast %add3A_2436 : i32 to vector<16xi32>
      %add3A_3061 = arith.addi %mul3A_3059, %add3A_3060 : vector<16xi32>
      %swap3A_3062 = arith.index_cast %sub3A_2393 : i32 to index
      %swap3A_3063 = arith.constant 704 : index
      %swap3A_3064 = tpu.vector_load %arg8[%swap3A_3062, %swap3A_3063] {strides = array<i32>} : memref<2x2000xi32, #tpu.memory_space<vmem>>, vector<1x16xi32>,
      %swap3A_3065 = vector.shape_cast %swap3A_3064 : vector<1x16xi32> to vector<16xi32>
      %swap3A_3066 = vector.shape_cast %add3A_3061 : vector<16xi32> to vector<1x16xi32>
      tpu.vector_store %arg8[%swap3A_3062, %swap3A_3063], %swap3A_3066 {strides = array<i32>} : memref<2x2000xi32, #tpu.memory_space<vmem>>, vector<1x16xi32>,
      %get3A_3067 = arith.index_cast %sub3A_2393 : i32 to index
      %get3A_3068 = arith.constant 720 : index
      %get3A_3069 = tpu.vector_load %arg7[%get3A_3067, %get3A_3068] {strides = array<i32>} : memref<2x2000xi32, #tpu.memory_space<vmem>>, vector<1x16xi32>,
      %get3A_3070 = vector.shape_cast %get3A_3069 : vector<1x16xi32> to vector<16xi32>
      %mul3A_3071 = arith.constant 4 : i32
      %mul3A_3072 = vector.broadcast %mul3A_3071 : i32 to vector<16xi32>
      %mul3A_3073 = arith.muli %get3A_3070, %mul3A_3072 : vector<16xi32>
      %add3A_3074 = vector.broadcast %add3A_2436 : i32 to vector<16xi32>
      %add3A_3075 = arith.addi %mul3A_3073, %add3A_3074 : vector<16xi32>
      %swap3A_3076 = arith.index_cast %sub3A_2393 : i32 to index
      %swap3A_3077 = arith.constant 720 : index
      %swap3A_3078 = tpu.vector_load %arg8[%swap3A_3076, %swap3A_3077] {strides = array<i32>} : memref<2x2000xi32, #tpu.memory_space<vmem>>, vector<1x16xi32>,
      %swap3A_3079 = vector.shape_cast %swap3A_3078 : vector<1x16xi32> to vector<16xi32>
      %swap3A_3080 = vector.shape_cast %add3A_3075 : vector<16xi32> to vector<1x16xi32>
      tpu.vector_store %arg8[%swap3A_3076, %swap3A_3077], %swap3A_3080 {strides = array<i32>} : memref<2x2000xi32, #tpu.memory_space<vmem>>, vector<1x16xi32>,
      %get3A_3081 = arith.index_cast %sub3A_2393 : i32 to index
      %get3A_3082 = arith.constant 736 : index
      %get3A_3083 = tpu.vector_load %arg7[%get3A_3081, %get3A_3082] {strides = array<i32>} : memref<2x2000xi32, #tpu.memory_space<vmem>>, vector<1x16xi32>,
      %get3A_3084 = vector.shape_cast %get3A_3083 : vector<1x16xi32> to vector<16xi32>
      %mul3A_3085 = arith.constant 4 : i32
      %mul3A_3086 = vector.broadcast %mul3A_3085 : i32 to vector<16xi32>
      %mul3A_3087 = arith.muli %get3A_3084, %mul3A_3086 : vector<16xi32>
      %add3A_3088 = vector.broadcast %add3A_2436 : i32 to vector<16xi32>
      %add3A_3089 = arith.addi %mul3A_3087, %add3A_3088 : vector<16xi32>
      %swap3A_3090 = arith.index_cast %sub3A_2393 : i32 to index
      %swap3A_3091 = arith.constant 736 : index
      %swap3A_3092 = tpu.vector_load %arg8[%swap3A_3090, %swap3A_3091] {strides = array<i32>} : memref<2x2000xi32, #tpu.memory_space<vmem>>, vector<1x16xi32>,
      %swap3A_3093 = vector.shape_cast %swap3A_3092 : vector<1x16xi32> to vector<16xi32>
      %swap3A_3094 = vector.shape_cast %add3A_3089 : vector<16xi32> to vector<1x16xi32>
      tpu.vector_store %arg8[%swap3A_3090, %swap3A_3091], %swap3A_3094 {strides = array<i32>} : memref<2x2000xi32, #tpu.memory_space<vmem>>, vector<1x16xi32>,
      %get3A_3095 = arith.index_cast %sub3A_2393 : i32 to index
      %get3A_3096 = arith.constant 752 : index
      %get3A_3097 = tpu.vector_load %arg7[%get3A_3095, %get3A_3096] {strides = array<i32>} : memref<2x2000xi32, #tpu.memory_space<vmem>>, vector<1x16xi32>,
      %get3A_3098 = vector.shape_cast %get3A_3097 : vector<1x16xi32> to vector<16xi32>
      %mul3A_3099 = arith.constant 4 : i32
      %mul3A_3100 = vector.broadcast %mul3A_3099 : i32 to vector<16xi32>
      %mul3A_3101 = arith.muli %get3A_3098, %mul3A_3100 : vector<16xi32>
      %add3A_3102 = vector.broadcast %add3A_2436 : i32 to vector<16xi32>
      %add3A_3103 = arith.addi %mul3A_3101, %add3A_3102 : vector<16xi32>
      %swap3A_3104 = arith.index_cast %sub3A_2393 : i32 to index
      %swap3A_3105 = arith.constant 752 : index
      %swap3A_3106 = tpu.vector_load %arg8[%swap3A_3104, %swap3A_3105] {strides = array<i32>} : memref<2x2000xi32, #tpu.memory_space<vmem>>, vector<1x16xi32>,
      %swap3A_3107 = vector.shape_cast %swap3A_3106 : vector<1x16xi32> to vector<16xi32>
      %swap3A_3108 = vector.shape_cast %add3A_3103 : vector<16xi32> to vector<1x16xi32>
      tpu.vector_store %arg8[%swap3A_3104, %swap3A_3105], %swap3A_3108 {strides = array<i32>} : memref<2x2000xi32, #tpu.memory_space<vmem>>, vector<1x16xi32>,
      %get3A_3109 = arith.index_cast %sub3A_2393 : i32 to index
      %get3A_3110 = arith.constant 768 : index
      %get3A_3111 = tpu.vector_load %arg7[%get3A_3109, %get3A_3110] {strides = array<i32>} : memref<2x2000xi32, #tpu.memory_space<vmem>>, vector<1x16xi32>,
      %get3A_3112 = vector.shape_cast %get3A_3111 : vector<1x16xi32> to vector<16xi32>
      %mul3A_3113 = arith.constant 4 : i32
      %mul3A_3114 = vector.broadcast %mul3A_3113 : i32 to vector<16xi32>
      %mul3A_3115 = arith.muli %get3A_3112, %mul3A_3114 : vector<16xi32>
      %add3A_3116 = vector.broadcast %add3A_2436 : i32 to vector<16xi32>
      %add3A_3117 = arith.addi %mul3A_3115, %add3A_3116 : vector<16xi32>
      %swap3A_3118 = arith.index_cast %sub3A_2393 : i32 to index
      %swap3A_3119 = arith.constant 768 : index
      %swap3A_3120 = tpu.vector_load %arg8[%swap3A_3118, %swap3A_3119] {strides = array<i32>} : memref<2x2000xi32, #tpu.memory_space<vmem>>, vector<1x16xi32>,
      %swap3A_3121 = vector.shape_cast %swap3A_3120 : vector<1x16xi32> to vector<16xi32>
      %swap3A_3122 = vector.shape_cast %add3A_3117 : vector<16xi32> to vector<1x16xi32>
      tpu.vector_store %arg8[%swap3A_3118, %swap3A_3119], %swap3A_3122 {strides = array<i32>} : memref<2x2000xi32, #tpu.memory_space<vmem>>, vector<1x16xi32>,
      %get3A_3123 = arith.index_cast %sub3A_2393 : i32 to index
      %get3A_3124 = arith.constant 784 : index
      %get3A_3125 = tpu.vector_load %arg7[%get3A_3123, %get3A_3124] {strides = array<i32>} : memref<2x2000xi32, #tpu.memory_space<vmem>>, vector<1x16xi32>,
      %get3A_3126 = vector.shape_cast %get3A_3125 : vector<1x16xi32> to vector<16xi32>
      %mul3A_3127 = arith.constant 4 : i32
      %mul3A_3128 = vector.broadcast %mul3A_3127 : i32 to vector<16xi32>
      %mul3A_3129 = arith.muli %get3A_3126, %mul3A_3128 : vector<16xi32>
      %add3A_3130 = vector.broadcast %add3A_2436 : i32 to vector<16xi32>
      %add3A_3131 = arith.addi %mul3A_3129, %add3A_3130 : vector<16xi32>
      %swap3A_3132 = arith.index_cast %sub3A_2393 : i32 to index
      %swap3A_3133 = arith.constant 784 : index
      %swap3A_3134 = tpu.vector_load %arg8[%swap3A_3132, %swap3A_3133] {strides = array<i32>} : memref<2x2000xi32, #tpu.memory_space<vmem>>, vector<1x16xi32>,
      %swap3A_3135 = vector.shape_cast %swap3A_3134 : vector<1x16xi32> to vector<16xi32>
      %swap3A_3136 = vector.shape_cast %add3A_3131 : vector<16xi32> to vector<1x16xi32>
      tpu.vector_store %arg8[%swap3A_3132, %swap3A_3133], %swap3A_3136 {strides = array<i32>} : memref<2x2000xi32, #tpu.memory_space<vmem>>, vector<1x16xi32>,
      %get3A_3137 = arith.index_cast %sub3A_2393 : i32 to index
      %get3A_3138 = arith.constant 800 : index
      %get3A_3139 = tpu.vector_load %arg7[%get3A_3137, %get3A_3138] {strides = array<i32>} : memref<2x2000xi32, #tpu.memory_space<vmem>>, vector<1x16xi32>,
      %get3A_3140 = vector.shape_cast %get3A_3139 : vector<1x16xi32> to vector<16xi32>
      %mul3A_3141 = arith.constant 4 : i32
      %mul3A_3142 = vector.broadcast %mul3A_3141 : i32 to vector<16xi32>
      %mul3A_3143 = arith.muli %get3A_3140, %mul3A_3142 : vector<16xi32>
      %add3A_3144 = vector.broadcast %add3A_2436 : i32 to vector<16xi32>
      %add3A_3145 = arith.addi %mul3A_3143, %add3A_3144 : vector<16xi32>
      %swap3A_3146 = arith.index_cast %sub3A_2393 : i32 to index
      %swap3A_3147 = arith.constant 800 : index
      %swap3A_3148 = tpu.vector_load %arg8[%swap3A_3146, %swap3A_3147] {strides = array<i32>} : memref<2x2000xi32, #tpu.memory_space<vmem>>, vector<1x16xi32>,
      %swap3A_3149 = vector.shape_cast %swap3A_3148 : vector<1x16xi32> to vector<16xi32>
      %swap3A_3150 = vector.shape_cast %add3A_3145 : vector<16xi32> to vector<1x16xi32>
      tpu.vector_store %arg8[%swap3A_3146, %swap3A_3147], %swap3A_3150 {strides = array<i32>} : memref<2x2000xi32, #tpu.memory_space<vmem>>, vector<1x16xi32>,
      %get3A_3151 = arith.index_cast %sub3A_2393 : i32 to index
      %get3A_3152 = arith.constant 816 : index
      %get3A_3153 = tpu.vector_load %arg7[%get3A_3151, %get3A_3152] {strides = array<i32>} : memref<2x2000xi32, #tpu.memory_space<vmem>>, vector<1x16xi32>,
      %get3A_3154 = vector.shape_cast %get3A_3153 : vector<1x16xi32> to vector<16xi32>
      %mul3A_3155 = arith.constant 4 : i32
      %mul3A_3156 = vector.broadcast %mul3A_3155 : i32 to vector<16xi32>
      %mul3A_3157 = arith.muli %get3A_3154, %mul3A_3156 : vector<16xi32>
      %add3A_3158 = vector.broadcast %add3A_2436 : i32 to vector<16xi32>
      %add3A_3159 = arith.addi %mul3A_3157, %add3A_3158 : vector<16xi32>
      %swap3A_3160 = arith.index_cast %sub3A_2393 : i32 to index
      %swap3A_3161 = arith.constant 816 : index
      %swap3A_3162 = tpu.vector_load %arg8[%swap3A_3160, %swap3A_3161] {strides = array<i32>} : memref<2x2000xi32, #tpu.memory_space<vmem>>, vector<1x16xi32>,
      %swap3A_3163 = vector.shape_cast %swap3A_3162 : vector<1x16xi32> to vector<16xi32>
      %swap3A_3164 = vector.shape_cast %add3A_3159 : vector<16xi32> to vector<1x16xi32>
      tpu.vector_store %arg8[%swap3A_3160, %swap3A_3161], %swap3A_3164 {strides = array<i32>} : memref<2x2000xi32, #tpu.memory_space<vmem>>, vector<1x16xi32>,
      %get3A_3165 = arith.index_cast %sub3A_2393 : i32 to index
      %get3A_3166 = arith.constant 832 : index
      %get3A_3167 = tpu.vector_load %arg7[%get3A_3165, %get3A_3166] {strides = array<i32>} : memref<2x2000xi32, #tpu.memory_space<vmem>>, vector<1x16xi32>,
      %get3A_3168 = vector.shape_cast %get3A_3167 : vector<1x16xi32> to vector<16xi32>
      %mul3A_3169 = arith.constant 4 : i32
      %mul3A_3170 = vector.broadcast %mul3A_3169 : i32 to vector<16xi32>
      %mul3A_3171 = arith.muli %get3A_3168, %mul3A_3170 : vector<16xi32>
      %add3A_3172 = vector.broadcast %add3A_2436 : i32 to vector<16xi32>
      %add3A_3173 = arith.addi %mul3A_3171, %add3A_3172 : vector<16xi32>
      %swap3A_3174 = arith.index_cast %sub3A_2393 : i32 to index
      %swap3A_3175 = arith.constant 832 : index
      %swap3A_3176 = tpu.vector_load %arg8[%swap3A_3174, %swap3A_3175] {strides = array<i32>} : memref<2x2000xi32, #tpu.memory_space<vmem>>, vector<1x16xi32>,
      %swap3A_3177 = vector.shape_cast %swap3A_3176 : vector<1x16xi32> to vector<16xi32>
      %swap3A_3178 = vector.shape_cast %add3A_3173 : vector<16xi32> to vector<1x16xi32>
      tpu.vector_store %arg8[%swap3A_3174, %swap3A_3175], %swap3A_3178 {strides = array<i32>} : memref<2x2000xi32, #tpu.memory_space<vmem>>, vector<1x16xi32>,
      %get3A_3179 = arith.index_cast %sub3A_2393 : i32 to index
      %get3A_3180 = arith.constant 848 : index
      %get3A_3181 = tpu.vector_load %arg7[%get3A_3179, %get3A_3180] {strides = array<i32>} : memref<2x2000xi32, #tpu.memory_space<vmem>>, vector<1x16xi32>,
      %get3A_3182 = vector.shape_cast %get3A_3181 : vector<1x16xi32> to vector<16xi32>
      %mul3A_3183 = arith.constant 4 : i32
      %mul3A_3184 = vector.broadcast %mul3A_3183 : i32 to vector<16xi32>
      %mul3A_3185 = arith.muli %get3A_3182, %mul3A_3184 : vector<16xi32>
      %add3A_3186 = vector.broadcast %add3A_2436 : i32 to vector<16xi32>
      %add3A_3187 = arith.addi %mul3A_3185, %add3A_3186 : vector<16xi32>
      %swap3A_3188 = arith.index_cast %sub3A_2393 : i32 to index
      %swap3A_3189 = arith.constant 848 : index
      %swap3A_3190 = tpu.vector_load %arg8[%swap3A_3188, %swap3A_3189] {strides = array<i32>} : memref<2x2000xi32, #tpu.memory_space<vmem>>, vector<1x16xi32>,
      %swap3A_3191 = vector.shape_cast %swap3A_3190 : vector<1x16xi32> to vector<16xi32>
      %swap3A_3192 = vector.shape_cast %add3A_3187 : vector<16xi32> to vector<1x16xi32>
      tpu.vector_store %arg8[%swap3A_3188, %swap3A_3189], %swap3A_3192 {strides = array<i32>} : memref<2x2000xi32, #tpu.memory_space<vmem>>, vector<1x16xi32>,
      %get3A_3193 = arith.index_cast %sub3A_2393 : i32 to index
      %get3A_3194 = arith.constant 864 : index
      %get3A_3195 = tpu.vector_load %arg7[%get3A_3193, %get3A_3194] {strides = array<i32>} : memref<2x2000xi32, #tpu.memory_space<vmem>>, vector<1x16xi32>,
      %get3A_3196 = vector.shape_cast %get3A_3195 : vector<1x16xi32> to vector<16xi32>
      %mul3A_3197 = arith.constant 4 : i32
      %mul3A_3198 = vector.broadcast %mul3A_3197 : i32 to vector<16xi32>
      %mul3A_3199 = arith.muli %get3A_3196, %mul3A_3198 : vector<16xi32>
      %add3A_3200 = vector.broadcast %add3A_2436 : i32 to vector<16xi32>
      %add3A_3201 = arith.addi %mul3A_3199, %add3A_3200 : vector<16xi32>
      %swap3A_3202 = arith.index_cast %sub3A_2393 : i32 to index
      %swap3A_3203 = arith.constant 864 : index
      %swap3A_3204 = tpu.vector_load %arg8[%swap3A_3202, %swap3A_3203] {strides = array<i32>} : memref<2x2000xi32, #tpu.memory_space<vmem>>, vector<1x16xi32>,
      %swap3A_3205 = vector.shape_cast %swap3A_3204 : vector<1x16xi32> to vector<16xi32>
      %swap3A_3206 = vector.shape_cast %add3A_3201 : vector<16xi32> to vector<1x16xi32>
      tpu.vector_store %arg8[%swap3A_3202, %swap3A_3203], %swap3A_3206 {strides = array<i32>} : memref<2x2000xi32, #tpu.memory_space<vmem>>, vector<1x16xi32>,
      %get3A_3207 = arith.index_cast %sub3A_2393 : i32 to index
      %get3A_3208 = arith.constant 880 : index
      %get3A_3209 = tpu.vector_load %arg7[%get3A_3207, %get3A_3208] {strides = array<i32>} : memref<2x2000xi32, #tpu.memory_space<vmem>>, vector<1x16xi32>,
      %get3A_3210 = vector.shape_cast %get3A_3209 : vector<1x16xi32> to vector<16xi32>
      %mul3A_3211 = arith.constant 4 : i32
      %mul3A_3212 = vector.broadcast %mul3A_3211 : i32 to vector<16xi32>
      %mul3A_3213 = arith.muli %get3A_3210, %mul3A_3212 : vector<16xi32>
      %add3A_3214 = vector.broadcast %add3A_2436 : i32 to vector<16xi32>
      %add3A_3215 = arith.addi %mul3A_3213, %add3A_3214 : vector<16xi32>
      %swap3A_3216 = arith.index_cast %sub3A_2393 : i32 to index
      %swap3A_3217 = arith.constant 880 : index
      %swap3A_3218 = tpu.vector_load %arg8[%swap3A_3216, %swap3A_3217] {strides = array<i32>} : memref<2x2000xi32, #tpu.memory_space<vmem>>, vector<1x16xi32>,
      %swap3A_3219 = vector.shape_cast %swap3A_3218 : vector<1x16xi32> to vector<16xi32>
      %swap3A_3220 = vector.shape_cast %add3A_3215 : vector<16xi32> to vector<1x16xi32>
      tpu.vector_store %arg8[%swap3A_3216, %swap3A_3217], %swap3A_3220 {strides = array<i32>} : memref<2x2000xi32, #tpu.memory_space<vmem>>, vector<1x16xi32>,
      %get3A_3221 = arith.index_cast %sub3A_2393 : i32 to index
      %get3A_3222 = arith.constant 896 : index
      %get3A_3223 = tpu.vector_load %arg7[%get3A_3221, %get3A_3222] {strides = array<i32>} : memref<2x2000xi32, #tpu.memory_space<vmem>>, vector<1x16xi32>,
      %get3A_3224 = vector.shape_cast %get3A_3223 : vector<1x16xi32> to vector<16xi32>
      %mul3A_3225 = arith.constant 4 : i32
      %mul3A_3226 = vector.broadcast %mul3A_3225 : i32 to vector<16xi32>
      %mul3A_3227 = arith.muli %get3A_3224, %mul3A_3226 : vector<16xi32>
      %add3A_3228 = vector.broadcast %add3A_2436 : i32 to vector<16xi32>
      %add3A_3229 = arith.addi %mul3A_3227, %add3A_3228 : vector<16xi32>
      %swap3A_3230 = arith.index_cast %sub3A_2393 : i32 to index
      %swap3A_3231 = arith.constant 896 : index
      %swap3A_3232 = tpu.vector_load %arg8[%swap3A_3230, %swap3A_3231] {strides = array<i32>} : memref<2x2000xi32, #tpu.memory_space<vmem>>, vector<1x16xi32>,
      %swap3A_3233 = vector.shape_cast %swap3A_3232 : vector<1x16xi32> to vector<16xi32>
      %swap3A_3234 = vector.shape_cast %add3A_3229 : vector<16xi32> to vector<1x16xi32>
      tpu.vector_store %arg8[%swap3A_3230, %swap3A_3231], %swap3A_3234 {strides = array<i32>} : memref<2x2000xi32, #tpu.memory_space<vmem>>, vector<1x16xi32>,
      %get3A_3235 = arith.index_cast %sub3A_2393 : i32 to index
      %get3A_3236 = arith.constant 912 : index
      %get3A_3237 = tpu.vector_load %arg7[%get3A_3235, %get3A_3236] {strides = array<i32>} : memref<2x2000xi32, #tpu.memory_space<vmem>>, vector<1x16xi32>,
      %get3A_3238 = vector.shape_cast %get3A_3237 : vector<1x16xi32> to vector<16xi32>
      %mul3A_3239 = arith.constant 4 : i32
      %mul3A_3240 = vector.broadcast %mul3A_3239 : i32 to vector<16xi32>
      %mul3A_3241 = arith.muli %get3A_3238, %mul3A_3240 : vector<16xi32>
      %add3A_3242 = vector.broadcast %add3A_2436 : i32 to vector<16xi32>
      %add3A_3243 = arith.addi %mul3A_3241, %add3A_3242 : vector<16xi32>
      %swap3A_3244 = arith.index_cast %sub3A_2393 : i32 to index
      %swap3A_3245 = arith.constant 912 : index
      %swap3A_3246 = tpu.vector_load %arg8[%swap3A_3244, %swap3A_3245] {strides = array<i32>} : memref<2x2000xi32, #tpu.memory_space<vmem>>, vector<1x16xi32>,
      %swap3A_3247 = vector.shape_cast %swap3A_3246 : vector<1x16xi32> to vector<16xi32>
      %swap3A_3248 = vector.shape_cast %add3A_3243 : vector<16xi32> to vector<1x16xi32>
      tpu.vector_store %arg8[%swap3A_3244, %swap3A_3245], %swap3A_3248 {strides = array<i32>} : memref<2x2000xi32, #tpu.memory_space<vmem>>, vector<1x16xi32>,
      %get3A_3249 = arith.index_cast %sub3A_2393 : i32 to index
      %get3A_3250 = arith.constant 928 : index
      %get3A_3251 = tpu.vector_load %arg7[%get3A_3249, %get3A_3250] {strides = array<i32>} : memref<2x2000xi32, #tpu.memory_space<vmem>>, vector<1x16xi32>,
      %get3A_3252 = vector.shape_cast %get3A_3251 : vector<1x16xi32> to vector<16xi32>
      %mul3A_3253 = arith.constant 4 : i32
      %mul3A_3254 = vector.broadcast %mul3A_3253 : i32 to vector<16xi32>
      %mul3A_3255 = arith.muli %get3A_3252, %mul3A_3254 : vector<16xi32>
      %add3A_3256 = vector.broadcast %add3A_2436 : i32 to vector<16xi32>
      %add3A_3257 = arith.addi %mul3A_3255, %add3A_3256 : vector<16xi32>
      %swap3A_3258 = arith.index_cast %sub3A_2393 : i32 to index
      %swap3A_3259 = arith.constant 928 : index
      %swap3A_3260 = tpu.vector_load %arg8[%swap3A_3258, %swap3A_3259] {strides = array<i32>} : memref<2x2000xi32, #tpu.memory_space<vmem>>, vector<1x16xi32>,
      %swap3A_3261 = vector.shape_cast %swap3A_3260 : vector<1x16xi32> to vector<16xi32>
      %swap3A_3262 = vector.shape_cast %add3A_3257 : vector<16xi32> to vector<1x16xi32>
      tpu.vector_store %arg8[%swap3A_3258, %swap3A_3259], %swap3A_3262 {strides = array<i32>} : memref<2x2000xi32, #tpu.memory_space<vmem>>, vector<1x16xi32>,
      %get3A_3263 = arith.index_cast %sub3A_2393 : i32 to index
      %get3A_3264 = arith.constant 944 : index
      %get3A_3265 = tpu.vector_load %arg7[%get3A_3263, %get3A_3264] {strides = array<i32>} : memref<2x2000xi32, #tpu.memory_space<vmem>>, vector<1x16xi32>,
      %get3A_3266 = vector.shape_cast %get3A_3265 : vector<1x16xi32> to vector<16xi32>
      %mul3A_3267 = arith.constant 4 : i32
      %mul3A_3268 = vector.broadcast %mul3A_3267 : i32 to vector<16xi32>
      %mul3A_3269 = arith.muli %get3A_3266, %mul3A_3268 : vector<16xi32>
      %add3A_3270 = vector.broadcast %add3A_2436 : i32 to vector<16xi32>
      %add3A_3271 = arith.addi %mul3A_3269, %add3A_3270 : vector<16xi32>
      %swap3A_3272 = arith.index_cast %sub3A_2393 : i32 to index
      %swap3A_3273 = arith.constant 944 : index
      %swap3A_3274 = tpu.vector_load %arg8[%swap3A_3272, %swap3A_3273] {strides = array<i32>} : memref<2x2000xi32, #tpu.memory_space<vmem>>, vector<1x16xi32>,
      %swap3A_3275 = vector.shape_cast %swap3A_3274 : vector<1x16xi32> to vector<16xi32>
      %swap3A_3276 = vector.shape_cast %add3A_3271 : vector<16xi32> to vector<1x16xi32>
      tpu.vector_store %arg8[%swap3A_3272, %swap3A_3273], %swap3A_3276 {strides = array<i32>} : memref<2x2000xi32, #tpu.memory_space<vmem>>, vector<1x16xi32>,
      %get3A_3277 = arith.index_cast %sub3A_2393 : i32 to index
      %get3A_3278 = arith.constant 960 : index
      %get3A_3279 = tpu.vector_load %arg7[%get3A_3277, %get3A_3278] {strides = array<i32>} : memref<2x2000xi32, #tpu.memory_space<vmem>>, vector<1x16xi32>,
      %get3A_3280 = vector.shape_cast %get3A_3279 : vector<1x16xi32> to vector<16xi32>
      %mul3A_3281 = arith.constant 4 : i32
      %mul3A_3282 = vector.broadcast %mul3A_3281 : i32 to vector<16xi32>
      %mul3A_3283 = arith.muli %get3A_3280, %mul3A_3282 : vector<16xi32>
      %add3A_3284 = vector.broadcast %add3A_2436 : i32 to vector<16xi32>
      %add3A_3285 = arith.addi %mul3A_3283, %add3A_3284 : vector<16xi32>
      %swap3A_3286 = arith.index_cast %sub3A_2393 : i32 to index
      %swap3A_3287 = arith.constant 960 : index
      %swap3A_3288 = tpu.vector_load %arg8[%swap3A_3286, %swap3A_3287] {strides = array<i32>} : memref<2x2000xi32, #tpu.memory_space<vmem>>, vector<1x16xi32>,
      %swap3A_3289 = vector.shape_cast %swap3A_3288 : vector<1x16xi32> to vector<16xi32>
      %swap3A_3290 = vector.shape_cast %add3A_3285 : vector<16xi32> to vector<1x16xi32>
      tpu.vector_store %arg8[%swap3A_3286, %swap3A_3287], %swap3A_3290 {strides = array<i32>} : memref<2x2000xi32, #tpu.memory_space<vmem>>, vector<1x16xi32>,
      %get3A_3291 = arith.index_cast %sub3A_2393 : i32 to index
      %get3A_3292 = arith.constant 976 : index
      %get3A_3293 = tpu.vector_load %arg7[%get3A_3291, %get3A_3292] {strides = array<i32>} : memref<2x2000xi32, #tpu.memory_space<vmem>>, vector<1x16xi32>,
      %get3A_3294 = vector.shape_cast %get3A_3293 : vector<1x16xi32> to vector<16xi32>
      %mul3A_3295 = arith.constant 4 : i32
      %mul3A_3296 = vector.broadcast %mul3A_3295 : i32 to vector<16xi32>
      %mul3A_3297 = arith.muli %get3A_3294, %mul3A_3296 : vector<16xi32>
      %add3A_3298 = vector.broadcast %add3A_2436 : i32 to vector<16xi32>
      %add3A_3299 = arith.addi %mul3A_3297, %add3A_3298 : vector<16xi32>
      %swap3A_3300 = arith.index_cast %sub3A_2393 : i32 to index
      %swap3A_3301 = arith.constant 976 : index
      %swap3A_3302 = tpu.vector_load %arg8[%swap3A_3300, %swap3A_3301] {strides = array<i32>} : memref<2x2000xi32, #tpu.memory_space<vmem>>, vector<1x16xi32>,
      %swap3A_3303 = vector.shape_cast %swap3A_3302 : vector<1x16xi32> to vector<16xi32>
      %swap3A_3304 = vector.shape_cast %add3A_3299 : vector<16xi32> to vector<1x16xi32>
      tpu.vector_store %arg8[%swap3A_3300, %swap3A_3301], %swap3A_3304 {strides = array<i32>} : memref<2x2000xi32, #tpu.memory_space<vmem>>, vector<1x16xi32>,
      %get3A_3305 = arith.index_cast %sub3A_2393 : i32 to index
      %get3A_3306 = arith.constant 992 : index
      %get3A_3307 = tpu.vector_load %arg7[%get3A_3305, %get3A_3306] {strides = array<i32>} : memref<2x2000xi32, #tpu.memory_space<vmem>>, vector<1x16xi32>,
      %get3A_3308 = vector.shape_cast %get3A_3307 : vector<1x16xi32> to vector<16xi32>
      %mul3A_3309 = arith.constant 4 : i32
      %mul3A_3310 = vector.broadcast %mul3A_3309 : i32 to vector<16xi32>
      %mul3A_3311 = arith.muli %get3A_3308, %mul3A_3310 : vector<16xi32>
      %add3A_3312 = vector.broadcast %add3A_2436 : i32 to vector<16xi32>
      %add3A_3313 = arith.addi %mul3A_3311, %add3A_3312 : vector<16xi32>
      %swap3A_3314 = arith.index_cast %sub3A_2393 : i32 to index
      %swap3A_3315 = arith.constant 992 : index
      %swap3A_3316 = tpu.vector_load %arg8[%swap3A_3314, %swap3A_3315] {strides = array<i32>} : memref<2x2000xi32, #tpu.memory_space<vmem>>, vector<1x16xi32>,
      %swap3A_3317 = vector.shape_cast %swap3A_3316 : vector<1x16xi32> to vector<16xi32>
      %swap3A_3318 = vector.shape_cast %add3A_3313 : vector<16xi32> to vector<1x16xi32>
      tpu.vector_store %arg8[%swap3A_3314, %swap3A_3315], %swap3A_3318 {strides = array<i32>} : memref<2x2000xi32, #tpu.memory_space<vmem>>, vector<1x16xi32>,
      %get3A_3319 = arith.index_cast %sub3A_2393 : i32 to index
      %get3A_3320 = arith.constant 1008 : index
      %get3A_3321 = tpu.vector_load %arg7[%get3A_3319, %get3A_3320] {strides = array<i32>} : memref<2x2000xi32, #tpu.memory_space<vmem>>, vector<1x16xi32>,
      %get3A_3322 = vector.shape_cast %get3A_3321 : vector<1x16xi32> to vector<16xi32>
      %mul3A_3323 = arith.constant 4 : i32
      %mul3A_3324 = vector.broadcast %mul3A_3323 : i32 to vector<16xi32>
      %mul3A_3325 = arith.muli %get3A_3322, %mul3A_3324 : vector<16xi32>
      %add3A_3326 = vector.broadcast %add3A_2436 : i32 to vector<16xi32>
      %add3A_3327 = arith.addi %mul3A_3325, %add3A_3326 : vector<16xi32>
      %swap3A_3328 = arith.index_cast %sub3A_2393 : i32 to index
      %swap3A_3329 = arith.constant 1008 : index
      %swap3A_3330 = tpu.vector_load %arg8[%swap3A_3328, %swap3A_3329] {strides = array<i32>} : memref<2x2000xi32, #tpu.memory_space<vmem>>, vector<1x16xi32>,
      %swap3A_3331 = vector.shape_cast %swap3A_3330 : vector<1x16xi32> to vector<16xi32>
      %swap3A_3332 = vector.shape_cast %add3A_3327 : vector<16xi32> to vector<1x16xi32>
      tpu.vector_store %arg8[%swap3A_3328, %swap3A_3329], %swap3A_3332 {strides = array<i32>} : memref<2x2000xi32, #tpu.memory_space<vmem>>, vector<1x16xi32>,
      %get3A_3333 = arith.index_cast %sub3A_2393 : i32 to index
      %get3A_3334 = arith.constant 1024 : index
      %get3A_3335 = tpu.vector_load %arg7[%get3A_3333, %get3A_3334] {strides = array<i32>} : memref<2x2000xi32, #tpu.memory_space<vmem>>, vector<1x16xi32>,
      %get3A_3336 = vector.shape_cast %get3A_3335 : vector<1x16xi32> to vector<16xi32>
      %mul3A_3337 = arith.constant 4 : i32
      %mul3A_3338 = vector.broadcast %mul3A_3337 : i32 to vector<16xi32>
      %mul3A_3339 = arith.muli %get3A_3336, %mul3A_3338 : vector<16xi32>
      %add3A_3340 = vector.broadcast %add3A_2436 : i32 to vector<16xi32>
      %add3A_3341 = arith.addi %mul3A_3339, %add3A_3340 : vector<16xi32>
      %swap3A_3342 = arith.index_cast %sub3A_2393 : i32 to index
      %swap3A_3343 = arith.constant 1024 : index
      %swap3A_3344 = tpu.vector_load %arg8[%swap3A_3342, %swap3A_3343] {strides = array<i32>} : memref<2x2000xi32, #tpu.memory_space<vmem>>, vector<1x16xi32>,
      %swap3A_3345 = vector.shape_cast %swap3A_3344 : vector<1x16xi32> to vector<16xi32>
      %swap3A_3346 = vector.shape_cast %add3A_3341 : vector<16xi32> to vector<1x16xi32>
      tpu.vector_store %arg8[%swap3A_3342, %swap3A_3343], %swap3A_3346 {strides = array<i32>} : memref<2x2000xi32, #tpu.memory_space<vmem>>, vector<1x16xi32>,
      %get3A_3347 = arith.index_cast %sub3A_2393 : i32 to index
      %get3A_3348 = arith.constant 1040 : index
      %get3A_3349 = tpu.vector_load %arg7[%get3A_3347, %get3A_3348] {strides = array<i32>} : memref<2x2000xi32, #tpu.memory_space<vmem>>, vector<1x16xi32>,
      %get3A_3350 = vector.shape_cast %get3A_3349 : vector<1x16xi32> to vector<16xi32>
      %mul3A_3351 = arith.constant 4 : i32
      %mul3A_3352 = vector.broadcast %mul3A_3351 : i32 to vector<16xi32>
      %mul3A_3353 = arith.muli %get3A_3350, %mul3A_3352 : vector<16xi32>
      %add3A_3354 = vector.broadcast %add3A_2436 : i32 to vector<16xi32>
      %add3A_3355 = arith.addi %mul3A_3353, %add3A_3354 : vector<16xi32>
      %swap3A_3356 = arith.index_cast %sub3A_2393 : i32 to index
      %swap3A_3357 = arith.constant 1040 : index
      %swap3A_3358 = tpu.vector_load %arg8[%swap3A_3356, %swap3A_3357] {strides = array<i32>} : memref<2x2000xi32, #tpu.memory_space<vmem>>, vector<1x16xi32>,
      %swap3A_3359 = vector.shape_cast %swap3A_3358 : vector<1x16xi32> to vector<16xi32>
      %swap3A_3360 = vector.shape_cast %add3A_3355 : vector<16xi32> to vector<1x16xi32>
      tpu.vector_store %arg8[%swap3A_3356, %swap3A_3357], %swap3A_3360 {strides = array<i32>} : memref<2x2000xi32, #tpu.memory_space<vmem>>, vector<1x16xi32>,
      %get3A_3361 = arith.index_cast %sub3A_2393 : i32 to index
      %get3A_3362 = arith.constant 1056 : index
      %get3A_3363 = tpu.vector_load %arg7[%get3A_3361, %get3A_3362] {strides = array<i32>} : memref<2x2000xi32, #tpu.memory_space<vmem>>, vector<1x16xi32>,
      %get3A_3364 = vector.shape_cast %get3A_3363 : vector<1x16xi32> to vector<16xi32>
      %mul3A_3365 = arith.constant 4 : i32
      %mul3A_3366 = vector.broadcast %mul3A_3365 : i32 to vector<16xi32>
      %mul3A_3367 = arith.muli %get3A_3364, %mul3A_3366 : vector<16xi32>
      %add3A_3368 = vector.broadcast %add3A_2436 : i32 to vector<16xi32>
      %add3A_3369 = arith.addi %mul3A_3367, %add3A_3368 : vector<16xi32>
      %swap3A_3370 = arith.index_cast %sub3A_2393 : i32 to index
      %swap3A_3371 = arith.constant 1056 : index
      %swap3A_3372 = tpu.vector_load %arg8[%swap3A_3370, %swap3A_3371] {strides = array<i32>} : memref<2x2000xi32, #tpu.memory_space<vmem>>, vector<1x16xi32>,
      %swap3A_3373 = vector.shape_cast %swap3A_3372 : vector<1x16xi32> to vector<16xi32>
      %swap3A_3374 = vector.shape_cast %add3A_3369 : vector<16xi32> to vector<1x16xi32>
      tpu.vector_store %arg8[%swap3A_3370, %swap3A_3371], %swap3A_3374 {strides = array<i32>} : memref<2x2000xi32, #tpu.memory_space<vmem>>, vector<1x16xi32>,
      %get3A_3375 = arith.index_cast %sub3A_2393 : i32 to index
      %get3A_3376 = arith.constant 1072 : index
      %get3A_3377 = tpu.vector_load %arg7[%get3A_3375, %get3A_3376] {strides = array<i32>} : memref<2x2000xi32, #tpu.memory_space<vmem>>, vector<1x16xi32>,
      %get3A_3378 = vector.shape_cast %get3A_3377 : vector<1x16xi32> to vector<16xi32>
      %mul3A_3379 = arith.constant 4 : i32
      %mul3A_3380 = vector.broadcast %mul3A_3379 : i32 to vector<16xi32>
      %mul3A_3381 = arith.muli %get3A_3378, %mul3A_3380 : vector<16xi32>
      %add3A_3382 = vector.broadcast %add3A_2436 : i32 to vector<16xi32>
      %add3A_3383 = arith.addi %mul3A_3381, %add3A_3382 : vector<16xi32>
      %swap3A_3384 = arith.index_cast %sub3A_2393 : i32 to index
      %swap3A_3385 = arith.constant 1072 : index
      %swap3A_3386 = tpu.vector_load %arg8[%swap3A_3384, %swap3A_3385] {strides = array<i32>} : memref<2x2000xi32, #tpu.memory_space<vmem>>, vector<1x16xi32>,
      %swap3A_3387 = vector.shape_cast %swap3A_3386 : vector<1x16xi32> to vector<16xi32>
      %swap3A_3388 = vector.shape_cast %add3A_3383 : vector<16xi32> to vector<1x16xi32>
      tpu.vector_store %arg8[%swap3A_3384, %swap3A_3385], %swap3A_3388 {strides = array<i32>} : memref<2x2000xi32, #tpu.memory_space<vmem>>, vector<1x16xi32>,
      %get3A_3389 = arith.index_cast %sub3A_2393 : i32 to index
      %get3A_3390 = arith.constant 1088 : index
      %get3A_3391 = tpu.vector_load %arg7[%get3A_3389, %get3A_3390] {strides = array<i32>} : memref<2x2000xi32, #tpu.memory_space<vmem>>, vector<1x16xi32>,
      %get3A_3392 = vector.shape_cast %get3A_3391 : vector<1x16xi32> to vector<16xi32>
      %mul3A_3393 = arith.constant 4 : i32
      %mul3A_3394 = vector.broadcast %mul3A_3393 : i32 to vector<16xi32>
      %mul3A_3395 = arith.muli %get3A_3392, %mul3A_3394 : vector<16xi32>
      %add3A_3396 = vector.broadcast %add3A_2436 : i32 to vector<16xi32>
      %add3A_3397 = arith.addi %mul3A_3395, %add3A_3396 : vector<16xi32>
      %swap3A_3398 = arith.index_cast %sub3A_2393 : i32 to index
      %swap3A_3399 = arith.constant 1088 : index
      %swap3A_3400 = tpu.vector_load %arg8[%swap3A_3398, %swap3A_3399] {strides = array<i32>} : memref<2x2000xi32, #tpu.memory_space<vmem>>, vector<1x16xi32>,
      %swap3A_3401 = vector.shape_cast %swap3A_3400 : vector<1x16xi32> to vector<16xi32>
      %swap3A_3402 = vector.shape_cast %add3A_3397 : vector<16xi32> to vector<1x16xi32>
      tpu.vector_store %arg8[%swap3A_3398, %swap3A_3399], %swap3A_3402 {strides = array<i32>} : memref<2x2000xi32, #tpu.memory_space<vmem>>, vector<1x16xi32>,
      %get3A_3403 = arith.index_cast %sub3A_2393 : i32 to index
      %get3A_3404 = arith.constant 1104 : index
      %get3A_3405 = tpu.vector_load %arg7[%get3A_3403, %get3A_3404] {strides = array<i32>} : memref<2x2000xi32, #tpu.memory_space<vmem>>, vector<1x16xi32>,
      %get3A_3406 = vector.shape_cast %get3A_3405 : vector<1x16xi32> to vector<16xi32>
      %mul3A_3407 = arith.constant 4 : i32
      %mul3A_3408 = vector.broadcast %mul3A_3407 : i32 to vector<16xi32>
      %mul3A_3409 = arith.muli %get3A_3406, %mul3A_3408 : vector<16xi32>
      %add3A_3410 = vector.broadcast %add3A_2436 : i32 to vector<16xi32>
      %add3A_3411 = arith.addi %mul3A_3409, %add3A_3410 : vector<16xi32>
      %swap3A_3412 = arith.index_cast %sub3A_2393 : i32 to index
      %swap3A_3413 = arith.constant 1104 : index
      %swap3A_3414 = tpu.vector_load %arg8[%swap3A_3412, %swap3A_3413] {strides = array<i32>} : memref<2x2000xi32, #tpu.memory_space<vmem>>, vector<1x16xi32>,
      %swap3A_3415 = vector.shape_cast %swap3A_3414 : vector<1x16xi32> to vector<16xi32>
      %swap3A_3416 = vector.shape_cast %add3A_3411 : vector<16xi32> to vector<1x16xi32>
      tpu.vector_store %arg8[%swap3A_3412, %swap3A_3413], %swap3A_3416 {strides = array<i32>} : memref<2x2000xi32, #tpu.memory_space<vmem>>, vector<1x16xi32>,
      %get3A_3417 = arith.index_cast %sub3A_2393 : i32 to index
      %get3A_3418 = arith.constant 1120 : index
      %get3A_3419 = tpu.vector_load %arg7[%get3A_3417, %get3A_3418] {strides = array<i32>} : memref<2x2000xi32, #tpu.memory_space<vmem>>, vector<1x16xi32>,
      %get3A_3420 = vector.shape_cast %get3A_3419 : vector<1x16xi32> to vector<16xi32>
      %mul3A_3421 = arith.constant 4 : i32
      %mul3A_3422 = vector.broadcast %mul3A_3421 : i32 to vector<16xi32>
      %mul3A_3423 = arith.muli %get3A_3420, %mul3A_3422 : vector<16xi32>
      %add3A_3424 = vector.broadcast %add3A_2436 : i32 to vector<16xi32>
      %add3A_3425 = arith.addi %mul3A_3423, %add3A_3424 : vector<16xi32>
      %swap3A_3426 = arith.index_cast %sub3A_2393 : i32 to index
      %swap3A_3427 = arith.constant 1120 : index
      %swap3A_3428 = tpu.vector_load %arg8[%swap3A_3426, %swap3A_3427] {strides = array<i32>} : memref<2x2000xi32, #tpu.memory_space<vmem>>, vector<1x16xi32>,
      %swap3A_3429 = vector.shape_cast %swap3A_3428 : vector<1x16xi32> to vector<16xi32>
      %swap3A_3430 = vector.shape_cast %add3A_3425 : vector<16xi32> to vector<1x16xi32>
      tpu.vector_store %arg8[%swap3A_3426, %swap3A_3427], %swap3A_3430 {strides = array<i32>} : memref<2x2000xi32, #tpu.memory_space<vmem>>, vector<1x16xi32>,
      %get3A_3431 = arith.index_cast %sub3A_2393 : i32 to index
      %get3A_3432 = arith.constant 1136 : index
      %get3A_3433 = tpu.vector_load %arg7[%get3A_3431, %get3A_3432] {strides = array<i32>} : memref<2x2000xi32, #tpu.memory_space<vmem>>, vector<1x16xi32>,
      %get3A_3434 = vector.shape_cast %get3A_3433 : vector<1x16xi32> to vector<16xi32>
      %mul3A_3435 = arith.constant 4 : i32
      %mul3A_3436 = vector.broadcast %mul3A_3435 : i32 to vector<16xi32>
      %mul3A_3437 = arith.muli %get3A_3434, %mul3A_3436 : vector<16xi32>
      %add3A_3438 = vector.broadcast %add3A_2436 : i32 to vector<16xi32>
      %add3A_3439 = arith.addi %mul3A_3437, %add3A_3438 : vector<16xi32>
      %swap3A_3440 = arith.index_cast %sub3A_2393 : i32 to index
      %swap3A_3441 = arith.constant 1136 : index
      %swap3A_3442 = tpu.vector_load %arg8[%swap3A_3440, %swap3A_3441] {strides = array<i32>} : memref<2x2000xi32, #tpu.memory_space<vmem>>, vector<1x16xi32>,
      %swap3A_3443 = vector.shape_cast %swap3A_3442 : vector<1x16xi32> to vector<16xi32>
      %swap3A_3444 = vector.shape_cast %add3A_3439 : vector<16xi32> to vector<1x16xi32>
      tpu.vector_store %arg8[%swap3A_3440, %swap3A_3441], %swap3A_3444 {strides = array<i32>} : memref<2x2000xi32, #tpu.memory_space<vmem>>, vector<1x16xi32>,
      %get3A_3445 = arith.index_cast %sub3A_2393 : i32 to index
      %get3A_3446 = arith.constant 1152 : index
      %get3A_3447 = tpu.vector_load %arg7[%get3A_3445, %get3A_3446] {strides = array<i32>} : memref<2x2000xi32, #tpu.memory_space<vmem>>, vector<1x16xi32>,
      %get3A_3448 = vector.shape_cast %get3A_3447 : vector<1x16xi32> to vector<16xi32>
      %mul3A_3449 = arith.constant 4 : i32
      %mul3A_3450 = vector.broadcast %mul3A_3449 : i32 to vector<16xi32>
      %mul3A_3451 = arith.muli %get3A_3448, %mul3A_3450 : vector<16xi32>
      %add3A_3452 = vector.broadcast %add3A_2436 : i32 to vector<16xi32>
      %add3A_3453 = arith.addi %mul3A_3451, %add3A_3452 : vector<16xi32>
      %swap3A_3454 = arith.index_cast %sub3A_2393 : i32 to index
      %swap3A_3455 = arith.constant 1152 : index
      %swap3A_3456 = tpu.vector_load %arg8[%swap3A_3454, %swap3A_3455] {strides = array<i32>} : memref<2x2000xi32, #tpu.memory_space<vmem>>, vector<1x16xi32>,
      %swap3A_3457 = vector.shape_cast %swap3A_3456 : vector<1x16xi32> to vector<16xi32>
      %swap3A_3458 = vector.shape_cast %add3A_3453 : vector<16xi32> to vector<1x16xi32>
      tpu.vector_store %arg8[%swap3A_3454, %swap3A_3455], %swap3A_3458 {strides = array<i32>} : memref<2x2000xi32, #tpu.memory_space<vmem>>, vector<1x16xi32>,
      %get3A_3459 = arith.index_cast %sub3A_2393 : i32 to index
      %get3A_3460 = arith.constant 1168 : index
      %get3A_3461 = tpu.vector_load %arg7[%get3A_3459, %get3A_3460] {strides = array<i32>} : memref<2x2000xi32, #tpu.memory_space<vmem>>, vector<1x16xi32>,
      %get3A_3462 = vector.shape_cast %get3A_3461 : vector<1x16xi32> to vector<16xi32>
      %mul3A_3463 = arith.constant 4 : i32
      %mul3A_3464 = vector.broadcast %mul3A_3463 : i32 to vector<16xi32>
      %mul3A_3465 = arith.muli %get3A_3462, %mul3A_3464 : vector<16xi32>
      %add3A_3466 = vector.broadcast %add3A_2436 : i32 to vector<16xi32>
      %add3A_3467 = arith.addi %mul3A_3465, %add3A_3466 : vector<16xi32>
      %swap3A_3468 = arith.index_cast %sub3A_2393 : i32 to index
      %swap3A_3469 = arith.constant 1168 : index
      %swap3A_3470 = tpu.vector_load %arg8[%swap3A_3468, %swap3A_3469] {strides = array<i32>} : memref<2x2000xi32, #tpu.memory_space<vmem>>, vector<1x16xi32>,
      %swap3A_3471 = vector.shape_cast %swap3A_3470 : vector<1x16xi32> to vector<16xi32>
      %swap3A_3472 = vector.shape_cast %add3A_3467 : vector<16xi32> to vector<1x16xi32>
      tpu.vector_store %arg8[%swap3A_3468, %swap3A_3469], %swap3A_3472 {strides = array<i32>} : memref<2x2000xi32, #tpu.memory_space<vmem>>, vector<1x16xi32>,
      %get3A_3473 = arith.index_cast %sub3A_2393 : i32 to index
      %get3A_3474 = arith.constant 1184 : index
      %get3A_3475 = tpu.vector_load %arg7[%get3A_3473, %get3A_3474] {strides = array<i32>} : memref<2x2000xi32, #tpu.memory_space<vmem>>, vector<1x16xi32>,
      %get3A_3476 = vector.shape_cast %get3A_3475 : vector<1x16xi32> to vector<16xi32>
      %mul3A_3477 = arith.constant 4 : i32
      %mul3A_3478 = vector.broadcast %mul3A_3477 : i32 to vector<16xi32>
      %mul3A_3479 = arith.muli %get3A_3476, %mul3A_3478 : vector<16xi32>
      %add3A_3480 = vector.broadcast %add3A_2436 : i32 to vector<16xi32>
      %add3A_3481 = arith.addi %mul3A_3479, %add3A_3480 : vector<16xi32>
      %swap3A_3482 = arith.index_cast %sub3A_2393 : i32 to index
      %swap3A_3483 = arith.constant 1184 : index
      %swap3A_3484 = tpu.vector_load %arg8[%swap3A_3482, %swap3A_3483] {strides = array<i32>} : memref<2x2000xi32, #tpu.memory_space<vmem>>, vector<1x16xi32>,
      %swap3A_3485 = vector.shape_cast %swap3A_3484 : vector<1x16xi32> to vector<16xi32>
      %swap3A_3486 = vector.shape_cast %add3A_3481 : vector<16xi32> to vector<1x16xi32>
      tpu.vector_store %arg8[%swap3A_3482, %swap3A_3483], %swap3A_3486 {strides = array<i32>} : memref<2x2000xi32, #tpu.memory_space<vmem>>, vector<1x16xi32>,
      %get3A_3487 = arith.index_cast %sub3A_2393 : i32 to index
      %get3A_3488 = arith.constant 1200 : index
      %get3A_3489 = tpu.vector_load %arg7[%get3A_3487, %get3A_3488] {strides = array<i32>} : memref<2x2000xi32, #tpu.memory_space<vmem>>, vector<1x16xi32>,
      %get3A_3490 = vector.shape_cast %get3A_3489 : vector<1x16xi32> to vector<16xi32>
      %mul3A_3491 = arith.constant 4 : i32
      %mul3A_3492 = vector.broadcast %mul3A_3491 : i32 to vector<16xi32>
      %mul3A_3493 = arith.muli %get3A_3490, %mul3A_3492 : vector<16xi32>
      %add3A_3494 = vector.broadcast %add3A_2436 : i32 to vector<16xi32>
      %add3A_3495 = arith.addi %mul3A_3493, %add3A_3494 : vector<16xi32>
      %swap3A_3496 = arith.index_cast %sub3A_2393 : i32 to index
      %swap3A_3497 = arith.constant 1200 : index
      %swap3A_3498 = tpu.vector_load %arg8[%swap3A_3496, %swap3A_3497] {strides = array<i32>} : memref<2x2000xi32, #tpu.memory_space<vmem>>, vector<1x16xi32>,
      %swap3A_3499 = vector.shape_cast %swap3A_3498 : vector<1x16xi32> to vector<16xi32>
      %swap3A_3500 = vector.shape_cast %add3A_3495 : vector<16xi32> to vector<1x16xi32>
      tpu.vector_store %arg8[%swap3A_3496, %swap3A_3497], %swap3A_3500 {strides = array<i32>} : memref<2x2000xi32, #tpu.memory_space<vmem>>, vector<1x16xi32>,
      %get3A_3501 = arith.index_cast %sub3A_2393 : i32 to index
      %get3A_3502 = arith.constant 1216 : index
      %get3A_3503 = tpu.vector_load %arg7[%get3A_3501, %get3A_3502] {strides = array<i32>} : memref<2x2000xi32, #tpu.memory_space<vmem>>, vector<1x16xi32>,
      %get3A_3504 = vector.shape_cast %get3A_3503 : vector<1x16xi32> to vector<16xi32>
      %mul3A_3505 = arith.constant 4 : i32
      %mul3A_3506 = vector.broadcast %mul3A_3505 : i32 to vector<16xi32>
      %mul3A_3507 = arith.muli %get3A_3504, %mul3A_3506 : vector<16xi32>
      %add3A_3508 = vector.broadcast %add3A_2436 : i32 to vector<16xi32>
      %add3A_3509 = arith.addi %mul3A_3507, %add3A_3508 : vector<16xi32>
      %swap3A_3510 = arith.index_cast %sub3A_2393 : i32 to index
      %swap3A_3511 = arith.constant 1216 : index
      %swap3A_3512 = tpu.vector_load %arg8[%swap3A_3510, %swap3A_3511] {strides = array<i32>} : memref<2x2000xi32, #tpu.memory_space<vmem>>, vector<1x16xi32>,
      %swap3A_3513 = vector.shape_cast %swap3A_3512 : vector<1x16xi32> to vector<16xi32>
      %swap3A_3514 = vector.shape_cast %add3A_3509 : vector<16xi32> to vector<1x16xi32>
      tpu.vector_store %arg8[%swap3A_3510, %swap3A_3511], %swap3A_3514 {strides = array<i32>} : memref<2x2000xi32, #tpu.memory_space<vmem>>, vector<1x16xi32>,
      %get3A_3515 = arith.index_cast %sub3A_2393 : i32 to index
      %get3A_3516 = arith.constant 1232 : index
      %get3A_3517 = tpu.vector_load %arg7[%get3A_3515, %get3A_3516] {strides = array<i32>} : memref<2x2000xi32, #tpu.memory_space<vmem>>, vector<1x16xi32>,
      %get3A_3518 = vector.shape_cast %get3A_3517 : vector<1x16xi32> to vector<16xi32>
      %mul3A_3519 = arith.constant 4 : i32
      %mul3A_3520 = vector.broadcast %mul3A_3519 : i32 to vector<16xi32>
      %mul3A_3521 = arith.muli %get3A_3518, %mul3A_3520 : vector<16xi32>
      %add3A_3522 = vector.broadcast %add3A_2436 : i32 to vector<16xi32>
      %add3A_3523 = arith.addi %mul3A_3521, %add3A_3522 : vector<16xi32>
      %swap3A_3524 = arith.index_cast %sub3A_2393 : i32 to index
      %swap3A_3525 = arith.constant 1232 : index
      %swap3A_3526 = tpu.vector_load %arg8[%swap3A_3524, %swap3A_3525] {strides = array<i32>} : memref<2x2000xi32, #tpu.memory_space<vmem>>, vector<1x16xi32>,
      %swap3A_3527 = vector.shape_cast %swap3A_3526 : vector<1x16xi32> to vector<16xi32>
      %swap3A_3528 = vector.shape_cast %add3A_3523 : vector<16xi32> to vector<1x16xi32>
      tpu.vector_store %arg8[%swap3A_3524, %swap3A_3525], %swap3A_3528 {strides = array<i32>} : memref<2x2000xi32, #tpu.memory_space<vmem>>, vector<1x16xi32>,
      %get3A_3529 = arith.index_cast %sub3A_2393 : i32 to index
      %get3A_3530 = arith.constant 1248 : index
      %get3A_3531 = tpu.vector_load %arg7[%get3A_3529, %get3A_3530] {strides = array<i32>} : memref<2x2000xi32, #tpu.memory_space<vmem>>, vector<1x16xi32>,
      %get3A_3532 = vector.shape_cast %get3A_3531 : vector<1x16xi32> to vector<16xi32>
      %mul3A_3533 = arith.constant 4 : i32
      %mul3A_3534 = vector.broadcast %mul3A_3533 : i32 to vector<16xi32>
      %mul3A_3535 = arith.muli %get3A_3532, %mul3A_3534 : vector<16xi32>
      %add3A_3536 = vector.broadcast %add3A_2436 : i32 to vector<16xi32>
      %add3A_3537 = arith.addi %mul3A_3535, %add3A_3536 : vector<16xi32>
      %swap3A_3538 = arith.index_cast %sub3A_2393 : i32 to index
      %swap3A_3539 = arith.constant 1248 : index
      %swap3A_3540 = tpu.vector_load %arg8[%swap3A_3538, %swap3A_3539] {strides = array<i32>} : memref<2x2000xi32, #tpu.memory_space<vmem>>, vector<1x16xi32>,
      %swap3A_3541 = vector.shape_cast %swap3A_3540 : vector<1x16xi32> to vector<16xi32>
      %swap3A_3542 = vector.shape_cast %add3A_3537 : vector<16xi32> to vector<1x16xi32>
      tpu.vector_store %arg8[%swap3A_3538, %swap3A_3539], %swap3A_3542 {strides = array<i32>} : memref<2x2000xi32, #tpu.memory_space<vmem>>, vector<1x16xi32>,
      %get3A_3543 = arith.index_cast %sub3A_2393 : i32 to index
      %get3A_3544 = arith.constant 1264 : index
      %get3A_3545 = tpu.vector_load %arg7[%get3A_3543, %get3A_3544] {strides = array<i32>} : memref<2x2000xi32, #tpu.memory_space<vmem>>, vector<1x16xi32>,
      %get3A_3546 = vector.shape_cast %get3A_3545 : vector<1x16xi32> to vector<16xi32>
      %mul3A_3547 = arith.constant 4 : i32
      %mul3A_3548 = vector.broadcast %mul3A_3547 : i32 to vector<16xi32>
      %mul3A_3549 = arith.muli %get3A_3546, %mul3A_3548 : vector<16xi32>
      %add3A_3550 = vector.broadcast %add3A_2436 : i32 to vector<16xi32>
      %add3A_3551 = arith.addi %mul3A_3549, %add3A_3550 : vector<16xi32>
      %swap3A_3552 = arith.index_cast %sub3A_2393 : i32 to index
      %swap3A_3553 = arith.constant 1264 : index
      %swap3A_3554 = tpu.vector_load %arg8[%swap3A_3552, %swap3A_3553] {strides = array<i32>} : memref<2x2000xi32, #tpu.memory_space<vmem>>, vector<1x16xi32>,
      %swap3A_3555 = vector.shape_cast %swap3A_3554 : vector<1x16xi32> to vector<16xi32>
      %swap3A_3556 = vector.shape_cast %add3A_3551 : vector<16xi32> to vector<1x16xi32>
      tpu.vector_store %arg8[%swap3A_3552, %swap3A_3553], %swap3A_3556 {strides = array<i32>} : memref<2x2000xi32, #tpu.memory_space<vmem>>, vector<1x16xi32>,
      %get3A_3557 = arith.index_cast %sub3A_2393 : i32 to index
      %get3A_3558 = arith.constant 1280 : index
      %get3A_3559 = tpu.vector_load %arg7[%get3A_3557, %get3A_3558] {strides = array<i32>} : memref<2x2000xi32, #tpu.memory_space<vmem>>, vector<1x16xi32>,
      %get3A_3560 = vector.shape_cast %get3A_3559 : vector<1x16xi32> to vector<16xi32>
      %mul3A_3561 = arith.constant 4 : i32
      %mul3A_3562 = vector.broadcast %mul3A_3561 : i32 to vector<16xi32>
      %mul3A_3563 = arith.muli %get3A_3560, %mul3A_3562 : vector<16xi32>
      %add3A_3564 = vector.broadcast %add3A_2436 : i32 to vector<16xi32>
      %add3A_3565 = arith.addi %mul3A_3563, %add3A_3564 : vector<16xi32>
      %swap3A_3566 = arith.index_cast %sub3A_2393 : i32 to index
      %swap3A_3567 = arith.constant 1280 : index
      %swap3A_3568 = tpu.vector_load %arg8[%swap3A_3566, %swap3A_3567] {strides = array<i32>} : memref<2x2000xi32, #tpu.memory_space<vmem>>, vector<1x16xi32>,
      %swap3A_3569 = vector.shape_cast %swap3A_3568 : vector<1x16xi32> to vector<16xi32>
      %swap3A_3570 = vector.shape_cast %add3A_3565 : vector<16xi32> to vector<1x16xi32>
      tpu.vector_store %arg8[%swap3A_3566, %swap3A_3567], %swap3A_3570 {strides = array<i32>} : memref<2x2000xi32, #tpu.memory_space<vmem>>, vector<1x16xi32>,
      %get3A_3571 = arith.index_cast %sub3A_2393 : i32 to index
      %get3A_3572 = arith.constant 1296 : index
      %get3A_3573 = tpu.vector_load %arg7[%get3A_3571, %get3A_3572] {strides = array<i32>} : memref<2x2000xi32, #tpu.memory_space<vmem>>, vector<1x16xi32>,
      %get3A_3574 = vector.shape_cast %get3A_3573 : vector<1x16xi32> to vector<16xi32>
      %mul3A_3575 = arith.constant 4 : i32
      %mul3A_3576 = vector.broadcast %mul3A_3575 : i32 to vector<16xi32>
      %mul3A_3577 = arith.muli %get3A_3574, %mul3A_3576 : vector<16xi32>
      %add3A_3578 = vector.broadcast %add3A_2436 : i32 to vector<16xi32>
      %add3A_3579 = arith.addi %mul3A_3577, %add3A_3578 : vector<16xi32>
      %swap3A_3580 = arith.index_cast %sub3A_2393 : i32 to index
      %swap3A_3581 = arith.constant 1296 : index
      %swap3A_3582 = tpu.vector_load %arg8[%swap3A_3580, %swap3A_3581] {strides = array<i32>} : memref<2x2000xi32, #tpu.memory_space<vmem>>, vector<1x16xi32>,
      %swap3A_3583 = vector.shape_cast %swap3A_3582 : vector<1x16xi32> to vector<16xi32>
      %swap3A_3584 = vector.shape_cast %add3A_3579 : vector<16xi32> to vector<1x16xi32>
      tpu.vector_store %arg8[%swap3A_3580, %swap3A_3581], %swap3A_3584 {strides = array<i32>} : memref<2x2000xi32, #tpu.memory_space<vmem>>, vector<1x16xi32>,
      %get3A_3585 = arith.index_cast %sub3A_2393 : i32 to index
      %get3A_3586 = arith.constant 1312 : index
      %get3A_3587 = tpu.vector_load %arg7[%get3A_3585, %get3A_3586] {strides = array<i32>} : memref<2x2000xi32, #tpu.memory_space<vmem>>, vector<1x16xi32>,
      %get3A_3588 = vector.shape_cast %get3A_3587 : vector<1x16xi32> to vector<16xi32>
      %mul3A_3589 = arith.constant 4 : i32
      %mul3A_3590 = vector.broadcast %mul3A_3589 : i32 to vector<16xi32>
      %mul3A_3591 = arith.muli %get3A_3588, %mul3A_3590 : vector<16xi32>
      %add3A_3592 = vector.broadcast %add3A_2436 : i32 to vector<16xi32>
      %add3A_3593 = arith.addi %mul3A_3591, %add3A_3592 : vector<16xi32>
      %swap3A_3594 = arith.index_cast %sub3A_2393 : i32 to index
      %swap3A_3595 = arith.constant 1312 : index
      %swap3A_3596 = tpu.vector_load %arg8[%swap3A_3594, %swap3A_3595] {strides = array<i32>} : memref<2x2000xi32, #tpu.memory_space<vmem>>, vector<1x16xi32>,
      %swap3A_3597 = vector.shape_cast %swap3A_3596 : vector<1x16xi32> to vector<16xi32>
      %swap3A_3598 = vector.shape_cast %add3A_3593 : vector<16xi32> to vector<1x16xi32>
      tpu.vector_store %arg8[%swap3A_3594, %swap3A_3595], %swap3A_3598 {strides = array<i32>} : memref<2x2000xi32, #tpu.memory_space<vmem>>, vector<1x16xi32>,
      %get3A_3599 = arith.index_cast %sub3A_2393 : i32 to index
      %get3A_3600 = arith.constant 1328 : index
      %get3A_3601 = tpu.vector_load %arg7[%get3A_3599, %get3A_3600] {strides = array<i32>} : memref<2x2000xi32, #tpu.memory_space<vmem>>, vector<1x16xi32>,
      %get3A_3602 = vector.shape_cast %get3A_3601 : vector<1x16xi32> to vector<16xi32>
      %mul3A_3603 = arith.constant 4 : i32
      %mul3A_3604 = vector.broadcast %mul3A_3603 : i32 to vector<16xi32>
      %mul3A_3605 = arith.muli %get3A_3602, %mul3A_3604 : vector<16xi32>
      %add3A_3606 = vector.broadcast %add3A_2436 : i32 to vector<16xi32>
      %add3A_3607 = arith.addi %mul3A_3605, %add3A_3606 : vector<16xi32>
      %swap3A_3608 = arith.index_cast %sub3A_2393 : i32 to index
      %swap3A_3609 = arith.constant 1328 : index
      %swap3A_3610 = tpu.vector_load %arg8[%swap3A_3608, %swap3A_3609] {strides = array<i32>} : memref<2x2000xi32, #tpu.memory_space<vmem>>, vector<1x16xi32>,
      %swap3A_3611 = vector.shape_cast %swap3A_3610 : vector<1x16xi32> to vector<16xi32>
      %swap3A_3612 = vector.shape_cast %add3A_3607 : vector<16xi32> to vector<1x16xi32>
      tpu.vector_store %arg8[%swap3A_3608, %swap3A_3609], %swap3A_3612 {strides = array<i32>} : memref<2x2000xi32, #tpu.memory_space<vmem>>, vector<1x16xi32>,
      %get3A_3613 = arith.index_cast %sub3A_2393 : i32 to index
      %get3A_3614 = arith.constant 1344 : index
      %get3A_3615 = tpu.vector_load %arg7[%get3A_3613, %get3A_3614] {strides = array<i32>} : memref<2x2000xi32, #tpu.memory_space<vmem>>, vector<1x16xi32>,
      %get3A_3616 = vector.shape_cast %get3A_3615 : vector<1x16xi32> to vector<16xi32>
      %mul3A_3617 = arith.constant 4 : i32
      %mul3A_3618 = vector.broadcast %mul3A_3617 : i32 to vector<16xi32>
      %mul3A_3619 = arith.muli %get3A_3616, %mul3A_3618 : vector<16xi32>
      %add3A_3620 = vector.broadcast %add3A_2436 : i32 to vector<16xi32>
      %add3A_3621 = arith.addi %mul3A_3619, %add3A_3620 : vector<16xi32>
      %swap3A_3622 = arith.index_cast %sub3A_2393 : i32 to index
      %swap3A_3623 = arith.constant 1344 : index
      %swap3A_3624 = tpu.vector_load %arg8[%swap3A_3622, %swap3A_3623] {strides = array<i32>} : memref<2x2000xi32, #tpu.memory_space<vmem>>, vector<1x16xi32>,
      %swap3A_3625 = vector.shape_cast %swap3A_3624 : vector<1x16xi32> to vector<16xi32>
      %swap3A_3626 = vector.shape_cast %add3A_3621 : vector<16xi32> to vector<1x16xi32>
      tpu.vector_store %arg8[%swap3A_3622, %swap3A_3623], %swap3A_3626 {strides = array<i32>} : memref<2x2000xi32, #tpu.memory_space<vmem>>, vector<1x16xi32>,
      %get3A_3627 = arith.index_cast %sub3A_2393 : i32 to index
      %get3A_3628 = arith.constant 1360 : index
      %get3A_3629 = tpu.vector_load %arg7[%get3A_3627, %get3A_3628] {strides = array<i32>} : memref<2x2000xi32, #tpu.memory_space<vmem>>, vector<1x16xi32>,
      %get3A_3630 = vector.shape_cast %get3A_3629 : vector<1x16xi32> to vector<16xi32>
      %mul3A_3631 = arith.constant 4 : i32
      %mul3A_3632 = vector.broadcast %mul3A_3631 : i32 to vector<16xi32>
      %mul3A_3633 = arith.muli %get3A_3630, %mul3A_3632 : vector<16xi32>
      %add3A_3634 = vector.broadcast %add3A_2436 : i32 to vector<16xi32>
      %add3A_3635 = arith.addi %mul3A_3633, %add3A_3634 : vector<16xi32>
      %swap3A_3636 = arith.index_cast %sub3A_2393 : i32 to index
      %swap3A_3637 = arith.constant 1360 : index
      %swap3A_3638 = tpu.vector_load %arg8[%swap3A_3636, %swap3A_3637] {strides = array<i32>} : memref<2x2000xi32, #tpu.memory_space<vmem>>, vector<1x16xi32>,
      %swap3A_3639 = vector.shape_cast %swap3A_3638 : vector<1x16xi32> to vector<16xi32>
      %swap3A_3640 = vector.shape_cast %add3A_3635 : vector<16xi32> to vector<1x16xi32>
      tpu.vector_store %arg8[%swap3A_3636, %swap3A_3637], %swap3A_3640 {strides = array<i32>} : memref<2x2000xi32, #tpu.memory_space<vmem>>, vector<1x16xi32>,
      %get3A_3641 = arith.index_cast %sub3A_2393 : i32 to index
      %get3A_3642 = arith.constant 1376 : index
      %get3A_3643 = tpu.vector_load %arg7[%get3A_3641, %get3A_3642] {strides = array<i32>} : memref<2x2000xi32, #tpu.memory_space<vmem>>, vector<1x16xi32>,
      %get3A_3644 = vector.shape_cast %get3A_3643 : vector<1x16xi32> to vector<16xi32>
      %mul3A_3645 = arith.constant 4 : i32
      %mul3A_3646 = vector.broadcast %mul3A_3645 : i32 to vector<16xi32>
      %mul3A_3647 = arith.muli %get3A_3644, %mul3A_3646 : vector<16xi32>
      %add3A_3648 = vector.broadcast %add3A_2436 : i32 to vector<16xi32>
      %add3A_3649 = arith.addi %mul3A_3647, %add3A_3648 : vector<16xi32>
      %swap3A_3650 = arith.index_cast %sub3A_2393 : i32 to index
      %swap3A_3651 = arith.constant 1376 : index
      %swap3A_3652 = tpu.vector_load %arg8[%swap3A_3650, %swap3A_3651] {strides = array<i32>} : memref<2x2000xi32, #tpu.memory_space<vmem>>, vector<1x16xi32>,
      %swap3A_3653 = vector.shape_cast %swap3A_3652 : vector<1x16xi32> to vector<16xi32>
      %swap3A_3654 = vector.shape_cast %add3A_3649 : vector<16xi32> to vector<1x16xi32>
      tpu.vector_store %arg8[%swap3A_3650, %swap3A_3651], %swap3A_3654 {strides = array<i32>} : memref<2x2000xi32, #tpu.memory_space<vmem>>, vector<1x16xi32>,
      %get3A_3655 = arith.index_cast %sub3A_2393 : i32 to index
      %get3A_3656 = arith.constant 1392 : index
      %get3A_3657 = tpu.vector_load %arg7[%get3A_3655, %get3A_3656] {strides = array<i32>} : memref<2x2000xi32, #tpu.memory_space<vmem>>, vector<1x16xi32>,
      %get3A_3658 = vector.shape_cast %get3A_3657 : vector<1x16xi32> to vector<16xi32>
      %mul3A_3659 = arith.constant 4 : i32
      %mul3A_3660 = vector.broadcast %mul3A_3659 : i32 to vector<16xi32>
      %mul3A_3661 = arith.muli %get3A_3658, %mul3A_3660 : vector<16xi32>
      %add3A_3662 = vector.broadcast %add3A_2436 : i32 to vector<16xi32>
      %add3A_3663 = arith.addi %mul3A_3661, %add3A_3662 : vector<16xi32>
      %swap3A_3664 = arith.index_cast %sub3A_2393 : i32 to index
      %swap3A_3665 = arith.constant 1392 : index
      %swap3A_3666 = tpu.vector_load %arg8[%swap3A_3664, %swap3A_3665] {strides = array<i32>} : memref<2x2000xi32, #tpu.memory_space<vmem>>, vector<1x16xi32>,
      %swap3A_3667 = vector.shape_cast %swap3A_3666 : vector<1x16xi32> to vector<16xi32>
      %swap3A_3668 = vector.shape_cast %add3A_3663 : vector<16xi32> to vector<1x16xi32>
      tpu.vector_store %arg8[%swap3A_3664, %swap3A_3665], %swap3A_3668 {strides = array<i32>} : memref<2x2000xi32, #tpu.memory_space<vmem>>, vector<1x16xi32>,
      %get3A_3669 = arith.index_cast %sub3A_2393 : i32 to index
      %get3A_3670 = arith.constant 1408 : index
      %get3A_3671 = tpu.vector_load %arg7[%get3A_3669, %get3A_3670] {strides = array<i32>} : memref<2x2000xi32, #tpu.memory_space<vmem>>, vector<1x16xi32>,
      %get3A_3672 = vector.shape_cast %get3A_3671 : vector<1x16xi32> to vector<16xi32>
      %mul3A_3673 = arith.constant 4 : i32
      %mul3A_3674 = vector.broadcast %mul3A_3673 : i32 to vector<16xi32>
      %mul3A_3675 = arith.muli %get3A_3672, %mul3A_3674 : vector<16xi32>
      %add3A_3676 = vector.broadcast %add3A_2436 : i32 to vector<16xi32>
      %add3A_3677 = arith.addi %mul3A_3675, %add3A_3676 : vector<16xi32>
      %swap3A_3678 = arith.index_cast %sub3A_2393 : i32 to index
      %swap3A_3679 = arith.constant 1408 : index
      %swap3A_3680 = tpu.vector_load %arg8[%swap3A_3678, %swap3A_3679] {strides = array<i32>} : memref<2x2000xi32, #tpu.memory_space<vmem>>, vector<1x16xi32>,
      %swap3A_3681 = vector.shape_cast %swap3A_3680 : vector<1x16xi32> to vector<16xi32>
      %swap3A_3682 = vector.shape_cast %add3A_3677 : vector<16xi32> to vector<1x16xi32>
      tpu.vector_store %arg8[%swap3A_3678, %swap3A_3679], %swap3A_3682 {strides = array<i32>} : memref<2x2000xi32, #tpu.memory_space<vmem>>, vector<1x16xi32>,
      %get3A_3683 = arith.index_cast %sub3A_2393 : i32 to index
      %get3A_3684 = arith.constant 1424 : index
      %get3A_3685 = tpu.vector_load %arg7[%get3A_3683, %get3A_3684] {strides = array<i32>} : memref<2x2000xi32, #tpu.memory_space<vmem>>, vector<1x16xi32>,
      %get3A_3686 = vector.shape_cast %get3A_3685 : vector<1x16xi32> to vector<16xi32>
      %mul3A_3687 = arith.constant 4 : i32
      %mul3A_3688 = vector.broadcast %mul3A_3687 : i32 to vector<16xi32>
      %mul3A_3689 = arith.muli %get3A_3686, %mul3A_3688 : vector<16xi32>
      %add3A_3690 = vector.broadcast %add3A_2436 : i32 to vector<16xi32>
      %add3A_3691 = arith.addi %mul3A_3689, %add3A_3690 : vector<16xi32>
      %swap3A_3692 = arith.index_cast %sub3A_2393 : i32 to index
      %swap3A_3693 = arith.constant 1424 : index
      %swap3A_3694 = tpu.vector_load %arg8[%swap3A_3692, %swap3A_3693] {strides = array<i32>} : memref<2x2000xi32, #tpu.memory_space<vmem>>, vector<1x16xi32>,
      %swap3A_3695 = vector.shape_cast %swap3A_3694 : vector<1x16xi32> to vector<16xi32>
      %swap3A_3696 = vector.shape_cast %add3A_3691 : vector<16xi32> to vector<1x16xi32>
      tpu.vector_store %arg8[%swap3A_3692, %swap3A_3693], %swap3A_3696 {strides = array<i32>} : memref<2x2000xi32, #tpu.memory_space<vmem>>, vector<1x16xi32>,
      %get3A_3697 = arith.index_cast %sub3A_2393 : i32 to index
      %get3A_3698 = arith.constant 1440 : index
      %get3A_3699 = tpu.vector_load %arg7[%get3A_3697, %get3A_3698] {strides = array<i32>} : memref<2x2000xi32, #tpu.memory_space<vmem>>, vector<1x16xi32>,
      %get3A_3700 = vector.shape_cast %get3A_3699 : vector<1x16xi32> to vector<16xi32>
      %mul3A_3701 = arith.constant 4 : i32
      %mul3A_3702 = vector.broadcast %mul3A_3701 : i32 to vector<16xi32>
      %mul3A_3703 = arith.muli %get3A_3700, %mul3A_3702 : vector<16xi32>
      %add3A_3704 = vector.broadcast %add3A_2436 : i32 to vector<16xi32>
      %add3A_3705 = arith.addi %mul3A_3703, %add3A_3704 : vector<16xi32>
      %swap3A_3706 = arith.index_cast %sub3A_2393 : i32 to index
      %swap3A_3707 = arith.constant 1440 : index
      %swap3A_3708 = tpu.vector_load %arg8[%swap3A_3706, %swap3A_3707] {strides = array<i32>} : memref<2x2000xi32, #tpu.memory_space<vmem>>, vector<1x16xi32>,
      %swap3A_3709 = vector.shape_cast %swap3A_3708 : vector<1x16xi32> to vector<16xi32>
      %swap3A_3710 = vector.shape_cast %add3A_3705 : vector<16xi32> to vector<1x16xi32>
      tpu.vector_store %arg8[%swap3A_3706, %swap3A_3707], %swap3A_3710 {strides = array<i32>} : memref<2x2000xi32, #tpu.memory_space<vmem>>, vector<1x16xi32>,
      %get3A_3711 = arith.index_cast %sub3A_2393 : i32 to index
      %get3A_3712 = arith.constant 1456 : index
      %get3A_3713 = tpu.vector_load %arg7[%get3A_3711, %get3A_3712] {strides = array<i32>} : memref<2x2000xi32, #tpu.memory_space<vmem>>, vector<1x16xi32>,
      %get3A_3714 = vector.shape_cast %get3A_3713 : vector<1x16xi32> to vector<16xi32>
      %mul3A_3715 = arith.constant 4 : i32
      %mul3A_3716 = vector.broadcast %mul3A_3715 : i32 to vector<16xi32>
      %mul3A_3717 = arith.muli %get3A_3714, %mul3A_3716 : vector<16xi32>
      %add3A_3718 = vector.broadcast %add3A_2436 : i32 to vector<16xi32>
      %add3A_3719 = arith.addi %mul3A_3717, %add3A_3718 : vector<16xi32>
      %swap3A_3720 = arith.index_cast %sub3A_2393 : i32 to index
      %swap3A_3721 = arith.constant 1456 : index
      %swap3A_3722 = tpu.vector_load %arg8[%swap3A_3720, %swap3A_3721] {strides = array<i32>} : memref<2x2000xi32, #tpu.memory_space<vmem>>, vector<1x16xi32>,
      %swap3A_3723 = vector.shape_cast %swap3A_3722 : vector<1x16xi32> to vector<16xi32>
      %swap3A_3724 = vector.shape_cast %add3A_3719 : vector<16xi32> to vector<1x16xi32>
      tpu.vector_store %arg8[%swap3A_3720, %swap3A_3721], %swap3A_3724 {strides = array<i32>} : memref<2x2000xi32, #tpu.memory_space<vmem>>, vector<1x16xi32>,
      %get3A_3725 = arith.index_cast %sub3A_2393 : i32 to index
      %get3A_3726 = arith.constant 1472 : index
      %get3A_3727 = tpu.vector_load %arg7[%get3A_3725, %get3A_3726] {strides = array<i32>} : memref<2x2000xi32, #tpu.memory_space<vmem>>, vector<1x16xi32>,
      %get3A_3728 = vector.shape_cast %get3A_3727 : vector<1x16xi32> to vector<16xi32>
      %mul3A_3729 = arith.constant 4 : i32
      %mul3A_3730 = vector.broadcast %mul3A_3729 : i32 to vector<16xi32>
      %mul3A_3731 = arith.muli %get3A_3728, %mul3A_3730 : vector<16xi32>
      %add3A_3732 = vector.broadcast %add3A_2436 : i32 to vector<16xi32>
      %add3A_3733 = arith.addi %mul3A_3731, %add3A_3732 : vector<16xi32>
      %swap3A_3734 = arith.index_cast %sub3A_2393 : i32 to index
      %swap3A_3735 = arith.constant 1472 : index
      %swap3A_3736 = tpu.vector_load %arg8[%swap3A_3734, %swap3A_3735] {strides = array<i32>} : memref<2x2000xi32, #tpu.memory_space<vmem>>, vector<1x16xi32>,
      %swap3A_3737 = vector.shape_cast %swap3A_3736 : vector<1x16xi32> to vector<16xi32>
      %swap3A_3738 = vector.shape_cast %add3A_3733 : vector<16xi32> to vector<1x16xi32>
      tpu.vector_store %arg8[%swap3A_3734, %swap3A_3735], %swap3A_3738 {strides = array<i32>} : memref<2x2000xi32, #tpu.memory_space<vmem>>, vector<1x16xi32>,
      %get3A_3739 = arith.index_cast %sub3A_2393 : i32 to index
      %get3A_3740 = arith.constant 1488 : index
      %get3A_3741 = tpu.vector_load %arg7[%get3A_3739, %get3A_3740] {strides = array<i32>} : memref<2x2000xi32, #tpu.memory_space<vmem>>, vector<1x16xi32>,
      %get3A_3742 = vector.shape_cast %get3A_3741 : vector<1x16xi32> to vector<16xi32>
      %mul3A_3743 = arith.constant 4 : i32
      %mul3A_3744 = vector.broadcast %mul3A_3743 : i32 to vector<16xi32>
      %mul3A_3745 = arith.muli %get3A_3742, %mul3A_3744 : vector<16xi32>
      %add3A_3746 = vector.broadcast %add3A_2436 : i32 to vector<16xi32>
      %add3A_3747 = arith.addi %mul3A_3745, %add3A_3746 : vector<16xi32>
      %swap3A_3748 = arith.index_cast %sub3A_2393 : i32 to index
      %swap3A_3749 = arith.constant 1488 : index
      %swap3A_3750 = tpu.vector_load %arg8[%swap3A_3748, %swap3A_3749] {strides = array<i32>} : memref<2x2000xi32, #tpu.memory_space<vmem>>, vector<1x16xi32>,
      %swap3A_3751 = vector.shape_cast %swap3A_3750 : vector<1x16xi32> to vector<16xi32>
      %swap3A_3752 = vector.shape_cast %add3A_3747 : vector<16xi32> to vector<1x16xi32>
      tpu.vector_store %arg8[%swap3A_3748, %swap3A_3749], %swap3A_3752 {strides = array<i32>} : memref<2x2000xi32, #tpu.memory_space<vmem>>, vector<1x16xi32>,
      %get3A_3753 = arith.index_cast %sub3A_2393 : i32 to index
      %get3A_3754 = arith.constant 1504 : index
      %get3A_3755 = tpu.vector_load %arg7[%get3A_3753, %get3A_3754] {strides = array<i32>} : memref<2x2000xi32, #tpu.memory_space<vmem>>, vector<1x16xi32>,
      %get3A_3756 = vector.shape_cast %get3A_3755 : vector<1x16xi32> to vector<16xi32>
      %mul3A_3757 = arith.constant 4 : i32
      %mul3A_3758 = vector.broadcast %mul3A_3757 : i32 to vector<16xi32>
      %mul3A_3759 = arith.muli %get3A_3756, %mul3A_3758 : vector<16xi32>
      %add3A_3760 = vector.broadcast %add3A_2436 : i32 to vector<16xi32>
      %add3A_3761 = arith.addi %mul3A_3759, %add3A_3760 : vector<16xi32>
      %swap3A_3762 = arith.index_cast %sub3A_2393 : i32 to index
      %swap3A_3763 = arith.constant 1504 : index
      %swap3A_3764 = tpu.vector_load %arg8[%swap3A_3762, %swap3A_3763] {strides = array<i32>} : memref<2x2000xi32, #tpu.memory_space<vmem>>, vector<1x16xi32>,
      %swap3A_3765 = vector.shape_cast %swap3A_3764 : vector<1x16xi32> to vector<16xi32>
      %swap3A_3766 = vector.shape_cast %add3A_3761 : vector<16xi32> to vector<1x16xi32>
      tpu.vector_store %arg8[%swap3A_3762, %swap3A_3763], %swap3A_3766 {strides = array<i32>} : memref<2x2000xi32, #tpu.memory_space<vmem>>, vector<1x16xi32>,
      %get3A_3767 = arith.index_cast %sub3A_2393 : i32 to index
      %get3A_3768 = arith.constant 1520 : index
      %get3A_3769 = tpu.vector_load %arg7[%get3A_3767, %get3A_3768] {strides = array<i32>} : memref<2x2000xi32, #tpu.memory_space<vmem>>, vector<1x16xi32>,
      %get3A_3770 = vector.shape_cast %get3A_3769 : vector<1x16xi32> to vector<16xi32>
      %mul3A_3771 = arith.constant 4 : i32
      %mul3A_3772 = vector.broadcast %mul3A_3771 : i32 to vector<16xi32>
      %mul3A_3773 = arith.muli %get3A_3770, %mul3A_3772 : vector<16xi32>
      %add3A_3774 = vector.broadcast %add3A_2436 : i32 to vector<16xi32>
      %add3A_3775 = arith.addi %mul3A_3773, %add3A_3774 : vector<16xi32>
      %swap3A_3776 = arith.index_cast %sub3A_2393 : i32 to index
      %swap3A_3777 = arith.constant 1520 : index
      %swap3A_3778 = tpu.vector_load %arg8[%swap3A_3776, %swap3A_3777] {strides = array<i32>} : memref<2x2000xi32, #tpu.memory_space<vmem>>, vector<1x16xi32>,
      %swap3A_3779 = vector.shape_cast %swap3A_3778 : vector<1x16xi32> to vector<16xi32>
      %swap3A_3780 = vector.shape_cast %add3A_3775 : vector<16xi32> to vector<1x16xi32>
      tpu.vector_store %arg8[%swap3A_3776, %swap3A_3777], %swap3A_3780 {strides = array<i32>} : memref<2x2000xi32, #tpu.memory_space<vmem>>, vector<1x16xi32>,
      %get3A_3781 = arith.index_cast %sub3A_2393 : i32 to index
      %get3A_3782 = arith.constant 1536 : index
      %get3A_3783 = tpu.vector_load %arg7[%get3A_3781, %get3A_3782] {strides = array<i32>} : memref<2x2000xi32, #tpu.memory_space<vmem>>, vector<1x16xi32>,
      %get3A_3784 = vector.shape_cast %get3A_3783 : vector<1x16xi32> to vector<16xi32>
      %mul3A_3785 = arith.constant 4 : i32
      %mul3A_3786 = vector.broadcast %mul3A_3785 : i32 to vector<16xi32>
      %mul3A_3787 = arith.muli %get3A_3784, %mul3A_3786 : vector<16xi32>
      %add3A_3788 = vector.broadcast %add3A_2436 : i32 to vector<16xi32>
      %add3A_3789 = arith.addi %mul3A_3787, %add3A_3788 : vector<16xi32>
      %swap3A_3790 = arith.index_cast %sub3A_2393 : i32 to index
      %swap3A_3791 = arith.constant 1536 : index
      %swap3A_3792 = tpu.vector_load %arg8[%swap3A_3790, %swap3A_3791] {strides = array<i32>} : memref<2x2000xi32, #tpu.memory_space<vmem>>, vector<1x16xi32>,
      %swap3A_3793 = vector.shape_cast %swap3A_3792 : vector<1x16xi32> to vector<16xi32>
      %swap3A_3794 = vector.shape_cast %add3A_3789 : vector<16xi32> to vector<1x16xi32>
      tpu.vector_store %arg8[%swap3A_3790, %swap3A_3791], %swap3A_3794 {strides = array<i32>} : memref<2x2000xi32, #tpu.memory_space<vmem>>, vector<1x16xi32>,
      %get3A_3795 = arith.index_cast %sub3A_2393 : i32 to index
      %get3A_3796 = arith.constant 1552 : index
      %get3A_3797 = tpu.vector_load %arg7[%get3A_3795, %get3A_3796] {strides = array<i32>} : memref<2x2000xi32, #tpu.memory_space<vmem>>, vector<1x16xi32>,
      %get3A_3798 = vector.shape_cast %get3A_3797 : vector<1x16xi32> to vector<16xi32>
      %mul3A_3799 = arith.constant 4 : i32
      %mul3A_3800 = vector.broadcast %mul3A_3799 : i32 to vector<16xi32>
      %mul3A_3801 = arith.muli %get3A_3798, %mul3A_3800 : vector<16xi32>
      %add3A_3802 = vector.broadcast %add3A_2436 : i32 to vector<16xi32>
      %add3A_3803 = arith.addi %mul3A_3801, %add3A_3802 : vector<16xi32>
      %swap3A_3804 = arith.index_cast %sub3A_2393 : i32 to index
      %swap3A_3805 = arith.constant 1552 : index
      %swap3A_3806 = tpu.vector_load %arg8[%swap3A_3804, %swap3A_3805] {strides = array<i32>} : memref<2x2000xi32, #tpu.memory_space<vmem>>, vector<1x16xi32>,
      %swap3A_3807 = vector.shape_cast %swap3A_3806 : vector<1x16xi32> to vector<16xi32>
      %swap3A_3808 = vector.shape_cast %add3A_3803 : vector<16xi32> to vector<1x16xi32>
      tpu.vector_store %arg8[%swap3A_3804, %swap3A_3805], %swap3A_3808 {strides = array<i32>} : memref<2x2000xi32, #tpu.memory_space<vmem>>, vector<1x16xi32>,
      %get3A_3809 = arith.index_cast %sub3A_2393 : i32 to index
      %get3A_3810 = arith.constant 1568 : index
      %get3A_3811 = tpu.vector_load %arg7[%get3A_3809, %get3A_3810] {strides = array<i32>} : memref<2x2000xi32, #tpu.memory_space<vmem>>, vector<1x16xi32>,
      %get3A_3812 = vector.shape_cast %get3A_3811 : vector<1x16xi32> to vector<16xi32>
      %mul3A_3813 = arith.constant 4 : i32
      %mul3A_3814 = vector.broadcast %mul3A_3813 : i32 to vector<16xi32>
      %mul3A_3815 = arith.muli %get3A_3812, %mul3A_3814 : vector<16xi32>
      %add3A_3816 = vector.broadcast %add3A_2436 : i32 to vector<16xi32>
      %add3A_3817 = arith.addi %mul3A_3815, %add3A_3816 : vector<16xi32>
      %swap3A_3818 = arith.index_cast %sub3A_2393 : i32 to index
      %swap3A_3819 = arith.constant 1568 : index
      %swap3A_3820 = tpu.vector_load %arg8[%swap3A_3818, %swap3A_3819] {strides = array<i32>} : memref<2x2000xi32, #tpu.memory_space<vmem>>, vector<1x16xi32>,
      %swap3A_3821 = vector.shape_cast %swap3A_3820 : vector<1x16xi32> to vector<16xi32>
      %swap3A_3822 = vector.shape_cast %add3A_3817 : vector<16xi32> to vector<1x16xi32>
      tpu.vector_store %arg8[%swap3A_3818, %swap3A_3819], %swap3A_3822 {strides = array<i32>} : memref<2x2000xi32, #tpu.memory_space<vmem>>, vector<1x16xi32>,
      %get3A_3823 = arith.index_cast %sub3A_2393 : i32 to index
      %get3A_3824 = arith.constant 1584 : index
      %get3A_3825 = tpu.vector_load %arg7[%get3A_3823, %get3A_3824] {strides = array<i32>} : memref<2x2000xi32, #tpu.memory_space<vmem>>, vector<1x16xi32>,
      %get3A_3826 = vector.shape_cast %get3A_3825 : vector<1x16xi32> to vector<16xi32>
      %mul3A_3827 = arith.constant 4 : i32
      %mul3A_3828 = vector.broadcast %mul3A_3827 : i32 to vector<16xi32>
      %mul3A_3829 = arith.muli %get3A_3826, %mul3A_3828 : vector<16xi32>
      %add3A_3830 = vector.broadcast %add3A_2436 : i32 to vector<16xi32>
      %add3A_3831 = arith.addi %mul3A_3829, %add3A_3830 : vector<16xi32>
      %swap3A_3832 = arith.index_cast %sub3A_2393 : i32 to index
      %swap3A_3833 = arith.constant 1584 : index
      %swap3A_3834 = tpu.vector_load %arg8[%swap3A_3832, %swap3A_3833] {strides = array<i32>} : memref<2x2000xi32, #tpu.memory_space<vmem>>, vector<1x16xi32>,
      %swap3A_3835 = vector.shape_cast %swap3A_3834 : vector<1x16xi32> to vector<16xi32>
      %swap3A_3836 = vector.shape_cast %add3A_3831 : vector<16xi32> to vector<1x16xi32>
      tpu.vector_store %arg8[%swap3A_3832, %swap3A_3833], %swap3A_3836 {strides = array<i32>} : memref<2x2000xi32, #tpu.memory_space<vmem>>, vector<1x16xi32>,
      %get3A_3837 = arith.index_cast %sub3A_2393 : i32 to index
      %get3A_3838 = arith.constant 1600 : index
      %get3A_3839 = tpu.vector_load %arg7[%get3A_3837, %get3A_3838] {strides = array<i32>} : memref<2x2000xi32, #tpu.memory_space<vmem>>, vector<1x16xi32>,
      %get3A_3840 = vector.shape_cast %get3A_3839 : vector<1x16xi32> to vector<16xi32>
      %mul3A_3841 = arith.constant 4 : i32
      %mul3A_3842 = vector.broadcast %mul3A_3841 : i32 to vector<16xi32>
      %mul3A_3843 = arith.muli %get3A_3840, %mul3A_3842 : vector<16xi32>
      %add3A_3844 = vector.broadcast %add3A_2436 : i32 to vector<16xi32>
      %add3A_3845 = arith.addi %mul3A_3843, %add3A_3844 : vector<16xi32>
      %swap3A_3846 = arith.index_cast %sub3A_2393 : i32 to index
      %swap3A_3847 = arith.constant 1600 : index
      %swap3A_3848 = tpu.vector_load %arg8[%swap3A_3846, %swap3A_3847] {strides = array<i32>} : memref<2x2000xi32, #tpu.memory_space<vmem>>, vector<1x16xi32>,
      %swap3A_3849 = vector.shape_cast %swap3A_3848 : vector<1x16xi32> to vector<16xi32>
      %swap3A_3850 = vector.shape_cast %add3A_3845 : vector<16xi32> to vector<1x16xi32>
      tpu.vector_store %arg8[%swap3A_3846, %swap3A_3847], %swap3A_3850 {strides = array<i32>} : memref<2x2000xi32, #tpu.memory_space<vmem>>, vector<1x16xi32>,
      %get3A_3851 = arith.index_cast %sub3A_2393 : i32 to index
      %get3A_3852 = arith.constant 1616 : index
      %get3A_3853 = tpu.vector_load %arg7[%get3A_3851, %get3A_3852] {strides = array<i32>} : memref<2x2000xi32, #tpu.memory_space<vmem>>, vector<1x16xi32>,
      %get3A_3854 = vector.shape_cast %get3A_3853 : vector<1x16xi32> to vector<16xi32>
      %mul3A_3855 = arith.constant 4 : i32
      %mul3A_3856 = vector.broadcast %mul3A_3855 : i32 to vector<16xi32>
      %mul3A_3857 = arith.muli %get3A_3854, %mul3A_3856 : vector<16xi32>
      %add3A_3858 = vector.broadcast %add3A_2436 : i32 to vector<16xi32>
      %add3A_3859 = arith.addi %mul3A_3857, %add3A_3858 : vector<16xi32>
      %swap3A_3860 = arith.index_cast %sub3A_2393 : i32 to index
      %swap3A_3861 = arith.constant 1616 : index
      %swap3A_3862 = tpu.vector_load %arg8[%swap3A_3860, %swap3A_3861] {strides = array<i32>} : memref<2x2000xi32, #tpu.memory_space<vmem>>, vector<1x16xi32>,
      %swap3A_3863 = vector.shape_cast %swap3A_3862 : vector<1x16xi32> to vector<16xi32>
      %swap3A_3864 = vector.shape_cast %add3A_3859 : vector<16xi32> to vector<1x16xi32>
      tpu.vector_store %arg8[%swap3A_3860, %swap3A_3861], %swap3A_3864 {strides = array<i32>} : memref<2x2000xi32, #tpu.memory_space<vmem>>, vector<1x16xi32>,
      %get3A_3865 = arith.index_cast %sub3A_2393 : i32 to index
      %get3A_3866 = arith.constant 1632 : index
      %get3A_3867 = tpu.vector_load %arg7[%get3A_3865, %get3A_3866] {strides = array<i32>} : memref<2x2000xi32, #tpu.memory_space<vmem>>, vector<1x16xi32>,
      %get3A_3868 = vector.shape_cast %get3A_3867 : vector<1x16xi32> to vector<16xi32>
      %mul3A_3869 = arith.constant 4 : i32
      %mul3A_3870 = vector.broadcast %mul3A_3869 : i32 to vector<16xi32>
      %mul3A_3871 = arith.muli %get3A_3868, %mul3A_3870 : vector<16xi32>
      %add3A_3872 = vector.broadcast %add3A_2436 : i32 to vector<16xi32>
      %add3A_3873 = arith.addi %mul3A_3871, %add3A_3872 : vector<16xi32>
      %swap3A_3874 = arith.index_cast %sub3A_2393 : i32 to index
      %swap3A_3875 = arith.constant 1632 : index
      %swap3A_3876 = tpu.vector_load %arg8[%swap3A_3874, %swap3A_3875] {strides = array<i32>} : memref<2x2000xi32, #tpu.memory_space<vmem>>, vector<1x16xi32>,
      %swap3A_3877 = vector.shape_cast %swap3A_3876 : vector<1x16xi32> to vector<16xi32>
      %swap3A_3878 = vector.shape_cast %add3A_3873 : vector<16xi32> to vector<1x16xi32>
      tpu.vector_store %arg8[%swap3A_3874, %swap3A_3875], %swap3A_3878 {strides = array<i32>} : memref<2x2000xi32, #tpu.memory_space<vmem>>, vector<1x16xi32>,
      %get3A_3879 = arith.index_cast %sub3A_2393 : i32 to index
      %get3A_3880 = arith.constant 1648 : index
      %get3A_3881 = tpu.vector_load %arg7[%get3A_3879, %get3A_3880] {strides = array<i32>} : memref<2x2000xi32, #tpu.memory_space<vmem>>, vector<1x16xi32>,
      %get3A_3882 = vector.shape_cast %get3A_3881 : vector<1x16xi32> to vector<16xi32>
      %mul3A_3883 = arith.constant 4 : i32
      %mul3A_3884 = vector.broadcast %mul3A_3883 : i32 to vector<16xi32>
      %mul3A_3885 = arith.muli %get3A_3882, %mul3A_3884 : vector<16xi32>
      %add3A_3886 = vector.broadcast %add3A_2436 : i32 to vector<16xi32>
      %add3A_3887 = arith.addi %mul3A_3885, %add3A_3886 : vector<16xi32>
      %swap3A_3888 = arith.index_cast %sub3A_2393 : i32 to index
      %swap3A_3889 = arith.constant 1648 : index
      %swap3A_3890 = tpu.vector_load %arg8[%swap3A_3888, %swap3A_3889] {strides = array<i32>} : memref<2x2000xi32, #tpu.memory_space<vmem>>, vector<1x16xi32>,
      %swap3A_3891 = vector.shape_cast %swap3A_3890 : vector<1x16xi32> to vector<16xi32>
      %swap3A_3892 = vector.shape_cast %add3A_3887 : vector<16xi32> to vector<1x16xi32>
      tpu.vector_store %arg8[%swap3A_3888, %swap3A_3889], %swap3A_3892 {strides = array<i32>} : memref<2x2000xi32, #tpu.memory_space<vmem>>, vector<1x16xi32>,
      %get3A_3893 = arith.index_cast %sub3A_2393 : i32 to index
      %get3A_3894 = arith.constant 1664 : index
      %get3A_3895 = tpu.vector_load %arg7[%get3A_3893, %get3A_3894] {strides = array<i32>} : memref<2x2000xi32, #tpu.memory_space<vmem>>, vector<1x16xi32>,
      %get3A_3896 = vector.shape_cast %get3A_3895 : vector<1x16xi32> to vector<16xi32>
      %mul3A_3897 = arith.constant 4 : i32
      %mul3A_3898 = vector.broadcast %mul3A_3897 : i32 to vector<16xi32>
      %mul3A_3899 = arith.muli %get3A_3896, %mul3A_3898 : vector<16xi32>
      %add3A_3900 = vector.broadcast %add3A_2436 : i32 to vector<16xi32>
      %add3A_3901 = arith.addi %mul3A_3899, %add3A_3900 : vector<16xi32>
      %swap3A_3902 = arith.index_cast %sub3A_2393 : i32 to index
      %swap3A_3903 = arith.constant 1664 : index
      %swap3A_3904 = tpu.vector_load %arg8[%swap3A_3902, %swap3A_3903] {strides = array<i32>} : memref<2x2000xi32, #tpu.memory_space<vmem>>, vector<1x16xi32>,
      %swap3A_3905 = vector.shape_cast %swap3A_3904 : vector<1x16xi32> to vector<16xi32>
      %swap3A_3906 = vector.shape_cast %add3A_3901 : vector<16xi32> to vector<1x16xi32>
      tpu.vector_store %arg8[%swap3A_3902, %swap3A_3903], %swap3A_3906 {strides = array<i32>} : memref<2x2000xi32, #tpu.memory_space<vmem>>, vector<1x16xi32>,
      %get3A_3907 = arith.index_cast %sub3A_2393 : i32 to index
      %get3A_3908 = arith.constant 1680 : index
      %get3A_3909 = tpu.vector_load %arg7[%get3A_3907, %get3A_3908] {strides = array<i32>} : memref<2x2000xi32, #tpu.memory_space<vmem>>, vector<1x16xi32>,
      %get3A_3910 = vector.shape_cast %get3A_3909 : vector<1x16xi32> to vector<16xi32>
      %mul3A_3911 = arith.constant 4 : i32
      %mul3A_3912 = vector.broadcast %mul3A_3911 : i32 to vector<16xi32>
      %mul3A_3913 = arith.muli %get3A_3910, %mul3A_3912 : vector<16xi32>
      %add3A_3914 = vector.broadcast %add3A_2436 : i32 to vector<16xi32>
      %add3A_3915 = arith.addi %mul3A_3913, %add3A_3914 : vector<16xi32>
      %swap3A_3916 = arith.index_cast %sub3A_2393 : i32 to index
      %swap3A_3917 = arith.constant 1680 : index
      %swap3A_3918 = tpu.vector_load %arg8[%swap3A_3916, %swap3A_3917] {strides = array<i32>} : memref<2x2000xi32, #tpu.memory_space<vmem>>, vector<1x16xi32>,
      %swap3A_3919 = vector.shape_cast %swap3A_3918 : vector<1x16xi32> to vector<16xi32>
      %swap3A_3920 = vector.shape_cast %add3A_3915 : vector<16xi32> to vector<1x16xi32>
      tpu.vector_store %arg8[%swap3A_3916, %swap3A_3917], %swap3A_3920 {strides = array<i32>} : memref<2x2000xi32, #tpu.memory_space<vmem>>, vector<1x16xi32>,
      %get3A_3921 = arith.index_cast %sub3A_2393 : i32 to index
      %get3A_3922 = arith.constant 1696 : index
      %get3A_3923 = tpu.vector_load %arg7[%get3A_3921, %get3A_3922] {strides = array<i32>} : memref<2x2000xi32, #tpu.memory_space<vmem>>, vector<1x16xi32>,
      %get3A_3924 = vector.shape_cast %get3A_3923 : vector<1x16xi32> to vector<16xi32>
      %mul3A_3925 = arith.constant 4 : i32
      %mul3A_3926 = vector.broadcast %mul3A_3925 : i32 to vector<16xi32>
      %mul3A_3927 = arith.muli %get3A_3924, %mul3A_3926 : vector<16xi32>
      %add3A_3928 = vector.broadcast %add3A_2436 : i32 to vector<16xi32>
      %add3A_3929 = arith.addi %mul3A_3927, %add3A_3928 : vector<16xi32>
      %swap3A_3930 = arith.index_cast %sub3A_2393 : i32 to index
      %swap3A_3931 = arith.constant 1696 : index
      %swap3A_3932 = tpu.vector_load %arg8[%swap3A_3930, %swap3A_3931] {strides = array<i32>} : memref<2x2000xi32, #tpu.memory_space<vmem>>, vector<1x16xi32>,
      %swap3A_3933 = vector.shape_cast %swap3A_3932 : vector<1x16xi32> to vector<16xi32>
      %swap3A_3934 = vector.shape_cast %add3A_3929 : vector<16xi32> to vector<1x16xi32>
      tpu.vector_store %arg8[%swap3A_3930, %swap3A_3931], %swap3A_3934 {strides = array<i32>} : memref<2x2000xi32, #tpu.memory_space<vmem>>, vector<1x16xi32>,
      %get3A_3935 = arith.index_cast %sub3A_2393 : i32 to index
      %get3A_3936 = arith.constant 1712 : index
      %get3A_3937 = tpu.vector_load %arg7[%get3A_3935, %get3A_3936] {strides = array<i32>} : memref<2x2000xi32, #tpu.memory_space<vmem>>, vector<1x16xi32>,
      %get3A_3938 = vector.shape_cast %get3A_3937 : vector<1x16xi32> to vector<16xi32>
      %mul3A_3939 = arith.constant 4 : i32
      %mul3A_3940 = vector.broadcast %mul3A_3939 : i32 to vector<16xi32>
      %mul3A_3941 = arith.muli %get3A_3938, %mul3A_3940 : vector<16xi32>
      %add3A_3942 = vector.broadcast %add3A_2436 : i32 to vector<16xi32>
      %add3A_3943 = arith.addi %mul3A_3941, %add3A_3942 : vector<16xi32>
      %swap3A_3944 = arith.index_cast %sub3A_2393 : i32 to index
      %swap3A_3945 = arith.constant 1712 : index
      %swap3A_3946 = tpu.vector_load %arg8[%swap3A_3944, %swap3A_3945] {strides = array<i32>} : memref<2x2000xi32, #tpu.memory_space<vmem>>, vector<1x16xi32>,
      %swap3A_3947 = vector.shape_cast %swap3A_3946 : vector<1x16xi32> to vector<16xi32>
      %swap3A_3948 = vector.shape_cast %add3A_3943 : vector<16xi32> to vector<1x16xi32>
      tpu.vector_store %arg8[%swap3A_3944, %swap3A_3945], %swap3A_3948 {strides = array<i32>} : memref<2x2000xi32, #tpu.memory_space<vmem>>, vector<1x16xi32>,
      %get3A_3949 = arith.index_cast %sub3A_2393 : i32 to index
      %get3A_3950 = arith.constant 1728 : index
      %get3A_3951 = tpu.vector_load %arg7[%get3A_3949, %get3A_3950] {strides = array<i32>} : memref<2x2000xi32, #tpu.memory_space<vmem>>, vector<1x16xi32>,
      %get3A_3952 = vector.shape_cast %get3A_3951 : vector<1x16xi32> to vector<16xi32>
      %mul3A_3953 = arith.constant 4 : i32
      %mul3A_3954 = vector.broadcast %mul3A_3953 : i32 to vector<16xi32>
      %mul3A_3955 = arith.muli %get3A_3952, %mul3A_3954 : vector<16xi32>
      %add3A_3956 = vector.broadcast %add3A_2436 : i32 to vector<16xi32>
      %add3A_3957 = arith.addi %mul3A_3955, %add3A_3956 : vector<16xi32>
      %swap3A_3958 = arith.index_cast %sub3A_2393 : i32 to index
      %swap3A_3959 = arith.constant 1728 : index
      %swap3A_3960 = tpu.vector_load %arg8[%swap3A_3958, %swap3A_3959] {strides = array<i32>} : memref<2x2000xi32, #tpu.memory_space<vmem>>, vector<1x16xi32>,
      %swap3A_3961 = vector.shape_cast %swap3A_3960 : vector<1x16xi32> to vector<16xi32>
      %swap3A_3962 = vector.shape_cast %add3A_3957 : vector<16xi32> to vector<1x16xi32>
      tpu.vector_store %arg8[%swap3A_3958, %swap3A_3959], %swap3A_3962 {strides = array<i32>} : memref<2x2000xi32, #tpu.memory_space<vmem>>, vector<1x16xi32>,
      %get3A_3963 = arith.index_cast %sub3A_2393 : i32 to index
      %get3A_3964 = arith.constant 1744 : index
      %get3A_3965 = tpu.vector_load %arg7[%get3A_3963, %get3A_3964] {strides = array<i32>} : memref<2x2000xi32, #tpu.memory_space<vmem>>, vector<1x16xi32>,
      %get3A_3966 = vector.shape_cast %get3A_3965 : vector<1x16xi32> to vector<16xi32>
      %mul3A_3967 = arith.constant 4 : i32
      %mul3A_3968 = vector.broadcast %mul3A_3967 : i32 to vector<16xi32>
      %mul3A_3969 = arith.muli %get3A_3966, %mul3A_3968 : vector<16xi32>
      %add3A_3970 = vector.broadcast %add3A_2436 : i32 to vector<16xi32>
      %add3A_3971 = arith.addi %mul3A_3969, %add3A_3970 : vector<16xi32>
      %swap3A_3972 = arith.index_cast %sub3A_2393 : i32 to index
      %swap3A_3973 = arith.constant 1744 : index
      %swap3A_3974 = tpu.vector_load %arg8[%swap3A_3972, %swap3A_3973] {strides = array<i32>} : memref<2x2000xi32, #tpu.memory_space<vmem>>, vector<1x16xi32>,
      %swap3A_3975 = vector.shape_cast %swap3A_3974 : vector<1x16xi32> to vector<16xi32>
      %swap3A_3976 = vector.shape_cast %add3A_3971 : vector<16xi32> to vector<1x16xi32>
      tpu.vector_store %arg8[%swap3A_3972, %swap3A_3973], %swap3A_3976 {strides = array<i32>} : memref<2x2000xi32, #tpu.memory_space<vmem>>, vector<1x16xi32>,
      %get3A_3977 = arith.index_cast %sub3A_2393 : i32 to index
      %get3A_3978 = arith.constant 1760 : index
      %get3A_3979 = tpu.vector_load %arg7[%get3A_3977, %get3A_3978] {strides = array<i32>} : memref<2x2000xi32, #tpu.memory_space<vmem>>, vector<1x16xi32>,
      %get3A_3980 = vector.shape_cast %get3A_3979 : vector<1x16xi32> to vector<16xi32>
      %mul3A_3981 = arith.constant 4 : i32
      %mul3A_3982 = vector.broadcast %mul3A_3981 : i32 to vector<16xi32>
      %mul3A_3983 = arith.muli %get3A_3980, %mul3A_3982 : vector<16xi32>
      %add3A_3984 = vector.broadcast %add3A_2436 : i32 to vector<16xi32>
      %add3A_3985 = arith.addi %mul3A_3983, %add3A_3984 : vector<16xi32>
      %swap3A_3986 = arith.index_cast %sub3A_2393 : i32 to index
      %swap3A_3987 = arith.constant 1760 : index
      %swap3A_3988 = tpu.vector_load %arg8[%swap3A_3986, %swap3A_3987] {strides = array<i32>} : memref<2x2000xi32, #tpu.memory_space<vmem>>, vector<1x16xi32>,
      %swap3A_3989 = vector.shape_cast %swap3A_3988 : vector<1x16xi32> to vector<16xi32>
      %swap3A_3990 = vector.shape_cast %add3A_3985 : vector<16xi32> to vector<1x16xi32>
      tpu.vector_store %arg8[%swap3A_3986, %swap3A_3987], %swap3A_3990 {strides = array<i32>} : memref<2x2000xi32, #tpu.memory_space<vmem>>, vector<1x16xi32>,
      %get3A_3991 = arith.index_cast %sub3A_2393 : i32 to index
      %get3A_3992 = arith.constant 1776 : index
      %get3A_3993 = tpu.vector_load %arg7[%get3A_3991, %get3A_3992] {strides = array<i32>} : memref<2x2000xi32, #tpu.memory_space<vmem>>, vector<1x16xi32>,
      %get3A_3994 = vector.shape_cast %get3A_3993 : vector<1x16xi32> to vector<16xi32>
      %mul3A_3995 = arith.constant 4 : i32
      %mul3A_3996 = vector.broadcast %mul3A_3995 : i32 to vector<16xi32>
      %mul3A_3997 = arith.muli %get3A_3994, %mul3A_3996 : vector<16xi32>
      %add3A_3998 = vector.broadcast %add3A_2436 : i32 to vector<16xi32>
      %add3A_3999 = arith.addi %mul3A_3997, %add3A_3998 : vector<16xi32>
      %swap3A_4000 = arith.index_cast %sub3A_2393 : i32 to index
      %swap3A_4001 = arith.constant 1776 : index
      %swap3A_4002 = tpu.vector_load %arg8[%swap3A_4000, %swap3A_4001] {strides = array<i32>} : memref<2x2000xi32, #tpu.memory_space<vmem>>, vector<1x16xi32>,
      %swap3A_4003 = vector.shape_cast %swap3A_4002 : vector<1x16xi32> to vector<16xi32>
      %swap3A_4004 = vector.shape_cast %add3A_3999 : vector<16xi32> to vector<1x16xi32>
      tpu.vector_store %arg8[%swap3A_4000, %swap3A_4001], %swap3A_4004 {strides = array<i32>} : memref<2x2000xi32, #tpu.memory_space<vmem>>, vector<1x16xi32>,
      %get3A_4005 = arith.index_cast %sub3A_2393 : i32 to index
      %get3A_4006 = arith.constant 1792 : index
      %get3A_4007 = tpu.vector_load %arg7[%get3A_4005, %get3A_4006] {strides = array<i32>} : memref<2x2000xi32, #tpu.memory_space<vmem>>, vector<1x16xi32>,
      %get3A_4008 = vector.shape_cast %get3A_4007 : vector<1x16xi32> to vector<16xi32>
      %mul3A_4009 = arith.constant 4 : i32
      %mul3A_4010 = vector.broadcast %mul3A_4009 : i32 to vector<16xi32>
      %mul3A_4011 = arith.muli %get3A_4008, %mul3A_4010 : vector<16xi32>
      %add3A_4012 = vector.broadcast %add3A_2436 : i32 to vector<16xi32>
      %add3A_4013 = arith.addi %mul3A_4011, %add3A_4012 : vector<16xi32>
      %swap3A_4014 = arith.index_cast %sub3A_2393 : i32 to index
      %swap3A_4015 = arith.constant 1792 : index
      %swap3A_4016 = tpu.vector_load %arg8[%swap3A_4014, %swap3A_4015] {strides = array<i32>} : memref<2x2000xi32, #tpu.memory_space<vmem>>, vector<1x16xi32>,
      %swap3A_4017 = vector.shape_cast %swap3A_4016 : vector<1x16xi32> to vector<16xi32>
      %swap3A_4018 = vector.shape_cast %add3A_4013 : vector<16xi32> to vector<1x16xi32>
      tpu.vector_store %arg8[%swap3A_4014, %swap3A_4015], %swap3A_4018 {strides = array<i32>} : memref<2x2000xi32, #tpu.memory_space<vmem>>, vector<1x16xi32>,
      %get3A_4019 = arith.index_cast %sub3A_2393 : i32 to index
      %get3A_4020 = arith.constant 1808 : index
      %get3A_4021 = tpu.vector_load %arg7[%get3A_4019, %get3A_4020] {strides = array<i32>} : memref<2x2000xi32, #tpu.memory_space<vmem>>, vector<1x16xi32>,
      %get3A_4022 = vector.shape_cast %get3A_4021 : vector<1x16xi32> to vector<16xi32>
      %mul3A_4023 = arith.constant 4 : i32
      %mul3A_4024 = vector.broadcast %mul3A_4023 : i32 to vector<16xi32>
      %mul3A_4025 = arith.muli %get3A_4022, %mul3A_4024 : vector<16xi32>
      %add3A_4026 = vector.broadcast %add3A_2436 : i32 to vector<16xi32>
      %add3A_4027 = arith.addi %mul3A_4025, %add3A_4026 : vector<16xi32>
      %swap3A_4028 = arith.index_cast %sub3A_2393 : i32 to index
      %swap3A_4029 = arith.constant 1808 : index
      %swap3A_4030 = tpu.vector_load %arg8[%swap3A_4028, %swap3A_4029] {strides = array<i32>} : memref<2x2000xi32, #tpu.memory_space<vmem>>, vector<1x16xi32>,
      %swap3A_4031 = vector.shape_cast %swap3A_4030 : vector<1x16xi32> to vector<16xi32>
      %swap3A_4032 = vector.shape_cast %add3A_4027 : vector<16xi32> to vector<1x16xi32>
      tpu.vector_store %arg8[%swap3A_4028, %swap3A_4029], %swap3A_4032 {strides = array<i32>} : memref<2x2000xi32, #tpu.memory_space<vmem>>, vector<1x16xi32>,
      %get3A_4033 = arith.index_cast %sub3A_2393 : i32 to index
      %get3A_4034 = arith.constant 1824 : index
      %get3A_4035 = tpu.vector_load %arg7[%get3A_4033, %get3A_4034] {strides = array<i32>} : memref<2x2000xi32, #tpu.memory_space<vmem>>, vector<1x16xi32>,
      %get3A_4036 = vector.shape_cast %get3A_4035 : vector<1x16xi32> to vector<16xi32>
      %mul3A_4037 = arith.constant 4 : i32
      %mul3A_4038 = vector.broadcast %mul3A_4037 : i32 to vector<16xi32>
      %mul3A_4039 = arith.muli %get3A_4036, %mul3A_4038 : vector<16xi32>
      %add3A_4040 = vector.broadcast %add3A_2436 : i32 to vector<16xi32>
      %add3A_4041 = arith.addi %mul3A_4039, %add3A_4040 : vector<16xi32>
      %swap3A_4042 = arith.index_cast %sub3A_2393 : i32 to index
      %swap3A_4043 = arith.constant 1824 : index
      %swap3A_4044 = tpu.vector_load %arg8[%swap3A_4042, %swap3A_4043] {strides = array<i32>} : memref<2x2000xi32, #tpu.memory_space<vmem>>, vector<1x16xi32>,
      %swap3A_4045 = vector.shape_cast %swap3A_4044 : vector<1x16xi32> to vector<16xi32>
      %swap3A_4046 = vector.shape_cast %add3A_4041 : vector<16xi32> to vector<1x16xi32>
      tpu.vector_store %arg8[%swap3A_4042, %swap3A_4043], %swap3A_4046 {strides = array<i32>} : memref<2x2000xi32, #tpu.memory_space<vmem>>, vector<1x16xi32>,
      %get3A_4047 = arith.index_cast %sub3A_2393 : i32 to index
      %get3A_4048 = arith.constant 1840 : index
      %get3A_4049 = tpu.vector_load %arg7[%get3A_4047, %get3A_4048] {strides = array<i32>} : memref<2x2000xi32, #tpu.memory_space<vmem>>, vector<1x16xi32>,
      %get3A_4050 = vector.shape_cast %get3A_4049 : vector<1x16xi32> to vector<16xi32>
      %mul3A_4051 = arith.constant 4 : i32
      %mul3A_4052 = vector.broadcast %mul3A_4051 : i32 to vector<16xi32>
      %mul3A_4053 = arith.muli %get3A_4050, %mul3A_4052 : vector<16xi32>
      %add3A_4054 = vector.broadcast %add3A_2436 : i32 to vector<16xi32>
      %add3A_4055 = arith.addi %mul3A_4053, %add3A_4054 : vector<16xi32>
      %swap3A_4056 = arith.index_cast %sub3A_2393 : i32 to index
      %swap3A_4057 = arith.constant 1840 : index
      %swap3A_4058 = tpu.vector_load %arg8[%swap3A_4056, %swap3A_4057] {strides = array<i32>} : memref<2x2000xi32, #tpu.memory_space<vmem>>, vector<1x16xi32>,
      %swap3A_4059 = vector.shape_cast %swap3A_4058 : vector<1x16xi32> to vector<16xi32>
      %swap3A_4060 = vector.shape_cast %add3A_4055 : vector<16xi32> to vector<1x16xi32>
      tpu.vector_store %arg8[%swap3A_4056, %swap3A_4057], %swap3A_4060 {strides = array<i32>} : memref<2x2000xi32, #tpu.memory_space<vmem>>, vector<1x16xi32>,
      %get3A_4061 = arith.index_cast %sub3A_2393 : i32 to index
      %get3A_4062 = arith.constant 1856 : index
      %get3A_4063 = tpu.vector_load %arg7[%get3A_4061, %get3A_4062] {strides = array<i32>} : memref<2x2000xi32, #tpu.memory_space<vmem>>, vector<1x16xi32>,
      %get3A_4064 = vector.shape_cast %get3A_4063 : vector<1x16xi32> to vector<16xi32>
      %mul3A_4065 = arith.constant 4 : i32
      %mul3A_4066 = vector.broadcast %mul3A_4065 : i32 to vector<16xi32>
      %mul3A_4067 = arith.muli %get3A_4064, %mul3A_4066 : vector<16xi32>
      %add3A_4068 = vector.broadcast %add3A_2436 : i32 to vector<16xi32>
      %add3A_4069 = arith.addi %mul3A_4067, %add3A_4068 : vector<16xi32>
      %swap3A_4070 = arith.index_cast %sub3A_2393 : i32 to index
      %swap3A_4071 = arith.constant 1856 : index
      %swap3A_4072 = tpu.vector_load %arg8[%swap3A_4070, %swap3A_4071] {strides = array<i32>} : memref<2x2000xi32, #tpu.memory_space<vmem>>, vector<1x16xi32>,
      %swap3A_4073 = vector.shape_cast %swap3A_4072 : vector<1x16xi32> to vector<16xi32>
      %swap3A_4074 = vector.shape_cast %add3A_4069 : vector<16xi32> to vector<1x16xi32>
      tpu.vector_store %arg8[%swap3A_4070, %swap3A_4071], %swap3A_4074 {strides = array<i32>} : memref<2x2000xi32, #tpu.memory_space<vmem>>, vector<1x16xi32>,
      %get3A_4075 = arith.index_cast %sub3A_2393 : i32 to index
      %get3A_4076 = arith.constant 1872 : index
      %get3A_4077 = tpu.vector_load %arg7[%get3A_4075, %get3A_4076] {strides = array<i32>} : memref<2x2000xi32, #tpu.memory_space<vmem>>, vector<1x16xi32>,
      %get3A_4078 = vector.shape_cast %get3A_4077 : vector<1x16xi32> to vector<16xi32>
      %mul3A_4079 = arith.constant 4 : i32
      %mul3A_4080 = vector.broadcast %mul3A_4079 : i32 to vector<16xi32>
      %mul3A_4081 = arith.muli %get3A_4078, %mul3A_4080 : vector<16xi32>
      %add3A_4082 = vector.broadcast %add3A_2436 : i32 to vector<16xi32>
      %add3A_4083 = arith.addi %mul3A_4081, %add3A_4082 : vector<16xi32>
      %swap3A_4084 = arith.index_cast %sub3A_2393 : i32 to index
      %swap3A_4085 = arith.constant 1872 : index
      %swap3A_4086 = tpu.vector_load %arg8[%swap3A_4084, %swap3A_4085] {strides = array<i32>} : memref<2x2000xi32, #tpu.memory_space<vmem>>, vector<1x16xi32>,
      %swap3A_4087 = vector.shape_cast %swap3A_4086 : vector<1x16xi32> to vector<16xi32>
      %swap3A_4088 = vector.shape_cast %add3A_4083 : vector<16xi32> to vector<1x16xi32>
      tpu.vector_store %arg8[%swap3A_4084, %swap3A_4085], %swap3A_4088 {strides = array<i32>} : memref<2x2000xi32, #tpu.memory_space<vmem>>, vector<1x16xi32>,
      %get3A_4089 = arith.index_cast %sub3A_2393 : i32 to index
      %get3A_4090 = arith.constant 1888 : index
      %get3A_4091 = tpu.vector_load %arg7[%get3A_4089, %get3A_4090] {strides = array<i32>} : memref<2x2000xi32, #tpu.memory_space<vmem>>, vector<1x16xi32>,
      %get3A_4092 = vector.shape_cast %get3A_4091 : vector<1x16xi32> to vector<16xi32>
      %mul3A_4093 = arith.constant 4 : i32
      %mul3A_4094 = vector.broadcast %mul3A_4093 : i32 to vector<16xi32>
      %mul3A_4095 = arith.muli %get3A_4092, %mul3A_4094 : vector<16xi32>
      %add3A_4096 = vector.broadcast %add3A_2436 : i32 to vector<16xi32>
      %add3A_4097 = arith.addi %mul3A_4095, %add3A_4096 : vector<16xi32>
      %swap3A_4098 = arith.index_cast %sub3A_2393 : i32 to index
      %swap3A_4099 = arith.constant 1888 : index
      %swap3A_4100 = tpu.vector_load %arg8[%swap3A_4098, %swap3A_4099] {strides = array<i32>} : memref<2x2000xi32, #tpu.memory_space<vmem>>, vector<1x16xi32>,
      %swap3A_4101 = vector.shape_cast %swap3A_4100 : vector<1x16xi32> to vector<16xi32>
      %swap3A_4102 = vector.shape_cast %add3A_4097 : vector<16xi32> to vector<1x16xi32>
      tpu.vector_store %arg8[%swap3A_4098, %swap3A_4099], %swap3A_4102 {strides = array<i32>} : memref<2x2000xi32, #tpu.memory_space<vmem>>, vector<1x16xi32>,
      %get3A_4103 = arith.index_cast %sub3A_2393 : i32 to index
      %get3A_4104 = arith.constant 1904 : index
      %get3A_4105 = tpu.vector_load %arg7[%get3A_4103, %get3A_4104] {strides = array<i32>} : memref<2x2000xi32, #tpu.memory_space<vmem>>, vector<1x16xi32>,
      %get3A_4106 = vector.shape_cast %get3A_4105 : vector<1x16xi32> to vector<16xi32>
      %mul3A_4107 = arith.constant 4 : i32
      %mul3A_4108 = vector.broadcast %mul3A_4107 : i32 to vector<16xi32>
      %mul3A_4109 = arith.muli %get3A_4106, %mul3A_4108 : vector<16xi32>
      %add3A_4110 = vector.broadcast %add3A_2436 : i32 to vector<16xi32>
      %add3A_4111 = arith.addi %mul3A_4109, %add3A_4110 : vector<16xi32>
      %swap3A_4112 = arith.index_cast %sub3A_2393 : i32 to index
      %swap3A_4113 = arith.constant 1904 : index
      %swap3A_4114 = tpu.vector_load %arg8[%swap3A_4112, %swap3A_4113] {strides = array<i32>} : memref<2x2000xi32, #tpu.memory_space<vmem>>, vector<1x16xi32>,
      %swap3A_4115 = vector.shape_cast %swap3A_4114 : vector<1x16xi32> to vector<16xi32>
      %swap3A_4116 = vector.shape_cast %add3A_4111 : vector<16xi32> to vector<1x16xi32>
      tpu.vector_store %arg8[%swap3A_4112, %swap3A_4113], %swap3A_4116 {strides = array<i32>} : memref<2x2000xi32, #tpu.memory_space<vmem>>, vector<1x16xi32>,
      %get3A_4117 = arith.index_cast %sub3A_2393 : i32 to index
      %get3A_4118 = arith.constant 1920 : index
      %get3A_4119 = tpu.vector_load %arg7[%get3A_4117, %get3A_4118] {strides = array<i32>} : memref<2x2000xi32, #tpu.memory_space<vmem>>, vector<1x16xi32>,
      %get3A_4120 = vector.shape_cast %get3A_4119 : vector<1x16xi32> to vector<16xi32>
      %mul3A_4121 = arith.constant 4 : i32
      %mul3A_4122 = vector.broadcast %mul3A_4121 : i32 to vector<16xi32>
      %mul3A_4123 = arith.muli %get3A_4120, %mul3A_4122 : vector<16xi32>
      %add3A_4124 = vector.broadcast %add3A_2436 : i32 to vector<16xi32>
      %add3A_4125 = arith.addi %mul3A_4123, %add3A_4124 : vector<16xi32>
      %swap3A_4126 = arith.index_cast %sub3A_2393 : i32 to index
      %swap3A_4127 = arith.constant 1920 : index
      %swap3A_4128 = tpu.vector_load %arg8[%swap3A_4126, %swap3A_4127] {strides = array<i32>} : memref<2x2000xi32, #tpu.memory_space<vmem>>, vector<1x16xi32>,
      %swap3A_4129 = vector.shape_cast %swap3A_4128 : vector<1x16xi32> to vector<16xi32>
      %swap3A_4130 = vector.shape_cast %add3A_4125 : vector<16xi32> to vector<1x16xi32>
      tpu.vector_store %arg8[%swap3A_4126, %swap3A_4127], %swap3A_4130 {strides = array<i32>} : memref<2x2000xi32, #tpu.memory_space<vmem>>, vector<1x16xi32>,
      %get3A_4131 = arith.index_cast %sub3A_2393 : i32 to index
      %get3A_4132 = arith.constant 1936 : index
      %get3A_4133 = tpu.vector_load %arg7[%get3A_4131, %get3A_4132] {strides = array<i32>} : memref<2x2000xi32, #tpu.memory_space<vmem>>, vector<1x16xi32>,
      %get3A_4134 = vector.shape_cast %get3A_4133 : vector<1x16xi32> to vector<16xi32>
      %mul3A_4135 = arith.constant 4 : i32
      %mul3A_4136 = vector.broadcast %mul3A_4135 : i32 to vector<16xi32>
      %mul3A_4137 = arith.muli %get3A_4134, %mul3A_4136 : vector<16xi32>
      %add3A_4138 = vector.broadcast %add3A_2436 : i32 to vector<16xi32>
      %add3A_4139 = arith.addi %mul3A_4137, %add3A_4138 : vector<16xi32>
      %swap3A_4140 = arith.index_cast %sub3A_2393 : i32 to index
      %swap3A_4141 = arith.constant 1936 : index
      %swap3A_4142 = tpu.vector_load %arg8[%swap3A_4140, %swap3A_4141] {strides = array<i32>} : memref<2x2000xi32, #tpu.memory_space<vmem>>, vector<1x16xi32>,
      %swap3A_4143 = vector.shape_cast %swap3A_4142 : vector<1x16xi32> to vector<16xi32>
      %swap3A_4144 = vector.shape_cast %add3A_4139 : vector<16xi32> to vector<1x16xi32>
      tpu.vector_store %arg8[%swap3A_4140, %swap3A_4141], %swap3A_4144 {strides = array<i32>} : memref<2x2000xi32, #tpu.memory_space<vmem>>, vector<1x16xi32>,
      %get3A_4145 = arith.index_cast %sub3A_2393 : i32 to index
      %get3A_4146 = arith.constant 1952 : index
      %get3A_4147 = tpu.vector_load %arg7[%get3A_4145, %get3A_4146] {strides = array<i32>} : memref<2x2000xi32, #tpu.memory_space<vmem>>, vector<1x16xi32>,
      %get3A_4148 = vector.shape_cast %get3A_4147 : vector<1x16xi32> to vector<16xi32>
      %mul3A_4149 = arith.constant 4 : i32
      %mul3A_4150 = vector.broadcast %mul3A_4149 : i32 to vector<16xi32>
      %mul3A_4151 = arith.muli %get3A_4148, %mul3A_4150 : vector<16xi32>
      %add3A_4152 = vector.broadcast %add3A_2436 : i32 to vector<16xi32>
      %add3A_4153 = arith.addi %mul3A_4151, %add3A_4152 : vector<16xi32>
      %swap3A_4154 = arith.index_cast %sub3A_2393 : i32 to index
      %swap3A_4155 = arith.constant 1952 : index
      %swap3A_4156 = tpu.vector_load %arg8[%swap3A_4154, %swap3A_4155] {strides = array<i32>} : memref<2x2000xi32, #tpu.memory_space<vmem>>, vector<1x16xi32>,
      %swap3A_4157 = vector.shape_cast %swap3A_4156 : vector<1x16xi32> to vector<16xi32>
      %swap3A_4158 = vector.shape_cast %add3A_4153 : vector<16xi32> to vector<1x16xi32>
      tpu.vector_store %arg8[%swap3A_4154, %swap3A_4155], %swap3A_4158 {strides = array<i32>} : memref<2x2000xi32, #tpu.memory_space<vmem>>, vector<1x16xi32>,
      %get3A_4159 = arith.index_cast %sub3A_2393 : i32 to index
      %get3A_4160 = arith.constant 1968 : index
      %get3A_4161 = tpu.vector_load %arg7[%get3A_4159, %get3A_4160] {strides = array<i32>} : memref<2x2000xi32, #tpu.memory_space<vmem>>, vector<1x16xi32>,
      %get3A_4162 = vector.shape_cast %get3A_4161 : vector<1x16xi32> to vector<16xi32>
      %mul3A_4163 = arith.constant 4 : i32
      %mul3A_4164 = vector.broadcast %mul3A_4163 : i32 to vector<16xi32>
      %mul3A_4165 = arith.muli %get3A_4162, %mul3A_4164 : vector<16xi32>
      %add3A_4166 = vector.broadcast %add3A_2436 : i32 to vector<16xi32>
      %add3A_4167 = arith.addi %mul3A_4165, %add3A_4166 : vector<16xi32>
      %swap3A_4168 = arith.index_cast %sub3A_2393 : i32 to index
      %swap3A_4169 = arith.constant 1968 : index
      %swap3A_4170 = tpu.vector_load %arg8[%swap3A_4168, %swap3A_4169] {strides = array<i32>} : memref<2x2000xi32, #tpu.memory_space<vmem>>, vector<1x16xi32>,
      %swap3A_4171 = vector.shape_cast %swap3A_4170 : vector<1x16xi32> to vector<16xi32>
      %swap3A_4172 = vector.shape_cast %add3A_4167 : vector<16xi32> to vector<1x16xi32>
      tpu.vector_store %arg8[%swap3A_4168, %swap3A_4169], %swap3A_4172 {strides = array<i32>} : memref<2x2000xi32, #tpu.memory_space<vmem>>, vector<1x16xi32>,
      %get3A_4173 = arith.index_cast %sub3A_2393 : i32 to index
      %get3A_4174 = arith.constant 1984 : index
      %get3A_4175 = tpu.vector_load %arg7[%get3A_4173, %get3A_4174] {strides = array<i32>} : memref<2x2000xi32, #tpu.memory_space<vmem>>, vector<1x16xi32>,
      %get3A_4176 = vector.shape_cast %get3A_4175 : vector<1x16xi32> to vector<16xi32>
      %mul3A_4177 = arith.constant 4 : i32
      %mul3A_4178 = vector.broadcast %mul3A_4177 : i32 to vector<16xi32>
      %mul3A_4179 = arith.muli %get3A_4176, %mul3A_4178 : vector<16xi32>
      %add3A_4180 = vector.broadcast %add3A_2436 : i32 to vector<16xi32>
      %add3A_4181 = arith.addi %mul3A_4179, %add3A_4180 : vector<16xi32>
      %swap3A_4182 = arith.index_cast %sub3A_2393 : i32 to index
      %swap3A_4183 = arith.constant 1984 : index
      %swap3A_4184 = tpu.vector_load %arg8[%swap3A_4182, %swap3A_4183] {strides = array<i32>} : memref<2x2000xi32, #tpu.memory_space<vmem>>, vector<1x16xi32>,
      %swap3A_4185 = vector.shape_cast %swap3A_4184 : vector<1x16xi32> to vector<16xi32>
      %swap3A_4186 = vector.shape_cast %add3A_4181 : vector<16xi32> to vector<1x16xi32>
      tpu.vector_store %arg8[%swap3A_4182, %swap3A_4183], %swap3A_4186 {strides = array<i32>} : memref<2x2000xi32, #tpu.memory_space<vmem>>, vector<1x16xi32>,
      %dma_wait3A_4187 = arith.constant 0 : i32
      %dma_wait3A_4188 = arith.constant 0 : i32
      %dma_wait3A_4189 = tpu.memref_slice %arg9[%dma_wait3A_4187, %dma_wait3A_4188] : memref<2000x32xf32, #tpu.memory_space<vmem>> -> memref<128x32xf32, #tpu.memory_space<vmem>>
      %dma_wait3A_4190 = arith.constant 0 : i32
      %dma_wait3A_4191 = tpu.memref_slice %arg8[%select_n3A_2193, %dma_wait3A_4190] : memref<2x2000xi32, #tpu.memory_space<vmem>> -> memref<1x128xi32, #tpu.memory_space<vmem>>
      %dma_wait3A_4192 = tpu.memref_squeeze %dma_wait3A_4191 : memref<1x128xi32, #tpu.memory_space<vmem>> -> memref<128xi32, #tpu.memory_space<vmem>>
      %dma_wait3A_4193 = arith.constant 0 : i32
      %dma_wait3A_4194 = arith.constant 0 : i32
      %dma_wait3A_4195 = tpu.memref_slice %arg2[%dma_wait3A_4193, %dma_wait3A_4194] : memref<40000x32xf32, #tpu.memory_space<hbm>> -> memref<40000x32xf32, #tpu.memory_space<hbm>>
      tpu.wait_indirect_dma semaphore(%arg11 : memref<!tpu.dma_semaphore, #tpu.memory_space<semaphore_mem>>) src(%dma_wait3A_4195 : memref<40000x32xf32, #tpu.memory_space<hbm>>) dst(%dma_wait3A_4189 : memref<128x32xf32, #tpu.memory_space<vmem>>)
      "tpu.region"() ({
        %run_scoped3A = tpu.sem_alloc : memref<!tpu.dma_semaphore, #tpu.memory_space<semaphore_mem>>
        %dma_start3A_4426 = arith.constant 0 : i32
        %dma_start3A_4427 = arith.constant 0 : i32
        %dma_start3A_4428 = tpu.memref_slice %arg9[%dma_start3A_4426, %dma_start3A_4427] : memref<2000x32xf32, #tpu.memory_space<vmem>> -> memref<128x32xf32, #tpu.memory_space<vmem>>
        %dma_start3A_4429 = arith.constant 0 : i32
        %dma_start3A_4430 = tpu.memref_slice %arg6[%select_n3A_2193, %dma_start3A_4429] : memref<2x2000xi32, #tpu.memory_space<vmem>> -> memref<1x128xi32, #tpu.memory_space<vmem>>
        %dma_start3A_4431 = tpu.memref_squeeze %dma_start3A_4430 : memref<1x128xi32, #tpu.memory_space<vmem>> -> memref<128xi32, #tpu.memory_space<vmem>>
        %dma_start3A_4432 = arith.constant 0 : i32
        %dma_start3A_4433 = arith.constant 0 : i32
        %dma_start3A_4434 = tpu.memref_slice %arg10[%select_n3A_2217, %dma_start3A_4432, %dma_start3A_4433] : memref<2x10000x32xf32, #tpu.memory_space<vmem_shared>> -> memref<1x10000x32xf32, #tpu.memory_space<vmem_shared>>
        %dma_start3A_4435 = tpu.memref_squeeze %dma_start3A_4434 : memref<1x10000x32xf32, #tpu.memory_space<vmem_shared>> -> memref<10000x32xf32, #tpu.memory_space<vmem_shared>>
        %dma_start3A_4436 = arith.constant 0 : i32
        %dma_start3A_4437 = arith.constant 0 : i32
        %dma_start3A_4438 = tpu.memref_slice %dma_start3A_4435[%dma_start3A_4436, %dma_start3A_4437] : memref<10000x32xf32, #tpu.memory_space<vmem_shared>> -> memref<10000x32xf32, #tpu.memory_space<vmem_shared>>
        tpu.enqueue_indirect_dma source(%dma_start3A_4428 : memref<128x32xf32, #tpu.memory_space<vmem>>) target(%dma_start3A_4438 : memref<10000x32xf32, #tpu.memory_space<vmem_shared>>) offsets(%dma_start3A_4431 : memref<128xi32, #tpu.memory_space<vmem>>) semaphore(%run_scoped3A : memref<!tpu.dma_semaphore, #tpu.memory_space<semaphore_mem>>) {add = true}
        %dma_wait3A_4439 = arith.constant 0 : i32
        %dma_wait3A_4440 = arith.constant 0 : i32
        %dma_wait3A_4441 = tpu.memref_slice %arg9[%dma_wait3A_4439, %dma_wait3A_4440] : memref<2000x32xf32, #tpu.memory_space<vmem>> -> memref<128x32xf32, #tpu.memory_space<vmem>>
        %dma_wait3A_4442 = arith.constant 0 : i32
        %dma_wait3A_4443 = tpu.memref_slice %arg6[%select_n3A_2193, %dma_wait3A_4442] : memref<2x2000xi32, #tpu.memory_space<vmem>> -> memref<1x128xi32, #tpu.memory_space<vmem>>
        %dma_wait3A_4444 = tpu.memref_squeeze %dma_wait3A_4443 : memref<1x128xi32, #tpu.memory_space<vmem>> -> memref<128xi32, #tpu.memory_space<vmem>>
        %dma_wait3A_4445 = arith.constant 0 : i32
        %dma_wait3A_4446 = arith.constant 0 : i32
        %dma_wait3A_4447 = tpu.memref_slice %arg10[%select_n3A_2217, %dma_wait3A_4445, %dma_wait3A_4446] : memref<2x10000x32xf32, #tpu.memory_space<vmem_shared>> -> memref<1x10000x32xf32, #tpu.memory_space<vmem_shared>>
        %dma_wait3A_4448 = tpu.memref_squeeze %dma_wait3A_4447 : memref<1x10000x32xf32, #tpu.memory_space<vmem_shared>> -> memref<10000x32xf32, #tpu.memory_space<vmem_shared>>
        %dma_wait3A_4449 = arith.constant 0 : i32
        %dma_wait3A_4450 = arith.constant 0 : i32
        %dma_wait3A_4451 = tpu.memref_slice %dma_wait3A_4448[%dma_wait3A_4449, %dma_wait3A_4450] : memref<10000x32xf32, #tpu.memory_space<vmem_shared>> -> memref<10000x32xf32, #tpu.memory_space<vmem_shared>>
        tpu.wait_indirect_dma semaphore(%run_scoped3A : memref<!tpu.dma_semaphore, #tpu.memory_space<semaphore_mem>>) src(%dma_wait3A_4441 : memref<128x32xf32, #tpu.memory_space<vmem>>) dst(%dma_wait3A_4451 : memref<10000x32xf32, #tpu.memory_space<vmem_shared>>)
        tpu.yield
      }) : () -> ()
      %dma_wait3A_4196 = arith.constant 128 : i32
      %dma_wait3A_4197 = arith.constant 0 : i32
      %dma_wait3A_4198 = tpu.memref_slice %arg9[%dma_wait3A_4196, %dma_wait3A_4197] : memref<2000x32xf32, #tpu.memory_space<vmem>> -> memref<128x32xf32, #tpu.memory_space<vmem>>
      %dma_wait3A_4199 = arith.constant 128 : i32
      %dma_wait3A_4200 = tpu.memref_slice %arg8[%select_n3A_2193, %dma_wait3A_4199] : memref<2x2000xi32, #tpu.memory_space<vmem>> -> memref<1x128xi32, #tpu.memory_space<vmem>>
      %dma_wait3A_4201 = tpu.memref_squeeze %dma_wait3A_4200 : memref<1x128xi32, #tpu.memory_space<vmem>> -> memref<128xi32, #tpu.memory_space<vmem>>
      %dma_wait3A_4202 = arith.constant 0 : i32
      %dma_wait3A_4203 = arith.constant 0 : i32
      %dma_wait3A_4204 = tpu.memref_slice %arg2[%dma_wait3A_4202, %dma_wait3A_4203] : memref<40000x32xf32, #tpu.memory_space<hbm>> -> memref<40000x32xf32, #tpu.memory_space<hbm>>
      tpu.wait_indirect_dma semaphore(%arg11 : memref<!tpu.dma_semaphore, #tpu.memory_space<semaphore_mem>>) src(%dma_wait3A_4204 : memref<40000x32xf32, #tpu.memory_space<hbm>>) dst(%dma_wait3A_4198 : memref<128x32xf32, #tpu.memory_space<vmem>>)
      "tpu.region"() ({
        %run_scoped3A = tpu.sem_alloc : memref<!tpu.dma_semaphore, #tpu.memory_space<semaphore_mem>>
        %dma_start3A_4426 = arith.constant 128 : i32
        %dma_start3A_4427 = arith.constant 0 : i32
        %dma_start3A_4428 = tpu.memref_slice %arg9[%dma_start3A_4426, %dma_start3A_4427] : memref<2000x32xf32, #tpu.memory_space<vmem>> -> memref<128x32xf32, #tpu.memory_space<vmem>>
        %dma_start3A_4429 = arith.constant 128 : i32
        %dma_start3A_4430 = tpu.memref_slice %arg6[%select_n3A_2193, %dma_start3A_4429] : memref<2x2000xi32, #tpu.memory_space<vmem>> -> memref<1x128xi32, #tpu.memory_space<vmem>>
        %dma_start3A_4431 = tpu.memref_squeeze %dma_start3A_4430 : memref<1x128xi32, #tpu.memory_space<vmem>> -> memref<128xi32, #tpu.memory_space<vmem>>
        %dma_start3A_4432 = arith.constant 0 : i32
        %dma_start3A_4433 = arith.constant 0 : i32
        %dma_start3A_4434 = tpu.memref_slice %arg10[%select_n3A_2217, %dma_start3A_4432, %dma_start3A_4433] : memref<2x10000x32xf32, #tpu.memory_space<vmem_shared>> -> memref<1x10000x32xf32, #tpu.memory_space<vmem_shared>>
        %dma_start3A_4435 = tpu.memref_squeeze %dma_start3A_4434 : memref<1x10000x32xf32, #tpu.memory_space<vmem_shared>> -> memref<10000x32xf32, #tpu.memory_space<vmem_shared>>
        %dma_start3A_4436 = arith.constant 0 : i32
        %dma_start3A_4437 = arith.constant 0 : i32
        %dma_start3A_4438 = tpu.memref_slice %dma_start3A_4435[%dma_start3A_4436, %dma_start3A_4437] : memref<10000x32xf32, #tpu.memory_space<vmem_shared>> -> memref<10000x32xf32, #tpu.memory_space<vmem_shared>>
        tpu.enqueue_indirect_dma source(%dma_start3A_4428 : memref<128x32xf32, #tpu.memory_space<vmem>>) target(%dma_start3A_4438 : memref<10000x32xf32, #tpu.memory_space<vmem_shared>>) offsets(%dma_start3A_4431 : memref<128xi32, #tpu.memory_space<vmem>>) semaphore(%run_scoped3A : memref<!tpu.dma_semaphore, #tpu.memory_space<semaphore_mem>>) {add = true}
        %dma_wait3A_4439 = arith.constant 128 : i32
        %dma_wait3A_4440 = arith.constant 0 : i32
        %dma_wait3A_4441 = tpu.memref_slice %arg9[%dma_wait3A_4439, %dma_wait3A_4440] : memref<2000x32xf32, #tpu.memory_space<vmem>> -> memref<128x32xf32, #tpu.memory_space<vmem>>
        %dma_wait3A_4442 = arith.constant 128 : i32
        %dma_wait3A_4443 = tpu.memref_slice %arg6[%select_n3A_2193, %dma_wait3A_4442] : memref<2x2000xi32, #tpu.memory_space<vmem>> -> memref<1x128xi32, #tpu.memory_space<vmem>>
        %dma_wait3A_4444 = tpu.memref_squeeze %dma_wait3A_4443 : memref<1x128xi32, #tpu.memory_space<vmem>> -> memref<128xi32, #tpu.memory_space<vmem>>
        %dma_wait3A_4445 = arith.constant 0 : i32
        %dma_wait3A_4446 = arith.constant 0 : i32
        %dma_wait3A_4447 = tpu.memref_slice %arg10[%select_n3A_2217, %dma_wait3A_4445, %dma_wait3A_4446] : memref<2x10000x32xf32, #tpu.memory_space<vmem_shared>> -> memref<1x10000x32xf32, #tpu.memory_space<vmem_shared>>
        %dma_wait3A_4448 = tpu.memref_squeeze %dma_wait3A_4447 : memref<1x10000x32xf32, #tpu.memory_space<vmem_shared>> -> memref<10000x32xf32, #tpu.memory_space<vmem_shared>>
        %dma_wait3A_4449 = arith.constant 0 : i32
        %dma_wait3A_4450 = arith.constant 0 : i32
        %dma_wait3A_4451 = tpu.memref_slice %dma_wait3A_4448[%dma_wait3A_4449, %dma_wait3A_4450] : memref<10000x32xf32, #tpu.memory_space<vmem_shared>> -> memref<10000x32xf32, #tpu.memory_space<vmem_shared>>
        tpu.wait_indirect_dma semaphore(%run_scoped3A : memref<!tpu.dma_semaphore, #tpu.memory_space<semaphore_mem>>) src(%dma_wait3A_4441 : memref<128x32xf32, #tpu.memory_space<vmem>>) dst(%dma_wait3A_4451 : memref<10000x32xf32, #tpu.memory_space<vmem_shared>>)
        tpu.yield
      }) : () -> ()
      %dma_wait3A_4205 = arith.constant 256 : i32
      %dma_wait3A_4206 = arith.constant 0 : i32
      %dma_wait3A_4207 = tpu.memref_slice %arg9[%dma_wait3A_4205, %dma_wait3A_4206] : memref<2000x32xf32, #tpu.memory_space<vmem>> -> memref<128x32xf32, #tpu.memory_space<vmem>>
      %dma_wait3A_4208 = arith.constant 256 : i32
      %dma_wait3A_4209 = tpu.memref_slice %arg8[%select_n3A_2193, %dma_wait3A_4208] : memref<2x2000xi32, #tpu.memory_space<vmem>> -> memref<1x128xi32, #tpu.memory_space<vmem>>
      %dma_wait3A_4210 = tpu.memref_squeeze %dma_wait3A_4209 : memref<1x128xi32, #tpu.memory_space<vmem>> -> memref<128xi32, #tpu.memory_space<vmem>>
      %dma_wait3A_4211 = arith.constant 0 : i32
      %dma_wait3A_4212 = arith.constant 0 : i32
      %dma_wait3A_4213 = tpu.memref_slice %arg2[%dma_wait3A_4211, %dma_wait3A_4212] : memref<40000x32xf32, #tpu.memory_space<hbm>> -> memref<40000x32xf32, #tpu.memory_space<hbm>>
      tpu.wait_indirect_dma semaphore(%arg11 : memref<!tpu.dma_semaphore, #tpu.memory_space<semaphore_mem>>) src(%dma_wait3A_4213 : memref<40000x32xf32, #tpu.memory_space<hbm>>) dst(%dma_wait3A_4207 : memref<128x32xf32, #tpu.memory_space<vmem>>)
      "tpu.region"() ({
        %run_scoped3A = tpu.sem_alloc : memref<!tpu.dma_semaphore, #tpu.memory_space<semaphore_mem>>
        %dma_start3A_4426 = arith.constant 256 : i32
        %dma_start3A_4427 = arith.constant 0 : i32
        %dma_start3A_4428 = tpu.memref_slice %arg9[%dma_start3A_4426, %dma_start3A_4427] : memref<2000x32xf32, #tpu.memory_space<vmem>> -> memref<128x32xf32, #tpu.memory_space<vmem>>
        %dma_start3A_4429 = arith.constant 256 : i32
        %dma_start3A_4430 = tpu.memref_slice %arg6[%select_n3A_2193, %dma_start3A_4429] : memref<2x2000xi32, #tpu.memory_space<vmem>> -> memref<1x128xi32, #tpu.memory_space<vmem>>
        %dma_start3A_4431 = tpu.memref_squeeze %dma_start3A_4430 : memref<1x128xi32, #tpu.memory_space<vmem>> -> memref<128xi32, #tpu.memory_space<vmem>>
        %dma_start3A_4432 = arith.constant 0 : i32
        %dma_start3A_4433 = arith.constant 0 : i32
        %dma_start3A_4434 = tpu.memref_slice %arg10[%select_n3A_2217, %dma_start3A_4432, %dma_start3A_4433] : memref<2x10000x32xf32, #tpu.memory_space<vmem_shared>> -> memref<1x10000x32xf32, #tpu.memory_space<vmem_shared>>
        %dma_start3A_4435 = tpu.memref_squeeze %dma_start3A_4434 : memref<1x10000x32xf32, #tpu.memory_space<vmem_shared>> -> memref<10000x32xf32, #tpu.memory_space<vmem_shared>>
        %dma_start3A_4436 = arith.constant 0 : i32
        %dma_start3A_4437 = arith.constant 0 : i32
        %dma_start3A_4438 = tpu.memref_slice %dma_start3A_4435[%dma_start3A_4436, %dma_start3A_4437] : memref<10000x32xf32, #tpu.memory_space<vmem_shared>> -> memref<10000x32xf32, #tpu.memory_space<vmem_shared>>
        tpu.enqueue_indirect_dma source(%dma_start3A_4428 : memref<128x32xf32, #tpu.memory_space<vmem>>) target(%dma_start3A_4438 : memref<10000x32xf32, #tpu.memory_space<vmem_shared>>) offsets(%dma_start3A_4431 : memref<128xi32, #tpu.memory_space<vmem>>) semaphore(%run_scoped3A : memref<!tpu.dma_semaphore, #tpu.memory_space<semaphore_mem>>) {add = true}
        %dma_wait3A_4439 = arith.constant 256 : i32
        %dma_wait3A_4440 = arith.constant 0 : i32
        %dma_wait3A_4441 = tpu.memref_slice %arg9[%dma_wait3A_4439, %dma_wait3A_4440] : memref<2000x32xf32, #tpu.memory_space<vmem>> -> memref<128x32xf32, #tpu.memory_space<vmem>>
        %dma_wait3A_4442 = arith.constant 256 : i32
        %dma_wait3A_4443 = tpu.memref_slice %arg6[%select_n3A_2193, %dma_wait3A_4442] : memref<2x2000xi32, #tpu.memory_space<vmem>> -> memref<1x128xi32, #tpu.memory_space<vmem>>
        %dma_wait3A_4444 = tpu.memref_squeeze %dma_wait3A_4443 : memref<1x128xi32, #tpu.memory_space<vmem>> -> memref<128xi32, #tpu.memory_space<vmem>>
        %dma_wait3A_4445 = arith.constant 0 : i32
        %dma_wait3A_4446 = arith.constant 0 : i32
        %dma_wait3A_4447 = tpu.memref_slice %arg10[%select_n3A_2217, %dma_wait3A_4445, %dma_wait3A_4446] : memref<2x10000x32xf32, #tpu.memory_space<vmem_shared>> -> memref<1x10000x32xf32, #tpu.memory_space<vmem_shared>>
        %dma_wait3A_4448 = tpu.memref_squeeze %dma_wait3A_4447 : memref<1x10000x32xf32, #tpu.memory_space<vmem_shared>> -> memref<10000x32xf32, #tpu.memory_space<vmem_shared>>
        %dma_wait3A_4449 = arith.constant 0 : i32
        %dma_wait3A_4450 = arith.constant 0 : i32
        %dma_wait3A_4451 = tpu.memref_slice %dma_wait3A_4448[%dma_wait3A_4449, %dma_wait3A_4450] : memref<10000x32xf32, #tpu.memory_space<vmem_shared>> -> memref<10000x32xf32, #tpu.memory_space<vmem_shared>>
        tpu.wait_indirect_dma semaphore(%run_scoped3A : memref<!tpu.dma_semaphore, #tpu.memory_space<semaphore_mem>>) src(%dma_wait3A_4441 : memref<128x32xf32, #tpu.memory_space<vmem>>) dst(%dma_wait3A_4451 : memref<10000x32xf32, #tpu.memory_space<vmem_shared>>)
        tpu.yield
      }) : () -> ()
      %dma_wait3A_4214 = arith.constant 384 : i32
      %dma_wait3A_4215 = arith.constant 0 : i32
      %dma_wait3A_4216 = tpu.memref_slice %arg9[%dma_wait3A_4214, %dma_wait3A_4215] : memref<2000x32xf32, #tpu.memory_space<vmem>> -> memref<128x32xf32, #tpu.memory_space<vmem>>
      %dma_wait3A_4217 = arith.constant 384 : i32
      %dma_wait3A_4218 = tpu.memref_slice %arg8[%select_n3A_2193, %dma_wait3A_4217] : memref<2x2000xi32, #tpu.memory_space<vmem>> -> memref<1x128xi32, #tpu.memory_space<vmem>>
      %dma_wait3A_4219 = tpu.memref_squeeze %dma_wait3A_4218 : memref<1x128xi32, #tpu.memory_space<vmem>> -> memref<128xi32, #tpu.memory_space<vmem>>
      %dma_wait3A_4220 = arith.constant 0 : i32
      %dma_wait3A_4221 = arith.constant 0 : i32
      %dma_wait3A_4222 = tpu.memref_slice %arg2[%dma_wait3A_4220, %dma_wait3A_4221] : memref<40000x32xf32, #tpu.memory_space<hbm>> -> memref<40000x32xf32, #tpu.memory_space<hbm>>
      tpu.wait_indirect_dma semaphore(%arg11 : memref<!tpu.dma_semaphore, #tpu.memory_space<semaphore_mem>>) src(%dma_wait3A_4222 : memref<40000x32xf32, #tpu.memory_space<hbm>>) dst(%dma_wait3A_4216 : memref<128x32xf32, #tpu.memory_space<vmem>>)
      "tpu.region"() ({
        %run_scoped3A = tpu.sem_alloc : memref<!tpu.dma_semaphore, #tpu.memory_space<semaphore_mem>>
        %dma_start3A_4426 = arith.constant 384 : i32
        %dma_start3A_4427 = arith.constant 0 : i32
        %dma_start3A_4428 = tpu.memref_slice %arg9[%dma_start3A_4426, %dma_start3A_4427] : memref<2000x32xf32, #tpu.memory_space<vmem>> -> memref<128x32xf32, #tpu.memory_space<vmem>>
        %dma_start3A_4429 = arith.constant 384 : i32
        %dma_start3A_4430 = tpu.memref_slice %arg6[%select_n3A_2193, %dma_start3A_4429] : memref<2x2000xi32, #tpu.memory_space<vmem>> -> memref<1x128xi32, #tpu.memory_space<vmem>>
        %dma_start3A_4431 = tpu.memref_squeeze %dma_start3A_4430 : memref<1x128xi32, #tpu.memory_space<vmem>> -> memref<128xi32, #tpu.memory_space<vmem>>
        %dma_start3A_4432 = arith.constant 0 : i32
        %dma_start3A_4433 = arith.constant 0 : i32
        %dma_start3A_4434 = tpu.memref_slice %arg10[%select_n3A_2217, %dma_start3A_4432, %dma_start3A_4433] : memref<2x10000x32xf32, #tpu.memory_space<vmem_shared>> -> memref<1x10000x32xf32, #tpu.memory_space<vmem_shared>>
        %dma_start3A_4435 = tpu.memref_squeeze %dma_start3A_4434 : memref<1x10000x32xf32, #tpu.memory_space<vmem_shared>> -> memref<10000x32xf32, #tpu.memory_space<vmem_shared>>
        %dma_start3A_4436 = arith.constant 0 : i32
        %dma_start3A_4437 = arith.constant 0 : i32
        %dma_start3A_4438 = tpu.memref_slice %dma_start3A_4435[%dma_start3A_4436, %dma_start3A_4437] : memref<10000x32xf32, #tpu.memory_space<vmem_shared>> -> memref<10000x32xf32, #tpu.memory_space<vmem_shared>>
        tpu.enqueue_indirect_dma source(%dma_start3A_4428 : memref<128x32xf32, #tpu.memory_space<vmem>>) target(%dma_start3A_4438 : memref<10000x32xf32, #tpu.memory_space<vmem_shared>>) offsets(%dma_start3A_4431 : memref<128xi32, #tpu.memory_space<vmem>>) semaphore(%run_scoped3A : memref<!tpu.dma_semaphore, #tpu.memory_space<semaphore_mem>>) {add = true}
        %dma_wait3A_4439 = arith.constant 384 : i32
        %dma_wait3A_4440 = arith.constant 0 : i32
        %dma_wait3A_4441 = tpu.memref_slice %arg9[%dma_wait3A_4439, %dma_wait3A_4440] : memref<2000x32xf32, #tpu.memory_space<vmem>> -> memref<128x32xf32, #tpu.memory_space<vmem>>
        %dma_wait3A_4442 = arith.constant 384 : i32
        %dma_wait3A_4443 = tpu.memref_slice %arg6[%select_n3A_2193, %dma_wait3A_4442] : memref<2x2000xi32, #tpu.memory_space<vmem>> -> memref<1x128xi32, #tpu.memory_space<vmem>>
        %dma_wait3A_4444 = tpu.memref_squeeze %dma_wait3A_4443 : memref<1x128xi32, #tpu.memory_space<vmem>> -> memref<128xi32, #tpu.memory_space<vmem>>
        %dma_wait3A_4445 = arith.constant 0 : i32
        %dma_wait3A_4446 = arith.constant 0 : i32
        %dma_wait3A_4447 = tpu.memref_slice %arg10[%select_n3A_2217, %dma_wait3A_4445, %dma_wait3A_4446] : memref<2x10000x32xf32, #tpu.memory_space<vmem_shared>> -> memref<1x10000x32xf32, #tpu.memory_space<vmem_shared>>
        %dma_wait3A_4448 = tpu.memref_squeeze %dma_wait3A_4447 : memref<1x10000x32xf32, #tpu.memory_space<vmem_shared>> -> memref<10000x32xf32, #tpu.memory_space<vmem_shared>>
        %dma_wait3A_4449 = arith.constant 0 : i32
        %dma_wait3A_4450 = arith.constant 0 : i32
        %dma_wait3A_4451 = tpu.memref_slice %dma_wait3A_4448[%dma_wait3A_4449, %dma_wait3A_4450] : memref<10000x32xf32, #tpu.memory_space<vmem_shared>> -> memref<10000x32xf32, #tpu.memory_space<vmem_shared>>
        tpu.wait_indirect_dma semaphore(%run_scoped3A : memref<!tpu.dma_semaphore, #tpu.memory_space<semaphore_mem>>) src(%dma_wait3A_4441 : memref<128x32xf32, #tpu.memory_space<vmem>>) dst(%dma_wait3A_4451 : memref<10000x32xf32, #tpu.memory_space<vmem_shared>>)
        tpu.yield
      }) : () -> ()
      %dma_wait3A_4223 = arith.constant 512 : i32
      %dma_wait3A_4224 = arith.constant 0 : i32
      %dma_wait3A_4225 = tpu.memref_slice %arg9[%dma_wait3A_4223, %dma_wait3A_4224] : memref<2000x32xf32, #tpu.memory_space<vmem>> -> memref<128x32xf32, #tpu.memory_space<vmem>>
      %dma_wait3A_4226 = arith.constant 512 : i32
      %dma_wait3A_4227 = tpu.memref_slice %arg8[%select_n3A_2193, %dma_wait3A_4226] : memref<2x2000xi32, #tpu.memory_space<vmem>> -> memref<1x128xi32, #tpu.memory_space<vmem>>
      %dma_wait3A_4228 = tpu.memref_squeeze %dma_wait3A_4227 : memref<1x128xi32, #tpu.memory_space<vmem>> -> memref<128xi32, #tpu.memory_space<vmem>>
      %dma_wait3A_4229 = arith.constant 0 : i32
      %dma_wait3A_4230 = arith.constant 0 : i32
      %dma_wait3A_4231 = tpu.memref_slice %arg2[%dma_wait3A_4229, %dma_wait3A_4230] : memref<40000x32xf32, #tpu.memory_space<hbm>> -> memref<40000x32xf32, #tpu.memory_space<hbm>>
      tpu.wait_indirect_dma semaphore(%arg11 : memref<!tpu.dma_semaphore, #tpu.memory_space<semaphore_mem>>) src(%dma_wait3A_4231 : memref<40000x32xf32, #tpu.memory_space<hbm>>) dst(%dma_wait3A_4225 : memref<128x32xf32, #tpu.memory_space<vmem>>)
      "tpu.region"() ({
        %run_scoped3A = tpu.sem_alloc : memref<!tpu.dma_semaphore, #tpu.memory_space<semaphore_mem>>
        %dma_start3A_4426 = arith.constant 512 : i32
        %dma_start3A_4427 = arith.constant 0 : i32
        %dma_start3A_4428 = tpu.memref_slice %arg9[%dma_start3A_4426, %dma_start3A_4427] : memref<2000x32xf32, #tpu.memory_space<vmem>> -> memref<128x32xf32, #tpu.memory_space<vmem>>
        %dma_start3A_4429 = arith.constant 512 : i32
        %dma_start3A_4430 = tpu.memref_slice %arg6[%select_n3A_2193, %dma_start3A_4429] : memref<2x2000xi32, #tpu.memory_space<vmem>> -> memref<1x128xi32, #tpu.memory_space<vmem>>
        %dma_start3A_4431 = tpu.memref_squeeze %dma_start3A_4430 : memref<1x128xi32, #tpu.memory_space<vmem>> -> memref<128xi32, #tpu.memory_space<vmem>>
        %dma_start3A_4432 = arith.constant 0 : i32
        %dma_start3A_4433 = arith.constant 0 : i32
        %dma_start3A_4434 = tpu.memref_slice %arg10[%select_n3A_2217, %dma_start3A_4432, %dma_start3A_4433] : memref<2x10000x32xf32, #tpu.memory_space<vmem_shared>> -> memref<1x10000x32xf32, #tpu.memory_space<vmem_shared>>
        %dma_start3A_4435 = tpu.memref_squeeze %dma_start3A_4434 : memref<1x10000x32xf32, #tpu.memory_space<vmem_shared>> -> memref<10000x32xf32, #tpu.memory_space<vmem_shared>>
        %dma_start3A_4436 = arith.constant 0 : i32
        %dma_start3A_4437 = arith.constant 0 : i32
        %dma_start3A_4438 = tpu.memref_slice %dma_start3A_4435[%dma_start3A_4436, %dma_start3A_4437] : memref<10000x32xf32, #tpu.memory_space<vmem_shared>> -> memref<10000x32xf32, #tpu.memory_space<vmem_shared>>
        tpu.enqueue_indirect_dma source(%dma_start3A_4428 : memref<128x32xf32, #tpu.memory_space<vmem>>) target(%dma_start3A_4438 : memref<10000x32xf32, #tpu.memory_space<vmem_shared>>) offsets(%dma_start3A_4431 : memref<128xi32, #tpu.memory_space<vmem>>) semaphore(%run_scoped3A : memref<!tpu.dma_semaphore, #tpu.memory_space<semaphore_mem>>) {add = true}
        %dma_wait3A_4439 = arith.constant 512 : i32
        %dma_wait3A_4440 = arith.constant 0 : i32
        %dma_wait3A_4441 = tpu.memref_slice %arg9[%dma_wait3A_4439, %dma_wait3A_4440] : memref<2000x32xf32, #tpu.memory_space<vmem>> -> memref<128x32xf32, #tpu.memory_space<vmem>>
        %dma_wait3A_4442 = arith.constant 512 : i32
        %dma_wait3A_4443 = tpu.memref_slice %arg6[%select_n3A_2193, %dma_wait3A_4442] : memref<2x2000xi32, #tpu.memory_space<vmem>> -> memref<1x128xi32, #tpu.memory_space<vmem>>
        %dma_wait3A_4444 = tpu.memref_squeeze %dma_wait3A_4443 : memref<1x128xi32, #tpu.memory_space<vmem>> -> memref<128xi32, #tpu.memory_space<vmem>>
        %dma_wait3A_4445 = arith.constant 0 : i32
        %dma_wait3A_4446 = arith.constant 0 : i32
        %dma_wait3A_4447 = tpu.memref_slice %arg10[%select_n3A_2217, %dma_wait3A_4445, %dma_wait3A_4446] : memref<2x10000x32xf32, #tpu.memory_space<vmem_shared>> -> memref<1x10000x32xf32, #tpu.memory_space<vmem_shared>>
        %dma_wait3A_4448 = tpu.memref_squeeze %dma_wait3A_4447 : memref<1x10000x32xf32, #tpu.memory_space<vmem_shared>> -> memref<10000x32xf32, #tpu.memory_space<vmem_shared>>
        %dma_wait3A_4449 = arith.constant 0 : i32
        %dma_wait3A_4450 = arith.constant 0 : i32
        %dma_wait3A_4451 = tpu.memref_slice %dma_wait3A_4448[%dma_wait3A_4449, %dma_wait3A_4450] : memref<10000x32xf32, #tpu.memory_space<vmem_shared>> -> memref<10000x32xf32, #tpu.memory_space<vmem_shared>>
        tpu.wait_indirect_dma semaphore(%run_scoped3A : memref<!tpu.dma_semaphore, #tpu.memory_space<semaphore_mem>>) src(%dma_wait3A_4441 : memref<128x32xf32, #tpu.memory_space<vmem>>) dst(%dma_wait3A_4451 : memref<10000x32xf32, #tpu.memory_space<vmem_shared>>)
        tpu.yield
      }) : () -> ()
      %dma_wait3A_4232 = arith.constant 640 : i32
      %dma_wait3A_4233 = arith.constant 0 : i32
      %dma_wait3A_4234 = tpu.memref_slice %arg9[%dma_wait3A_4232, %dma_wait3A_4233] : memref<2000x32xf32, #tpu.memory_space<vmem>> -> memref<128x32xf32, #tpu.memory_space<vmem>>
      %dma_wait3A_4235 = arith.constant 640 : i32
      %dma_wait3A_4236 = tpu.memref_slice %arg8[%select_n3A_2193, %dma_wait3A_4235] : memref<2x2000xi32, #tpu.memory_space<vmem>> -> memref<1x128xi32, #tpu.memory_space<vmem>>
      %dma_wait3A_4237 = tpu.memref_squeeze %dma_wait3A_4236 : memref<1x128xi32, #tpu.memory_space<vmem>> -> memref<128xi32, #tpu.memory_space<vmem>>
      %dma_wait3A_4238 = arith.constant 0 : i32
      %dma_wait3A_4239 = arith.constant 0 : i32
      %dma_wait3A_4240 = tpu.memref_slice %arg2[%dma_wait3A_4238, %dma_wait3A_4239] : memref<40000x32xf32, #tpu.memory_space<hbm>> -> memref<40000x32xf32, #tpu.memory_space<hbm>>
      tpu.wait_indirect_dma semaphore(%arg11 : memref<!tpu.dma_semaphore, #tpu.memory_space<semaphore_mem>>) src(%dma_wait3A_4240 : memref<40000x32xf32, #tpu.memory_space<hbm>>) dst(%dma_wait3A_4234 : memref<128x32xf32, #tpu.memory_space<vmem>>)
      "tpu.region"() ({
        %run_scoped3A = tpu.sem_alloc : memref<!tpu.dma_semaphore, #tpu.memory_space<semaphore_mem>>
        %dma_start3A_4426 = arith.constant 640 : i32
        %dma_start3A_4427 = arith.constant 0 : i32
        %dma_start3A_4428 = tpu.memref_slice %arg9[%dma_start3A_4426, %dma_start3A_4427] : memref<2000x32xf32, #tpu.memory_space<vmem>> -> memref<128x32xf32, #tpu.memory_space<vmem>>
        %dma_start3A_4429 = arith.constant 640 : i32
        %dma_start3A_4430 = tpu.memref_slice %arg6[%select_n3A_2193, %dma_start3A_4429] : memref<2x2000xi32, #tpu.memory_space<vmem>> -> memref<1x128xi32, #tpu.memory_space<vmem>>
        %dma_start3A_4431 = tpu.memref_squeeze %dma_start3A_4430 : memref<1x128xi32, #tpu.memory_space<vmem>> -> memref<128xi32, #tpu.memory_space<vmem>>
        %dma_start3A_4432 = arith.constant 0 : i32
        %dma_start3A_4433 = arith.constant 0 : i32
        %dma_start3A_4434 = tpu.memref_slice %arg10[%select_n3A_2217, %dma_start3A_4432, %dma_start3A_4433] : memref<2x10000x32xf32, #tpu.memory_space<vmem_shared>> -> memref<1x10000x32xf32, #tpu.memory_space<vmem_shared>>
        %dma_start3A_4435 = tpu.memref_squeeze %dma_start3A_4434 : memref<1x10000x32xf32, #tpu.memory_space<vmem_shared>> -> memref<10000x32xf32, #tpu.memory_space<vmem_shared>>
        %dma_start3A_4436 = arith.constant 0 : i32
        %dma_start3A_4437 = arith.constant 0 : i32
        %dma_start3A_4438 = tpu.memref_slice %dma_start3A_4435[%dma_start3A_4436, %dma_start3A_4437] : memref<10000x32xf32, #tpu.memory_space<vmem_shared>> -> memref<10000x32xf32, #tpu.memory_space<vmem_shared>>
        tpu.enqueue_indirect_dma source(%dma_start3A_4428 : memref<128x32xf32, #tpu.memory_space<vmem>>) target(%dma_start3A_4438 : memref<10000x32xf32, #tpu.memory_space<vmem_shared>>) offsets(%dma_start3A_4431 : memref<128xi32, #tpu.memory_space<vmem>>) semaphore(%run_scoped3A : memref<!tpu.dma_semaphore, #tpu.memory_space<semaphore_mem>>) {add = true}
        %dma_wait3A_4439 = arith.constant 640 : i32
        %dma_wait3A_4440 = arith.constant 0 : i32
        %dma_wait3A_4441 = tpu.memref_slice %arg9[%dma_wait3A_4439, %dma_wait3A_4440] : memref<2000x32xf32, #tpu.memory_space<vmem>> -> memref<128x32xf32, #tpu.memory_space<vmem>>
        %dma_wait3A_4442 = arith.constant 640 : i32
        %dma_wait3A_4443 = tpu.memref_slice %arg6[%select_n3A_2193, %dma_wait3A_4442] : memref<2x2000xi32, #tpu.memory_space<vmem>> -> memref<1x128xi32, #tpu.memory_space<vmem>>
        %dma_wait3A_4444 = tpu.memref_squeeze %dma_wait3A_4443 : memref<1x128xi32, #tpu.memory_space<vmem>> -> memref<128xi32, #tpu.memory_space<vmem>>
        %dma_wait3A_4445 = arith.constant 0 : i32
        %dma_wait3A_4446 = arith.constant 0 : i32
        %dma_wait3A_4447 = tpu.memref_slice %arg10[%select_n3A_2217, %dma_wait3A_4445, %dma_wait3A_4446] : memref<2x10000x32xf32, #tpu.memory_space<vmem_shared>> -> memref<1x10000x32xf32, #tpu.memory_space<vmem_shared>>
        %dma_wait3A_4448 = tpu.memref_squeeze %dma_wait3A_4447 : memref<1x10000x32xf32, #tpu.memory_space<vmem_shared>> -> memref<10000x32xf32, #tpu.memory_space<vmem_shared>>
        %dma_wait3A_4449 = arith.constant 0 : i32
        %dma_wait3A_4450 = arith.constant 0 : i32
        %dma_wait3A_4451 = tpu.memref_slice %dma_wait3A_4448[%dma_wait3A_4449, %dma_wait3A_4450] : memref<10000x32xf32, #tpu.memory_space<vmem_shared>> -> memref<10000x32xf32, #tpu.memory_space<vmem_shared>>
        tpu.wait_indirect_dma semaphore(%run_scoped3A : memref<!tpu.dma_semaphore, #tpu.memory_space<semaphore_mem>>) src(%dma_wait3A_4441 : memref<128x32xf32, #tpu.memory_space<vmem>>) dst(%dma_wait3A_4451 : memref<10000x32xf32, #tpu.memory_space<vmem_shared>>)
        tpu.yield
      }) : () -> ()
      %dma_wait3A_4241 = arith.constant 768 : i32
      %dma_wait3A_4242 = arith.constant 0 : i32
      %dma_wait3A_4243 = tpu.memref_slice %arg9[%dma_wait3A_4241, %dma_wait3A_4242] : memref<2000x32xf32, #tpu.memory_space<vmem>> -> memref<128x32xf32, #tpu.memory_space<vmem>>
      %dma_wait3A_4244 = arith.constant 768 : i32
      %dma_wait3A_4245 = tpu.memref_slice %arg8[%select_n3A_2193, %dma_wait3A_4244] : memref<2x2000xi32, #tpu.memory_space<vmem>> -> memref<1x128xi32, #tpu.memory_space<vmem>>
      %dma_wait3A_4246 = tpu.memref_squeeze %dma_wait3A_4245 : memref<1x128xi32, #tpu.memory_space<vmem>> -> memref<128xi32, #tpu.memory_space<vmem>>
      %dma_wait3A_4247 = arith.constant 0 : i32
      %dma_wait3A_4248 = arith.constant 0 : i32
      %dma_wait3A_4249 = tpu.memref_slice %arg2[%dma_wait3A_4247, %dma_wait3A_4248] : memref<40000x32xf32, #tpu.memory_space<hbm>> -> memref<40000x32xf32, #tpu.memory_space<hbm>>
      tpu.wait_indirect_dma semaphore(%arg11 : memref<!tpu.dma_semaphore, #tpu.memory_space<semaphore_mem>>) src(%dma_wait3A_4249 : memref<40000x32xf32, #tpu.memory_space<hbm>>) dst(%dma_wait3A_4243 : memref<128x32xf32, #tpu.memory_space<vmem>>)
      "tpu.region"() ({
        %run_scoped3A = tpu.sem_alloc : memref<!tpu.dma_semaphore, #tpu.memory_space<semaphore_mem>>
        %dma_start3A_4426 = arith.constant 768 : i32
        %dma_start3A_4427 = arith.constant 0 : i32
        %dma_start3A_4428 = tpu.memref_slice %arg9[%dma_start3A_4426, %dma_start3A_4427] : memref<2000x32xf32, #tpu.memory_space<vmem>> -> memref<128x32xf32, #tpu.memory_space<vmem>>
        %dma_start3A_4429 = arith.constant 768 : i32
        %dma_start3A_4430 = tpu.memref_slice %arg6[%select_n3A_2193, %dma_start3A_4429] : memref<2x2000xi32, #tpu.memory_space<vmem>> -> memref<1x128xi32, #tpu.memory_space<vmem>>
        %dma_start3A_4431 = tpu.memref_squeeze %dma_start3A_4430 : memref<1x128xi32, #tpu.memory_space<vmem>> -> memref<128xi32, #tpu.memory_space<vmem>>
        %dma_start3A_4432 = arith.constant 0 : i32
        %dma_start3A_4433 = arith.constant 0 : i32
        %dma_start3A_4434 = tpu.memref_slice %arg10[%select_n3A_2217, %dma_start3A_4432, %dma_start3A_4433] : memref<2x10000x32xf32, #tpu.memory_space<vmem_shared>> -> memref<1x10000x32xf32, #tpu.memory_space<vmem_shared>>
        %dma_start3A_4435 = tpu.memref_squeeze %dma_start3A_4434 : memref<1x10000x32xf32, #tpu.memory_space<vmem_shared>> -> memref<10000x32xf32, #tpu.memory_space<vmem_shared>>
        %dma_start3A_4436 = arith.constant 0 : i32
        %dma_start3A_4437 = arith.constant 0 : i32
        %dma_start3A_4438 = tpu.memref_slice %dma_start3A_4435[%dma_start3A_4436, %dma_start3A_4437] : memref<10000x32xf32, #tpu.memory_space<vmem_shared>> -> memref<10000x32xf32, #tpu.memory_space<vmem_shared>>
        tpu.enqueue_indirect_dma source(%dma_start3A_4428 : memref<128x32xf32, #tpu.memory_space<vmem>>) target(%dma_start3A_4438 : memref<10000x32xf32, #tpu.memory_space<vmem_shared>>) offsets(%dma_start3A_4431 : memref<128xi32, #tpu.memory_space<vmem>>) semaphore(%run_scoped3A : memref<!tpu.dma_semaphore, #tpu.memory_space<semaphore_mem>>) {add = true}
        %dma_wait3A_4439 = arith.constant 768 : i32
        %dma_wait3A_4440 = arith.constant 0 : i32
        %dma_wait3A_4441 = tpu.memref_slice %arg9[%dma_wait3A_4439, %dma_wait3A_4440] : memref<2000x32xf32, #tpu.memory_space<vmem>> -> memref<128x32xf32, #tpu.memory_space<vmem>>
        %dma_wait3A_4442 = arith.constant 768 : i32
        %dma_wait3A_4443 = tpu.memref_slice %arg6[%select_n3A_2193, %dma_wait3A_4442] : memref<2x2000xi32, #tpu.memory_space<vmem>> -> memref<1x128xi32, #tpu.memory_space<vmem>>
        %dma_wait3A_4444 = tpu.memref_squeeze %dma_wait3A_4443 : memref<1x128xi32, #tpu.memory_space<vmem>> -> memref<128xi32, #tpu.memory_space<vmem>>
        %dma_wait3A_4445 = arith.constant 0 : i32
        %dma_wait3A_4446 = arith.constant 0 : i32
        %dma_wait3A_4447 = tpu.memref_slice %arg10[%select_n3A_2217, %dma_wait3A_4445, %dma_wait3A_4446] : memref<2x10000x32xf32, #tpu.memory_space<vmem_shared>> -> memref<1x10000x32xf32, #tpu.memory_space<vmem_shared>>
        %dma_wait3A_4448 = tpu.memref_squeeze %dma_wait3A_4447 : memref<1x10000x32xf32, #tpu.memory_space<vmem_shared>> -> memref<10000x32xf32, #tpu.memory_space<vmem_shared>>
        %dma_wait3A_4449 = arith.constant 0 : i32
        %dma_wait3A_4450 = arith.constant 0 : i32
        %dma_wait3A_4451 = tpu.memref_slice %dma_wait3A_4448[%dma_wait3A_4449, %dma_wait3A_4450] : memref<10000x32xf32, #tpu.memory_space<vmem_shared>> -> memref<10000x32xf32, #tpu.memory_space<vmem_shared>>
        tpu.wait_indirect_dma semaphore(%run_scoped3A : memref<!tpu.dma_semaphore, #tpu.memory_space<semaphore_mem>>) src(%dma_wait3A_4441 : memref<128x32xf32, #tpu.memory_space<vmem>>) dst(%dma_wait3A_4451 : memref<10000x32xf32, #tpu.memory_space<vmem_shared>>)
        tpu.yield
      }) : () -> ()
      %dma_wait3A_4250 = arith.constant 896 : i32
      %dma_wait3A_4251 = arith.constant 0 : i32
      %dma_wait3A_4252 = tpu.memref_slice %arg9[%dma_wait3A_4250, %dma_wait3A_4251] : memref<2000x32xf32, #tpu.memory_space<vmem>> -> memref<128x32xf32, #tpu.memory_space<vmem>>
      %dma_wait3A_4253 = arith.constant 896 : i32
      %dma_wait3A_4254 = tpu.memref_slice %arg8[%select_n3A_2193, %dma_wait3A_4253] : memref<2x2000xi32, #tpu.memory_space<vmem>> -> memref<1x128xi32, #tpu.memory_space<vmem>>
      %dma_wait3A_4255 = tpu.memref_squeeze %dma_wait3A_4254 : memref<1x128xi32, #tpu.memory_space<vmem>> -> memref<128xi32, #tpu.memory_space<vmem>>
      %dma_wait3A_4256 = arith.constant 0 : i32
      %dma_wait3A_4257 = arith.constant 0 : i32
      %dma_wait3A_4258 = tpu.memref_slice %arg2[%dma_wait3A_4256, %dma_wait3A_4257] : memref<40000x32xf32, #tpu.memory_space<hbm>> -> memref<40000x32xf32, #tpu.memory_space<hbm>>
      tpu.wait_indirect_dma semaphore(%arg11 : memref<!tpu.dma_semaphore, #tpu.memory_space<semaphore_mem>>) src(%dma_wait3A_4258 : memref<40000x32xf32, #tpu.memory_space<hbm>>) dst(%dma_wait3A_4252 : memref<128x32xf32, #tpu.memory_space<vmem>>)
      "tpu.region"() ({
        %run_scoped3A = tpu.sem_alloc : memref<!tpu.dma_semaphore, #tpu.memory_space<semaphore_mem>>
        %dma_start3A_4426 = arith.constant 896 : i32
        %dma_start3A_4427 = arith.constant 0 : i32
        %dma_start3A_4428 = tpu.memref_slice %arg9[%dma_start3A_4426, %dma_start3A_4427] : memref<2000x32xf32, #tpu.memory_space<vmem>> -> memref<128x32xf32, #tpu.memory_space<vmem>>
        %dma_start3A_4429 = arith.constant 896 : i32
        %dma_start3A_4430 = tpu.memref_slice %arg6[%select_n3A_2193, %dma_start3A_4429] : memref<2x2000xi32, #tpu.memory_space<vmem>> -> memref<1x128xi32, #tpu.memory_space<vmem>>
        %dma_start3A_4431 = tpu.memref_squeeze %dma_start3A_4430 : memref<1x128xi32, #tpu.memory_space<vmem>> -> memref<128xi32, #tpu.memory_space<vmem>>
        %dma_start3A_4432 = arith.constant 0 : i32
        %dma_start3A_4433 = arith.constant 0 : i32
        %dma_start3A_4434 = tpu.memref_slice %arg10[%select_n3A_2217, %dma_start3A_4432, %dma_start3A_4433] : memref<2x10000x32xf32, #tpu.memory_space<vmem_shared>> -> memref<1x10000x32xf32, #tpu.memory_space<vmem_shared>>
        %dma_start3A_4435 = tpu.memref_squeeze %dma_start3A_4434 : memref<1x10000x32xf32, #tpu.memory_space<vmem_shared>> -> memref<10000x32xf32, #tpu.memory_space<vmem_shared>>
        %dma_start3A_4436 = arith.constant 0 : i32
        %dma_start3A_4437 = arith.constant 0 : i32
        %dma_start3A_4438 = tpu.memref_slice %dma_start3A_4435[%dma_start3A_4436, %dma_start3A_4437] : memref<10000x32xf32, #tpu.memory_space<vmem_shared>> -> memref<10000x32xf32, #tpu.memory_space<vmem_shared>>
        tpu.enqueue_indirect_dma source(%dma_start3A_4428 : memref<128x32xf32, #tpu.memory_space<vmem>>) target(%dma_start3A_4438 : memref<10000x32xf32, #tpu.memory_space<vmem_shared>>) offsets(%dma_start3A_4431 : memref<128xi32, #tpu.memory_space<vmem>>) semaphore(%run_scoped3A : memref<!tpu.dma_semaphore, #tpu.memory_space<semaphore_mem>>) {add = true}
        %dma_wait3A_4439 = arith.constant 896 : i32
        %dma_wait3A_4440 = arith.constant 0 : i32
        %dma_wait3A_4441 = tpu.memref_slice %arg9[%dma_wait3A_4439, %dma_wait3A_4440] : memref<2000x32xf32, #tpu.memory_space<vmem>> -> memref<128x32xf32, #tpu.memory_space<vmem>>
        %dma_wait3A_4442 = arith.constant 896 : i32
        %dma_wait3A_4443 = tpu.memref_slice %arg6[%select_n3A_2193, %dma_wait3A_4442] : memref<2x2000xi32, #tpu.memory_space<vmem>> -> memref<1x128xi32, #tpu.memory_space<vmem>>
        %dma_wait3A_4444 = tpu.memref_squeeze %dma_wait3A_4443 : memref<1x128xi32, #tpu.memory_space<vmem>> -> memref<128xi32, #tpu.memory_space<vmem>>
        %dma_wait3A_4445 = arith.constant 0 : i32
        %dma_wait3A_4446 = arith.constant 0 : i32
        %dma_wait3A_4447 = tpu.memref_slice %arg10[%select_n3A_2217, %dma_wait3A_4445, %dma_wait3A_4446] : memref<2x10000x32xf32, #tpu.memory_space<vmem_shared>> -> memref<1x10000x32xf32, #tpu.memory_space<vmem_shared>>
        %dma_wait3A_4448 = tpu.memref_squeeze %dma_wait3A_4447 : memref<1x10000x32xf32, #tpu.memory_space<vmem_shared>> -> memref<10000x32xf32, #tpu.memory_space<vmem_shared>>
        %dma_wait3A_4449 = arith.constant 0 : i32
        %dma_wait3A_4450 = arith.constant 0 : i32
        %dma_wait3A_4451 = tpu.memref_slice %dma_wait3A_4448[%dma_wait3A_4449, %dma_wait3A_4450] : memref<10000x32xf32, #tpu.memory_space<vmem_shared>> -> memref<10000x32xf32, #tpu.memory_space<vmem_shared>>
        tpu.wait_indirect_dma semaphore(%run_scoped3A : memref<!tpu.dma_semaphore, #tpu.memory_space<semaphore_mem>>) src(%dma_wait3A_4441 : memref<128x32xf32, #tpu.memory_space<vmem>>) dst(%dma_wait3A_4451 : memref<10000x32xf32, #tpu.memory_space<vmem_shared>>)
        tpu.yield
      }) : () -> ()
      %dma_wait3A_4259 = arith.constant 1024 : i32
      %dma_wait3A_4260 = arith.constant 0 : i32
      %dma_wait3A_4261 = tpu.memref_slice %arg9[%dma_wait3A_4259, %dma_wait3A_4260] : memref<2000x32xf32, #tpu.memory_space<vmem>> -> memref<128x32xf32, #tpu.memory_space<vmem>>
      %dma_wait3A_4262 = arith.constant 1024 : i32
      %dma_wait3A_4263 = tpu.memref_slice %arg8[%select_n3A_2193, %dma_wait3A_4262] : memref<2x2000xi32, #tpu.memory_space<vmem>> -> memref<1x128xi32, #tpu.memory_space<vmem>>
      %dma_wait3A_4264 = tpu.memref_squeeze %dma_wait3A_4263 : memref<1x128xi32, #tpu.memory_space<vmem>> -> memref<128xi32, #tpu.memory_space<vmem>>
      %dma_wait3A_4265 = arith.constant 0 : i32
      %dma_wait3A_4266 = arith.constant 0 : i32
      %dma_wait3A_4267 = tpu.memref_slice %arg2[%dma_wait3A_4265, %dma_wait3A_4266] : memref<40000x32xf32, #tpu.memory_space<hbm>> -> memref<40000x32xf32, #tpu.memory_space<hbm>>
      tpu.wait_indirect_dma semaphore(%arg11 : memref<!tpu.dma_semaphore, #tpu.memory_space<semaphore_mem>>) src(%dma_wait3A_4267 : memref<40000x32xf32, #tpu.memory_space<hbm>>) dst(%dma_wait3A_4261 : memref<128x32xf32, #tpu.memory_space<vmem>>)
      "tpu.region"() ({
        %run_scoped3A = tpu.sem_alloc : memref<!tpu.dma_semaphore, #tpu.memory_space<semaphore_mem>>
        %dma_start3A_4426 = arith.constant 1024 : i32
        %dma_start3A_4427 = arith.constant 0 : i32
        %dma_start3A_4428 = tpu.memref_slice %arg9[%dma_start3A_4426, %dma_start3A_4427] : memref<2000x32xf32, #tpu.memory_space<vmem>> -> memref<128x32xf32, #tpu.memory_space<vmem>>
        %dma_start3A_4429 = arith.constant 1024 : i32
        %dma_start3A_4430 = tpu.memref_slice %arg6[%select_n3A_2193, %dma_start3A_4429] : memref<2x2000xi32, #tpu.memory_space<vmem>> -> memref<1x128xi32, #tpu.memory_space<vmem>>
        %dma_start3A_4431 = tpu.memref_squeeze %dma_start3A_4430 : memref<1x128xi32, #tpu.memory_space<vmem>> -> memref<128xi32, #tpu.memory_space<vmem>>
        %dma_start3A_4432 = arith.constant 0 : i32
        %dma_start3A_4433 = arith.constant 0 : i32
        %dma_start3A_4434 = tpu.memref_slice %arg10[%select_n3A_2217, %dma_start3A_4432, %dma_start3A_4433] : memref<2x10000x32xf32, #tpu.memory_space<vmem_shared>> -> memref<1x10000x32xf32, #tpu.memory_space<vmem_shared>>
        %dma_start3A_4435 = tpu.memref_squeeze %dma_start3A_4434 : memref<1x10000x32xf32, #tpu.memory_space<vmem_shared>> -> memref<10000x32xf32, #tpu.memory_space<vmem_shared>>
        %dma_start3A_4436 = arith.constant 0 : i32
        %dma_start3A_4437 = arith.constant 0 : i32
        %dma_start3A_4438 = tpu.memref_slice %dma_start3A_4435[%dma_start3A_4436, %dma_start3A_4437] : memref<10000x32xf32, #tpu.memory_space<vmem_shared>> -> memref<10000x32xf32, #tpu.memory_space<vmem_shared>>
        tpu.enqueue_indirect_dma source(%dma_start3A_4428 : memref<128x32xf32, #tpu.memory_space<vmem>>) target(%dma_start3A_4438 : memref<10000x32xf32, #tpu.memory_space<vmem_shared>>) offsets(%dma_start3A_4431 : memref<128xi32, #tpu.memory_space<vmem>>) semaphore(%run_scoped3A : memref<!tpu.dma_semaphore, #tpu.memory_space<semaphore_mem>>) {add = true}
        %dma_wait3A_4439 = arith.constant 1024 : i32
        %dma_wait3A_4440 = arith.constant 0 : i32
        %dma_wait3A_4441 = tpu.memref_slice %arg9[%dma_wait3A_4439, %dma_wait3A_4440] : memref<2000x32xf32, #tpu.memory_space<vmem>> -> memref<128x32xf32, #tpu.memory_space<vmem>>
        %dma_wait3A_4442 = arith.constant 1024 : i32
        %dma_wait3A_4443 = tpu.memref_slice %arg6[%select_n3A_2193, %dma_wait3A_4442] : memref<2x2000xi32, #tpu.memory_space<vmem>> -> memref<1x128xi32, #tpu.memory_space<vmem>>
        %dma_wait3A_4444 = tpu.memref_squeeze %dma_wait3A_4443 : memref<1x128xi32, #tpu.memory_space<vmem>> -> memref<128xi32, #tpu.memory_space<vmem>>
        %dma_wait3A_4445 = arith.constant 0 : i32
        %dma_wait3A_4446 = arith.constant 0 : i32
        %dma_wait3A_4447 = tpu.memref_slice %arg10[%select_n3A_2217, %dma_wait3A_4445, %dma_wait3A_4446] : memref<2x10000x32xf32, #tpu.memory_space<vmem_shared>> -> memref<1x10000x32xf32, #tpu.memory_space<vmem_shared>>
        %dma_wait3A_4448 = tpu.memref_squeeze %dma_wait3A_4447 : memref<1x10000x32xf32, #tpu.memory_space<vmem_shared>> -> memref<10000x32xf32, #tpu.memory_space<vmem_shared>>
        %dma_wait3A_4449 = arith.constant 0 : i32
        %dma_wait3A_4450 = arith.constant 0 : i32
        %dma_wait3A_4451 = tpu.memref_slice %dma_wait3A_4448[%dma_wait3A_4449, %dma_wait3A_4450] : memref<10000x32xf32, #tpu.memory_space<vmem_shared>> -> memref<10000x32xf32, #tpu.memory_space<vmem_shared>>
        tpu.wait_indirect_dma semaphore(%run_scoped3A : memref<!tpu.dma_semaphore, #tpu.memory_space<semaphore_mem>>) src(%dma_wait3A_4441 : memref<128x32xf32, #tpu.memory_space<vmem>>) dst(%dma_wait3A_4451 : memref<10000x32xf32, #tpu.memory_space<vmem_shared>>)
        tpu.yield
      }) : () -> ()
      %dma_wait3A_4268 = arith.constant 1152 : i32
      %dma_wait3A_4269 = arith.constant 0 : i32
      %dma_wait3A_4270 = tpu.memref_slice %arg9[%dma_wait3A_4268, %dma_wait3A_4269] : memref<2000x32xf32, #tpu.memory_space<vmem>> -> memref<128x32xf32, #tpu.memory_space<vmem>>
      %dma_wait3A_4271 = arith.constant 1152 : i32
      %dma_wait3A_4272 = tpu.memref_slice %arg8[%select_n3A_2193, %dma_wait3A_4271] : memref<2x2000xi32, #tpu.memory_space<vmem>> -> memref<1x128xi32, #tpu.memory_space<vmem>>
      %dma_wait3A_4273 = tpu.memref_squeeze %dma_wait3A_4272 : memref<1x128xi32, #tpu.memory_space<vmem>> -> memref<128xi32, #tpu.memory_space<vmem>>
      %dma_wait3A_4274 = arith.constant 0 : i32
      %dma_wait3A_4275 = arith.constant 0 : i32
      %dma_wait3A_4276 = tpu.memref_slice %arg2[%dma_wait3A_4274, %dma_wait3A_4275] : memref<40000x32xf32, #tpu.memory_space<hbm>> -> memref<40000x32xf32, #tpu.memory_space<hbm>>
      tpu.wait_indirect_dma semaphore(%arg11 : memref<!tpu.dma_semaphore, #tpu.memory_space<semaphore_mem>>) src(%dma_wait3A_4276 : memref<40000x32xf32, #tpu.memory_space<hbm>>) dst(%dma_wait3A_4270 : memref<128x32xf32, #tpu.memory_space<vmem>>)
      "tpu.region"() ({
        %run_scoped3A = tpu.sem_alloc : memref<!tpu.dma_semaphore, #tpu.memory_space<semaphore_mem>>
        %dma_start3A_4426 = arith.constant 1152 : i32
        %dma_start3A_4427 = arith.constant 0 : i32
        %dma_start3A_4428 = tpu.memref_slice %arg9[%dma_start3A_4426, %dma_start3A_4427] : memref<2000x32xf32, #tpu.memory_space<vmem>> -> memref<128x32xf32, #tpu.memory_space<vmem>>
        %dma_start3A_4429 = arith.constant 1152 : i32
        %dma_start3A_4430 = tpu.memref_slice %arg6[%select_n3A_2193, %dma_start3A_4429] : memref<2x2000xi32, #tpu.memory_space<vmem>> -> memref<1x128xi32, #tpu.memory_space<vmem>>
        %dma_start3A_4431 = tpu.memref_squeeze %dma_start3A_4430 : memref<1x128xi32, #tpu.memory_space<vmem>> -> memref<128xi32, #tpu.memory_space<vmem>>
        %dma_start3A_4432 = arith.constant 0 : i32
        %dma_start3A_4433 = arith.constant 0 : i32
        %dma_start3A_4434 = tpu.memref_slice %arg10[%select_n3A_2217, %dma_start3A_4432, %dma_start3A_4433] : memref<2x10000x32xf32, #tpu.memory_space<vmem_shared>> -> memref<1x10000x32xf32, #tpu.memory_space<vmem_shared>>
        %dma_start3A_4435 = tpu.memref_squeeze %dma_start3A_4434 : memref<1x10000x32xf32, #tpu.memory_space<vmem_shared>> -> memref<10000x32xf32, #tpu.memory_space<vmem_shared>>
        %dma_start3A_4436 = arith.constant 0 : i32
        %dma_start3A_4437 = arith.constant 0 : i32
        %dma_start3A_4438 = tpu.memref_slice %dma_start3A_4435[%dma_start3A_4436, %dma_start3A_4437] : memref<10000x32xf32, #tpu.memory_space<vmem_shared>> -> memref<10000x32xf32, #tpu.memory_space<vmem_shared>>
        tpu.enqueue_indirect_dma source(%dma_start3A_4428 : memref<128x32xf32, #tpu.memory_space<vmem>>) target(%dma_start3A_4438 : memref<10000x32xf32, #tpu.memory_space<vmem_shared>>) offsets(%dma_start3A_4431 : memref<128xi32, #tpu.memory_space<vmem>>) semaphore(%run_scoped3A : memref<!tpu.dma_semaphore, #tpu.memory_space<semaphore_mem>>) {add = true}
        %dma_wait3A_4439 = arith.constant 1152 : i32
        %dma_wait3A_4440 = arith.constant 0 : i32
        %dma_wait3A_4441 = tpu.memref_slice %arg9[%dma_wait3A_4439, %dma_wait3A_4440] : memref<2000x32xf32, #tpu.memory_space<vmem>> -> memref<128x32xf32, #tpu.memory_space<vmem>>
        %dma_wait3A_4442 = arith.constant 1152 : i32
        %dma_wait3A_4443 = tpu.memref_slice %arg6[%select_n3A_2193, %dma_wait3A_4442] : memref<2x2000xi32, #tpu.memory_space<vmem>> -> memref<1x128xi32, #tpu.memory_space<vmem>>
        %dma_wait3A_4444 = tpu.memref_squeeze %dma_wait3A_4443 : memref<1x128xi32, #tpu.memory_space<vmem>> -> memref<128xi32, #tpu.memory_space<vmem>>
        %dma_wait3A_4445 = arith.constant 0 : i32
        %dma_wait3A_4446 = arith.constant 0 : i32
        %dma_wait3A_4447 = tpu.memref_slice %arg10[%select_n3A_2217, %dma_wait3A_4445, %dma_wait3A_4446] : memref<2x10000x32xf32, #tpu.memory_space<vmem_shared>> -> memref<1x10000x32xf32, #tpu.memory_space<vmem_shared>>
        %dma_wait3A_4448 = tpu.memref_squeeze %dma_wait3A_4447 : memref<1x10000x32xf32, #tpu.memory_space<vmem_shared>> -> memref<10000x32xf32, #tpu.memory_space<vmem_shared>>
        %dma_wait3A_4449 = arith.constant 0 : i32
        %dma_wait3A_4450 = arith.constant 0 : i32
        %dma_wait3A_4451 = tpu.memref_slice %dma_wait3A_4448[%dma_wait3A_4449, %dma_wait3A_4450] : memref<10000x32xf32, #tpu.memory_space<vmem_shared>> -> memref<10000x32xf32, #tpu.memory_space<vmem_shared>>
        tpu.wait_indirect_dma semaphore(%run_scoped3A : memref<!tpu.dma_semaphore, #tpu.memory_space<semaphore_mem>>) src(%dma_wait3A_4441 : memref<128x32xf32, #tpu.memory_space<vmem>>) dst(%dma_wait3A_4451 : memref<10000x32xf32, #tpu.memory_space<vmem_shared>>)
        tpu.yield
      }) : () -> ()
      %dma_wait3A_4277 = arith.constant 1280 : i32
      %dma_wait3A_4278 = arith.constant 0 : i32
      %dma_wait3A_4279 = tpu.memref_slice %arg9[%dma_wait3A_4277, %dma_wait3A_4278] : memref<2000x32xf32, #tpu.memory_space<vmem>> -> memref<128x32xf32, #tpu.memory_space<vmem>>
      %dma_wait3A_4280 = arith.constant 1280 : i32
      %dma_wait3A_4281 = tpu.memref_slice %arg8[%select_n3A_2193, %dma_wait3A_4280] : memref<2x2000xi32, #tpu.memory_space<vmem>> -> memref<1x128xi32, #tpu.memory_space<vmem>>
      %dma_wait3A_4282 = tpu.memref_squeeze %dma_wait3A_4281 : memref<1x128xi32, #tpu.memory_space<vmem>> -> memref<128xi32, #tpu.memory_space<vmem>>
      %dma_wait3A_4283 = arith.constant 0 : i32
      %dma_wait3A_4284 = arith.constant 0 : i32
      %dma_wait3A_4285 = tpu.memref_slice %arg2[%dma_wait3A_4283, %dma_wait3A_4284] : memref<40000x32xf32, #tpu.memory_space<hbm>> -> memref<40000x32xf32, #tpu.memory_space<hbm>>
      tpu.wait_indirect_dma semaphore(%arg11 : memref<!tpu.dma_semaphore, #tpu.memory_space<semaphore_mem>>) src(%dma_wait3A_4285 : memref<40000x32xf32, #tpu.memory_space<hbm>>) dst(%dma_wait3A_4279 : memref<128x32xf32, #tpu.memory_space<vmem>>)
      "tpu.region"() ({
        %run_scoped3A = tpu.sem_alloc : memref<!tpu.dma_semaphore, #tpu.memory_space<semaphore_mem>>
        %dma_start3A_4426 = arith.constant 1280 : i32
        %dma_start3A_4427 = arith.constant 0 : i32
        %dma_start3A_4428 = tpu.memref_slice %arg9[%dma_start3A_4426, %dma_start3A_4427] : memref<2000x32xf32, #tpu.memory_space<vmem>> -> memref<128x32xf32, #tpu.memory_space<vmem>>
        %dma_start3A_4429 = arith.constant 1280 : i32
        %dma_start3A_4430 = tpu.memref_slice %arg6[%select_n3A_2193, %dma_start3A_4429] : memref<2x2000xi32, #tpu.memory_space<vmem>> -> memref<1x128xi32, #tpu.memory_space<vmem>>
        %dma_start3A_4431 = tpu.memref_squeeze %dma_start3A_4430 : memref<1x128xi32, #tpu.memory_space<vmem>> -> memref<128xi32, #tpu.memory_space<vmem>>
        %dma_start3A_4432 = arith.constant 0 : i32
        %dma_start3A_4433 = arith.constant 0 : i32
        %dma_start3A_4434 = tpu.memref_slice %arg10[%select_n3A_2217, %dma_start3A_4432, %dma_start3A_4433] : memref<2x10000x32xf32, #tpu.memory_space<vmem_shared>> -> memref<1x10000x32xf32, #tpu.memory_space<vmem_shared>>
        %dma_start3A_4435 = tpu.memref_squeeze %dma_start3A_4434 : memref<1x10000x32xf32, #tpu.memory_space<vmem_shared>> -> memref<10000x32xf32, #tpu.memory_space<vmem_shared>>
        %dma_start3A_4436 = arith.constant 0 : i32
        %dma_start3A_4437 = arith.constant 0 : i32
        %dma_start3A_4438 = tpu.memref_slice %dma_start3A_4435[%dma_start3A_4436, %dma_start3A_4437] : memref<10000x32xf32, #tpu.memory_space<vmem_shared>> -> memref<10000x32xf32, #tpu.memory_space<vmem_shared>>
        tpu.enqueue_indirect_dma source(%dma_start3A_4428 : memref<128x32xf32, #tpu.memory_space<vmem>>) target(%dma_start3A_4438 : memref<10000x32xf32, #tpu.memory_space<vmem_shared>>) offsets(%dma_start3A_4431 : memref<128xi32, #tpu.memory_space<vmem>>) semaphore(%run_scoped3A : memref<!tpu.dma_semaphore, #tpu.memory_space<semaphore_mem>>) {add = true}
        %dma_wait3A_4439 = arith.constant 1280 : i32
        %dma_wait3A_4440 = arith.constant 0 : i32
        %dma_wait3A_4441 = tpu.memref_slice %arg9[%dma_wait3A_4439, %dma_wait3A_4440] : memref<2000x32xf32, #tpu.memory_space<vmem>> -> memref<128x32xf32, #tpu.memory_space<vmem>>
        %dma_wait3A_4442 = arith.constant 1280 : i32
        %dma_wait3A_4443 = tpu.memref_slice %arg6[%select_n3A_2193, %dma_wait3A_4442] : memref<2x2000xi32, #tpu.memory_space<vmem>> -> memref<1x128xi32, #tpu.memory_space<vmem>>
        %dma_wait3A_4444 = tpu.memref_squeeze %dma_wait3A_4443 : memref<1x128xi32, #tpu.memory_space<vmem>> -> memref<128xi32, #tpu.memory_space<vmem>>
        %dma_wait3A_4445 = arith.constant 0 : i32
        %dma_wait3A_4446 = arith.constant 0 : i32
        %dma_wait3A_4447 = tpu.memref_slice %arg10[%select_n3A_2217, %dma_wait3A_4445, %dma_wait3A_4446] : memref<2x10000x32xf32, #tpu.memory_space<vmem_shared>> -> memref<1x10000x32xf32, #tpu.memory_space<vmem_shared>>
        %dma_wait3A_4448 = tpu.memref_squeeze %dma_wait3A_4447 : memref<1x10000x32xf32, #tpu.memory_space<vmem_shared>> -> memref<10000x32xf32, #tpu.memory_space<vmem_shared>>
        %dma_wait3A_4449 = arith.constant 0 : i32
        %dma_wait3A_4450 = arith.constant 0 : i32
        %dma_wait3A_4451 = tpu.memref_slice %dma_wait3A_4448[%dma_wait3A_4449, %dma_wait3A_4450] : memref<10000x32xf32, #tpu.memory_space<vmem_shared>> -> memref<10000x32xf32, #tpu.memory_space<vmem_shared>>
        tpu.wait_indirect_dma semaphore(%run_scoped3A : memref<!tpu.dma_semaphore, #tpu.memory_space<semaphore_mem>>) src(%dma_wait3A_4441 : memref<128x32xf32, #tpu.memory_space<vmem>>) dst(%dma_wait3A_4451 : memref<10000x32xf32, #tpu.memory_space<vmem_shared>>)
        tpu.yield
      }) : () -> ()
      %dma_wait3A_4286 = arith.constant 1408 : i32
      %dma_wait3A_4287 = arith.constant 0 : i32
      %dma_wait3A_4288 = tpu.memref_slice %arg9[%dma_wait3A_4286, %dma_wait3A_4287] : memref<2000x32xf32, #tpu.memory_space<vmem>> -> memref<128x32xf32, #tpu.memory_space<vmem>>
      %dma_wait3A_4289 = arith.constant 1408 : i32
      %dma_wait3A_4290 = tpu.memref_slice %arg8[%select_n3A_2193, %dma_wait3A_4289] : memref<2x2000xi32, #tpu.memory_space<vmem>> -> memref<1x128xi32, #tpu.memory_space<vmem>>
      %dma_wait3A_4291 = tpu.memref_squeeze %dma_wait3A_4290 : memref<1x128xi32, #tpu.memory_space<vmem>> -> memref<128xi32, #tpu.memory_space<vmem>>
      %dma_wait3A_4292 = arith.constant 0 : i32
      %dma_wait3A_4293 = arith.constant 0 : i32
      %dma_wait3A_4294 = tpu.memref_slice %arg2[%dma_wait3A_4292, %dma_wait3A_4293] : memref<40000x32xf32, #tpu.memory_space<hbm>> -> memref<40000x32xf32, #tpu.memory_space<hbm>>
      tpu.wait_indirect_dma semaphore(%arg11 : memref<!tpu.dma_semaphore, #tpu.memory_space<semaphore_mem>>) src(%dma_wait3A_4294 : memref<40000x32xf32, #tpu.memory_space<hbm>>) dst(%dma_wait3A_4288 : memref<128x32xf32, #tpu.memory_space<vmem>>)
      "tpu.region"() ({
        %run_scoped3A = tpu.sem_alloc : memref<!tpu.dma_semaphore, #tpu.memory_space<semaphore_mem>>
        %dma_start3A_4426 = arith.constant 1408 : i32
        %dma_start3A_4427 = arith.constant 0 : i32
        %dma_start3A_4428 = tpu.memref_slice %arg9[%dma_start3A_4426, %dma_start3A_4427] : memref<2000x32xf32, #tpu.memory_space<vmem>> -> memref<128x32xf32, #tpu.memory_space<vmem>>
        %dma_start3A_4429 = arith.constant 1408 : i32
        %dma_start3A_4430 = tpu.memref_slice %arg6[%select_n3A_2193, %dma_start3A_4429] : memref<2x2000xi32, #tpu.memory_space<vmem>> -> memref<1x128xi32, #tpu.memory_space<vmem>>
        %dma_start3A_4431 = tpu.memref_squeeze %dma_start3A_4430 : memref<1x128xi32, #tpu.memory_space<vmem>> -> memref<128xi32, #tpu.memory_space<vmem>>
        %dma_start3A_4432 = arith.constant 0 : i32
        %dma_start3A_4433 = arith.constant 0 : i32
        %dma_start3A_4434 = tpu.memref_slice %arg10[%select_n3A_2217, %dma_start3A_4432, %dma_start3A_4433] : memref<2x10000x32xf32, #tpu.memory_space<vmem_shared>> -> memref<1x10000x32xf32, #tpu.memory_space<vmem_shared>>
        %dma_start3A_4435 = tpu.memref_squeeze %dma_start3A_4434 : memref<1x10000x32xf32, #tpu.memory_space<vmem_shared>> -> memref<10000x32xf32, #tpu.memory_space<vmem_shared>>
        %dma_start3A_4436 = arith.constant 0 : i32
        %dma_start3A_4437 = arith.constant 0 : i32
        %dma_start3A_4438 = tpu.memref_slice %dma_start3A_4435[%dma_start3A_4436, %dma_start3A_4437] : memref<10000x32xf32, #tpu.memory_space<vmem_shared>> -> memref<10000x32xf32, #tpu.memory_space<vmem_shared>>
        tpu.enqueue_indirect_dma source(%dma_start3A_4428 : memref<128x32xf32, #tpu.memory_space<vmem>>) target(%dma_start3A_4438 : memref<10000x32xf32, #tpu.memory_space<vmem_shared>>) offsets(%dma_start3A_4431 : memref<128xi32, #tpu.memory_space<vmem>>) semaphore(%run_scoped3A : memref<!tpu.dma_semaphore, #tpu.memory_space<semaphore_mem>>) {add = true}
        %dma_wait3A_4439 = arith.constant 1408 : i32
        %dma_wait3A_4440 = arith.constant 0 : i32
        %dma_wait3A_4441 = tpu.memref_slice %arg9[%dma_wait3A_4439, %dma_wait3A_4440] : memref<2000x32xf32, #tpu.memory_space<vmem>> -> memref<128x32xf32, #tpu.memory_space<vmem>>
        %dma_wait3A_4442 = arith.constant 1408 : i32
        %dma_wait3A_4443 = tpu.memref_slice %arg6[%select_n3A_2193, %dma_wait3A_4442] : memref<2x2000xi32, #tpu.memory_space<vmem>> -> memref<1x128xi32, #tpu.memory_space<vmem>>
        %dma_wait3A_4444 = tpu.memref_squeeze %dma_wait3A_4443 : memref<1x128xi32, #tpu.memory_space<vmem>> -> memref<128xi32, #tpu.memory_space<vmem>>
        %dma_wait3A_4445 = arith.constant 0 : i32
        %dma_wait3A_4446 = arith.constant 0 : i32
        %dma_wait3A_4447 = tpu.memref_slice %arg10[%select_n3A_2217, %dma_wait3A_4445, %dma_wait3A_4446] : memref<2x10000x32xf32, #tpu.memory_space<vmem_shared>> -> memref<1x10000x32xf32, #tpu.memory_space<vmem_shared>>
        %dma_wait3A_4448 = tpu.memref_squeeze %dma_wait3A_4447 : memref<1x10000x32xf32, #tpu.memory_space<vmem_shared>> -> memref<10000x32xf32, #tpu.memory_space<vmem_shared>>
        %dma_wait3A_4449 = arith.constant 0 : i32
        %dma_wait3A_4450 = arith.constant 0 : i32
        %dma_wait3A_4451 = tpu.memref_slice %dma_wait3A_4448[%dma_wait3A_4449, %dma_wait3A_4450] : memref<10000x32xf32, #tpu.memory_space<vmem_shared>> -> memref<10000x32xf32, #tpu.memory_space<vmem_shared>>
        tpu.wait_indirect_dma semaphore(%run_scoped3A : memref<!tpu.dma_semaphore, #tpu.memory_space<semaphore_mem>>) src(%dma_wait3A_4441 : memref<128x32xf32, #tpu.memory_space<vmem>>) dst(%dma_wait3A_4451 : memref<10000x32xf32, #tpu.memory_space<vmem_shared>>)
        tpu.yield
      }) : () -> ()
      %dma_wait3A_4295 = arith.constant 1536 : i32
      %dma_wait3A_4296 = arith.constant 0 : i32
      %dma_wait3A_4297 = tpu.memref_slice %arg9[%dma_wait3A_4295, %dma_wait3A_4296] : memref<2000x32xf32, #tpu.memory_space<vmem>> -> memref<128x32xf32, #tpu.memory_space<vmem>>
      %dma_wait3A_4298 = arith.constant 1536 : i32
      %dma_wait3A_4299 = tpu.memref_slice %arg8[%select_n3A_2193, %dma_wait3A_4298] : memref<2x2000xi32, #tpu.memory_space<vmem>> -> memref<1x128xi32, #tpu.memory_space<vmem>>
      %dma_wait3A_4300 = tpu.memref_squeeze %dma_wait3A_4299 : memref<1x128xi32, #tpu.memory_space<vmem>> -> memref<128xi32, #tpu.memory_space<vmem>>
      %dma_wait3A_4301 = arith.constant 0 : i32
      %dma_wait3A_4302 = arith.constant 0 : i32
      %dma_wait3A_4303 = tpu.memref_slice %arg2[%dma_wait3A_4301, %dma_wait3A_4302] : memref<40000x32xf32, #tpu.memory_space<hbm>> -> memref<40000x32xf32, #tpu.memory_space<hbm>>
      tpu.wait_indirect_dma semaphore(%arg11 : memref<!tpu.dma_semaphore, #tpu.memory_space<semaphore_mem>>) src(%dma_wait3A_4303 : memref<40000x32xf32, #tpu.memory_space<hbm>>) dst(%dma_wait3A_4297 : memref<128x32xf32, #tpu.memory_space<vmem>>)
      "tpu.region"() ({
        %run_scoped3A = tpu.sem_alloc : memref<!tpu.dma_semaphore, #tpu.memory_space<semaphore_mem>>
        %dma_start3A_4426 = arith.constant 1536 : i32
        %dma_start3A_4427 = arith.constant 0 : i32
        %dma_start3A_4428 = tpu.memref_slice %arg9[%dma_start3A_4426, %dma_start3A_4427] : memref<2000x32xf32, #tpu.memory_space<vmem>> -> memref<128x32xf32, #tpu.memory_space<vmem>>
        %dma_start3A_4429 = arith.constant 1536 : i32
        %dma_start3A_4430 = tpu.memref_slice %arg6[%select_n3A_2193, %dma_start3A_4429] : memref<2x2000xi32, #tpu.memory_space<vmem>> -> memref<1x128xi32, #tpu.memory_space<vmem>>
        %dma_start3A_4431 = tpu.memref_squeeze %dma_start3A_4430 : memref<1x128xi32, #tpu.memory_space<vmem>> -> memref<128xi32, #tpu.memory_space<vmem>>
        %dma_start3A_4432 = arith.constant 0 : i32
        %dma_start3A_4433 = arith.constant 0 : i32
        %dma_start3A_4434 = tpu.memref_slice %arg10[%select_n3A_2217, %dma_start3A_4432, %dma_start3A_4433] : memref<2x10000x32xf32, #tpu.memory_space<vmem_shared>> -> memref<1x10000x32xf32, #tpu.memory_space<vmem_shared>>
        %dma_start3A_4435 = tpu.memref_squeeze %dma_start3A_4434 : memref<1x10000x32xf32, #tpu.memory_space<vmem_shared>> -> memref<10000x32xf32, #tpu.memory_space<vmem_shared>>
        %dma_start3A_4436 = arith.constant 0 : i32
        %dma_start3A_4437 = arith.constant 0 : i32
        %dma_start3A_4438 = tpu.memref_slice %dma_start3A_4435[%dma_start3A_4436, %dma_start3A_4437] : memref<10000x32xf32, #tpu.memory_space<vmem_shared>> -> memref<10000x32xf32, #tpu.memory_space<vmem_shared>>
        tpu.enqueue_indirect_dma source(%dma_start3A_4428 : memref<128x32xf32, #tpu.memory_space<vmem>>) target(%dma_start3A_4438 : memref<10000x32xf32, #tpu.memory_space<vmem_shared>>) offsets(%dma_start3A_4431 : memref<128xi32, #tpu.memory_space<vmem>>) semaphore(%run_scoped3A : memref<!tpu.dma_semaphore, #tpu.memory_space<semaphore_mem>>) {add = true}
        %dma_wait3A_4439 = arith.constant 1536 : i32
        %dma_wait3A_4440 = arith.constant 0 : i32
        %dma_wait3A_4441 = tpu.memref_slice %arg9[%dma_wait3A_4439, %dma_wait3A_4440] : memref<2000x32xf32, #tpu.memory_space<vmem>> -> memref<128x32xf32, #tpu.memory_space<vmem>>
        %dma_wait3A_4442 = arith.constant 1536 : i32
        %dma_wait3A_4443 = tpu.memref_slice %arg6[%select_n3A_2193, %dma_wait3A_4442] : memref<2x2000xi32, #tpu.memory_space<vmem>> -> memref<1x128xi32, #tpu.memory_space<vmem>>
        %dma_wait3A_4444 = tpu.memref_squeeze %dma_wait3A_4443 : memref<1x128xi32, #tpu.memory_space<vmem>> -> memref<128xi32, #tpu.memory_space<vmem>>
        %dma_wait3A_4445 = arith.constant 0 : i32
        %dma_wait3A_4446 = arith.constant 0 : i32
        %dma_wait3A_4447 = tpu.memref_slice %arg10[%select_n3A_2217, %dma_wait3A_4445, %dma_wait3A_4446] : memref<2x10000x32xf32, #tpu.memory_space<vmem_shared>> -> memref<1x10000x32xf32, #tpu.memory_space<vmem_shared>>
        %dma_wait3A_4448 = tpu.memref_squeeze %dma_wait3A_4447 : memref<1x10000x32xf32, #tpu.memory_space<vmem_shared>> -> memref<10000x32xf32, #tpu.memory_space<vmem_shared>>
        %dma_wait3A_4449 = arith.constant 0 : i32
        %dma_wait3A_4450 = arith.constant 0 : i32
        %dma_wait3A_4451 = tpu.memref_slice %dma_wait3A_4448[%dma_wait3A_4449, %dma_wait3A_4450] : memref<10000x32xf32, #tpu.memory_space<vmem_shared>> -> memref<10000x32xf32, #tpu.memory_space<vmem_shared>>
        tpu.wait_indirect_dma semaphore(%run_scoped3A : memref<!tpu.dma_semaphore, #tpu.memory_space<semaphore_mem>>) src(%dma_wait3A_4441 : memref<128x32xf32, #tpu.memory_space<vmem>>) dst(%dma_wait3A_4451 : memref<10000x32xf32, #tpu.memory_space<vmem_shared>>)
        tpu.yield
      }) : () -> ()
      %dma_wait3A_4304 = arith.constant 1664 : i32
      %dma_wait3A_4305 = arith.constant 0 : i32
      %dma_wait3A_4306 = tpu.memref_slice %arg9[%dma_wait3A_4304, %dma_wait3A_4305] : memref<2000x32xf32, #tpu.memory_space<vmem>> -> memref<128x32xf32, #tpu.memory_space<vmem>>
      %dma_wait3A_4307 = arith.constant 1664 : i32
      %dma_wait3A_4308 = tpu.memref_slice %arg8[%select_n3A_2193, %dma_wait3A_4307] : memref<2x2000xi32, #tpu.memory_space<vmem>> -> memref<1x128xi32, #tpu.memory_space<vmem>>
      %dma_wait3A_4309 = tpu.memref_squeeze %dma_wait3A_4308 : memref<1x128xi32, #tpu.memory_space<vmem>> -> memref<128xi32, #tpu.memory_space<vmem>>
      %dma_wait3A_4310 = arith.constant 0 : i32
      %dma_wait3A_4311 = arith.constant 0 : i32
      %dma_wait3A_4312 = tpu.memref_slice %arg2[%dma_wait3A_4310, %dma_wait3A_4311] : memref<40000x32xf32, #tpu.memory_space<hbm>> -> memref<40000x32xf32, #tpu.memory_space<hbm>>
      tpu.wait_indirect_dma semaphore(%arg11 : memref<!tpu.dma_semaphore, #tpu.memory_space<semaphore_mem>>) src(%dma_wait3A_4312 : memref<40000x32xf32, #tpu.memory_space<hbm>>) dst(%dma_wait3A_4306 : memref<128x32xf32, #tpu.memory_space<vmem>>)
      "tpu.region"() ({
        %run_scoped3A = tpu.sem_alloc : memref<!tpu.dma_semaphore, #tpu.memory_space<semaphore_mem>>
        %dma_start3A_4426 = arith.constant 1664 : i32
        %dma_start3A_4427 = arith.constant 0 : i32
        %dma_start3A_4428 = tpu.memref_slice %arg9[%dma_start3A_4426, %dma_start3A_4427] : memref<2000x32xf32, #tpu.memory_space<vmem>> -> memref<128x32xf32, #tpu.memory_space<vmem>>
        %dma_start3A_4429 = arith.constant 1664 : i32
        %dma_start3A_4430 = tpu.memref_slice %arg6[%select_n3A_2193, %dma_start3A_4429] : memref<2x2000xi32, #tpu.memory_space<vmem>> -> memref<1x128xi32, #tpu.memory_space<vmem>>
        %dma_start3A_4431 = tpu.memref_squeeze %dma_start3A_4430 : memref<1x128xi32, #tpu.memory_space<vmem>> -> memref<128xi32, #tpu.memory_space<vmem>>
        %dma_start3A_4432 = arith.constant 0 : i32
        %dma_start3A_4433 = arith.constant 0 : i32
        %dma_start3A_4434 = tpu.memref_slice %arg10[%select_n3A_2217, %dma_start3A_4432, %dma_start3A_4433] : memref<2x10000x32xf32, #tpu.memory_space<vmem_shared>> -> memref<1x10000x32xf32, #tpu.memory_space<vmem_shared>>
        %dma_start3A_4435 = tpu.memref_squeeze %dma_start3A_4434 : memref<1x10000x32xf32, #tpu.memory_space<vmem_shared>> -> memref<10000x32xf32, #tpu.memory_space<vmem_shared>>
        %dma_start3A_4436 = arith.constant 0 : i32
        %dma_start3A_4437 = arith.constant 0 : i32
        %dma_start3A_4438 = tpu.memref_slice %dma_start3A_4435[%dma_start3A_4436, %dma_start3A_4437] : memref<10000x32xf32, #tpu.memory_space<vmem_shared>> -> memref<10000x32xf32, #tpu.memory_space<vmem_shared>>
        tpu.enqueue_indirect_dma source(%dma_start3A_4428 : memref<128x32xf32, #tpu.memory_space<vmem>>) target(%dma_start3A_4438 : memref<10000x32xf32, #tpu.memory_space<vmem_shared>>) offsets(%dma_start3A_4431 : memref<128xi32, #tpu.memory_space<vmem>>) semaphore(%run_scoped3A : memref<!tpu.dma_semaphore, #tpu.memory_space<semaphore_mem>>) {add = true}
        %dma_wait3A_4439 = arith.constant 1664 : i32
        %dma_wait3A_4440 = arith.constant 0 : i32
        %dma_wait3A_4441 = tpu.memref_slice %arg9[%dma_wait3A_4439, %dma_wait3A_4440] : memref<2000x32xf32, #tpu.memory_space<vmem>> -> memref<128x32xf32, #tpu.memory_space<vmem>>
        %dma_wait3A_4442 = arith.constant 1664 : i32
        %dma_wait3A_4443 = tpu.memref_slice %arg6[%select_n3A_2193, %dma_wait3A_4442] : memref<2x2000xi32, #tpu.memory_space<vmem>> -> memref<1x128xi32, #tpu.memory_space<vmem>>
        %dma_wait3A_4444 = tpu.memref_squeeze %dma_wait3A_4443 : memref<1x128xi32, #tpu.memory_space<vmem>> -> memref<128xi32, #tpu.memory_space<vmem>>
        %dma_wait3A_4445 = arith.constant 0 : i32
        %dma_wait3A_4446 = arith.constant 0 : i32
        %dma_wait3A_4447 = tpu.memref_slice %arg10[%select_n3A_2217, %dma_wait3A_4445, %dma_wait3A_4446] : memref<2x10000x32xf32, #tpu.memory_space<vmem_shared>> -> memref<1x10000x32xf32, #tpu.memory_space<vmem_shared>>
        %dma_wait3A_4448 = tpu.memref_squeeze %dma_wait3A_4447 : memref<1x10000x32xf32, #tpu.memory_space<vmem_shared>> -> memref<10000x32xf32, #tpu.memory_space<vmem_shared>>
        %dma_wait3A_4449 = arith.constant 0 : i32
        %dma_wait3A_4450 = arith.constant 0 : i32
        %dma_wait3A_4451 = tpu.memref_slice %dma_wait3A_4448[%dma_wait3A_4449, %dma_wait3A_4450] : memref<10000x32xf32, #tpu.memory_space<vmem_shared>> -> memref<10000x32xf32, #tpu.memory_space<vmem_shared>>
        tpu.wait_indirect_dma semaphore(%run_scoped3A : memref<!tpu.dma_semaphore, #tpu.memory_space<semaphore_mem>>) src(%dma_wait3A_4441 : memref<128x32xf32, #tpu.memory_space<vmem>>) dst(%dma_wait3A_4451 : memref<10000x32xf32, #tpu.memory_space<vmem_shared>>)
        tpu.yield
      }) : () -> ()
      %dma_wait3A_4313 = arith.constant 1792 : i32
      %dma_wait3A_4314 = arith.constant 0 : i32
      %dma_wait3A_4315 = tpu.memref_slice %arg9[%dma_wait3A_4313, %dma_wait3A_4314] : memref<2000x32xf32, #tpu.memory_space<vmem>> -> memref<128x32xf32, #tpu.memory_space<vmem>>
      %dma_wait3A_4316 = arith.constant 1792 : i32
      %dma_wait3A_4317 = tpu.memref_slice %arg8[%select_n3A_2193, %dma_wait3A_4316] : memref<2x2000xi32, #tpu.memory_space<vmem>> -> memref<1x128xi32, #tpu.memory_space<vmem>>
      %dma_wait3A_4318 = tpu.memref_squeeze %dma_wait3A_4317 : memref<1x128xi32, #tpu.memory_space<vmem>> -> memref<128xi32, #tpu.memory_space<vmem>>
      %dma_wait3A_4319 = arith.constant 0 : i32
      %dma_wait3A_4320 = arith.constant 0 : i32
      %dma_wait3A_4321 = tpu.memref_slice %arg2[%dma_wait3A_4319, %dma_wait3A_4320] : memref<40000x32xf32, #tpu.memory_space<hbm>> -> memref<40000x32xf32, #tpu.memory_space<hbm>>
      tpu.wait_indirect_dma semaphore(%arg11 : memref<!tpu.dma_semaphore, #tpu.memory_space<semaphore_mem>>) src(%dma_wait3A_4321 : memref<40000x32xf32, #tpu.memory_space<hbm>>) dst(%dma_wait3A_4315 : memref<128x32xf32, #tpu.memory_space<vmem>>)
      "tpu.region"() ({
        %run_scoped3A = tpu.sem_alloc : memref<!tpu.dma_semaphore, #tpu.memory_space<semaphore_mem>>
        %dma_start3A_4426 = arith.constant 1792 : i32
        %dma_start3A_4427 = arith.constant 0 : i32
        %dma_start3A_4428 = tpu.memref_slice %arg9[%dma_start3A_4426, %dma_start3A_4427] : memref<2000x32xf32, #tpu.memory_space<vmem>> -> memref<128x32xf32, #tpu.memory_space<vmem>>
        %dma_start3A_4429 = arith.constant 1792 : i32
        %dma_start3A_4430 = tpu.memref_slice %arg6[%select_n3A_2193, %dma_start3A_4429] : memref<2x2000xi32, #tpu.memory_space<vmem>> -> memref<1x128xi32, #tpu.memory_space<vmem>>
        %dma_start3A_4431 = tpu.memref_squeeze %dma_start3A_4430 : memref<1x128xi32, #tpu.memory_space<vmem>> -> memref<128xi32, #tpu.memory_space<vmem>>
        %dma_start3A_4432 = arith.constant 0 : i32
        %dma_start3A_4433 = arith.constant 0 : i32
        %dma_start3A_4434 = tpu.memref_slice %arg10[%select_n3A_2217, %dma_start3A_4432, %dma_start3A_4433] : memref<2x10000x32xf32, #tpu.memory_space<vmem_shared>> -> memref<1x10000x32xf32, #tpu.memory_space<vmem_shared>>
        %dma_start3A_4435 = tpu.memref_squeeze %dma_start3A_4434 : memref<1x10000x32xf32, #tpu.memory_space<vmem_shared>> -> memref<10000x32xf32, #tpu.memory_space<vmem_shared>>
        %dma_start3A_4436 = arith.constant 0 : i32
        %dma_start3A_4437 = arith.constant 0 : i32
        %dma_start3A_4438 = tpu.memref_slice %dma_start3A_4435[%dma_start3A_4436, %dma_start3A_4437] : memref<10000x32xf32, #tpu.memory_space<vmem_shared>> -> memref<10000x32xf32, #tpu.memory_space<vmem_shared>>
        tpu.enqueue_indirect_dma source(%dma_start3A_4428 : memref<128x32xf32, #tpu.memory_space<vmem>>) target(%dma_start3A_4438 : memref<10000x32xf32, #tpu.memory_space<vmem_shared>>) offsets(%dma_start3A_4431 : memref<128xi32, #tpu.memory_space<vmem>>) semaphore(%run_scoped3A : memref<!tpu.dma_semaphore, #tpu.memory_space<semaphore_mem>>) {add = true}
        %dma_wait3A_4439 = arith.constant 1792 : i32
        %dma_wait3A_4440 = arith.constant 0 : i32
        %dma_wait3A_4441 = tpu.memref_slice %arg9[%dma_wait3A_4439, %dma_wait3A_4440] : memref<2000x32xf32, #tpu.memory_space<vmem>> -> memref<128x32xf32, #tpu.memory_space<vmem>>
        %dma_wait3A_4442 = arith.constant 1792 : i32
        %dma_wait3A_4443 = tpu.memref_slice %arg6[%select_n3A_2193, %dma_wait3A_4442] : memref<2x2000xi32, #tpu.memory_space<vmem>> -> memref<1x128xi32, #tpu.memory_space<vmem>>
        %dma_wait3A_4444 = tpu.memref_squeeze %dma_wait3A_4443 : memref<1x128xi32, #tpu.memory_space<vmem>> -> memref<128xi32, #tpu.memory_space<vmem>>
        %dma_wait3A_4445 = arith.constant 0 : i32
        %dma_wait3A_4446 = arith.constant 0 : i32
        %dma_wait3A_4447 = tpu.memref_slice %arg10[%select_n3A_2217, %dma_wait3A_4445, %dma_wait3A_4446] : memref<2x10000x32xf32, #tpu.memory_space<vmem_shared>> -> memref<1x10000x32xf32, #tpu.memory_space<vmem_shared>>
        %dma_wait3A_4448 = tpu.memref_squeeze %dma_wait3A_4447 : memref<1x10000x32xf32, #tpu.memory_space<vmem_shared>> -> memref<10000x32xf32, #tpu.memory_space<vmem_shared>>
        %dma_wait3A_4449 = arith.constant 0 : i32
        %dma_wait3A_4450 = arith.constant 0 : i32
        %dma_wait3A_4451 = tpu.memref_slice %dma_wait3A_4448[%dma_wait3A_4449, %dma_wait3A_4450] : memref<10000x32xf32, #tpu.memory_space<vmem_shared>> -> memref<10000x32xf32, #tpu.memory_space<vmem_shared>>
        tpu.wait_indirect_dma semaphore(%run_scoped3A : memref<!tpu.dma_semaphore, #tpu.memory_space<semaphore_mem>>) src(%dma_wait3A_4441 : memref<128x32xf32, #tpu.memory_space<vmem>>) dst(%dma_wait3A_4451 : memref<10000x32xf32, #tpu.memory_space<vmem_shared>>)
        tpu.yield
      }) : () -> ()
      %dma_wait3A_4322 = arith.constant 1920 : i32
      %dma_wait3A_4323 = arith.constant 0 : i32
      %dma_wait3A_4324 = tpu.memref_slice %arg9[%dma_wait3A_4322, %dma_wait3A_4323] : memref<2000x32xf32, #tpu.memory_space<vmem>> -> memref<80x32xf32, #tpu.memory_space<vmem>>
      %dma_wait3A_4325 = arith.constant 1920 : i32
      %dma_wait3A_4326 = tpu.memref_slice %arg8[%select_n3A_2193, %dma_wait3A_4325] : memref<2x2000xi32, #tpu.memory_space<vmem>> -> memref<1x80xi32, #tpu.memory_space<vmem>>
      %dma_wait3A_4327 = tpu.memref_squeeze %dma_wait3A_4326 : memref<1x80xi32, #tpu.memory_space<vmem>> -> memref<80xi32, #tpu.memory_space<vmem>>
      %dma_wait3A_4328 = arith.constant 0 : i32
      %dma_wait3A_4329 = arith.constant 0 : i32
      %dma_wait3A_4330 = tpu.memref_slice %arg2[%dma_wait3A_4328, %dma_wait3A_4329] : memref<40000x32xf32, #tpu.memory_space<hbm>> -> memref<40000x32xf32, #tpu.memory_space<hbm>>
      tpu.wait_indirect_dma semaphore(%arg11 : memref<!tpu.dma_semaphore, #tpu.memory_space<semaphore_mem>>) src(%dma_wait3A_4330 : memref<40000x32xf32, #tpu.memory_space<hbm>>) dst(%dma_wait3A_4324 : memref<80x32xf32, #tpu.memory_space<vmem>>)
      "tpu.region"() ({
        %run_scoped3A = tpu.sem_alloc : memref<!tpu.dma_semaphore, #tpu.memory_space<semaphore_mem>>
        %dma_start3A_4426 = arith.constant 1920 : i32
        %dma_start3A_4427 = arith.constant 0 : i32
        %dma_start3A_4428 = tpu.memref_slice %arg9[%dma_start3A_4426, %dma_start3A_4427] : memref<2000x32xf32, #tpu.memory_space<vmem>> -> memref<80x32xf32, #tpu.memory_space<vmem>>
        %dma_start3A_4429 = arith.constant 1920 : i32
        %dma_start3A_4430 = tpu.memref_slice %arg6[%select_n3A_2193, %dma_start3A_4429] : memref<2x2000xi32, #tpu.memory_space<vmem>> -> memref<1x80xi32, #tpu.memory_space<vmem>>
        %dma_start3A_4431 = tpu.memref_squeeze %dma_start3A_4430 : memref<1x80xi32, #tpu.memory_space<vmem>> -> memref<80xi32, #tpu.memory_space<vmem>>
        %dma_start3A_4432 = arith.constant 0 : i32
        %dma_start3A_4433 = arith.constant 0 : i32
        %dma_start3A_4434 = tpu.memref_slice %arg10[%select_n3A_2217, %dma_start3A_4432, %dma_start3A_4433] : memref<2x10000x32xf32, #tpu.memory_space<vmem_shared>> -> memref<1x10000x32xf32, #tpu.memory_space<vmem_shared>>
        %dma_start3A_4435 = tpu.memref_squeeze %dma_start3A_4434 : memref<1x10000x32xf32, #tpu.memory_space<vmem_shared>> -> memref<10000x32xf32, #tpu.memory_space<vmem_shared>>
        %dma_start3A_4436 = arith.constant 0 : i32
        %dma_start3A_4437 = arith.constant 0 : i32
        %dma_start3A_4438 = tpu.memref_slice %dma_start3A_4435[%dma_start3A_4436, %dma_start3A_4437] : memref<10000x32xf32, #tpu.memory_space<vmem_shared>> -> memref<10000x32xf32, #tpu.memory_space<vmem_shared>>
        tpu.enqueue_indirect_dma source(%dma_start3A_4428 : memref<80x32xf32, #tpu.memory_space<vmem>>) target(%dma_start3A_4438 : memref<10000x32xf32, #tpu.memory_space<vmem_shared>>) offsets(%dma_start3A_4431 : memref<80xi32, #tpu.memory_space<vmem>>) semaphore(%run_scoped3A : memref<!tpu.dma_semaphore, #tpu.memory_space<semaphore_mem>>) {add = true}
        %dma_wait3A_4439 = arith.constant 1920 : i32
        %dma_wait3A_4440 = arith.constant 0 : i32
        %dma_wait3A_4441 = tpu.memref_slice %arg9[%dma_wait3A_4439, %dma_wait3A_4440] : memref<2000x32xf32, #tpu.memory_space<vmem>> -> memref<80x32xf32, #tpu.memory_space<vmem>>
        %dma_wait3A_4442 = arith.constant 1920 : i32
        %dma_wait3A_4443 = tpu.memref_slice %arg6[%select_n3A_2193, %dma_wait3A_4442] : memref<2x2000xi32, #tpu.memory_space<vmem>> -> memref<1x80xi32, #tpu.memory_space<vmem>>
        %dma_wait3A_4444 = tpu.memref_squeeze %dma_wait3A_4443 : memref<1x80xi32, #tpu.memory_space<vmem>> -> memref<80xi32, #tpu.memory_space<vmem>>
        %dma_wait3A_4445 = arith.constant 0 : i32
        %dma_wait3A_4446 = arith.constant 0 : i32
        %dma_wait3A_4447 = tpu.memref_slice %arg10[%select_n3A_2217, %dma_wait3A_4445, %dma_wait3A_4446] : memref<2x10000x32xf32, #tpu.memory_space<vmem_shared>> -> memref<1x10000x32xf32, #tpu.memory_space<vmem_shared>>
        %dma_wait3A_4448 = tpu.memref_squeeze %dma_wait3A_4447 : memref<1x10000x32xf32, #tpu.memory_space<vmem_shared>> -> memref<10000x32xf32, #tpu.memory_space<vmem_shared>>
        %dma_wait3A_4449 = arith.constant 0 : i32
        %dma_wait3A_4450 = arith.constant 0 : i32
        %dma_wait3A_4451 = tpu.memref_slice %dma_wait3A_4448[%dma_wait3A_4449, %dma_wait3A_4450] : memref<10000x32xf32, #tpu.memory_space<vmem_shared>> -> memref<10000x32xf32, #tpu.memory_space<vmem_shared>>
        tpu.wait_indirect_dma semaphore(%run_scoped3A : memref<!tpu.dma_semaphore, #tpu.memory_space<semaphore_mem>>) src(%dma_wait3A_4441 : memref<80x32xf32, #tpu.memory_space<vmem>>) dst(%dma_wait3A_4451 : memref<10000x32xf32, #tpu.memory_space<vmem_shared>>)
        tpu.yield
      }) : () -> ()
      %add3A_4331 = arith.constant 2 : i32
      %add3A_4332 = arith.addi %scan3A_2177, %add3A_4331 : i32
      %jit3A_4333 = arith.constant 20 : i32
      %eq3A_4334 = arith.constant 0 : i32
      %eq3A_4335 = arith.cmpi eq, %jit3A_4333, %eq3A_4334 : i32
      %jit3A_4336 = arith.constant 1 : i32
      %select_n3A_4337 = arith.select %eq3A_4335, %jit3A_4336, %jit3A_4333 : i32
      %rem3A_4338 = arith.remsi %add3A_4332, %select_n3A_4337 : i32
      %ne3A_4339 = arith.constant 0 : i32
      %ne3A_4340 = arith.cmpi ne, %rem3A_4338, %ne3A_4339 : i32
      %lt3A_4341 = arith.constant 0 : i32
      %lt3A_4342 = arith.cmpi slt, %rem3A_4338, %lt3A_4341 : i32
      %lt3A_4343 = arith.constant 0 : i32
      %lt3A_4344 = arith.cmpi slt, %select_n3A_4337, %lt3A_4343 : i32
      %ne3A_4345 = arith.xori %lt3A_4342, %lt3A_4344 : i1
      %and3A_4346 = arith.andi %ne3A_4345, %ne3A_4340 : i1
      %add3A_4347 = arith.addi %rem3A_4338, %select_n3A_4337 : i32
      %select_n3A_4348 = arith.select %and3A_4346, %add3A_4347, %rem3A_4338 : i32
      %jit3A_4349 = arith.constant 10 : i32
      %div3A_4350 = arith.divsi %select_n3A_4348, %jit3A_4349 : i32
      %sign3A_4351 = arith.constant 0 : i32
      %sign3A_4352 = arith.cmpi sgt, %select_n3A_4348, %sign3A_4351 : i32
      %sign3A_4353 = arith.extui %sign3A_4352 : i1 to i32
      %sign3A_4354 = arith.constant 0 : i32
      %sign3A_4355 = arith.cmpi slt, %select_n3A_4348, %sign3A_4354 : i32
      %sign3A_4356 = arith.extui %sign3A_4355 : i1 to i32
      %sign3A_4357 = arith.subi %sign3A_4353, %sign3A_4356 : i32
      %sign3A_4358 = arith.constant 0 : i32
      %sign3A_4359 = arith.cmpi sgt, %jit3A_4349, %sign3A_4358 : i32
      %sign3A_4360 = arith.extui %sign3A_4359 : i1 to i32
      %sign3A_4361 = arith.constant 0 : i32
      %sign3A_4362 = arith.cmpi slt, %jit3A_4349, %sign3A_4361 : i32
      %sign3A_4363 = arith.extui %sign3A_4362 : i1 to i32
      %sign3A_4364 = arith.subi %sign3A_4360, %sign3A_4363 : i32
      %ne3A_4365 = arith.cmpi ne, %sign3A_4357, %sign3A_4364 : i32
      %rem3A_4366 = arith.remsi %select_n3A_4348, %jit3A_4349 : i32
      %ne3A_4367 = arith.constant 0 : i32
      %ne3A_4368 = arith.cmpi ne, %rem3A_4366, %ne3A_4367 : i32
      %and3A_4369 = arith.andi %ne3A_4365, %ne3A_4368 : i1
      %sub3A_4370 = arith.constant 1 : i32
      %sub3A_4371 = arith.subi %div3A_4350, %sub3A_4370 : i32
      %select_n3A_4372 = arith.select %and3A_4369, %sub3A_4371, %div3A_4350 : i32
      %mul3A_4373 = arith.constant 20000 : i32
      %mul3A_4374 = arith.muli %arg1, %mul3A_4373 : i32
      %jit3A_4375 = arith.constant 10 : i32
      %eq3A_4376 = arith.constant 0 : i32
      %eq3A_4377 = arith.cmpi eq, %jit3A_4375, %eq3A_4376 : i32
      %jit3A_4378 = arith.constant 1 : i32
      %select_n3A_4379 = arith.select %eq3A_4377, %jit3A_4378, %jit3A_4375 : i32
      %rem3A_4380 = arith.remsi %select_n3A_4348, %select_n3A_4379 : i32
      %ne3A_4381 = arith.constant 0 : i32
      %ne3A_4382 = arith.cmpi ne, %rem3A_4380, %ne3A_4381 : i32
      %lt3A_4383 = arith.constant 0 : i32
      %lt3A_4384 = arith.cmpi slt, %rem3A_4380, %lt3A_4383 : i32
      %lt3A_4385 = arith.constant 0 : i32
      %lt3A_4386 = arith.cmpi slt, %select_n3A_4379, %lt3A_4385 : i32
      %ne3A_4387 = arith.xori %lt3A_4384, %lt3A_4386 : i1
      %and3A_4388 = arith.andi %ne3A_4387, %ne3A_4382 : i1
      %add3A_4389 = arith.addi %rem3A_4380, %select_n3A_4379 : i32
      %select_n3A_4390 = arith.select %and3A_4388, %add3A_4389, %rem3A_4380 : i32
      %mul3A_4391 = arith.constant 2000 : i32
      %mul3A_4392 = arith.muli %select_n3A_4390, %mul3A_4391 : i32
      %add3A_4393 = arith.addi %mul3A_4374, %mul3A_4392 : i32
      %mul3A_4394 = arith.constant 2 : i32
      %mul3A_4395 = arith.muli %mul3A_4394, %arg0 : i32
      %add3A_4396 = arith.addi %mul3A_4395, %select_n3A_4372 : i32
      %mul3A_4397 = arith.constant 2 : i32
      %mul3A_4398 = arith.muli %mul3A_4397, %add3A_4396 : i32
      %dma_start3A_4399 = arith.constant 0 : i32
      %dma_start3A_4400 = tpu.memref_slice %arg6[%select_n3A_2193, %dma_start3A_4399] : memref<2x2000xi32, #tpu.memory_space<vmem>> -> memref<1x2000xi32, #tpu.memory_space<vmem>>
      %dma_start3A_4401 = tpu.memref_squeeze %dma_start3A_4400 : memref<1x2000xi32, #tpu.memory_space<vmem>> -> memref<2000xi32, #tpu.memory_space<vmem>>
      %dma_start3A_4402 = tpu.memref_slice %arg3[%mul3A_4398, %add3A_4393] : memref<8x320000xi32, #tpu.memory_space<hbm>> -> memref<1x2000xi32, #tpu.memory_space<hbm>>
      %dma_start3A_4403 = tpu.memref_squeeze %dma_start3A_4402 : memref<1x2000xi32, #tpu.memory_space<hbm>> -> memref<2000xi32, #tpu.memory_space<hbm>>
      %dma_start3A_4404 = arith.constant 0 : i32
      %dma_start3A_4405 = tpu.memref_slice %arg6[%select_n3A_2193, %dma_start3A_4404] : memref<2x2000xi32, #tpu.memory_space<vmem>> -> memref<1x2000xi32, #tpu.memory_space<vmem>>
      %dma_start3A_4406 = tpu.memref_squeeze %dma_start3A_4405 : memref<1x2000xi32, #tpu.memory_space<vmem>> -> memref<2000xi32, #tpu.memory_space<vmem>>
      %dma_start3A_4407 = tpu.memref_slice %arg3[%mul3A_4398, %add3A_4393] : memref<8x320000xi32, #tpu.memory_space<hbm>> -> memref<1x2000xi32, #tpu.memory_space<hbm>>
      %dma_start3A_4408 = tpu.memref_squeeze %dma_start3A_4407 : memref<1x2000xi32, #tpu.memory_space<hbm>> -> memref<2000xi32, #tpu.memory_space<hbm>>
      tpu.enqueue_dma source(%dma_start3A_4408 : memref<2000xi32, #tpu.memory_space<hbm>>) target(%dma_start3A_4406 : memref<2000xi32, #tpu.memory_space<vmem>>) target_semaphore(%arg12 : memref<!tpu.dma_semaphore, #tpu.memory_space<semaphore_mem>>)
      %mul3A_4409 = arith.constant 2 : i32
      %mul3A_4410 = arith.muli %mul3A_4409, %arg0 : i32
      %add3A_4411 = arith.addi %mul3A_4410, %select_n3A_4372 : i32
      %mul3A_4412 = arith.constant 2 : i32
      %mul3A_4413 = arith.muli %mul3A_4412, %add3A_4411 : i32
      %add3A_4414 = arith.constant 1 : i32
      %add3A_4415 = arith.addi %mul3A_4413, %add3A_4414 : i32
      %dma_start3A_4416 = arith.constant 0 : i32
      %dma_start3A_4417 = tpu.memref_slice %arg7[%select_n3A_2193, %dma_start3A_4416] : memref<2x2000xi32, #tpu.memory_space<vmem>> -> memref<1x2000xi32, #tpu.memory_space<vmem>>
      %dma_start3A_4418 = tpu.memref_squeeze %dma_start3A_4417 : memref<1x2000xi32, #tpu.memory_space<vmem>> -> memref<2000xi32, #tpu.memory_space<vmem>>
      %dma_start3A_4419 = tpu.memref_slice %arg3[%add3A_4415, %add3A_4393] : memref<8x320000xi32, #tpu.memory_space<hbm>> -> memref<1x2000xi32, #tpu.memory_space<hbm>>
      %dma_start3A_4420 = tpu.memref_squeeze %dma_start3A_4419 : memref<1x2000xi32, #tpu.memory_space<hbm>> -> memref<2000xi32, #tpu.memory_space<hbm>>
      %dma_start3A_4421 = arith.constant 0 : i32
      %dma_start3A_4422 = tpu.memref_slice %arg7[%select_n3A_2193, %dma_start3A_4421] : memref<2x2000xi32, #tpu.memory_space<vmem>> -> memref<1x2000xi32, #tpu.memory_space<vmem>>
      %dma_start3A_4423 = tpu.memref_squeeze %dma_start3A_4422 : memref<1x2000xi32, #tpu.memory_space<vmem>> -> memref<2000xi32, #tpu.memory_space<vmem>>
      %dma_start3A_4424 = tpu.memref_slice %arg3[%add3A_4415, %add3A_4393] : memref<8x320000xi32, #tpu.memory_space<hbm>> -> memref<1x2000xi32, #tpu.memory_space<hbm>>
      %dma_start3A_4425 = tpu.memref_squeeze %dma_start3A_4424 : memref<1x2000xi32, #tpu.memory_space<hbm>> -> memref<2000xi32, #tpu.memory_space<hbm>>
      tpu.enqueue_dma source(%dma_start3A_4425 : memref<2000xi32, #tpu.memory_space<hbm>>) target(%dma_start3A_4423 : memref<2000xi32, #tpu.memory_space<vmem>>) target_semaphore(%arg12 : memref<!tpu.dma_semaphore, #tpu.memory_space<semaphore_mem>>)
    }
    %scan3A_2142 = arith.constant 20 : i32
    %dma_wait3A_2143 = arith.constant 0 : i32
    %dma_wait3A_2144 = arith.constant 1 : i32
    %dma_wait3A_2145 = arith.constant 0 : i32
    %dma_wait3A_2146 = tpu.memref_slice %arg6[%dma_wait3A_2144, %dma_wait3A_2145] : memref<2x2000xi32, #tpu.memory_space<vmem>> -> memref<1x2000xi32, #tpu.memory_space<vmem>>
    %dma_wait3A_2147 = tpu.memref_squeeze %dma_wait3A_2146 : memref<1x2000xi32, #tpu.memory_space<vmem>> -> memref<2000xi32, #tpu.memory_space<vmem>>
    %dma_wait3A_2148 = arith.constant 0 : i32
    %dma_wait3A_2149 = tpu.memref_slice %arg3[%dma_wait3A_2143, %dma_wait3A_2148] : memref<8x320000xi32, #tpu.memory_space<hbm>> -> memref<1x2000xi32, #tpu.memory_space<hbm>>
    %dma_wait3A_2150 = tpu.memref_squeeze %dma_wait3A_2149 : memref<1x2000xi32, #tpu.memory_space<hbm>> -> memref<2000xi32, #tpu.memory_space<hbm>>
    %dma_wait3A_2151 = arith.constant 0 : i32
    %dma_wait3A_2152 = tpu.memref_slice %arg6[%dma_wait3A_2144, %dma_wait3A_2151] : memref<2x2000xi32, #tpu.memory_space<vmem>> -> memref<1x2000xi32, #tpu.memory_space<vmem>>
    %dma_wait3A_2153 = tpu.memref_squeeze %dma_wait3A_2152 : memref<1x2000xi32, #tpu.memory_space<vmem>> -> memref<2000xi32, #tpu.memory_space<vmem>>
    %dma_wait3A_2154 = arith.constant 0 : i32
    %dma_wait3A_2155 = tpu.memref_slice %arg3[%dma_wait3A_2143, %dma_wait3A_2154] : memref<8x320000xi32, #tpu.memory_space<hbm>> -> memref<1x2000xi32, #tpu.memory_space<hbm>>
    %dma_wait3A_2156 = tpu.memref_squeeze %dma_wait3A_2155 : memref<1x2000xi32, #tpu.memory_space<hbm>> -> memref<2000xi32, #tpu.memory_space<hbm>>
    tpu.wait_dma2 semaphore(%arg12 : memref<!tpu.dma_semaphore, #tpu.memory_space<semaphore_mem>>) src(%dma_wait3A_2156 : memref<2000xi32, #tpu.memory_space<hbm>>) dst(%dma_wait3A_2153 : memref<2000xi32, #tpu.memory_space<vmem>>)
    %dma_wait3A_2157 = arith.constant 0 : i32
    %dma_wait3A_2158 = arith.constant 1 : i32
    %dma_wait3A_2159 = arith.constant 0 : i32
    %dma_wait3A_2160 = tpu.memref_slice %arg7[%dma_wait3A_2158, %dma_wait3A_2159] : memref<2x2000xi32, #tpu.memory_space<vmem>> -> memref<1x2000xi32, #tpu.memory_space<vmem>>
    %dma_wait3A_2161 = tpu.memref_squeeze %dma_wait3A_2160 : memref<1x2000xi32, #tpu.memory_space<vmem>> -> memref<2000xi32, #tpu.memory_space<vmem>>
    %dma_wait3A_2162 = arith.constant 0 : i32
    %dma_wait3A_2163 = tpu.memref_slice %arg3[%dma_wait3A_2157, %dma_wait3A_2162] : memref<8x320000xi32, #tpu.memory_space<hbm>> -> memref<1x2000xi32, #tpu.memory_space<hbm>>
    %dma_wait3A_2164 = tpu.memref_squeeze %dma_wait3A_2163 : memref<1x2000xi32, #tpu.memory_space<hbm>> -> memref<2000xi32, #tpu.memory_space<hbm>>
    %dma_wait3A_2165 = arith.constant 0 : i32
    %dma_wait3A_2166 = tpu.memref_slice %arg7[%dma_wait3A_2158, %dma_wait3A_2165] : memref<2x2000xi32, #tpu.memory_space<vmem>> -> memref<1x2000xi32, #tpu.memory_space<vmem>>
    %dma_wait3A_2167 = tpu.memref_squeeze %dma_wait3A_2166 : memref<1x2000xi32, #tpu.memory_space<vmem>> -> memref<2000xi32, #tpu.memory_space<vmem>>
    %dma_wait3A_2168 = arith.constant 0 : i32
    %dma_wait3A_2169 = tpu.memref_slice %arg3[%dma_wait3A_2157, %dma_wait3A_2168] : memref<8x320000xi32, #tpu.memory_space<hbm>> -> memref<1x2000xi32, #tpu.memory_space<hbm>>
    %dma_wait3A_2170 = tpu.memref_squeeze %dma_wait3A_2169 : memref<1x2000xi32, #tpu.memory_space<hbm>> -> memref<2000xi32, #tpu.memory_space<hbm>>
    tpu.wait_dma2 semaphore(%arg12 : memref<!tpu.dma_semaphore, #tpu.memory_space<semaphore_mem>>) src(%dma_wait3A_2170 : memref<2000xi32, #tpu.memory_space<hbm>>) dst(%dma_wait3A_2167 : memref<2000xi32, #tpu.memory_space<vmem>>)
    %barrier3A_2171 = arith.constant 0 : index
    tpu.barrier barrier_id(%barrier3A_2171)
    %mul3A_2172 = arith.constant 2 : i32
    %mul3A_2173 = arith.muli %mul3A_2172, %arg0 : i32
    %add3A_2174 = arith.addi %mul3A_2173, %select_n3A : i32
    %mul3A_2175 = arith.constant 32 : i32
    %mul3A_2176 = arith.muli %add3A_2174, %mul3A_2175 : i32
    "tpu.region"() ({
      %run_scoped3A = tpu.sem_alloc : memref<!tpu.dma_semaphore, #tpu.memory_space<semaphore_mem>>
      %dma_start3A_2177 = tpu.memref_slice %arg5[%mul3A_29, %mul3A_2176] : memref<10000x128xf32, #tpu.memory_space<hbm>> -> memref<1250x32xf32, #tpu.memory_space<hbm>>
      %dma_start3A_2178 = arith.constant 0 : i32
      %dma_start3A_2179 = tpu.memref_slice %arg10[%select_n3A, %mul3A_29, %dma_start3A_2178] : memref<2x10000x32xf32, #tpu.memory_space<vmem_shared>> -> memref<1x1250x32xf32, #tpu.memory_space<vmem_shared>>
      %dma_start3A_2180 = tpu.memref_squeeze %dma_start3A_2179 : memref<1x1250x32xf32, #tpu.memory_space<vmem_shared>> -> memref<1250x32xf32, #tpu.memory_space<vmem_shared>>
      tpu.enqueue_dma source(%dma_start3A_2180 : memref<1250x32xf32, #tpu.memory_space<vmem_shared>>) target(%dma_start3A_2177 : memref<1250x32xf32, #tpu.memory_space<hbm>>) target_semaphore(%run_scoped3A : memref<!tpu.dma_semaphore, #tpu.memory_space<semaphore_mem>>)
      %dma_wait3A_2181 = tpu.memref_slice %arg5[%mul3A_29, %mul3A_2176] : memref<10000x128xf32, #tpu.memory_space<hbm>> -> memref<1250x32xf32, #tpu.memory_space<hbm>>
      %dma_wait3A_2182 = arith.constant 0 : i32
      %dma_wait3A_2183 = tpu.memref_slice %arg10[%select_n3A, %mul3A_29, %dma_wait3A_2182] : memref<2x10000x32xf32, #tpu.memory_space<vmem_shared>> -> memref<1x1250x32xf32, #tpu.memory_space<vmem_shared>>
      %dma_wait3A_2184 = tpu.memref_squeeze %dma_wait3A_2183 : memref<1x1250x32xf32, #tpu.memory_space<vmem_shared>> -> memref<1250x32xf32, #tpu.memory_space<vmem_shared>>
      tpu.wait_dma2 semaphore(%run_scoped3A : memref<!tpu.dma_semaphore, #tpu.memory_space<semaphore_mem>>) src(%dma_wait3A_2184 : memref<1250x32xf32, #tpu.memory_space<vmem_shared>>) dst(%dma_wait3A_2181 : memref<1250x32xf32, #tpu.memory_space<hbm>>)
      tpu.yield
    }) : () -> ()
    return
  }
}

module attributes {stable_mosaic.version = 14 : i64} {
  func.func @_adj_prep_body(%arg0: i32, %arg1: memref<4x2x32000xi32, #tpu.memory_space<vmem>>, %arg2: memref<8x32000xi32, #tpu.memory_space<vmem>>) attributes {dimension_semantics = [#tpu.dimension_semantics<arbitrary>], iteration_bounds = array<i64: 10>, scalar_prefetch = 0 : i64, scratch_operands = 0 : i64, tpu.core_type = #tpu.core_type<tc>, window_params = [{transform_indices = @transform_0, window_bounds = array<i64: 4, 2, 32000>}, {transform_indices = @transform_1, window_bounds = array<i64: 8, 32000>}]} {
    %get3A = arith.constant 0 : index
    %get3A_0 = arith.constant 0 : index
    %get3A_1 = arith.constant 0 : index
    %get3A_2 = vector.load %arg1[%get3A, %get3A_0, %get3A_1] : memref<4x2x32000xi32, #tpu.memory_space<vmem>>, vector<4x2x32000xi32>
    %reshape3A = vector.shape_cast %get3A_2 : vector<4x2x32000xi32> to vector<8x32000xi32>
    %swap3A = arith.constant 0 : index
    %swap3A_3 = arith.constant 0 : index
    %swap3A_4 = vector.load %arg2[%swap3A, %swap3A_3] : memref<8x32000xi32, #tpu.memory_space<vmem>>, vector<8x32000xi32>
    tpu.vector_store %arg2[%swap3A, %swap3A_3], %reshape3A {strides = array<i32>} : memref<8x32000xi32, #tpu.memory_space<vmem>>, vector<8x32000xi32>,
    return
  }
  func.func @transform_0(%arg0: i32) -> (i32, i32, i32) {
    %c0_i32 = arith.constant 0 : i32
    %c0_i32_0 = arith.constant 0 : i32
    %c0_i32_1 = arith.constant 0 : i32
    return %c0_i32, %c0_i32_0, %arg0 : i32, i32, i32
  }
  func.func @transform_1(%arg0: i32) -> (i32, i32) {
    %c0_i32 = arith.constant 0 : i32
    %c0_i32_0 = arith.constant 0 : i32
    return %c0_i32, %arg0 : i32, i32
  }
}

module attributes {stable_mosaic.version = 14 : i64} {
  func.func @_tc_matmul_body(%arg0: i32, %arg1: memref<1000x128xf32, #tpu.memory_space<vmem>>, %arg2: memref<128x128xf32, #tpu.memory_space<vmem>>, %arg3: memref<1x128xf32, #tpu.memory_space<vmem>>, %arg4: memref<1000x128xf32, #tpu.memory_space<vmem>>) attributes {dimension_semantics = [#tpu.dimension_semantics<arbitrary>], iteration_bounds = array<i64: 10>, scalar_prefetch = 0 : i64, scratch_operands = 0 : i64, tpu.core_type = #tpu.core_type<tc>, window_params = [{transform_indices = @transform_0, window_bounds = array<i64: 1000, 128>}, {pipeline_mode = #tpu.pipeline_mode<synchronous>, transform_indices = @transform_1, window_bounds = array<i64: 128, 128>}, {pipeline_mode = #tpu.pipeline_mode<synchronous>, transform_indices = @transform_2, window_bounds = array<i64: 1, 128>}, {transform_indices = @transform_3, window_bounds = array<i64: 1000, 128>}]} {
    %get3A = arith.constant 0 : index
    %get3A_0 = arith.constant 0 : index
    %get3A_1 = vector.load %arg1[%get3A, %get3A_0] : memref<1000x128xf32, #tpu.memory_space<vmem>>, vector<1000x128xf32>
    %get3A_2 = arith.constant 0 : index
    %get3A_3 = arith.constant 0 : index
    %get3A_4 = vector.load %arg2[%get3A_2, %get3A_3] : memref<128x128xf32, #tpu.memory_space<vmem>>, vector<128x128xf32>
    %dot_general3A = arith.constant dense<0.000000e+00> : vector<1000x128xf32>
    %dot_general3A_5 = tpu.matmul %get3A_1, %get3A_4, %dot_general3A {dimension_numbers = #tpu.dot_dimension_numbers<[1], [0], [0], [1], [0, 0, 1, 1], [], []>, transpose_lhs_hint = false} : vector<1000x128xf32>, vector<128x128xf32>, vector<1000x128xf32> -> vector<1000x128xf32>
    %get3A_6 = arith.constant 0 : index
    %get3A_7 = arith.constant 0 : index
    %get3A_8 = vector.load %arg3[%get3A_6, %get3A_7] : memref<1x128xf32, #tpu.memory_space<vmem>>, vector<1x128xf32>
    %add3A = vector.broadcast %get3A_8 : vector<1x128xf32> to vector<1000x128xf32>
    %add3A_9 = arith.addf %dot_general3A_5, %add3A : vector<1000x128xf32>
    %swap3A = arith.constant 0 : index
    %swap3A_10 = arith.constant 0 : index
    %swap3A_11 = vector.load %arg4[%swap3A, %swap3A_10] : memref<1000x128xf32, #tpu.memory_space<vmem>>, vector<1000x128xf32>
    tpu.vector_store %arg4[%swap3A, %swap3A_10], %add3A_9 {strides = array<i32>} : memref<1000x128xf32, #tpu.memory_space<vmem>>, vector<1000x128xf32>,
    return
  }
  func.func @transform_0(%arg0: i32) -> (i32, i32) {
    %c0_i32 = arith.constant 0 : i32
    %c0_i32_0 = arith.constant 0 : i32
    return %arg0, %c0_i32 : i32, i32
  }
  func.func @transform_1(%arg0: i32) -> (i32, i32) {
    %c0_i32 = arith.constant 0 : i32
    %c0_i32_0 = arith.constant 0 : i32
    %c0_i32_1 = arith.constant 0 : i32
    return %c0_i32, %c0_i32_0 : i32, i32
  }
  func.func @transform_2(%arg0: i32) -> (i32, i32) {
    %c0_i32 = arith.constant 0 : i32
    %c0_i32_0 = arith.constant 0 : i32
    %c0_i32_1 = arith.constant 0 : i32
    return %c0_i32, %c0_i32_0 : i32, i32
  }
  func.func @transform_3(%arg0: i32) -> (i32, i32) {
    %c0_i32 = arith.constant 0 : i32
    %c0_i32_0 = arith.constant 0 : i32
    return %arg0, %c0_i32 : i32, i32
  }
}

</mosaic_0001>

<sc_bundles>
// kernel: kernel.5.cloned.1.call-start
scs
__scs_entry_jumppad:
0x0: {  	(pc) =	sbr.rel $0x88, $3  }
0x1: {  	(tag) =	ssettag $0x0;
	lr =	simm.s32 $0x1  }
0x2: {  	[smem:$0x3F9D] =	sst lr;
	_ =	strace $0xD0000000  }
0x3: {  	_ = 	snop  }
0x4: {  	_ = 	snop  }
0x5: {  	_ = 	snop  }
0x6: {  	_ = 	snop  }
0x7: {  	_ = 	snop  }
__scs_overlays_trampoline_lowered:
0x8: {  	[smem:$0x3FAC] =	sst s0  }
0x9: {  	[smem:$0x3FAD] =	sst s1  }
0xa: {  	[smem:$0x3FAE] =	sst s2  }
0xb: {  	[smem:$0x3FAF] =	sst s3  }
0xc: {  	[smem:$0x3FB0] =	sst s4  }
0xd: {  	[smem:$0x3FB1] =	sst s5  }
0xe: {  	[smem:$0x3FB2] =	sst s6  }
0xf: {  	[smem:$0x3FB3] =	sst s7  }
0x10: {  	[smem:$0x3FB4] =	sst s8  }
0x11: {  	[smem:$0x3FB5] =	sst s9;
	s0 =	simm.s32 @!p0 $0x0  }
0x12: {  	s1 =	sld [smem:$0x3F9B];
	s0 =	simm.s32 @p0 $0x1  }
0x13: {  	[smem:$0x3FB6] =	sst s0;
	s0 =	simm.s32 @!p1 $0x0  }
0x14: {  	s2 =	sld [smem:$0x3F9A];
	s0 =	simm.s32 @p1 $0x1  }
0x15: {  	[smem:$0x3FB7] =	sst s0;
	s0 =	simm.s32 @!p2 $0x0  }
0x16: {  	s3 =	sld [smem:$0x3FDB];
	s0 =	simm.s32 @p2 $0x1  }
0x17: {  	s4 =	simm.s32 $0x1BF5;
	[smem:$0x3FB9] =	sst s0  }
0x18: {  	s0 =	sld [smem:$0x3F9C];
	_ =	swait.ge [sflag:s4], $0x0  }
0x19: {  	s7 =	sld [smem:$0x3F9D]  }
0x1a: {  	s8 =	sadd.s32 $0xFFFFE003, lr  }
0x1b: {  	s9 =	sadd.s32 $0xFFFFFEF7, lr;
	s5 =	simm.s32 $0xFFFFFFFF;
	p2 =	slt.u32 s8, $0xFFFFF086  }
0x1c: {  	p1 =	slt.u32 s9, $0xF7A;
	s5 =	simm.s32 @!p2 $0x0  }
0x1d: {  	s5 =	simm.s32 @p1 $0x1;
	p0 =	seq.s32 s7, s2  }
0x1e: {  	s7 =	smul.u32 @!p0 $0xF7A, s2;
	p2 =	seq.s32 @!p0 s5, $0x0  }
0x1f: {  	s9 =	smul.u32 $0xF7A, s1;
	s8 =	simm.s32 @!p0 $0x1BF5;
	p2 =	por !p2, p0  }
0x20: {  	[sflag:s8] =	ssyncset.s32 @!p0 $0xFFFFF086;
	s6 =	sadd.s32 @!p0 s3, s7;
	s7 =	simm.s32 @!p0 $0x108  }
0x21: {  	s3 =	sadd.s32 s3, s9;
	s6 =	sadd.s32 @!p0 $0x88, s6;
	s7 =	simm.s32 @p2 $0x1082  }
0x22: {  	[simem:s7], [sflag:s8] =	dma.local @!p0 [hbm:s6], $0xF7A  }
0x23: {  	s9 =	sor.u32 $0xD0000000, s2;
	s6 =	simm.s32 $0x108;
	_ =	swait.ge @!p0 [sflag:s8], $0x0  }
0x24: {  	s3 =	sadd.s32 $0x88, s3;
	s6 =	simm.s32 @!p1 $0x1082;
	[sflag:s4] =	ssyncset.s32 $0xFFFFF086  }
0x25: {  	[simem:s6], [sflag:s4] =	dma.local [hbm:s3], $0xF7A  }
0x26: {  	[smem:$0x3F9D] =	sst s1;
	(tag) =	ssettag s2;
	_ =	strace s9  }
0x27: {  	s1 =	sld [smem:$0x3FAD]  }
0x28: {  	s2 =	sld [smem:$0x3FAE]  }
0x29: {  	s4 =	sld [smem:$0x3FB0]  }
0x2a: {  	p0 =	seq.s32 s5, $0x0;
	s5 =	sld [smem:$0x3FB1]  }
0x2b: {  	s6 =	sld [smem:$0x3FB2]  }
0x2c: {  	s7 =	sld [smem:$0x3FB3]  }
0x2d: {  	s3 =	simm.s32 $0x108;
	s8 =	sld [smem:$0x3FB4]  }
0x2e: {  	s3 =	simm.s32 @!p0 $0x1082;
	s9 =	sld [smem:$0x3FB5]  }
0x2f: {  	lr =	sadd.s32 s0, s3;
	s0 =	sld [smem:$0x3FAC]  }
0x30: {  	s3 =	sld [smem:$0x3FAF]  }
0x31: {  	[smem:$0x3FB8] =	sst s10  }
0x32: {  	s10 =	sld [smem:$0x3FB6];
	_ =	sdelay $0x3  }
0x33: {  	p0 =	seq.s32 s10, $0x1;
	s10 =	sld [smem:$0x3FB8];
	_ =	sdelay $0x3  }
0x34: {  	[smem:$0x3FB8] =	sst s10  }
0x35: {  	s10 =	sld [smem:$0x3FB7];
	_ =	sdelay $0x3  }
0x36: {  	p1 =	seq.s32 s10, $0x1;
	s10 =	sld [smem:$0x3FB8];
	_ =	sdelay $0x3  }
0x37: {  	[smem:$0x3FB8] =	sst s10  }
0x38: {  	s10 =	sld [smem:$0x3FB9]  }
0x39: {  	_ = 	snop;
	(pc) =	sbr.ind lr, $3  }
0x3a: {  	_ = 	snop  }
0x3b: {  	_ = 	snop  }
0x3c: {  	p2 =	seq.s32 s10, $0x1;
	s10 =	sld [smem:$0x3FB8]  }
0x3d: {  	_ =	shalt  }
0x3e: {  	_ =	shalt  }
0x3f: {  	_ =	shalt  }
0x40: {  	_ =	shalt  }
0x41: {  	_ =	shalt  }
0x42: {  	_ =	shalt  }
0x43: {  	_ =	shalt  }
0x44: {  	_ =	shalt  }
0x45: {  	_ =	shalt  }
0x46: {  	_ =	shalt  }
0x47: {  	_ =	shalt  }
0x48: {  	_ =	shalt  }
0x49: {  	_ =	shalt  }
0x4a: {  	_ =	shalt  }
0x4b: {  	_ =	shalt  }
0x4c: {  	_ =	shalt  }
0x4d: {  	_ =	shalt  }
0x4e: {  	_ =	shalt  }
0x4f: {  	_ =	shalt  }
0x50: {  	_ =	shalt  }
0x51: {  	_ =	shalt  }
0x52: {  	_ =	shalt  }
0x53: {  	_ =	shalt  }
0x54: {  	_ =	shalt  }
0x55: {  	_ =	shalt  }
0x56: {  	_ =	shalt  }
0x57: {  	_ =	shalt  }
0x58: {  	_ =	shalt  }
0x59: {  	_ =	shalt  }
0x5a: {  	_ =	shalt  }
0x5b: {  	_ =	shalt  }
0x5c: {  	_ =	shalt  }
0x5d: {  	_ =	shalt  }
0x5e: {  	_ =	shalt  }
0x5f: {  	_ =	shalt  }
0x60: {  	_ =	shalt  }
0x61: {  	_ =	shalt  }
0x62: {  	_ =	shalt  }
0x63: {  	_ =	shalt  }
0x64: {  	_ =	shalt  }
0x65: {  	_ =	shalt  }
0x66: {  	_ =	shalt  }
0x67: {  	_ =	shalt  }
0x68: {  	_ =	shalt  }
0x69: {  	_ =	shalt  }
0x6a: {  	_ =	shalt  }
0x6b: {  	_ =	shalt  }
0x6c: {  	_ =	shalt  }
0x6d: {  	_ =	shalt  }
0x6e: {  	_ =	shalt  }
0x6f: {  	_ =	shalt  }
0x70: {  	_ =	shalt  }
0x71: {  	_ =	shalt  }
0x72: {  	_ =	shalt  }
0x73: {  	_ =	shalt  }
0x74: {  	_ =	shalt  }
0x75: {  	_ =	shalt  }
0x76: {  	_ =	shalt  }
0x77: {  	_ =	shalt  }
0x78: {  	_ =	shalt  }
0x79: {  	_ =	shalt  }
0x7a: {  	_ =	shalt  }
0x7b: {  	_ =	shalt  }
0x7c: {  	_ =	shalt  }
0x7d: {  	_ =	shalt  }
0x7e: {  	_ =	shalt  }
0x7f: {  	_ =	shalt  }
0x80: {  	_ =	shalt  }
0x81: {  	_ =	shalt  }
0x82: {  	_ =	shalt  }
0x83: {  	_ =	shalt  }
0x84: {  	_ =	shalt  }
0x85: {  	_ =	shalt  }
0x86: {  	_ =	shalt  }
0x87: {  	_ =	shalt  }
.Lfunc_end0:
.L_simem_size_0:
called_computation_lowered:
.L_overlay_start_0:
0x88: {  	s2 =	sld [smem:$0x3FD9]  }
0x89: {  	s3 =	sld [smem:$0x3FFE];
	_ =	sdelay $0x1  }
0x8a: {  	s1 =	srdreg.scid  }
0x8b: {  	s0 =	sand.u32 $0x1, s1  }
0x8c: {  	s17 =	sshll.u32 s0, $0xA;
	s2 =	sadd.s32 s3, s2  }
0x8d: {  	s2 =	sadd.s32 s2, s17  }
0x8e: {  	[smem:$0x3FC4] =	sst s2  }
0x8f: {  	_ = 	snop  }
0x90: {  	s2 =	sld [smem:$0x3FC9]  }
0x91: {  	s18 =	sld [smem:$0x3FD0];
	(tm) =	ssettm $0x1  }
0x92: {  	s4 =	sld [smem:$0x3FFB];
	_ =	sdelay $0x3  }
0x93: {  	_ =	strace s4  }
0x94: {  	s4 =	sld [smem:$0x3FFC];
	_ =	sdelay $0x3  }
0x95: {  	_ =	strace s4  }
0x96: {  	s4 =	sld [smem:$0x3FFD];
	_ =	sdelay $0x3  }
0x97: {  	_ =	strace s4  }
0x98: {  	_ =	strace $0x8FFFFFFF  }
0x99: {  	s19 =	sld [smem:$0x3FDB];
	_ =	sdelay $0x1  }
0x9a: {  	s5 =	simm.s32 $_scs_section_size  }
0x9b: {  	s6 =	simm.s32 $_size__tile_overlayer_lowered;
	s7 =	simm.s32 $_tile_overlayer_lowered  }
0x9c: {  	s22 =	simm.s32 $0x1BFF;
	s21 =	sshll.u32 s7, $0x1;
	s4 =	sadd.s32 s5, s19  }
0x9d: {  	s8 =	simm.s32 $0x0;
	s20 =	sshll.u32 s6, $0x1;
	s6 =	sadd.s32 s21, s4  }
0x9e: {  	[timem:s8], [sflag:s22] =	dma.local [hbm:s6], s20  }
0x9f: {  	_ =	swait.ge [sflag:s22], s20  }
0xa0: {  	s5 =	ssub.s32 $0x0, s20;
	[sflag:s22] =	ssyncset.done $0x0  }
0xa1: {  	[sflag:s22] =	ssyncadd.s32 s5;
	_ =	sdelay $0x1  }
0xa2: {  	s23 =	simm.s32 $0x1B8B  }
0xa3: {  	_ =	swait.ge [sflag:s23], $0x1  }
0xa4: {  	[sflag:s23] =	ssyncset.done $0x0  }
0xa5: {  	s25 =	simm.s32 $0x1B8E;
	s24 =	sld [smem:$0x3FFE];
	[sflag:s23] =	ssyncadd.s32 $0xFFFFFFFF  }
0xa6: {  	s26 =	simm.s32 $execute0_lowered;
	[smem:$0x3FD2] =	sst s25  }
0xa7: {  	s6 =	sshll.u32 s26, $0x1;
	_ =	strace $0x80000046;
	[dreg:$0x1] =	wrdreg $0xFFFFFFFF  }
0xa8: {  	s28 =	simm.s32 $_size_execute0_lowered;
	s4 =	sadd.s32 s4, s6;
	[dreg:$0x0] =	wrdreg $0x0  }
0xa9: {  	s6 =	sshll.u32 s28, $0x1;
	[dreg:$0x2] =	wrdreg s4  }
0xaa: {  	[dreg:$0x3] =	wrdreg s6  }
0xab: {  	[dreg:$0x4] =	wrdreg $0xC0  }
0xac: {  	_ =	task [dreg:s8], $0x5FFFF  }
0xad: {  	[dreg:$0x1] =	wrdreg $0xFFFFFFFF  }
0xae: {  	[dreg:$0x0] =	wrdreg $0x60  }
0xaf: {  	[dreg:$0x2] =	wrdreg s2  }
0xb0: {  	[dreg:$0x3] =	wrdreg s24  }
0xb1: {  	[dreg:$0x4] =	wrdreg s18  }
0xb2: {  	[dreg:$0x5] =	wrdreg $0x128E00  }
0xb3: {  	[dreg:$0x6] =	wrdreg $0x9  }
0xb4: {  	_ =	task.clear_ibuf [dreg:s8], $0x7FFFF;
	_ =	strace $0x90000046  }
0xb5: {  	s29 =	simm.s32 $0x9;
	_ =	strace $0x80000048  }
0xb6: {  	_ =	swait.ge [sflag:s29], $0x1  }
0xb7: {  	[sflag:s29] =	ssyncadd.s32 $0xFFFFFFFF  }
0xb8: {  	_ =	strace $0x90000048  }
0xb9: {  	_ =	sfence  }
0xba: {  	s30 =	sld [smem:$0x0];
	_ =	sdelay $0x2  }
0xbb: {  	s31 =	sshll.u32 s1, $0xD;
	s1 =	sshrl.u32 s1, $0x2  }
0xbc: {  	s3 =	sand.u32 $0x4000, s31;
	s1 =	sadd.s32 s1, s30  }
0xbd: {  	s0 =	sor.u32 s3, s0;
	s1 =	sshll.u32 s1, $0x11  }
0xbe: {  	s0 =	sor.u32 s1, s0  }
0xbf: {  	s0 =	sadd.s32 $0x8F2B, s0  }
0xc0: {  	[sflag:s0] =	ssyncadd.remote.s32 $0x1  }
0xc1: {  	_ =	sfence.sel $0xFFFF  }
0xc2: {  	[dreg:$0x0] =	wrdreg $0xFFFFFFFF;
	(pc) =	sbr.abs _section_cstart, $3  }
0xc3: {  	[dreg:$0x1] =	wrdreg $0xFFFFFFFF  }
0xc4: {  	_ =	task.clear_ibuf [dreg:s8], $0x2FFFF;
	_ =	strace $0x9FFFFFFF  }
0xc5: {  	(tm) =	ssettm $0x7FFFFFFF  }
tec
execute0_lowered:
.L_overlay_start_1:
0x0: {  	(tag) =	ssettag $0x1  }
0x1: {  	s1 =	rddreg [dreg:$0x0]  }
0x2: {  	s0 =	rddreg [dreg:$0x1]  }
0x3: {  	s2 =	rddreg [dreg:$0x2]  }
0x4: {  	s12 =	rddreg [dreg:$0x3];
	s14 =	simm.s32 $0x0  }
0x5: {  	s5 =	stileid.u32;
	s6 =	srdreg.scid;
	s23 =	simm.s32 $0x4E200  }
0x6: {  	s26 =	simm.s32 $0x3EE0;
	s28 =	simm.s32 $0x5EE0;
	s29 =	simm.s32 $0x6EE0  }
0x7: {  	s30 =	simm.s32 $0x7EE0;
	s31 =	simm.s32 $0x8EE0;
	[smem:$0x7FF] =	sst s14  }
0x8: {  	s3 =	sshrl.u32 s5, $0x3;
	s7 =	sand.u32 $0x7, s5;
	s25 =	smul.u32 $0x4E20, s5  }
0x9: {  	s24 =	sadd.s32 $0xC00, s0;
	s6 =	sand.u32 $0x1, s6;
	s8 =	smul.u32 $0x138800, s3  }
0xa: {  	s0 =	sadd.s32 $0x4EE00, s0;
	_ =	strace $0x80000047;
	s9 =	smul.u32 $0x27100, s7  }
0xb: {  	[dreg:$0x6] =	wrdreg s0;
	s4 =	ssub.s32 $0x2, s6;
	s11 =	smul.u32 $0x138800, s6  }
0xc: {  	[dreg:$0x5] =	wrdreg s23;
	s23 =	simm.s32 $0x4EE0;
	s10 =	sshrl.u32 s4, $0x1  }
0xd: {  	s19 =	sadd.s32 $0x7D0, s25;
	s8 =	sshrl.u32 s8, $0x2;
	s0 =	ssub.s32 s4, s10  }
0xe: {  	s7 =	sshrl.u32 s9, $0x2;
	s13 =	sadd.s32 s25, s11;
	s16 =	sadd.s32 $0x4E200, s11  }
0xf: {  	s10 =	sshll.u32 s6, $0x1;
	s20 =	sadd.s32 s11, s19;
	s11 =	simm.s32 $0x10EE0  }
0x10: {  	s4 =	simm.s32 $0x11EE0;
	s8 =	sadd.s32 s8, s12;
	s12 =	sshll.u32 s5, $0x6  }
0x11: {  	s15 =	sshrl.u32 s13, $0x3;
	s13 =	sadd.s32 s25, s16;
	s3 =	sor.u32 s3, s10  }
0x12: {  	s21 =	sadd.s32 s19, s16;
	s0 =	smax.u32 s0, $0x1;
	s19 =	simm.s32 $0x2  }
0x13: {  	s16 =	simm.s32 $0x2EE0;
	s8 =	sadd.s32 s7, s8;
	s5 =	sor.u32 $0x1C03, s12  }
0x14: {  	s17 =	sadd.s32 s24, s15;
	s18 =	sshrl.u32 s13, $0x3;
	s3 =	sshll.u32 s3, $0x5  }
0x15: {  	s22 =	sshrl.u32 s21, $0x3;
	[dreg:$0xd] =	wrdreg s0;
	s13 =	simm.s32 $0x1  }
0x16: {  	s0 =	simm.s32 $0x0;
	s21 =	simm.s32 $0xDEE0;
	s12 =	simm.s32 $0x50  }
0x17: {  	[dreg:$0x8] =	wrdreg s17;
	s6 =	sadd.s32 s24, s18;
	s3 =	sor.u32 s9, s3  }
0x18: {  	s7 =	sshrl.u32 s8, $0x3;
	s17 =	simm.s32 $0x3;
	[dreg:$0x7] =	wrdreg s5  }
0x19: {  	s18 =	simm.s32 $0xBEE0;
	[dreg:$0x9] =	wrdreg s6;
	s6 =	sshrl.u32 s20, $0x3  }
0x1a: {  	s3 =	sshrl.u32 s3, $0x3;
	[dreg:$0xe] =	wrdreg s7;
	s6 =	sadd.s32 s24, s6  }
0x1b: {  	s9 =	simm.s32 $0xFEE0;
	s2 =	sadd.s32 s2, s3;
	[dreg:$0xa] =	wrdreg s6  }
0x1c: {  	s20 =	simm.s32 $0xCEE0;
	s6 =	sadd.s32 s24, s22;
	[dreg:$0xc] =	wrdreg s2  }
0x1d: {  	v0 =	vmov s10;
	s22 =	simm.s32 $0x80;
	[dreg:$0xb] =	wrdreg s6;
	s6 =	simm.s32 $0xEEE0  }
.LBB2_1:
0x1e: {  	[dreg:$0xf] =	wrdreg s0  }
0x1f: {  	s3 =	rddreg [dreg:$0x6]  }
0x20: {  	[spmem:s7], [sflag:s5] =	dma.local [hbm:s3], $0x1388  }
0x21: {  	_ =	swait.ge [sflag:s17], $0x1388  }
0x22: {  	[sflag:s17] =	ssyncset.done $0x0  }
0x23: {  	[sflag:s17] =	ssyncadd.s32 $0xFFFFEC78  }
0x24: {  	[bflag:$0x0] =	sbarrier.arrive $0xFFFF  }
0x25: {  	s15 =	rddreg [dreg:$0x8]  }
0x26: {  	[tilespmem:s14], [sflag:$0x2] =	stream.linear.gather [hbm4b:s15+s14], $0x7D0, $0x38;
	[tilespmem:$0x1C520] =	vst v63  }
0x27: {  	s2 =	simm.s32 $0xFA0;
	s0 =	rddreg [dreg:$0x9]  }
0x28: {  	[tilespmem:s2], [sflag:$0x2] =	stream.linear.gather [hbm4b:s0+s14], $0x7D0, $0x38;
	[tilespmem:$0x1C520] =	vst v63  }
0x29: {  	_ =	swait.ge [sflag:s19], $0x7D0  }
0x2a: {  	[sflag:s19] =	ssyncset.done $0x0  }
0x2b: {  	[sflag:s19] =	ssyncadd.s32 $0xFFFFF830  }
0x2c: {  	_ =	swait.ge [sflag:s19], $0x7D0  }
0x2d: {  	[sflag:s19] =	ssyncset.done $0x0  }
0x2e: {  	[sflag:s19] =	ssyncadd.s32 $0xFFFFF830  }
0x2f: {  	v1 =	vld [tilespmem:$0xFA0]  }
0x30: {  	v2 =	vld [tilespmem:$0xFB0]  }
0x31: {  	v3 =	vld [tilespmem:$0xFC0]  }
0x32: {  	v4 =	vld [tilespmem:$0xFD0]  }
0x33: {  	v5 =	vld [tilespmem:$0xFE0]  }
0x34: {  	v6 =	vld [tilespmem:$0xFF0];
	v1 =	vshll.u32 v1, $0x2  }
0x35: {  	v7 =	vld [tilespmem:$0x1000];
	v2 =	vshll.u32 v2, $0x2;
	v1 =	vor.u32 v0, v1  }
0x36: {  	[tilespmem:$0x1F40] =	vst v1;
	v1 =	vor.u32 v0, v2;
	v2 =	vshll.u32 v3, $0x2;
	v3 =	vld [tilespmem:$0x1010]  }
0x37: {  	v25 =	vld [tilespmem:$0x1020];
	[tilespmem:$0x1F50] =	vst v1;
	v1 =	vor.u32 v0, v2;
	v2 =	vshll.u32 v4, $0x2  }
0x38: {  	v26 =	vld [tilespmem:$0x1030];
	[tilespmem:$0x1F60] =	vst v1;
	v1 =	vor.u32 v0, v2;
	v2 =	vshll.u32 v5, $0x2  }
0x39: {  	v27 =	vld [tilespmem:$0x1040];
	[tilespmem:$0x1F70] =	vst v1;
	v1 =	vor.u32 v0, v2;
	v2 =	vshll.u32 v6, $0x2  }
0x3a: {  	v28 =	vld [tilespmem:$0x1050];
	[tilespmem:$0x1F80] =	vst v1;
	v1 =	vor.u32 v0, v2;
	v2 =	vshll.u32 v7, $0x2  }
0x3b: {  	[tilespmem:$0x1F90] =	vst v1;
	v1 =	vor.u32 v0, v2;
	v2 =	vshll.u32 v3, $0x2;
	v3 =	vld [tilespmem:$0x1060]  }
0x3c: {  	v29 =	vld [tilespmem:$0x1070];
	[tilespmem:$0x1FA0] =	vst v1;
	v1 =	vor.u32 v0, v2;
	v2 =	vshll.u32 v25, $0x2  }
0x3d: {  	v30 =	vld [tilespmem:$0x1080];
	[tilespmem:$0x1FB0] =	vst v1;
	v1 =	vor.u32 v0, v2;
	v2 =	vshll.u32 v26, $0x2  }
0x3e: {  	v31 =	vld [tilespmem:$0x1090];
	[tilespmem:$0x1FC0] =	vst v1;
	v1 =	vor.u32 v0, v2;
	v2 =	vshll.u32 v27, $0x2  }
0x3f: {  	v32 =	vld [tilespmem:$0x10A0];
	[tilespmem:$0x1FD0] =	vst v1;
	v1 =	vor.u32 v0, v2;
	v2 =	vshll.u32 v28, $0x2  }
0x40: {  	[tilespmem:$0x1FE0] =	vst v1;
	v1 =	vor.u32 v0, v2;
	v2 =	vshll.u32 v3, $0x2;
	v3 =	vld [tilespmem:$0x10B0]  }
0x41: {  	v33 =	vld [tilespmem:$0x10C0];
	[tilespmem:$0x1FF0] =	vst v1;
	v1 =	vor.u32 v0, v2;
	v2 =	vshll.u32 v29, $0x2  }
0x42: {  	v34 =	vld [tilespmem:$0x10D0];
	[tilespmem:$0x2000] =	vst v1;
	v1 =	vor.u32 v0, v2;
	v2 =	vshll.u32 v30, $0x2  }
0x43: {  	v35 =	vld [tilespmem:$0x10E0];
	[tilespmem:$0x2010] =	vst v1;
	v1 =	vor.u32 v0, v2;
	v2 =	vshll.u32 v31, $0x2  }
0x44: {  	v36 =	vld [tilespmem:$0x10F0];
	[tilespmem:$0x2020] =	vst v1;
	v1 =	vor.u32 v0, v2;
	v2 =	vshll.u32 v32, $0x2  }
0x45: {  	[tilespmem:$0x2030] =	vst v1;
	v1 =	vor.u32 v0, v2;
	v2 =	vshll.u32 v3, $0x2;
	v3 =	vld [tilespmem:$0x1100]  }
0x46: {  	v37 =	vld [tilespmem:$0x1110];
	[tilespmem:$0x2040] =	vst v1;
	v1 =	vor.u32 v0, v2;
	v2 =	vshll.u32 v33, $0x2  }
0x47: {  	v38 =	vld [tilespmem:$0x1120];
	[tilespmem:$0x2050] =	vst v1;
	v1 =	vor.u32 v0, v2;
	v2 =	vshll.u32 v34, $0x2  }
0x48: {  	v39 =	vld [tilespmem:$0x1130];
	[tilespmem:$0x2060] =	vst v1;
	v1 =	vor.u32 v0, v2;
	v2 =	vshll.u32 v35, $0x2  }
0x49: {  	v40 =	vld [tilespmem:$0x1140];
	[tilespmem:$0x2070] =	vst v1;
	v1 =	vor.u32 v0, v2;
	v2 =	vshll.u32 v36, $0x2  }
0x4a: {  	[tilespmem:$0x2080] =	vst v1;
	v1 =	vor.u32 v0, v2;
	v2 =	vshll.u32 v3, $0x2;
	v3 =	vld [tilespmem:$0x1150]  }
0x4b: {  	v41 =	vld [tilespmem:$0x1160];
	[tilespmem:$0x2090] =	vst v1;
	v1 =	vor.u32 v0, v2;
	v2 =	vshll.u32 v37, $0x2  }
0x4c: {  	v42 =	vld [tilespmem:$0x1170];
	[tilespmem:$0x20A0] =	vst v1;
	v1 =	vor.u32 v0, v2;
	v2 =	vshll.u32 v38, $0x2  }
0x4d: {  	v43 =	vld [tilespmem:$0x1180];
	[tilespmem:$0x20B0] =	vst v1;
	v1 =	vor.u32 v0, v2;
	v2 =	vshll.u32 v39, $0x2  }
0x4e: {  	v44 =	vld [tilespmem:$0x1190];
	[tilespmem:$0x20C0] =	vst v1;
	v1 =	vor.u32 v0, v2;
	v2 =	vshll.u32 v40, $0x2  }
0x4f: {  	[tilespmem:$0x20D0] =	vst v1;
	v1 =	vor.u32 v0, v2;
	v2 =	vshll.u32 v3, $0x2;
	v3 =	vld [tilespmem:$0x11A0]  }
0x50: {  	v45 =	vld [tilespmem:$0x11B0];
	[tilespmem:$0x20E0] =	vst v1;
	v1 =	vor.u32 v0, v2;
	v2 =	vshll.u32 v41, $0x2  }
0x51: {  	v46 =	vld [tilespmem:$0x11C0];
	[tilespmem:$0x20F0] =	vst v1;
	v1 =	vor.u32 v0, v2;
	v2 =	vshll.u32 v42, $0x2  }
0x52: {  	v47 =	vld [tilespmem:$0x11D0];
	[tilespmem:$0x2100] =	vst v1;
	v1 =	vor.u32 v0, v2;
	v2 =	vshll.u32 v43, $0x2  }
0x53: {  	v48 =	vld [tilespmem:$0x11E0];
	[tilespmem:$0x2110] =	vst v1;
	v1 =	vor.u32 v0, v2;
	v2 =	vshll.u32 v44, $0x2  }
0x54: {  	[tilespmem:$0x2120] =	vst v1;
	v1 =	vor.u32 v0, v2;
	v2 =	vshll.u32 v3, $0x2;
	v3 =	vld [tilespmem:$0x11F0]  }
0x55: {  	v49 =	vld [tilespmem:$0x1200];
	[tilespmem:$0x2130] =	vst v1;
	v1 =	vor.u32 v0, v2;
	v2 =	vshll.u32 v45, $0x2  }
0x56: {  	v50 =	vld [tilespmem:$0x1210];
	[tilespmem:$0x2140] =	vst v1;
	v1 =	vor.u32 v0, v2;
	v2 =	vshll.u32 v46, $0x2  }
0x57: {  	v51 =	vld [tilespmem:$0x1220];
	[tilespmem:$0x2150] =	vst v1;
	v1 =	vor.u32 v0, v2;
	v2 =	vshll.u32 v47, $0x2  }
0x58: {  	v52 =	vld [tilespmem:$0x1230];
	[tilespmem:$0x2160] =	vst v1;
	v1 =	vor.u32 v0, v2;
	v2 =	vshll.u32 v48, $0x2  }
0x59: {  	[tilespmem:$0x2170] =	vst v1;
	v1 =	vor.u32 v0, v2;
	v2 =	vshll.u32 v3, $0x2;
	v3 =	vld [tilespmem:$0x1240]  }
0x5a: {  	v53 =	vld [tilespmem:$0x1250];
	[tilespmem:$0x2180] =	vst v1;
	v1 =	vor.u32 v0, v2;
	v2 =	vshll.u32 v49, $0x2  }
0x5b: {  	v54 =	vld [tilespmem:$0x1260];
	[tilespmem:$0x2190] =	vst v1;
	v1 =	vor.u32 v0, v2;
	v2 =	vshll.u32 v50, $0x2  }
0x5c: {  	v55 =	vld [tilespmem:$0x1270];
	[tilespmem:$0x21A0] =	vst v1;
	v1 =	vor.u32 v0, v2;
	v2 =	vshll.u32 v51, $0x2  }
0x5d: {  	v56 =	vld [tilespmem:$0x1280];
	[tilespmem:$0x21B0] =	vst v1;
	v1 =	vor.u32 v0, v2;
	v2 =	vshll.u32 v52, $0x2  }
0x5e: {  	[tilespmem:$0x21C0] =	vst v1;
	v1 =	vor.u32 v0, v2;
	v2 =	vshll.u32 v3, $0x2;
	v3 =	vld [tilespmem:$0x1290]  }
0x5f: {  	v57 =	vld [tilespmem:$0x12A0];
	[tilespmem:$0x21D0] =	vst v1;
	v1 =	vor.u32 v0, v2;
	v2 =	vshll.u32 v53, $0x2  }
0x60: {  	v58 =	vld [tilespmem:$0x12B0];
	[tilespmem:$0x21E0] =	vst v1;
	v1 =	vor.u32 v0, v2;
	v2 =	vshll.u32 v54, $0x2  }
0x61: {  	v59 =	vld [tilespmem:$0x12C0];
	[tilespmem:$0x21F0] =	vst v1;
	v1 =	vor.u32 v0, v2;
	v2 =	vshll.u32 v55, $0x2  }
0x62: {  	v60 =	vld [tilespmem:$0x12D0];
	[tilespmem:$0x2200] =	vst v1;
	v1 =	vor.u32 v0, v2;
	v2 =	vshll.u32 v56, $0x2  }
0x63: {  	[tilespmem:$0x2210] =	vst v1;
	v1 =	vor.u32 v0, v2;
	v2 =	vshll.u32 v3, $0x2;
	v3 =	vld [tilespmem:$0x12E0]  }
0x64: {  	v61 =	vld [tilespmem:$0x12F0];
	[tilespmem:$0x2220] =	vst v1;
	v1 =	vor.u32 v0, v2;
	v2 =	vshll.u32 v57, $0x2  }
0x65: {  	v62 =	vld [tilespmem:$0x1300];
	[tilespmem:$0x2230] =	vst v1;
	v1 =	vor.u32 v0, v2;
	v2 =	vshll.u32 v58, $0x2  }
0x66: {  	v63 =	vld [tilespmem:$0x1310];
	[tilespmem:$0x2240] =	vst v1;
	v1 =	vor.u32 v0, v2;
	v2 =	vshll.u32 v59, $0x2  }
0x67: {  	v9 =	vld [tilespmem:$0x1320];
	[tilespmem:$0x2250] =	vst v1;
	v1 =	vor.u32 v0, v2;
	v2 =	vshll.u32 v60, $0x2  }
0x68: {  	[tilespmem:$0x2260] =	vst v1;
	v1 =	vor.u32 v0, v2;
	v2 =	vshll.u32 v3, $0x2;
	v3 =	vld [tilespmem:$0x1330]  }
0x69: {  	v10 =	vld [tilespmem:$0x1340];
	[tilespmem:$0x2270] =	vst v1;
	v1 =	vor.u32 v0, v2;
	v2 =	vshll.u32 v61, $0x2  }
0x6a: {  	v11 =	vld [tilespmem:$0x1350];
	[tilespmem:$0x2280] =	vst v1;
	v1 =	vor.u32 v0, v2;
	v2 =	vshll.u32 v62, $0x2  }
0x6b: {  	v12 =	vld [tilespmem:$0x1360];
	[tilespmem:$0x2290] =	vst v1;
	v1 =	vor.u32 v0, v2;
	v2 =	vshll.u32 v63, $0x2  }
0x6c: {  	v13 =	vld [tilespmem:$0x1370];
	[tilespmem:$0x22A0] =	vst v1;
	v1 =	vor.u32 v0, v2;
	v2 =	vshll.u32 v9, $0x2  }
0x6d: {  	[tilespmem:$0x22B0] =	vst v1;
	v1 =	vor.u32 v0, v2;
	v2 =	vshll.u32 v3, $0x2;
	v3 =	vld [tilespmem:$0x1380]  }
0x6e: {  	v14 =	vld [tilespmem:$0x1390];
	[tilespmem:$0x22C0] =	vst v1;
	v1 =	vor.u32 v0, v2;
	v2 =	vshll.u32 v10, $0x2  }
0x6f: {  	v15 =	vld [tilespmem:$0x13A0];
	[tilespmem:$0x22D0] =	vst v1;
	v1 =	vor.u32 v0, v2;
	v2 =	vshll.u32 v11, $0x2  }
0x70: {  	v16 =	vld [tilespmem:$0x13B0];
	[tilespmem:$0x22E0] =	vst v1;
	v1 =	vor.u32 v0, v2;
	v2 =	vshll.u32 v12, $0x2  }
0x71: {  	v17 =	vld [tilespmem:$0x13C0];
	[tilespmem:$0x22F0] =	vst v1;
	v1 =	vor.u32 v0, v2;
	v2 =	vshll.u32 v13, $0x2  }
0x72: {  	[tilespmem:$0x2300] =	vst v1;
	v1 =	vor.u32 v0, v2;
	v2 =	vshll.u32 v3, $0x2;
	v3 =	vld [tilespmem:$0x13D0]  }
0x73: {  	v18 =	vld [tilespmem:$0x13E0];
	[tilespmem:$0x2310] =	vst v1;
	v1 =	vor.u32 v0, v2;
	v2 =	vshll.u32 v14, $0x2  }
0x74: {  	v19 =	vld [tilespmem:$0x13F0];
	[tilespmem:$0x2320] =	vst v1;
	v1 =	vor.u32 v0, v2;
	v2 =	vshll.u32 v15, $0x2  }
0x75: {  	v20 =	vld [tilespmem:$0x1400];
	[tilespmem:$0x2330] =	vst v1;
	v1 =	vor.u32 v0, v2;
	v2 =	vshll.u32 v16, $0x2  }
0x76: {  	v21 =	vld [tilespmem:$0x1410];
	[tilespmem:$0x2340] =	vst v1;
	v1 =	vor.u32 v0, v2;
	v2 =	vshll.u32 v17, $0x2  }
0x77: {  	[tilespmem:$0x2350] =	vst v1;
	v1 =	vor.u32 v0, v2;
	v2 =	vshll.u32 v3, $0x2;
	v3 =	vld [tilespmem:$0x1420]  }
0x78: {  	v22 =	vld [tilespmem:$0x1430];
	[tilespmem:$0x2360] =	vst v1;
	v1 =	vor.u32 v0, v2;
	v2 =	vshll.u32 v18, $0x2  }
0x79: {  	v23 =	vld [tilespmem:$0x1440];
	[tilespmem:$0x2370] =	vst v1;
	v1 =	vor.u32 v0, v2;
	v2 =	vshll.u32 v19, $0x2  }
0x7a: {  	v24 =	vld [tilespmem:$0x1450];
	[tilespmem:$0x2380] =	vst v1;
	v1 =	vor.u32 v0, v2;
	v2 =	vshll.u32 v20, $0x2  }
0x7b: {  	v25 =	vld [tilespmem:$0x1460];
	[tilespmem:$0x2390] =	vst v1;
	v1 =	vor.u32 v0, v2;
	v2 =	vshll.u32 v21, $0x2  }
0x7c: {  	[tilespmem:$0x23A0] =	vst v1;
	v1 =	vor.u32 v0, v2;
	v2 =	vshll.u32 v3, $0x2;
	v3 =	vld [tilespmem:$0x1470]  }
0x7d: {  	v26 =	vld [tilespmem:$0x1480];
	[tilespmem:$0x23B0] =	vst v1;
	v1 =	vor.u32 v0, v2;
	v2 =	vshll.u32 v22, $0x2  }
0x7e: {  	v27 =	vld [tilespmem:$0x1490];
	[tilespmem:$0x23C0] =	vst v1;
	v1 =	vor.u32 v0, v2;
	v2 =	vshll.u32 v23, $0x2  }
0x7f: {  	v28 =	vld [tilespmem:$0x14A0];
	[tilespmem:$0x23D0] =	vst v1;
	v1 =	vor.u32 v0, v2;
	v2 =	vshll.u32 v24, $0x2  }
0x80: {  	v29 =	vld [tilespmem:$0x14B0];
	[tilespmem:$0x23E0] =	vst v1;
	v1 =	vor.u32 v0, v2;
	v2 =	vshll.u32 v25, $0x2  }
0x81: {  	[tilespmem:$0x23F0] =	vst v1;
	v1 =	vor.u32 v0, v2;
	v2 =	vshll.u32 v3, $0x2;
	v3 =	vld [tilespmem:$0x14C0]  }
0x82: {  	v30 =	vld [tilespmem:$0x14D0];
	[tilespmem:$0x2400] =	vst v1;
	v1 =	vor.u32 v0, v2;
	v2 =	vshll.u32 v26, $0x2  }
0x83: {  	v31 =	vld [tilespmem:$0x14E0];
	[tilespmem:$0x2410] =	vst v1;
	v1 =	vor.u32 v0, v2;
	v2 =	vshll.u32 v27, $0x2  }
0x84: {  	v32 =	vld [tilespmem:$0x14F0];
	[tilespmem:$0x2420] =	vst v1;
	v1 =	vor.u32 v0, v2;
	v2 =	vshll.u32 v28, $0x2  }
0x85: {  	v33 =	vld [tilespmem:$0x1500];
	[tilespmem:$0x2430] =	vst v1;
	v1 =	vor.u32 v0, v2;
	v2 =	vshll.u32 v29, $0x2  }
0x86: {  	[tilespmem:$0x2440] =	vst v1;
	v1 =	vor.u32 v0, v2;
	v2 =	vshll.u32 v3, $0x2;
	v3 =	vld [tilespmem:$0x1510]  }
0x87: {  	v34 =	vld [tilespmem:$0x1520];
	[tilespmem:$0x2450] =	vst v1;
	v1 =	vor.u32 v0, v2;
	v2 =	vshll.u32 v30, $0x2  }
0x88: {  	v35 =	vld [tilespmem:$0x1530];
	[tilespmem:$0x2460] =	vst v1;
	v1 =	vor.u32 v0, v2;
	v2 =	vshll.u32 v31, $0x2  }
0x89: {  	v36 =	vld [tilespmem:$0x1540];
	[tilespmem:$0x2470] =	vst v1;
	v1 =	vor.u32 v0, v2;
	v2 =	vshll.u32 v32, $0x2  }
0x8a: {  	v37 =	vld [tilespmem:$0x1550];
	[tilespmem:$0x2480] =	vst v1;
	v1 =	vor.u32 v0, v2;
	v2 =	vshll.u32 v33, $0x2  }
0x8b: {  	[tilespmem:$0x2490] =	vst v1;
	v1 =	vor.u32 v0, v2;
	v2 =	vshll.u32 v3, $0x2;
	v3 =	vld [tilespmem:$0x1560]  }
0x8c: {  	v38 =	vld [tilespmem:$0x1570];
	[tilespmem:$0x24A0] =	vst v1;
	v1 =	vor.u32 v0, v2;
	v2 =	vshll.u32 v34, $0x2  }
0x8d: {  	v39 =	vld [tilespmem:$0x1580];
	[tilespmem:$0x24B0] =	vst v1;
	v1 =	vor.u32 v0, v2;
	v2 =	vshll.u32 v35, $0x2  }
0x8e: {  	v40 =	vld [tilespmem:$0x1590];
	[tilespmem:$0x24C0] =	vst v1;
	v1 =	vor.u32 v0, v2;
	v2 =	vshll.u32 v36, $0x2  }
0x8f: {  	v41 =	vld [tilespmem:$0x15A0];
	[tilespmem:$0x24D0] =	vst v1;
	v1 =	vor.u32 v0, v2;
	v2 =	vshll.u32 v37, $0x2  }
0x90: {  	[tilespmem:$0x24E0] =	vst v1;
	v1 =	vor.u32 v0, v2;
	v2 =	vshll.u32 v3, $0x2;
	v3 =	vld [tilespmem:$0x15B0]  }
0x91: {  	v42 =	vld [tilespmem:$0x15C0];
	[tilespmem:$0x24F0] =	vst v1;
	v1 =	vor.u32 v0, v2;
	v2 =	vshll.u32 v38, $0x2  }
0x92: {  	v43 =	vld [tilespmem:$0x15D0];
	[tilespmem:$0x2500] =	vst v1;
	v1 =	vor.u32 v0, v2;
	v2 =	vshll.u32 v39, $0x2  }
0x93: {  	v44 =	vld [tilespmem:$0x15E0];
	[tilespmem:$0x2510] =	vst v1;
	v1 =	vor.u32 v0, v2;
	v2 =	vshll.u32 v40, $0x2  }
0x94: {  	v45 =	vld [tilespmem:$0x15F0];
	[tilespmem:$0x2520] =	vst v1;
	v1 =	vor.u32 v0, v2;
	v2 =	vshll.u32 v41, $0x2  }
0x95: {  	[tilespmem:$0x2530] =	vst v1;
	v1 =	vor.u32 v0, v2;
	v2 =	vshll.u32 v3, $0x2;
	v3 =	vld [tilespmem:$0x1600]  }
0x96: {  	v46 =	vld [tilespmem:$0x1610];
	[tilespmem:$0x2540] =	vst v1;
	v1 =	vor.u32 v0, v2;
	v2 =	vshll.u32 v42, $0x2  }
0x97: {  	v47 =	vld [tilespmem:$0x1620];
	[tilespmem:$0x2550] =	vst v1;
	v1 =	vor.u32 v0, v2;
	v2 =	vshll.u32 v43, $0x2  }
0x98: {  	v48 =	vld [tilespmem:$0x1630];
	[tilespmem:$0x2560] =	vst v1;
	v1 =	vor.u32 v0, v2;
	v2 =	vshll.u32 v44, $0x2  }
0x99: {  	v49 =	vld [tilespmem:$0x1640];
	[tilespmem:$0x2570] =	vst v1;
	v1 =	vor.u32 v0, v2;
	v2 =	vshll.u32 v45, $0x2  }
0x9a: {  	[tilespmem:$0x2580] =	vst v1;
	v1 =	vor.u32 v0, v2;
	v2 =	vshll.u32 v3, $0x2;
	v3 =	vld [tilespmem:$0x1650]  }
0x9b: {  	v50 =	vld [tilespmem:$0x1660];
	[tilespmem:$0x2590] =	vst v1;
	v1 =	vor.u32 v0, v2;
	v2 =	vshll.u32 v46, $0x2  }
0x9c: {  	v51 =	vld [tilespmem:$0x1670];
	[tilespmem:$0x25A0] =	vst v1;
	v1 =	vor.u32 v0, v2;
	v2 =	vshll.u32 v47, $0x2  }
0x9d: {  	v52 =	vld [tilespmem:$0x1680];
	[tilespmem:$0x25B0] =	vst v1;
	v1 =	vor.u32 v0, v2;
	v2 =	vshll.u32 v48, $0x2  }
0x9e: {  	v53 =	vld [tilespmem:$0x1690];
	[tilespmem:$0x25C0] =	vst v1;
	v1 =	vor.u32 v0, v2;
	v2 =	vshll.u32 v49, $0x2  }
0x9f: {  	[tilespmem:$0x25D0] =	vst v1;
	v1 =	vor.u32 v0, v2;
	v2 =	vshll.u32 v3, $0x2;
	v3 =	vld [tilespmem:$0x16A0]  }
0xa0: {  	v54 =	vld [tilespmem:$0x16B0];
	[tilespmem:$0x25E0] =	vst v1;
	v1 =	vor.u32 v0, v2;
	v2 =	vshll.u32 v50, $0x2  }
0xa1: {  	v55 =	vld [tilespmem:$0x16C0];
	[tilespmem:$0x25F0] =	vst v1;
	v1 =	vor.u32 v0, v2;
	v2 =	vshll.u32 v51, $0x2  }
0xa2: {  	v56 =	vld [tilespmem:$0x16D0];
	[tilespmem:$0x2600] =	vst v1;
	v1 =	vor.u32 v0, v2;
	v2 =	vshll.u32 v52, $0x2  }
0xa3: {  	v57 =	vld [tilespmem:$0x16E0];
	[tilespmem:$0x2610] =	vst v1;
	v1 =	vor.u32 v0, v2;
	v2 =	vshll.u32 v53, $0x2  }
0xa4: {  	[tilespmem:$0x2620] =	vst v1;
	v1 =	vor.u32 v0, v2;
	v2 =	vshll.u32 v3, $0x2;
	v3 =	vld [tilespmem:$0x16F0]  }
0xa5: {  	v58 =	vld [tilespmem:$0x1700];
	[tilespmem:$0x2630] =	vst v1;
	v1 =	vor.u32 v0, v2;
	v2 =	vshll.u32 v54, $0x2  }
0xa6: {  	v59 =	vld [tilespmem:$0x1710];
	[tilespmem:$0x2640] =	vst v1;
	v1 =	vor.u32 v0, v2;
	v2 =	vshll.u32 v55, $0x2  }
0xa7: {  	v60 =	vld [tilespmem:$0x1720];
	[tilespmem:$0x2650] =	vst v1;
	v1 =	vor.u32 v0, v2;
	v2 =	vshll.u32 v56, $0x2  }
0xa8: {  	v61 =	vld [tilespmem:$0x1730];
	[tilespmem:$0x2660] =	vst v1;
	v1 =	vor.u32 v0, v2;
	v2 =	vshll.u32 v57, $0x2  }
0xa9: {  	[tilespmem:$0x2670] =	vst v1;
	v1 =	vor.u32 v0, v2;
	v2 =	vshll.u32 v3, $0x2;
	v3 =	vld [tilespmem:$0x1740]  }
0xaa: {  	v62 =	vld [tilespmem:$0x1750];
	[tilespmem:$0x2680] =	vst v1;
	v1 =	vor.u32 v0, v2;
	v2 =	vshll.u32 v58, $0x2  }
0xab: {  	v63 =	vld [tilespmem:$0x1760];
	[tilespmem:$0x2690] =	vst v1;
	v1 =	vor.u32 v0, v2;
	v2 =	vshll.u32 v59, $0x2  }
0xac: {  	[tilespmem:$0x26A0] =	vst v1;
	v1 =	vor.u32 v0, v2;
	v2 =	vshll.u32 v60, $0x2  }
0xad: {  	[tilespmem:$0x26B0] =	vst v1;
	v1 =	vor.u32 v0, v2;
	v2 =	vshll.u32 v61, $0x2  }
0xae: {  	[tilespmem:$0x26C0] =	vst v1;
	v1 =	vor.u32 v0, v2;
	v2 =	vshll.u32 v3, $0x2  }
0xaf: {  	[tilespmem:$0x26D0] =	vst v1;
	v1 =	vor.u32 v0, v2;
	v2 =	vshll.u32 v62, $0x2  }
0xb0: {  	[tilespmem:$0x26E0] =	vst v1;
	v1 =	vor.u32 v0, v2;
	v2 =	vshll.u32 v63, $0x2  }
0xb1: {  	s7 =	simm.s32 $0x7D0;
	[tilespmem:$0x26F0] =	vst v1;
	v1 =	vor.u32 v0, v2  }
0xb2: {  	s15 =	simm.s32 $0x1770;
	s0 =	simm.s32 $0x9EE0;
	s5 =	rddreg [dreg:$0xa];
	[tilespmem:$0x2700] =	vst v1  }
0xb3: {  	[tilespmem:s7], [sflag:$0x2] =	stream.linear.gather [hbm4b:s5+s14], $0x7D0, $0x38;
	[tilespmem:$0x1C520] =	vst v63  }
0xb4: {  	s2 =	simm.s32 $0xAEE0;
	s8 =	rddreg [dreg:$0xb];
	s5 =	simm.s32 $0x0  }
0xb5: {  	[tilespmem:s15], [sflag:$0x2] =	stream.linear.gather [hbm4b:s8+s14], $0x7D0, $0x38;
	[tilespmem:$0x1C520] =	vst v63  }
.LBB2_2:
0xb6: {  	s3 =	sand.u32 $0x1, s5  }
0xb7: {  	s8 =	smul.u32 $0x7D0, s3;
	_ =	sdelay $0x1  }
0xb8: {  	s14 =	sadd.s32 $0x1F40, s8  }
0xb9: {  	[tilespmem:s16], [sflag:$0x1] =	stream.indirect.gather [hbm4b:s1+s22], $0x20, s14, s22, $0xb8;
	[tilespmem:$0x1C520] =	vst v63  }
0xba: {  	s16 =	sadd.s32 $0x1FC0, s8  }
0xbb: {  	[tilespmem:s26], [sflag:$0x1] =	stream.indirect.gather [hbm4b:s1+s22], $0x20, s16, s22, $0xb8;
	[tilespmem:$0x1C520] =	vst v63  }
0xbc: {  	s7 =	sadd.s32 $0x2040, s8  }
0xbd: {  	[tilespmem:s23], [sflag:$0x1] =	stream.indirect.gather [hbm4b:s1+s22], $0x20, s7, s22, $0xb8;
	[tilespmem:$0x1C520] =	vst v63  }
0xbe: {  	s16 =	sadd.s32 $0x20C0, s8  }
0xbf: {  	[tilespmem:s28], [sflag:$0x1] =	stream.indirect.gather [hbm4b:s1+s22], $0x20, s16, s22, $0xb8;
	[tilespmem:$0x1C520] =	vst v63  }
0xc0: {  	s23 =	sadd.s32 $0x2140, s8  }
0xc1: {  	[tilespmem:s29], [sflag:$0x1] =	stream.indirect.gather [hbm4b:s1+s22], $0x20, s23, s22, $0xb8;
	[tilespmem:$0x1C520] =	vst v63  }
0xc2: {  	s26 =	sadd.s32 $0x21C0, s8  }
0xc3: {  	[tilespmem:s30], [sflag:$0x1] =	stream.indirect.gather [hbm4b:s1+s22], $0x20, s26, s22, $0xb8;
	[tilespmem:$0x1C520] =	vst v63  }
0xc4: {  	s7 =	sadd.s32 $0x2240, s8  }
0xc5: {  	[tilespmem:s31], [sflag:$0x1] =	stream.indirect.gather [hbm4b:s1+s22], $0x20, s7, s22, $0xb8;
	[tilespmem:$0x1C520] =	vst v63  }
0xc6: {  	s16 =	sadd.s32 $0x22C0, s8  }
0xc7: {  	[tilespmem:s0], [sflag:$0x1] =	stream.indirect.gather [hbm4b:s1+s22], $0x20, s16, s22, $0xb8;
	[tilespmem:$0x1C520] =	vst v63  }
0xc8: {  	s23 =	sadd.s32 $0x2340, s8  }
0xc9: {  	[tilespmem:s2], [sflag:$0x1] =	stream.indirect.gather [hbm4b:s1+s22], $0x20, s23, s22, $0xb8;
	[tilespmem:$0x1C520] =	vst v63  }
0xca: {  	s26 =	sadd.s32 $0x23C0, s8  }
0xcb: {  	[tilespmem:s18], [sflag:$0x1] =	stream.indirect.gather [hbm4b:s1+s22], $0x20, s26, s22, $0xb8;
	[tilespmem:$0x1C520] =	vst v63  }
0xcc: {  	s7 =	sadd.s32 $0x2440, s8  }
0xcd: {  	[tilespmem:s20], [sflag:$0x1] =	stream.indirect.gather [hbm4b:s1+s22], $0x20, s7, s22, $0xb8;
	[tilespmem:$0x1C520] =	vst v63  }
0xce: {  	s16 =	sadd.s32 $0x24C0, s8  }
0xcf: {  	[tilespmem:s21], [sflag:$0x1] =	stream.indirect.gather [hbm4b:s1+s22], $0x20, s16, s22, $0xb8;
	[tilespmem:$0x1C520] =	vst v63  }
0xd0: {  	s23 =	sadd.s32 $0x2540, s8  }
0xd1: {  	[tilespmem:s6], [sflag:$0x1] =	stream.indirect.gather [hbm4b:s1+s22], $0x20, s23, s22, $0xb8;
	[tilespmem:$0x1C520] =	vst v63  }
0xd2: {  	s26 =	sadd.s32 $0x25C0, s8  }
0xd3: {  	[tilespmem:s9], [sflag:$0x1] =	stream.indirect.gather [hbm4b:s1+s22], $0x20, s26, s22, $0xb8;
	[tilespmem:$0x1C520] =	vst v63  }
0xd4: {  	s7 =	sadd.s32 $0x2640, s8  }
0xd5: {  	[tilespmem:s11], [sflag:$0x1] =	stream.indirect.gather [hbm4b:s1+s22], $0x20, s7, s22, $0xb8;
	[tilespmem:$0x1C520] =	vst v63  }
0xd6: {  	s15 =	smov.u32 s5;
	s5 =	sadd.s32 $0x1, s5;
	s16 =	sadd.s32 $0x26C0, s8  }
0xd7: {  	[tilespmem:s4], [sflag:$0x1] =	stream.indirect.gather [hbm4b:s1+s12], $0x20, s16, s12, $0xb8;
	[tilespmem:$0x1C520] =	vst v63  }
0xd8: {  	p0 =	seq.s32 s15, $0x13;
	s16 =	smov.u32 s5  }
0xd9: {  	_ =	swait.ge [sflag:s19], $0x7D0;
	s16 =	simm.s32 @p0 $0x0  }
0xda: {  	[sflag:s19] =	ssyncset.done $0x0;
	s23 =	smul.u32 $0xFFFFFFCD, s16  }
0xdb: {  	s3 =	sxor.u32 $0x1, s3;
	[sflag:s19] =	ssyncadd.s32 $0xFFFFF830  }
0xdc: {  	s14 =	smul.u32 $0x7D0, s3;
	_ =	swait.ge [sflag:s19], $0x7D0;
	s7 =	sand.u32 $0xFE, s23  }
0xdd: {  	s23 =	sshll.u32 s23, $0x7;
	[sflag:s19] =	ssyncset.done $0x0;
	s7 =	sshrl.u32 s7, $0x1  }
0xde: {  	[sflag:s19] =	ssyncadd.s32 $0xFFFFF830;
	s7 =	sor.u32 s23, s7  }
0xdf: {  	s23 =	sand.u32 $0xFF, s16;
	s3 =	sand.u32 $0xFF, s7;
	v1 =	vld [tilespmem:s14+$0xFA0]  }
0xe0: {  	s7 =	smul.u32 $0xCD, s23;
	v2 =	vld [tilespmem:s14+$0xFB0];
	p1 =	sgt.u32 s3, $0x19  }
0xe1: {  	v3 =	vld [tilespmem:s14+$0xFC0];
	p0 =	por !p0, !p1  }
0xe2: {  	v4 =	vld [tilespmem:s14+$0xFD0];
	s16 =	sshrl.u32 s7, $0xB;
	s7 =	simm.s32 $0x1;
	p0 =	por !p0, !p0  }
0xe3: {  	v5 =	vld [tilespmem:s14+$0xFE0];
	s3 =	sadd.s32 s16, s10;
	s7 =	simm.s32 @!p0 $0x0  }
0xe4: {  	v6 =	vld [tilespmem:s14+$0xFF0];
	s3 =	ssub.s32 s3, s7;
	v1 =	vshll.u32 v1, $0x2  }
0xe5: {  	v7 =	vld [tilespmem:s14+$0x1000];
	v2 =	vshll.u32 v2, $0x2;
	v1 =	vadd.s32 s3, v1  }
0xe6: {  	[tilespmem:s14+$0x1F40] =	vst v1;
	v1 =	vadd.s32 s3, v2;
	v2 =	vshll.u32 v3, $0x2;
	v3 =	vld [tilespmem:s14+$0x1010]  }
0xe7: {  	v25 =	vld [tilespmem:s14+$0x1020];
	[tilespmem:s14+$0x1F50] =	vst v1;
	v1 =	vadd.s32 s3, v2;
	v2 =	vshll.u32 v4, $0x2  }
0xe8: {  	v26 =	vld [tilespmem:s14+$0x1030];
	[tilespmem:s14+$0x1F60] =	vst v1;
	v1 =	vadd.s32 s3, v2;
	v2 =	vshll.u32 v5, $0x2  }
0xe9: {  	v27 =	vld [tilespmem:s14+$0x1040];
	[tilespmem:s14+$0x1F70] =	vst v1;
	v1 =	vadd.s32 s3, v2;
	v2 =	vshll.u32 v6, $0x2  }
0xea: {  	v28 =	vld [tilespmem:s14+$0x1050];
	[tilespmem:s14+$0x1F80] =	vst v1;
	v1 =	vadd.s32 s3, v2;
	v2 =	vshll.u32 v7, $0x2  }
0xeb: {  	[tilespmem:s14+$0x1F90] =	vst v1;
	v1 =	vadd.s32 s3, v2;
	v2 =	vshll.u32 v3, $0x2;
	v3 =	vld [tilespmem:s14+$0x1060]  }
0xec: {  	v29 =	vld [tilespmem:s14+$0x1070];
	[tilespmem:s14+$0x1FA0] =	vst v1;
	v1 =	vadd.s32 s3, v2;
	v2 =	vshll.u32 v25, $0x2  }
0xed: {  	v30 =	vld [tilespmem:s14+$0x1080];
	[tilespmem:s14+$0x1FB0] =	vst v1;
	v1 =	vadd.s32 s3, v2;
	v2 =	vshll.u32 v26, $0x2  }
0xee: {  	v31 =	vld [tilespmem:s14+$0x1090];
	[tilespmem:s14+$0x1FC0] =	vst v1;
	v1 =	vadd.s32 s3, v2;
	v2 =	vshll.u32 v27, $0x2  }
0xef: {  	v32 =	vld [tilespmem:s14+$0x10A0];
	[tilespmem:s14+$0x1FD0] =	vst v1;
	v1 =	vadd.s32 s3, v2;
	v2 =	vshll.u32 v28, $0x2  }
0xf0: {  	[tilespmem:s14+$0x1FE0] =	vst v1;
	v1 =	vadd.s32 s3, v2;
	v2 =	vshll.u32 v3, $0x2;
	v3 =	vld [tilespmem:s14+$0x10B0]  }
0xf1: {  	v33 =	vld [tilespmem:s14+$0x10C0];
	[tilespmem:s14+$0x1FF0] =	vst v1;
	v1 =	vadd.s32 s3, v2;
	v2 =	vshll.u32 v29, $0x2  }
0xf2: {  	v34 =	vld [tilespmem:s14+$0x10D0];
	[tilespmem:s14+$0x2000] =	vst v1;
	v1 =	vadd.s32 s3, v2;
	v2 =	vshll.u32 v30, $0x2  }
0xf3: {  	v35 =	vld [tilespmem:s14+$0x10E0];
	[tilespmem:s14+$0x2010] =	vst v1;
	v1 =	vadd.s32 s3, v2;
	v2 =	vshll.u32 v31, $0x2  }
0xf4: {  	v36 =	vld [tilespmem:s14+$0x10F0];
	[tilespmem:s14+$0x2020] =	vst v1;
	v1 =	vadd.s32 s3, v2;
	v2 =	vshll.u32 v32, $0x2  }
0xf5: {  	[tilespmem:s14+$0x2030] =	vst v1;
	v1 =	vadd.s32 s3, v2;
	v2 =	vshll.u32 v3, $0x2;
	v3 =	vld [tilespmem:s14+$0x1100]  }
0xf6: {  	v37 =	vld [tilespmem:s14+$0x1110];
	[tilespmem:s14+$0x2040] =	vst v1;
	v1 =	vadd.s32 s3, v2;
	v2 =	vshll.u32 v33, $0x2  }
0xf7: {  	v38 =	vld [tilespmem:s14+$0x1120];
	[tilespmem:s14+$0x2050] =	vst v1;
	v1 =	vadd.s32 s3, v2;
	v2 =	vshll.u32 v34, $0x2  }
0xf8: {  	v39 =	vld [tilespmem:s14+$0x1130];
	[tilespmem:s14+$0x2060] =	vst v1;
	v1 =	vadd.s32 s3, v2;
	v2 =	vshll.u32 v35, $0x2  }
0xf9: {  	v40 =	vld [tilespmem:s14+$0x1140];
	[tilespmem:s14+$0x2070] =	vst v1;
	v1 =	vadd.s32 s3, v2;
	v2 =	vshll.u32 v36, $0x2  }
0xfa: {  	[tilespmem:s14+$0x2080] =	vst v1;
	v1 =	vadd.s32 s3, v2;
	v2 =	vshll.u32 v3, $0x2;
	v3 =	vld [tilespmem:s14+$0x1150]  }
0xfb: {  	v41 =	vld [tilespmem:s14+$0x1160];
	[tilespmem:s14+$0x2090] =	vst v1;
	v1 =	vadd.s32 s3, v2;
	v2 =	vshll.u32 v37, $0x2  }
0xfc: {  	v42 =	vld [tilespmem:s14+$0x1170];
	[tilespmem:s14+$0x20A0] =	vst v1;
	v1 =	vadd.s32 s3, v2;
	v2 =	vshll.u32 v38, $0x2  }
0xfd: {  	v43 =	vld [tilespmem:s14+$0x1180];
	[tilespmem:s14+$0x20B0] =	vst v1;
	v1 =	vadd.s32 s3, v2;
	v2 =	vshll.u32 v39, $0x2  }
0xfe: {  	v44 =	vld [tilespmem:s14+$0x1190];
	[tilespmem:s14+$0x20C0] =	vst v1;
	v1 =	vadd.s32 s3, v2;
	v2 =	vshll.u32 v40, $0x2  }
0xff: {  	[tilespmem:s14+$0x20D0] =	vst v1;
	v1 =	vadd.s32 s3, v2;
	v2 =	vshll.u32 v3, $0x2;
	v3 =	vld [tilespmem:s14+$0x11A0]  }
0x100: {  	v45 =	vld [tilespmem:s14+$0x11B0];
	[tilespmem:s14+$0x20E0] =	vst v1;
	v1 =	vadd.s32 s3, v2;
	v2 =	vshll.u32 v41, $0x2  }
0x101: {  	v46 =	vld [tilespmem:s14+$0x11C0];
	[tilespmem:s14+$0x20F0] =	vst v1;
	v1 =	vadd.s32 s3, v2;
	v2 =	vshll.u32 v42, $0x2  }
0x102: {  	v47 =	vld [tilespmem:s14+$0x11D0];
	[tilespmem:s14+$0x2100] =	vst v1;
	v1 =	vadd.s32 s3, v2;
	v2 =	vshll.u32 v43, $0x2  }
0x103: {  	v48 =	vld [tilespmem:s14+$0x11E0];
	[tilespmem:s14+$0x2110] =	vst v1;
	v1 =	vadd.s32 s3, v2;
	v2 =	vshll.u32 v44, $0x2  }
0x104: {  	[tilespmem:s14+$0x2120] =	vst v1;
	v1 =	vadd.s32 s3, v2;
	v2 =	vshll.u32 v3, $0x2;
	v3 =	vld [tilespmem:s14+$0x11F0]  }
0x105: {  	v49 =	vld [tilespmem:s14+$0x1200];
	[tilespmem:s14+$0x2130] =	vst v1;
	v1 =	vadd.s32 s3, v2;
	v2 =	vshll.u32 v45, $0x2  }
0x106: {  	v50 =	vld [tilespmem:s14+$0x1210];
	[tilespmem:s14+$0x2140] =	vst v1;
	v1 =	vadd.s32 s3, v2;
	v2 =	vshll.u32 v46, $0x2  }
0x107: {  	v51 =	vld [tilespmem:s14+$0x1220];
	[tilespmem:s14+$0x2150] =	vst v1;
	v1 =	vadd.s32 s3, v2;
	v2 =	vshll.u32 v47, $0x2  }
0x108: {  	v52 =	vld [tilespmem:s14+$0x1230];
	[tilespmem:s14+$0x2160] =	vst v1;
	v1 =	vadd.s32 s3, v2;
	v2 =	vshll.u32 v48, $0x2  }
0x109: {  	[tilespmem:s14+$0x2170] =	vst v1;
	v1 =	vadd.s32 s3, v2;
	v2 =	vshll.u32 v3, $0x2;
	v3 =	vld [tilespmem:s14+$0x1240]  }
0x10a: {  	v53 =	vld [tilespmem:s14+$0x1250];
	[tilespmem:s14+$0x2180] =	vst v1;
	v1 =	vadd.s32 s3, v2;
	v2 =	vshll.u32 v49, $0x2  }
0x10b: {  	v54 =	vld [tilespmem:s14+$0x1260];
	[tilespmem:s14+$0x2190] =	vst v1;
	v1 =	vadd.s32 s3, v2;
	v2 =	vshll.u32 v50, $0x2  }
0x10c: {  	v55 =	vld [tilespmem:s14+$0x1270];
	[tilespmem:s14+$0x21A0] =	vst v1;
	v1 =	vadd.s32 s3, v2;
	v2 =	vshll.u32 v51, $0x2  }
0x10d: {  	v56 =	vld [tilespmem:s14+$0x1280];
	[tilespmem:s14+$0x21B0] =	vst v1;
	v1 =	vadd.s32 s3, v2;
	v2 =	vshll.u32 v52, $0x2  }
0x10e: {  	[tilespmem:s14+$0x21C0] =	vst v1;
	v1 =	vadd.s32 s3, v2;
	v2 =	vshll.u32 v3, $0x2;
	v3 =	vld [tilespmem:s14+$0x1290]  }
0x10f: {  	v57 =	vld [tilespmem:s14+$0x12A0];
	[tilespmem:s14+$0x21D0] =	vst v1;
	v1 =	vadd.s32 s3, v2;
	v2 =	vshll.u32 v53, $0x2  }
0x110: {  	v58 =	vld [tilespmem:s14+$0x12B0];
	[tilespmem:s14+$0x21E0] =	vst v1;
	v1 =	vadd.s32 s3, v2;
	v2 =	vshll.u32 v54, $0x2  }
0x111: {  	v59 =	vld [tilespmem:s14+$0x12C0];
	[tilespmem:s14+$0x21F0] =	vst v1;
	v1 =	vadd.s32 s3, v2;
	v2 =	vshll.u32 v55, $0x2  }
0x112: {  	v60 =	vld [tilespmem:s14+$0x12D0];
	[tilespmem:s14+$0x2200] =	vst v1;
	v1 =	vadd.s32 s3, v2;
	v2 =	vshll.u32 v56, $0x2  }
0x113: {  	[tilespmem:s14+$0x2210] =	vst v1;
	v1 =	vadd.s32 s3, v2;
	v2 =	vshll.u32 v3, $0x2;
	v3 =	vld [tilespmem:s14+$0x12E0]  }
0x114: {  	v61 =	vld [tilespmem:s14+$0x12F0];
	[tilespmem:s14+$0x2220] =	vst v1;
	v1 =	vadd.s32 s3, v2;
	v2 =	vshll.u32 v57, $0x2  }
0x115: {  	v62 =	vld [tilespmem:s14+$0x1300];
	[tilespmem:s14+$0x2230] =	vst v1;
	v1 =	vadd.s32 s3, v2;
	v2 =	vshll.u32 v58, $0x2  }
0x116: {  	v63 =	vld [tilespmem:s14+$0x1310];
	[tilespmem:s14+$0x2240] =	vst v1;
	v1 =	vadd.s32 s3, v2;
	v2 =	vshll.u32 v59, $0x2  }
0x117: {  	v9 =	vld [tilespmem:s14+$0x1320];
	[tilespmem:s14+$0x2250] =	vst v1;
	v1 =	vadd.s32 s3, v2;
	v2 =	vshll.u32 v60, $0x2  }
0x118: {  	[tilespmem:s14+$0x2260] =	vst v1;
	v1 =	vadd.s32 s3, v2;
	v2 =	vshll.u32 v3, $0x2;
	v3 =	vld [tilespmem:s14+$0x1330]  }
0x119: {  	v10 =	vld [tilespmem:s14+$0x1340];
	[tilespmem:s14+$0x2270] =	vst v1;
	v1 =	vadd.s32 s3, v2;
	v2 =	vshll.u32 v61, $0x2  }
0x11a: {  	v11 =	vld [tilespmem:s14+$0x1350];
	[tilespmem:s14+$0x2280] =	vst v1;
	v1 =	vadd.s32 s3, v2;
	v2 =	vshll.u32 v62, $0x2  }
0x11b: {  	v12 =	vld [tilespmem:s14+$0x1360];
	[tilespmem:s14+$0x2290] =	vst v1;
	v1 =	vadd.s32 s3, v2;
	v2 =	vshll.u32 v63, $0x2  }
0x11c: {  	v13 =	vld [tilespmem:s14+$0x1370];
	[tilespmem:s14+$0x22A0] =	vst v1;
	v1 =	vadd.s32 s3, v2;
	v2 =	vshll.u32 v9, $0x2  }
0x11d: {  	[tilespmem:s14+$0x22B0] =	vst v1;
	v1 =	vadd.s32 s3, v2;
	v2 =	vshll.u32 v3, $0x2;
	v3 =	vld [tilespmem:s14+$0x1380]  }
0x11e: {  	v14 =	vld [tilespmem:s14+$0x1390];
	[tilespmem:s14+$0x22C0] =	vst v1;
	v1 =	vadd.s32 s3, v2;
	v2 =	vshll.u32 v10, $0x2  }
0x11f: {  	v15 =	vld [tilespmem:s14+$0x13A0];
	[tilespmem:s14+$0x22D0] =	vst v1;
	v1 =	vadd.s32 s3, v2;
	v2 =	vshll.u32 v11, $0x2  }
0x120: {  	v16 =	vld [tilespmem:s14+$0x13B0];
	[tilespmem:s14+$0x22E0] =	vst v1;
	v1 =	vadd.s32 s3, v2;
	v2 =	vshll.u32 v12, $0x2  }
0x121: {  	v17 =	vld [tilespmem:s14+$0x13C0];
	[tilespmem:s14+$0x22F0] =	vst v1;
	v1 =	vadd.s32 s3, v2;
	v2 =	vshll.u32 v13, $0x2  }
0x122: {  	[tilespmem:s14+$0x2300] =	vst v1;
	v1 =	vadd.s32 s3, v2;
	v2 =	vshll.u32 v3, $0x2;
	v3 =	vld [tilespmem:s14+$0x13D0]  }
0x123: {  	v18 =	vld [tilespmem:s14+$0x13E0];
	[tilespmem:s14+$0x2310] =	vst v1;
	v1 =	vadd.s32 s3, v2;
	v2 =	vshll.u32 v14, $0x2  }
0x124: {  	v19 =	vld [tilespmem:s14+$0x13F0];
	[tilespmem:s14+$0x2320] =	vst v1;
	v1 =	vadd.s32 s3, v2;
	v2 =	vshll.u32 v15, $0x2  }
0x125: {  	v20 =	vld [tilespmem:s14+$0x1400];
	[tilespmem:s14+$0x2330] =	vst v1;
	v1 =	vadd.s32 s3, v2;
	v2 =	vshll.u32 v16, $0x2  }
0x126: {  	v21 =	vld [tilespmem:s14+$0x1410];
	[tilespmem:s14+$0x2340] =	vst v1;
	v1 =	vadd.s32 s3, v2;
	v2 =	vshll.u32 v17, $0x2  }
0x127: {  	[tilespmem:s14+$0x2350] =	vst v1;
	v1 =	vadd.s32 s3, v2;
	v2 =	vshll.u32 v3, $0x2;
	v3 =	vld [tilespmem:s14+$0x1420]  }
0x128: {  	v22 =	vld [tilespmem:s14+$0x1430];
	[tilespmem:s14+$0x2360] =	vst v1;
	v1 =	vadd.s32 s3, v2;
	v2 =	vshll.u32 v18, $0x2  }
0x129: {  	v23 =	vld [tilespmem:s14+$0x1440];
	[tilespmem:s14+$0x2370] =	vst v1;
	v1 =	vadd.s32 s3, v2;
	v2 =	vshll.u32 v19, $0x2  }
0x12a: {  	v24 =	vld [tilespmem:s14+$0x1450];
	[tilespmem:s14+$0x2380] =	vst v1;
	v1 =	vadd.s32 s3, v2;
	v2 =	vshll.u32 v20, $0x2  }
0x12b: {  	v25 =	vld [tilespmem:s14+$0x1460];
	[tilespmem:s14+$0x2390] =	vst v1;
	v1 =	vadd.s32 s3, v2;
	v2 =	vshll.u32 v21, $0x2  }
0x12c: {  	[tilespmem:s14+$0x23A0] =	vst v1;
	v1 =	vadd.s32 s3, v2;
	v2 =	vshll.u32 v3, $0x2;
	v3 =	vld [tilespmem:s14+$0x1470]  }
0x12d: {  	v26 =	vld [tilespmem:s14+$0x1480];
	[tilespmem:s14+$0x23B0] =	vst v1;
	v1 =	vadd.s32 s3, v2;
	v2 =	vshll.u32 v22, $0x2  }
0x12e: {  	v27 =	vld [tilespmem:s14+$0x1490];
	[tilespmem:s14+$0x23C0] =	vst v1;
	v1 =	vadd.s32 s3, v2;
	v2 =	vshll.u32 v23, $0x2  }
0x12f: {  	v28 =	vld [tilespmem:s14+$0x14A0];
	[tilespmem:s14+$0x23D0] =	vst v1;
	v1 =	vadd.s32 s3, v2;
	v2 =	vshll.u32 v24, $0x2  }
0x130: {  	v29 =	vld [tilespmem:s14+$0x14B0];
	[tilespmem:s14+$0x23E0] =	vst v1;
	v1 =	vadd.s32 s3, v2;
	v2 =	vshll.u32 v25, $0x2  }
0x131: {  	[tilespmem:s14+$0x23F0] =	vst v1;
	v1 =	vadd.s32 s3, v2;
	v2 =	vshll.u32 v3, $0x2;
	v3 =	vld [tilespmem:s14+$0x14C0]  }
0x132: {  	v30 =	vld [tilespmem:s14+$0x14D0];
	[tilespmem:s14+$0x2400] =	vst v1;
	v1 =	vadd.s32 s3, v2;
	v2 =	vshll.u32 v26, $0x2  }
0x133: {  	v31 =	vld [tilespmem:s14+$0x14E0];
	[tilespmem:s14+$0x2410] =	vst v1;
	v1 =	vadd.s32 s3, v2;
	v2 =	vshll.u32 v27, $0x2  }
0x134: {  	v32 =	vld [tilespmem:s14+$0x14F0];
	[tilespmem:s14+$0x2420] =	vst v1;
	v1 =	vadd.s32 s3, v2;
	v2 =	vshll.u32 v28, $0x2  }
0x135: {  	v33 =	vld [tilespmem:s14+$0x1500];
	[tilespmem:s14+$0x2430] =	vst v1;
	v1 =	vadd.s32 s3, v2;
	v2 =	vshll.u32 v29, $0x2  }
0x136: {  	[tilespmem:s14+$0x2440] =	vst v1;
	v1 =	vadd.s32 s3, v2;
	v2 =	vshll.u32 v3, $0x2;
	v3 =	vld [tilespmem:s14+$0x1510]  }
0x137: {  	v34 =	vld [tilespmem:s14+$0x1520];
	[tilespmem:s14+$0x2450] =	vst v1;
	v1 =	vadd.s32 s3, v2;
	v2 =	vshll.u32 v30, $0x2  }
0x138: {  	v35 =	vld [tilespmem:s14+$0x1530];
	[tilespmem:s14+$0x2460] =	vst v1;
	v1 =	vadd.s32 s3, v2;
	v2 =	vshll.u32 v31, $0x2  }
0x139: {  	v36 =	vld [tilespmem:s14+$0x1540];
	[tilespmem:s14+$0x2470] =	vst v1;
	v1 =	vadd.s32 s3, v2;
	v2 =	vshll.u32 v32, $0x2  }
0x13a: {  	v37 =	vld [tilespmem:s14+$0x1550];
	[tilespmem:s14+$0x2480] =	vst v1;
	v1 =	vadd.s32 s3, v2;
	v2 =	vshll.u32 v33, $0x2  }
0x13b: {  	[tilespmem:s14+$0x2490] =	vst v1;
	v1 =	vadd.s32 s3, v2;
	v2 =	vshll.u32 v3, $0x2;
	v3 =	vld [tilespmem:s14+$0x1560]  }
0x13c: {  	v38 =	vld [tilespmem:s14+$0x1570];
	[tilespmem:s14+$0x24A0] =	vst v1;
	v1 =	vadd.s32 s3, v2;
	v2 =	vshll.u32 v34, $0x2  }
0x13d: {  	v39 =	vld [tilespmem:s14+$0x1580];
	[tilespmem:s14+$0x24B0] =	vst v1;
	v1 =	vadd.s32 s3, v2;
	v2 =	vshll.u32 v35, $0x2  }
0x13e: {  	v40 =	vld [tilespmem:s14+$0x1590];
	[tilespmem:s14+$0x24C0] =	vst v1;
	v1 =	vadd.s32 s3, v2;
	v2 =	vshll.u32 v36, $0x2  }
0x13f: {  	v41 =	vld [tilespmem:s14+$0x15A0];
	[tilespmem:s14+$0x24D0] =	vst v1;
	v1 =	vadd.s32 s3, v2;
	v2 =	vshll.u32 v37, $0x2  }
0x140: {  	[tilespmem:s14+$0x24E0] =	vst v1;
	v1 =	vadd.s32 s3, v2;
	v2 =	vshll.u32 v3, $0x2;
	v3 =	vld [tilespmem:s14+$0x15B0]  }
0x141: {  	v42 =	vld [tilespmem:s14+$0x15C0];
	[tilespmem:s14+$0x24F0] =	vst v1;
	v1 =	vadd.s32 s3, v2;
	v2 =	vshll.u32 v38, $0x2  }
0x142: {  	v43 =	vld [tilespmem:s14+$0x15D0];
	[tilespmem:s14+$0x2500] =	vst v1;
	v1 =	vadd.s32 s3, v2;
	v2 =	vshll.u32 v39, $0x2  }
0x143: {  	v44 =	vld [tilespmem:s14+$0x15E0];
	[tilespmem:s14+$0x2510] =	vst v1;
	v1 =	vadd.s32 s3, v2;
	v2 =	vshll.u32 v40, $0x2  }
0x144: {  	v45 =	vld [tilespmem:s14+$0x15F0];
	[tilespmem:s14+$0x2520] =	vst v1;
	v1 =	vadd.s32 s3, v2;
	v2 =	vshll.u32 v41, $0x2  }
0x145: {  	[tilespmem:s14+$0x2530] =	vst v1;
	v1 =	vadd.s32 s3, v2;
	v2 =	vshll.u32 v3, $0x2;
	v3 =	vld [tilespmem:s14+$0x1600]  }
0x146: {  	v46 =	vld [tilespmem:s14+$0x1610];
	[tilespmem:s14+$0x2540] =	vst v1;
	v1 =	vadd.s32 s3, v2;
	v2 =	vshll.u32 v42, $0x2  }
0x147: {  	v47 =	vld [tilespmem:s14+$0x1620];
	[tilespmem:s14+$0x2550] =	vst v1;
	v1 =	vadd.s32 s3, v2;
	v2 =	vshll.u32 v43, $0x2  }
0x148: {  	v48 =	vld [tilespmem:s14+$0x1630];
	[tilespmem:s14+$0x2560] =	vst v1;
	v1 =	vadd.s32 s3, v2;
	v2 =	vshll.u32 v44, $0x2  }
0x149: {  	v49 =	vld [tilespmem:s14+$0x1640];
	[tilespmem:s14+$0x2570] =	vst v1;
	v1 =	vadd.s32 s3, v2;
	v2 =	vshll.u32 v45, $0x2  }
0x14a: {  	[tilespmem:s14+$0x2580] =	vst v1;
	v1 =	vadd.s32 s3, v2;
	v2 =	vshll.u32 v3, $0x2;
	v3 =	vld [tilespmem:s14+$0x1650]  }
0x14b: {  	v50 =	vld [tilespmem:s14+$0x1660];
	[tilespmem:s14+$0x2590] =	vst v1;
	v1 =	vadd.s32 s3, v2;
	v2 =	vshll.u32 v46, $0x2  }
0x14c: {  	v51 =	vld [tilespmem:s14+$0x1670];
	[tilespmem:s14+$0x25A0] =	vst v1;
	v1 =	vadd.s32 s3, v2;
	v2 =	vshll.u32 v47, $0x2  }
0x14d: {  	v52 =	vld [tilespmem:s14+$0x1680];
	[tilespmem:s14+$0x25B0] =	vst v1;
	v1 =	vadd.s32 s3, v2;
	v2 =	vshll.u32 v48, $0x2  }
0x14e: {  	v53 =	vld [tilespmem:s14+$0x1690];
	[tilespmem:s14+$0x25C0] =	vst v1;
	v1 =	vadd.s32 s3, v2;
	v2 =	vshll.u32 v49, $0x2  }
0x14f: {  	[tilespmem:s14+$0x25D0] =	vst v1;
	v1 =	vadd.s32 s3, v2;
	v2 =	vshll.u32 v3, $0x2;
	v3 =	vld [tilespmem:s14+$0x16A0]  }
0x150: {  	v54 =	vld [tilespmem:s14+$0x16B0];
	[tilespmem:s14+$0x25E0] =	vst v1;
	v1 =	vadd.s32 s3, v2;
	v2 =	vshll.u32 v50, $0x2  }
0x151: {  	v55 =	vld [tilespmem:s14+$0x16C0];
	[tilespmem:s14+$0x25F0] =	vst v1;
	v1 =	vadd.s32 s3, v2;
	v2 =	vshll.u32 v51, $0x2  }
0x152: {  	v56 =	vld [tilespmem:s14+$0x16D0];
	[tilespmem:s14+$0x2600] =	vst v1;
	v1 =	vadd.s32 s3, v2;
	v2 =	vshll.u32 v52, $0x2  }
0x153: {  	v57 =	vld [tilespmem:s14+$0x16E0];
	[tilespmem:s14+$0x2610] =	vst v1;
	v1 =	vadd.s32 s3, v2;
	v2 =	vshll.u32 v53, $0x2  }
0x154: {  	[tilespmem:s14+$0x2620] =	vst v1;
	v1 =	vadd.s32 s3, v2;
	v2 =	vshll.u32 v3, $0x2;
	v3 =	vld [tilespmem:s14+$0x16F0]  }
0x155: {  	v58 =	vld [tilespmem:s14+$0x1700];
	[tilespmem:s14+$0x2630] =	vst v1;
	v1 =	vadd.s32 s3, v2;
	v2 =	vshll.u32 v54, $0x2  }
0x156: {  	v59 =	vld [tilespmem:s14+$0x1710];
	[tilespmem:s14+$0x2640] =	vst v1;
	v1 =	vadd.s32 s3, v2;
	v2 =	vshll.u32 v55, $0x2  }
0x157: {  	v60 =	vld [tilespmem:s14+$0x1720];
	[tilespmem:s14+$0x2650] =	vst v1;
	v1 =	vadd.s32 s3, v2;
	v2 =	vshll.u32 v56, $0x2  }
0x158: {  	v61 =	vld [tilespmem:s14+$0x1730];
	[tilespmem:s14+$0x2660] =	vst v1;
	v1 =	vadd.s32 s3, v2;
	v2 =	vshll.u32 v57, $0x2  }
0x159: {  	[tilespmem:s14+$0x2670] =	vst v1;
	v1 =	vadd.s32 s3, v2;
	v2 =	vshll.u32 v3, $0x2;
	v3 =	vld [tilespmem:s14+$0x1740]  }
0x15a: {  	v62 =	vld [tilespmem:s14+$0x1750];
	[tilespmem:s14+$0x2680] =	vst v1;
	v1 =	vadd.s32 s3, v2;
	v2 =	vshll.u32 v58, $0x2  }
0x15b: {  	v63 =	vld [tilespmem:s14+$0x1760];
	[tilespmem:s14+$0x2690] =	vst v1;
	v1 =	vadd.s32 s3, v2;
	v2 =	vshll.u32 v59, $0x2  }
0x15c: {  	[tilespmem:s14+$0x26A0] =	vst v1;
	v1 =	vadd.s32 s3, v2;
	v2 =	vshll.u32 v60, $0x2  }
0x15d: {  	[tilespmem:s14+$0x26B0] =	vst v1;
	v1 =	vadd.s32 s3, v2;
	v2 =	vshll.u32 v61, $0x2  }
0x15e: {  	[tilespmem:s14+$0x26C0] =	vst v1;
	v1 =	vadd.s32 s3, v2;
	v2 =	vshll.u32 v3, $0x2  }
0x15f: {  	[tilespmem:s14+$0x26D0] =	vst v1;
	v1 =	vadd.s32 s3, v2;
	v2 =	vshll.u32 v62, $0x2  }
0x160: {  	[tilespmem:s14+$0x26E0] =	vst v1;
	v1 =	vadd.s32 s3, v2;
	v2 =	vshll.u32 v63, $0x2  }
0x161: {  	[tilespmem:s14+$0x26F0] =	vst v1;
	v1 =	vadd.s32 s3, v2  }
0x162: {  	[tilespmem:s14+$0x2700] =	vst v1  }
0x163: {  	_ =	swait.ge [sflag:s13], $0x1000  }
0x164: {  	[sflag:s13] =	ssyncset.done $0x0  }
0x165: {  	p0 =	sgt.u32 s15, $0x9;
	s3 =	rddreg [dreg:$0x5];
	[sflag:s13] =	ssyncadd.s32 $0xFFFFF000  }
0x166: {  	s3 =	simm.s32 @!p0 $0x0;
	s23 =	rddreg [dreg:$0x3]  }
0x167: {  	s26 =	simm.s32 $0x2EE0;
	s3 =	sadd.s32 s3, s23  }
0x168: {  	[spmem:s3] =	stream.indirect.scatter.add.f32 [tilespmem:s26], [sflag:$0x3], $0x20, s8, s22, $0xb8;
	[tilespmem:$0x1C520] =	vst v63  }
0x169: {  	_ =	swait.ge [sflag:s17], $0x1000  }
0x16a: {  	[sflag:s17] =	ssyncset.done $0x0  }
0x16b: {  	[sflag:s17] =	ssyncadd.s32 $0xFFFFF000  }
0x16c: {  	_ =	swait.ge [sflag:s13], $0x1000  }
0x16d: {  	[sflag:s13] =	ssyncset.done $0x0  }
0x16e: {  	s14 =	sadd.s32 $0x80, s8;
	s26 =	simm.s32 $0x3EE0;
	[sflag:s13] =	ssyncadd.s32 $0xFFFFF000  }
0x16f: {  	[spmem:s3] =	stream.indirect.scatter.add.f32 [tilespmem:s26], [sflag:$0x3], $0x20, s14, s22, $0xb8;
	[tilespmem:$0x1C520] =	vst v63  }
0x170: {  	_ =	swait.ge [sflag:s17], $0x1000  }
0x171: {  	[sflag:s17] =	ssyncset.done $0x0  }
0x172: {  	[sflag:s17] =	ssyncadd.s32 $0xFFFFF000  }
0x173: {  	_ =	swait.ge [sflag:s13], $0x1000  }
0x174: {  	[sflag:s13] =	ssyncset.done $0x0  }
0x175: {  	s28 =	simm.s32 $0x4EE0;
	s16 =	sadd.s32 $0x100, s8;
	[sflag:s13] =	ssyncadd.s32 $0xFFFFF000  }
0x176: {  	[spmem:s3] =	stream.indirect.scatter.add.f32 [tilespmem:s28], [sflag:$0x3], $0x20, s16, s22, $0xb8;
	[tilespmem:$0x1C520] =	vst v63  }
0x177: {  	_ =	swait.ge [sflag:s17], $0x1000  }
0x178: {  	[sflag:s17] =	ssyncset.done $0x0  }
0x179: {  	[sflag:s17] =	ssyncadd.s32 $0xFFFFF000  }
0x17a: {  	_ =	swait.ge [sflag:s13], $0x1000  }
0x17b: {  	[sflag:s13] =	ssyncset.done $0x0  }
0x17c: {  	s23 =	sadd.s32 $0x180, s8;
	s28 =	simm.s32 $0x5EE0;
	[sflag:s13] =	ssyncadd.s32 $0xFFFFF000  }
0x17d: {  	[spmem:s3] =	stream.indirect.scatter.add.f32 [tilespmem:s28], [sflag:$0x3], $0x20, s23, s22, $0xb8;
	[tilespmem:$0x1C520] =	vst v63  }
0x17e: {  	_ =	swait.ge [sflag:s17], $0x1000  }
0x17f: {  	[sflag:s17] =	ssyncset.done $0x0  }
0x180: {  	[sflag:s17] =	ssyncadd.s32 $0xFFFFF000  }
0x181: {  	_ =	swait.ge [sflag:s13], $0x1000  }
0x182: {  	[sflag:s13] =	ssyncset.done $0x0  }
0x183: {  	s14 =	sadd.s32 $0x200, s8;
	[sflag:s13] =	ssyncadd.s32 $0xFFFFF000  }
0x184: {  	[spmem:s3] =	stream.indirect.scatter.add.f32 [tilespmem:s29], [sflag:$0x3], $0x20, s14, s22, $0xb8;
	[tilespmem:$0x1C520] =	vst v63  }
0x185: {  	_ =	swait.ge [sflag:s17], $0x1000  }
0x186: {  	[sflag:s17] =	ssyncset.done $0x0  }
0x187: {  	[sflag:s17] =	ssyncadd.s32 $0xFFFFF000  }
0x188: {  	_ =	swait.ge [sflag:s13], $0x1000  }
0x189: {  	[sflag:s13] =	ssyncset.done $0x0  }
0x18a: {  	s16 =	sadd.s32 $0x280, s8;
	[sflag:s13] =	ssyncadd.s32 $0xFFFFF000  }
0x18b: {  	[spmem:s3] =	stream.indirect.scatter.add.f32 [tilespmem:s30], [sflag:$0x3], $0x20, s16, s22, $0xb8;
	[tilespmem:$0x1C520] =	vst v63  }
0x18c: {  	_ =	swait.ge [sflag:s17], $0x1000  }
0x18d: {  	[sflag:s17] =	ssyncset.done $0x0  }
0x18e: {  	[sflag:s17] =	ssyncadd.s32 $0xFFFFF000  }
0x18f: {  	_ =	swait.ge [sflag:s13], $0x1000  }
0x190: {  	[sflag:s13] =	ssyncset.done $0x0  }
0x191: {  	s23 =	sadd.s32 $0x300, s8;
	[sflag:s13] =	ssyncadd.s32 $0xFFFFF000  }
0x192: {  	[spmem:s3] =	stream.indirect.scatter.add.f32 [tilespmem:s31], [sflag:$0x3], $0x20, s23, s22, $0xb8;
	[tilespmem:$0x1C520] =	vst v63  }
0x193: {  	_ =	swait.ge [sflag:s17], $0x1000  }
0x194: {  	[sflag:s17] =	ssyncset.done $0x0  }
0x195: {  	[sflag:s17] =	ssyncadd.s32 $0xFFFFF000  }
0x196: {  	_ =	swait.ge [sflag:s13], $0x1000  }
0x197: {  	[sflag:s13] =	ssyncset.done $0x0  }
0x198: {  	s14 =	sadd.s32 $0x380, s8;
	[sflag:s13] =	ssyncadd.s32 $0xFFFFF000  }
0x199: {  	[spmem:s3] =	stream.indirect.scatter.add.f32 [tilespmem:s0], [sflag:$0x3], $0x20, s14, s22, $0xb8;
	[tilespmem:$0x1C520] =	vst v63  }
0x19a: {  	_ =	swait.ge [sflag:s17], $0x1000  }
0x19b: {  	[sflag:s17] =	ssyncset.done $0x0  }
0x19c: {  	[sflag:s17] =	ssyncadd.s32 $0xFFFFF000  }
0x19d: {  	_ =	swait.ge [sflag:s13], $0x1000  }
0x19e: {  	[sflag:s13] =	ssyncset.done $0x0  }
0x19f: {  	s16 =	sadd.s32 $0x400, s8;
	[sflag:s13] =	ssyncadd.s32 $0xFFFFF000  }
0x1a0: {  	[spmem:s3] =	stream.indirect.scatter.add.f32 [tilespmem:s2], [sflag:$0x3], $0x20, s16, s22, $0xb8;
	[tilespmem:$0x1C520] =	vst v63  }
0x1a1: {  	_ =	swait.ge [sflag:s17], $0x1000  }
0x1a2: {  	[sflag:s17] =	ssyncset.done $0x0  }
0x1a3: {  	[sflag:s17] =	ssyncadd.s32 $0xFFFFF000  }
0x1a4: {  	_ =	swait.ge [sflag:s13], $0x1000  }
0x1a5: {  	[sflag:s13] =	ssyncset.done $0x0  }
0x1a6: {  	s23 =	sadd.s32 $0x480, s8;
	[sflag:s13] =	ssyncadd.s32 $0xFFFFF000  }
0x1a7: {  	[spmem:s3] =	stream.indirect.scatter.add.f32 [tilespmem:s18], [sflag:$0x3], $0x20, s23, s22, $0xb8;
	[tilespmem:$0x1C520] =	vst v63  }
0x1a8: {  	_ =	swait.ge [sflag:s17], $0x1000  }
0x1a9: {  	[sflag:s17] =	ssyncset.done $0x0  }
0x1aa: {  	[sflag:s17] =	ssyncadd.s32 $0xFFFFF000  }
0x1ab: {  	_ =	swait.ge [sflag:s13], $0x1000  }
0x1ac: {  	[sflag:s13] =	ssyncset.done $0x0  }
0x1ad: {  	s14 =	sadd.s32 $0x500, s8;
	[sflag:s13] =	ssyncadd.s32 $0xFFFFF000  }
0x1ae: {  	[spmem:s3] =	stream.indirect.scatter.add.f32 [tilespmem:s20], [sflag:$0x3], $0x20, s14, s22, $0xb8;
	[tilespmem:$0x1C520] =	vst v63  }
0x1af: {  	_ =	swait.ge [sflag:s17], $0x1000  }
0x1b0: {  	[sflag:s17] =	ssyncset.done $0x0  }
0x1b1: {  	[sflag:s17] =	ssyncadd.s32 $0xFFFFF000  }
0x1b2: {  	_ =	swait.ge [sflag:s13], $0x1000  }
0x1b3: {  	[sflag:s13] =	ssyncset.done $0x0  }
0x1b4: {  	s16 =	sadd.s32 $0x580, s8;
	[sflag:s13] =	ssyncadd.s32 $0xFFFFF000  }
0x1b5: {  	[spmem:s3] =	stream.indirect.scatter.add.f32 [tilespmem:s21], [sflag:$0x3], $0x20, s16, s22, $0xb8;
	[tilespmem:$0x1C520] =	vst v63  }
0x1b6: {  	_ =	swait.ge [sflag:s17], $0x1000  }
0x1b7: {  	[sflag:s17] =	ssyncset.done $0x0  }
0x1b8: {  	[sflag:s17] =	ssyncadd.s32 $0xFFFFF000  }
0x1b9: {  	_ =	swait.ge [sflag:s13], $0x1000  }
0x1ba: {  	[sflag:s13] =	ssyncset.done $0x0  }
0x1bb: {  	s23 =	sadd.s32 $0x600, s8;
	[sflag:s13] =	ssyncadd.s32 $0xFFFFF000  }
0x1bc: {  	[spmem:s3] =	stream.indirect.scatter.add.f32 [tilespmem:s6], [sflag:$0x3], $0x20, s23, s22, $0xb8;
	[tilespmem:$0x1C520] =	vst v63  }
0x1bd: {  	_ =	swait.ge [sflag:s17], $0x1000  }
0x1be: {  	[sflag:s17] =	ssyncset.done $0x0  }
0x1bf: {  	[sflag:s17] =	ssyncadd.s32 $0xFFFFF000  }
0x1c0: {  	_ =	swait.ge [sflag:s13], $0x1000  }
0x1c1: {  	[sflag:s13] =	ssyncset.done $0x0  }
0x1c2: {  	s14 =	sadd.s32 $0x680, s8;
	[sflag:s13] =	ssyncadd.s32 $0xFFFFF000  }
0x1c3: {  	[spmem:s3] =	stream.indirect.scatter.add.f32 [tilespmem:s9], [sflag:$0x3], $0x20, s14, s22, $0xb8;
	[tilespmem:$0x1C520] =	vst v63  }
0x1c4: {  	_ =	swait.ge [sflag:s17], $0x1000  }
0x1c5: {  	[sflag:s17] =	ssyncset.done $0x0  }
0x1c6: {  	[sflag:s17] =	ssyncadd.s32 $0xFFFFF000  }
0x1c7: {  	s7 =	simm.s32 $0x2;
	p0 =	slt.u32 s15, $0x12;
	_ =	swait.ge [sflag:s13], $0x1000  }
0x1c8: {  	s7 =	simm.s32 @!p0 $0xFFFFFFEE;
	[sflag:s13] =	ssyncset.done $0x0  }
0x1c9: {  	s16 =	sadd.s32 $0x700, s8;
	s23 =	sadd.s32 s15, s7;
	[sflag:s13] =	ssyncadd.s32 $0xFFFFF000  }
0x1ca: {  	[spmem:s3] =	stream.indirect.scatter.add.f32 [tilespmem:s11], [sflag:$0x3], $0x20, s16, s22, $0xb8;
	[tilespmem:$0x1C520] =	vst v63  }
0x1cb: {  	s14 =	smulhi.u32 $0xCCCCCCCD, s23;
	_ =	swait.ge [sflag:s17], $0x1000  }
0x1cc: {  	[sflag:s17] =	ssyncset.done $0x0  }
0x1cd: {  	s14 =	sshrl.u32 s14, $0x3;
	[sflag:s17] =	ssyncadd.s32 $0xFFFFF000  }
0x1ce: {  	s23 =	smul.u32 $0xA, s14;
	_ =	swait.ge [sflag:s13], $0xA00  }
0x1cf: {  	[sflag:s13] =	ssyncset.done $0x0  }
0x1d0: {  	s7 =	ssub.s32 s7, s23;
	s16 =	sadd.s32 $0x780, s8;
	[sflag:s13] =	ssyncadd.s32 $0xFFFFF600  }
0x1d1: {  	[spmem:s3] =	stream.indirect.scatter.add.f32 [tilespmem:s4], [sflag:$0x3], $0x20, s16, s12, $0xb8;
	[tilespmem:$0x1C520] =	vst v63  }
0x1d2: {  	s3 =	sadd.s32 s7, s15  }
0x1d3: {  	s7 =	sadd.s32 s10, s14;
	s3 =	smul.u32 $0x7D0, s3  }
0x1d4: {  	s7 =	smul.u32 $0x9C400, s7  }
0x1d5: {  	p0 =	sne.s32 s15, $0x13;
	s3 =	sadd.s32 s25, s3  }
0x1d6: {  	s23 =	simm.s32 $0x4EE0;
	_ =	swait.ge [sflag:s17], $0xA00;
	s3 =	sadd.s32 s3, s7  }
.Ltmp0:
0x1d7: {  	[sflag:s17] =	ssyncset.done $0x0;
	s3 =	sshrl.u32 s3, $0x3;
	(pc) =	sbr.rel @p0 .LBB2_2-.Ltmp0, $4  }
0x1d8: {  	s14 =	simm.s32 $0x0;
	[sflag:s17] =	ssyncadd.s32 $0xFFFFF600;
	s3 =	sadd.s32 s24, s3  }
0x1d9: {  	[tilespmem:s8], [sflag:$0x2] =	stream.linear.gather [hbm4b:s3+s14], $0x7D0, $0x38;
	[tilespmem:$0x1C520] =	vst v63  }
0x1da: {  	s16 =	simm.s32 $0x2EE0;
	s8 =	sadd.s32 $0xFA0, s8;
	s3 =	sadd.s32 $0x9C40, s3  }
0x1db: {  	[tilespmem:s8], [sflag:$0x2] =	stream.linear.gather [hbm4b:s3+s14], $0x7D0, $0x38;
	[tilespmem:$0x1C520] =	vst v63  }
0x1dc: {  	_ =	swait.ge [sflag:s19], $0x7D0  }
0x1dd: {  	[sflag:s19] =	ssyncset.done $0x0  }
0x1de: {  	[sflag:s19] =	ssyncadd.s32 $0xFFFFF830  }
0x1df: {  	_ =	swait.ge [sflag:s19], $0x7D0  }
0x1e0: {  	[sflag:s19] =	ssyncset.done $0x0  }
0x1e1: {  	[sflag:s19] =	ssyncadd.s32 $0xFFFFF830  }
0x1e2: {  	[bflag:$0x0] =	sbarrier.arrive $0xFFFF  }
0x1e3: {  	s5 =	rddreg [dreg:$0x7]  }
0x1e4: {  	s3 =	rddreg [dreg:$0xc]  }
0x1e5: {  	s0 =	simm.s32 $0x10;
	s2 =	simm.s32 $0x4;
	s7 =	rddreg [dreg:$0xe]  }
0x1e6: {  	[hbm:s3@s0], [sflag:s5] =	dma.strided [spmem:s7@s2], $0x1388, s13, $0x4   }
0x1e7: {  	_ =	swait.ge [sflag:s17], $0x1388  }
0x1e8: {  	s8 =	rddreg [dreg:$0xf]  }
0x1e9: {  	s15 =	rddreg [dreg:$0xd];
	s0 =	sadd.s32 $0x1, s8  }
0x1ea: {  	p0 =	sne.s32 s0, s15  }
.Ltmp1:
0x1eb: {  	_ = 	snop;
	(pc) =	sbr.rel @p0 .LBB2_1-.Ltmp1, $3  }
0x1ec: {  	_ =	sdelay $0x1  }
0x1ed: {  	[sflag:s17] =	ssyncset.done $0x0  }
0x1ee: {  	[sflag:s17] =	ssyncadd.s32 $0xFFFFEC78  }
0x1ef: {  	_ =	sfence.sel $0x180000  }
0x1f0: {  	[bflag:$0x0] =	sbarrier.arrive $0xFFFF  }
0x1f1: {  	_ =	strace $0x90000047  }
0x1f2: {  	s0 =	stileid.u32;
	[bflag:$0x2] =	sbarrier.arrive $0xFFFF  }
0x1f3: {  	p0 =	sne.s32 s0, $0x0;
	s0 =	rddreg [dreg:$0x4]  }
0x1f4: {  	s0 =	sadd.s32 @!p0 $0x100000, s0  }
0x1f5: {  	[sflag:s0] =	ssyncadd.tile.s32 @!p0 $0x1;
	_ =	shalt  }
.Lfunc_end2:
_tile_overlayer_lowered:
.L_overlay_start_2:
0x1f6: {  	(tag) =	ssettag $0x2  }
0x1f7: {  	s0 =	rddreg [dreg:$0x0];
	s2 =	stileid.u32  }
0x1f8: {  	s1 =	rddreg [dreg:$0x1];
	p0 =	sne.s32 s2, $0x0  }
0x1f9: {  	s3 =	rddreg [dreg:$0x2];
	[bflag:$0x3] =	sbarrier.arrive $0xFFFF;
	s2 =	simm.s32 @!p0 $0x1C03  }
0x1fa: {  	[timem:s3], [sflag:s2] =	dma.local @!p0 [hbm:s0], s1  }
0x1fb: {  	s0 =	simm.s32 @!p0 $0x3  }
0x1fc: {  	_ =	swait.ge @!p0 [sflag:s0], s1  }
0x1fd: {  	s1 =	ssub.s32 @!p0 $0x0, s1;
	[sflag:s0] =	ssyncset.done @!p0 $0x0  }
0x1fe: {  	[sflag:s0] =	ssyncadd.s32 @!p0 s1  }
0x1ff: {  	[bflag:$0x3] =	sbarrier.arrive $0xFFFF  }
0x200: {  	_ =	shalt  }

</sc_bundles>
